<compile_context>
chip_gen: v7x
topology: tpu7x:2x2x1
jax: 0.10.2.dev20260603
libtpu: 0.0.44.dev20260713+nightly
codegen_flags: <defaults>
</compile_context>

<pallas_src>
import functools

import numpy as np
import jax
import jax.numpy as jnp
from jax import lax
from jax.experimental import pallas as pl
from jax.experimental.pallas import tpu as pltpu
from jax.experimental.pallas import tpu_sc as plsc

B, N, DIM = 2, 4096, 2048
H, DH = 8, 64
LI = H * DH
K_SEL = 1024
NEG = float(-np.finfo(np.float32).max)
LOGK = float(np.log(np.float32(1152.0)))
SQRT_DIM = float(np.sqrt(DIM))
SCALE = float(DH ** -0.5)


def _ln_qkv_kernel(x_ref, g_ref, b_ref, w_ref, out_ref):
    xb = x_ref[...]
    mu = jnp.mean(xb, axis=-1, keepdims=True)
    xc = xb - mu
    var = jnp.mean(xc * xc, axis=-1, keepdims=True)
    xn = xc / jnp.sqrt(var + 1e-5) * g_ref[...] + b_ref[...]
    out_ref[...] = jnp.dot(xn, w_ref[...], preferred_element_type=jnp.float32)


def _route_kernel(s_ref, u_ref, tn_ref, og_ref, oe_ref):
    s = s_ref[...]

    def it(_, carry):
        a, bb = carry
        sb = s + bb
        m = jnp.max(sb, axis=-1, keepdims=True)
        e = jnp.exp(sb - m)
        ssum = jnp.sum(e, axis=-1, keepdims=True)
        a = LOGK - (jnp.log(ssum) + m)
        bb = -jnp.maximum(s + a, 0.0)
        return a, bb

    a0 = jnp.zeros((4, 1), jnp.float32)
    a, bb = lax.fori_loop(0, 50, it, (a0, -s))
    scores = jnp.exp(s + a + bb)
    u = lax.bitcast_convert_type(scores, jnp.int32)

    def bit_it(i, v):
        trial = v | (jnp.int32(1) << (30 - i))
        cnt = jnp.sum((u >= trial).astype(jnp.int32), axis=-1, keepdims=True)
        return jnp.where(cnt >= K_SEL, trial, v)

    t = lax.fori_loop(0, 31, bit_it, jnp.zeros((4, 1), jnp.int32))
    cnt_gt = jnp.sum((u > t).astype(jnp.int32), axis=-1, keepdims=True)
    need = K_SEL - cnt_gt
    col = lax.broadcasted_iota(jnp.int32, (4, 128), 1)
    u_ref[...] = u
    tn_ref[...] = jnp.where(col == 0, t, 0) + jnp.where(col == 1, need, 0)
    mgt = (u > t).astype(jnp.float32)
    meq = (u == t).astype(jnp.float32)
    gi = lax.broadcasted_iota(jnp.int32, (N, 256), 0)
    gj = lax.broadcasted_iota(jnp.int32, (N, 256), 1)
    G = jnp.where(gi // 16 == gj, 1.0, 0.0).astype(jnp.float32)
    cg = jnp.dot(mgt, G, preferred_element_type=jnp.float32)
    ce = jnp.dot(meq, G, preferred_element_type=jnp.float32)
    li = lax.broadcasted_iota(jnp.int32, (256, 256), 0)
    lj = lax.broadcasted_iota(jnp.int32, (256, 256), 1)
    LT = jnp.where(li < lj, 1.0, 0.0).astype(jnp.float32)
    og_ref[...] = jnp.dot(cg, LT, preferred_element_type=jnp.float32).astype(jnp.int32)
    oe_ref[...] = jnp.dot(ce, LT, preferred_element_type=jnp.float32).astype(jnp.int32)


LC = 512
LB = LC + 128


def _light_attn_kernel(prev_ref, cur_ref, next_ref, w_ref, out_ref):
    pid = pl.program_id(0)
    local_base = (pid % (N // LC)) * LC
    prev = prev_ref[...]
    cur = cur_ref[...]
    nxt = next_ref[...]
    i_idx = lax.broadcasted_iota(jnp.int32, (LC, LB), 0)
    j_idx = lax.broadcasted_iota(jnp.int32, (LC, LB), 1)
    rel = j_idx - (i_idx // 64) * 64
    key_local = local_base - 64 + j_idx
    valid = (rel >= 0) & (rel < 192) & (key_local >= 0) & (key_local < N)
    o_parts = []
    for h in range(H):
        qc, kc, vc = h * DH, LI + h * DH, 2 * LI + h * DH
        q = cur[:, qc:qc + DH] * SCALE
        k_ext = jnp.concatenate(
            [prev[LC - 64:LC, kc:kc + DH], cur[:, kc:kc + DH], nxt[0:64, kc:kc + DH]], axis=0)
        v_ext = jnp.concatenate(
            [prev[LC - 64:LC, vc:vc + DH], cur[:, vc:vc + DH], nxt[0:64, vc:vc + DH]], axis=0)
        sim = lax.dot_general(q, k_ext, (((1,), (1,)), ((), ())),
                              preferred_element_type=jnp.float32)
        sim = jnp.where(valid, sim, NEG)
        m = jnp.max(sim, axis=-1, keepdims=True)
        p = jnp.exp(sim - m)
        attn = p / jnp.sum(p, axis=-1, keepdims=True)
        o_parts.append(lax.dot_general(attn, v_ext, (((1,), (0,)), ((), ())),
                                       preferred_element_type=jnp.float32))
    o = jnp.concatenate(o_parts, axis=1)
    out_ref[...] = jnp.dot(o, w_ref[...], preferred_element_type=jnp.float32)


def _heavy_proj_kernel(x_ref, w_ref, g_ref, out_ref):
    xb = x_ref[0]
    nrm = jnp.sqrt(jnp.sum(xb * xb, axis=-1, keepdims=True))
    xn = xb / jnp.maximum(nrm, 1e-12) * SQRT_DIM * g_ref[...]
    out_ref[0] = jnp.dot(xn, w_ref[...], preferred_element_type=jnp.float32)


def _heavy_attn_kernel(h_ref, w_ref, out_ref):
    hb = h_ref[0]
    o_parts = []
    for h in range(H):
        q = hb[:, h * DH:(h + 1) * DH] * SCALE
        k = hb[:, LI + h * 128: LI + h * 128 + DH]
        v = hb[:, LI + h * 128 + DH: LI + h * 128 + 128]
        sim = lax.dot_general(q, k, (((1,), (1,)), ((), ())),
                              preferred_element_type=jnp.float32)
        m = jnp.max(sim, axis=-1, keepdims=True)
        p = jnp.exp(sim - m)
        attn = p / jnp.sum(p, axis=-1, keepdims=True)
        o_parts.append(lax.dot_general(attn, v, (((1,), (0,)), ((), ())),
                                       preferred_element_type=jnp.float32))
    o = jnp.concatenate(o_parts, axis=1)
    out_ref[0] = jnp.dot(o, w_ref[...], preferred_element_type=jnp.float32)



def _wid():
    return lax.axis_index("s") * 2 + lax.axis_index("c")


def _sc_compact_body(u_hbm, tn_hbm, og_hbm, oe_hbm, idx_hbm,
                     u_v, idx_v, eq_v, tn_v, og_v, oe_v):
    wid = _wid()

    @pl.when(wid < 4)
    def _():
        row = wid
        pltpu.sync_copy(u_hbm.at[row], u_v)
        pltpu.sync_copy(tn_hbm.at[row], tn_v)
        pltpu.sync_copy(og_hbm.at[row], og_v)
        pltpu.sync_copy(oe_hbm.at[row], oe_v)
        tnv = tn_v[pl.ds(0, 16)]
        t = tnv[0]
        need = tnv[1]
        nbase = jnp.int32(K_SEL) - need
        gbase = (row & 1) * jnp.int32(N)
        lanes = lax.iota(jnp.int32, 16)
        big = jnp.int32(1 << 30)

        def outer(j16, _):
            offg16 = og_v[pl.ds(j16 * 16, 16)]
            offe16 = oe_v[pl.ds(j16 * 16, 16)]
            for lane in range(16):
                tok = j16 * 256 + lane * 16
                v16 = u_v[pl.ds(tok, 16)]
                ii = lanes + tok
                m_gt = v16 > t
                m_eq = v16 == t
                sg = lax.sort(jnp.where(m_gt, ii, big))
                se = lax.sort(jnp.where(m_eq, ii, big))
                idx_v[pl.ds(offg16[lane], 16)] = sg + gbase
                eq_v[pl.ds(offe16[lane], 16)] = se + gbase
            return 0

        lax.fori_loop(0, 16, outer, 0)

        def cbody(j, _):
            idx_v[pl.ds(nbase + j * 16, 16)] = eq_v[pl.ds(j * 16, 16)]
            return 0

        lax.fori_loop(0, (need + 15) // 16, cbody, 0)
        pltpu.sync_copy(idx_v.at[pl.ds(0, K_SEL)], idx_hbm.at[row])


def _sc_gather_body(x_hbm, idx_hbm, routed_hbm,
                    idx_a, idx_b, rows_a, rows_b,
                    gsem_a, gsem_b, osem_a, osem_b):
    wid = _wid()
    idxs = (idx_a, idx_b)
    rows = (rows_a, rows_b)
    gsems = (gsem_a, gsem_b)
    osems = (osem_a, osem_b)

    def issue(i):
        p = i % 2
        r = i // 2
        base = wid * 32 + (i % 2) * 16
        pltpu.sync_copy(idx_hbm.at[r, pl.ds(base, 16)], idxs[p])
        return pltpu.async_copy(x_hbm.at[idxs[p]], rows[p], gsems[p])

    gcp = [issue(0), None]
    ocp = [None, None]
    for i in range(8):
        p = i % 2
        if i + 1 < 8:
            q = (i + 1) % 2
            if ocp[q] is not None:
                ocp[q].wait()
            gcp[q] = issue(i + 1)
        gcp[p].wait()
        r = i // 2
        base = wid * 32 + (i % 2) * 16
        ocp[p] = pltpu.async_copy(rows[p], routed_hbm.at[r, pl.ds(base, 16)],
                                  osems[p])
    ocp[0].wait()
    ocp[1].wait()


_SROWS = 8


def _sc_scatter_add_body(lo_ref, ro_hbm, idx_hbm,
                         idx_a, idx_b, acc_a, acc_b, r_a, r_b,
                         gsem_a, gsem_b, rsem_a, rsem_b, ssem_a, ssem_b):
    wid = _wid()
    idxs = (idx_a, idx_b)
    accs = (acc_a, acc_b)
    rvs = (r_a, r_b)
    gsems = (gsem_a, gsem_b)
    rsems = (rsem_a, rsem_b)
    ssems = (ssem_a, ssem_b)
    nchunk = 64 // _SROWS

    def issue(i):
        p = i % 2
        base = wid * 64 + i * _SROWS
        pltpu.sync_copy(idx_hbm.at[pl.ds(base, _SROWS)], idxs[p])
        g = pltpu.async_copy(lo_ref.at[idxs[p]], accs[p], gsems[p])
        r = pltpu.async_copy(ro_hbm.at[pl.ds(base, _SROWS)], rvs[p], rsems[p])
        return g, r

    gcp = [None, None]
    scp = [None, None]
    gcp[0] = issue(0)
    for i in range(nchunk):
        p = i % 2
        if i + 1 < nchunk:
            q = (i + 1) % 2
            if scp[q] is not None:
                scp[q].wait()
            gcp[q] = issue(i + 1)
        gcp[p][0].wait()
        gcp[p][1].wait()
        acc_v, r_v = accs[p], rvs[p]

        @pl.loop(0, _SROWS)
        def _(i2):
            @pl.loop(0, DIM // 16, unroll=8)
            def _(j):
                sl = pl.ds(j * 16, 16)
                acc_v[i2, sl] = acc_v[i2, sl] + r_v[i2, sl]

        scp[p] = pltpu.async_copy(acc_v, lo_ref.at[idxs[p]], ssems[p])
    scp[0].wait()
    scp[1].wait()


@functools.lru_cache(maxsize=1)
def _sc_kernels():
    mesh = plsc.VectorSubcoreMesh(
        core_axis_name="c", subcore_axis_name="s", num_cores=2, num_subcores=16)
    cp = pltpu.CompilerParams(needs_layout_passes=False)
    compact = pl.kernel(
        _sc_compact_body,
        out_type=jax.ShapeDtypeStruct((4, K_SEL), jnp.int32),
        mesh=mesh,
        scratch_types=[
            pltpu.VMEM((N,), jnp.int32),
            pltpu.VMEM((K_SEL + 16,), jnp.int32),
            pltpu.VMEM((N + 16,), jnp.int32),
            pltpu.VMEM((128,), jnp.int32),
            pltpu.VMEM((256,), jnp.int32),
            pltpu.VMEM((256,), jnp.int32),
        ],
        compiler_params=cp,
    )
    gather = pl.kernel(
        _sc_gather_body,
        out_type=jax.ShapeDtypeStruct((4, K_SEL, DIM), jnp.float32),
        mesh=mesh,
        scratch_types=[
            pltpu.VMEM((16,), jnp.int32),
            pltpu.VMEM((16,), jnp.int32),
            pltpu.VMEM((16, DIM), jnp.float32),
            pltpu.VMEM((16, DIM), jnp.float32),
            pltpu.SemaphoreType.DMA,
            pltpu.SemaphoreType.DMA,
            pltpu.SemaphoreType.DMA,
            pltpu.SemaphoreType.DMA,
        ],
        compiler_params=cp,
    )
    scatter_add = pl.kernel(
        _sc_scatter_add_body,
        out_type=(),
        mesh=mesh,
        scratch_types=[
            pltpu.VMEM((_SROWS,), jnp.int32),
            pltpu.VMEM((_SROWS,), jnp.int32),
            pltpu.VMEM((_SROWS, DIM), jnp.float32),
            pltpu.VMEM((_SROWS, DIM), jnp.float32),
            pltpu.VMEM((_SROWS, DIM), jnp.float32),
            pltpu.VMEM((_SROWS, DIM), jnp.float32),
            pltpu.SemaphoreType.DMA,
            pltpu.SemaphoreType.DMA,
            pltpu.SemaphoreType.DMA,
            pltpu.SemaphoreType.DMA,
            pltpu.SemaphoreType.DMA,
            pltpu.SemaphoreType.DMA,
        ],
        compiler_params=cp,
    )
    return compact, gather, scatter_add



def kernel(x, ln_g, ln_b, light_qkv_w, light_out_w, heavy_gamma, heavy_q_w,
           heavy_kv_w, heavy_out_w, q_routing_token, kv_routing_token):
    f32 = jnp.float32
    x2 = x.reshape(B * N, DIM)

    s_q = jnp.einsum('bnd,rd->brn', x, q_routing_token).reshape(B, N)
    s_kv = jnp.einsum('bnd,rd->brn', x, kv_routing_token).reshape(B, N)
    s4 = jnp.concatenate([s_q, s_kv], axis=0)

    qkv = pl.pallas_call(
        _ln_qkv_kernel,
        grid=(16,),
        in_specs=[
            pl.BlockSpec((512, DIM), lambda i: (i, 0)),
            pl.BlockSpec((1, DIM), lambda i: (0, 0)),
            pl.BlockSpec((1, DIM), lambda i: (0, 0)),
            pl.BlockSpec((DIM, 3 * LI), lambda i: (0, 0)),
        ],
        out_specs=pl.BlockSpec((512, 3 * LI), lambda i: (i, 0)),
        out_shape=jax.ShapeDtypeStruct((B * N, 3 * LI), f32),
    )(x2, ln_g.reshape(1, DIM), ln_b.reshape(1, DIM), light_qkv_w)

    u4, tn, og, oe = pl.pallas_call(
        _route_kernel,
        out_shape=[
            jax.ShapeDtypeStruct((4, N), jnp.int32),
            jax.ShapeDtypeStruct((4, 128), jnp.int32),
            jax.ShapeDtypeStruct((4, 256), jnp.int32),
            jax.ShapeDtypeStruct((4, 256), jnp.int32),
        ],
    )(s4)

    sc_compact, sc_gather, sc_scatter_add = _sc_kernels()
    idx4 = sc_compact(u4, tn, og, oe)

    routed = sc_gather(x2, idx4)

    w_heavy = jnp.concatenate([heavy_q_w, heavy_kv_w.T], axis=1)
    hqkv = pl.pallas_call(
        _heavy_proj_kernel,
        grid=(B, 3),
        in_specs=[
            pl.BlockSpec((1, K_SEL, DIM), lambda b, j: (b + 2 * jnp.minimum(j, 1), 0, 0)),
            pl.BlockSpec((DIM, LI), lambda b, j: (0, j)),
            pl.BlockSpec((1, DIM), lambda b, j: (0, 0)),
        ],
        out_specs=pl.BlockSpec((1, K_SEL, LI), lambda b, j: (b, 0, j)),
        out_shape=jax.ShapeDtypeStruct((B, K_SEL, 3 * LI), f32),
    )(routed, w_heavy, heavy_gamma.reshape(1, DIM))

    routed_out = pl.pallas_call(
        _heavy_attn_kernel,
        grid=(B,),
        in_specs=[
            pl.BlockSpec((1, K_SEL, 3 * LI), lambda b: (b, 0, 0)),
            pl.BlockSpec((LI, DIM), lambda b: (0, 0)),
        ],
        out_specs=pl.BlockSpec((1, K_SEL, DIM), lambda b: (b, 0, 0)),
        out_shape=jax.ShapeDtypeStruct((B, K_SEL, DIM), f32),
    )(hqkv, heavy_out_w)

    n_lc = B * N // LC
    light_out = pl.pallas_call(
        _light_attn_kernel,
        grid=(n_lc,),
        in_specs=[
            pl.BlockSpec((LC, 3 * LI), lambda i: (jnp.maximum(i - 1, 0), 0)),
            pl.BlockSpec((LC, 3 * LI), lambda i: (i, 0)),
            pl.BlockSpec((LC, 3 * LI), lambda i: (jnp.minimum(i + 1, n_lc - 1), 0)),
            pl.BlockSpec((LI, DIM), lambda i: (0, 0)),
        ],
        out_specs=pl.BlockSpec((LC, DIM), lambda i: (i, 0)),
        out_shape=jax.ShapeDtypeStruct((B * N, DIM), f32),
    )(qkv, qkv, qkv, light_out_w)

    lo_ref = jax.new_ref(light_out)
    sc_scatter_add(lo_ref, routed_out.reshape(B * K_SEL, DIM),
                   idx4[:2].reshape(B * K_SEL))
    return lo_ref[...].reshape(B, N, DIM)

# --- scband reference (transcript-rebuilt; emitter-appended) ---
"""Pipeline reference for scband-conditional-routed-attention-55044300865626 (READ-ONLY COPY).

The authoritative reference and input builder live on the scoring server;
editing this copy changes nothing except your own understanding.
"""

import jax, jax.numpy as jnp
import numpy as np

B, N, DIM = 2, 4096, 2048
LIGHT_HEADS, LIGHT_DIM_HEAD, LIGHT_WINDOW = 8, 64, 64
HEAVY_HEADS, HEAVY_DIM_HEAD = 8, 64
NUM_HEAVY_Q, NUM_HEAVY_KV = 1024, 1024
FETCH_K_RATIO, N_ITERS, EPS = 9.0 / 8.0, 50, 1.0


def setup_inputs(seed: int = 0):
    key = jax.random.key(seed)
    ks = jax.random.split(key, 10)
    li = LIGHT_HEADS * LIGHT_DIM_HEAD
    hi = HEAVY_HEADS * HEAVY_DIM_HEAD
    return {
        "x": jax.random.normal(ks[0], (B, N, DIM), dtype=jnp.float32),
        "ln_g": jnp.ones((DIM,), jnp.float32),
        "ln_b": jnp.zeros((DIM,), jnp.float32),
        "light_qkv_w": jax.random.normal(ks[1], (DIM, li * 3), jnp.float32) * 0.02,
        "light_out_w": jax.random.normal(ks[2], (li, DIM), jnp.float32) * 0.02,
        "heavy_gamma": jnp.ones((DIM,), jnp.float32),
        "heavy_q_w": jax.random.normal(ks[3], (DIM, hi), jnp.float32) * 0.02,
        "heavy_kv_w": jax.random.normal(ks[4], (hi * 2, DIM), jnp.float32) * 0.02,
        "heavy_out_w": jax.random.normal(ks[5], (hi, DIM), jnp.float32) * 0.02,
        "q_routing_token": jax.random.normal(ks[6], (1, DIM), jnp.float32) * 0.02,
        "kv_routing_token": jax.random.normal(ks[7], (1, DIM), jnp.float32) * 0.02,
    }


def layer_norm(x, g, b):
    mu = x.mean(-1, keepdims=True)
    var = x.var(-1, keepdims=True)
    return (x - mu) / jnp.sqrt(var + 1e-5) * g + b


def rms_norm(x, gamma):
    n = jnp.linalg.norm(x, axis=-1, keepdims=True)
    normed = x / jnp.maximum(n, 1e-12)
    return normed * (DIM ** 0.5) * gamma


def look_around(t, pad_value):
    # t: [B, nw, w, ...]; look_backward=1, look_forward=1
    pads = [(0, 0)] * t.ndim
    pads[1] = (1, 1)
    padded = jnp.pad(t, pads, constant_values=pad_value)
    nw = t.shape[1]
    parts = [padded[:, i:i + nw] for i in range(3)]
    return jnp.concatenate(parts, axis=2)


def light_local_attn(x, ln_g, ln_b, qkv_w, out_w):
    b, n, d = x.shape
    h, dh, w = LIGHT_HEADS, LIGHT_DIM_HEAD, LIGHT_WINDOW
    xn = layer_norm(x, ln_g, ln_b)
    qkv = xn @ qkv_w
    q, k, v = jnp.split(qkv, 3, axis=-1)
    def split_heads(t):
        return t.reshape(b, n, h, dh).transpose(0, 2, 1, 3).reshape(b * h, n, dh)
    q, k, v = map(split_heads, (q, k, v))
    nw = n // w
    bq = q.reshape(b * h, nw, w, dh) * (dh ** -0.5)
    bk = look_around(k.reshape(b * h, nw, w, dh), 0.0)
    bv = look_around(v.reshape(b * h, nw, w, dh), 0.0)
    seq = jnp.arange(n).reshape(1, nw, w)
    bq_k = look_around(seq, -1)
    pad_mask = (bq_k == -1)
    sim = jnp.einsum('znid,znjd->znij', bq, bk)
    sim = jnp.where(pad_mask[:, :, None, :], -jnp.finfo(sim.dtype).max, sim)
    attn = jax.nn.softmax(sim, axis=-1)
    o = jnp.einsum('znij,znjd->znid', attn, bv)
    o = o.reshape(b, h, n, dh).transpose(0, 2, 1, 3).reshape(b, n, h * dh)
    return o @ out_w


def coor_descent(s, k, n_iters, eps):
    logk = jnp.log(jnp.asarray(k, jnp.float32))
    a = jnp.zeros_like(s[..., :1])
    bb = -s
    for _ in range(n_iters):
        sb = (s + bb) / eps
        a = eps * (logk - jax.scipy.special.logsumexp(sb, axis=-1, keepdims=True))
        bb = -jax.nn.relu(s + a)
    return jnp.exp((s + a + bb) / eps)


def route(x, routing_token, num_tokens):
    b, n, d = x.shape
    s = jnp.einsum('bnd,rd->brn', x, routing_token).reshape(b, n)  # single routing token
    effective_k = min(num_tokens * FETCH_K_RATIO, float(n))
    scores = coor_descent(s, effective_k, N_ITERS, EPS)
    sel_scores, sel_idx = jax.lax.top_k(scores, num_tokens)
    sel_scores = sel_scores + jax.lax.stop_gradient(1.0 - sel_scores)  # straight-through
    return sel_scores, sel_idx


def heavy_attn(xq, context, gamma, q_w, kv_w, out_w):
    b, nq, d = xq.shape
    h, dh = HEAVY_HEADS, HEAVY_DIM_HEAD
    xn = rms_norm(xq, gamma)
    cn = rms_norm(context, gamma)[:, None]  # b 1 n d (num_kv_routes = 1)
    q = (xn @ q_w).reshape(b, nq, h, dh).transpose(0, 2, 1, 3)
    kv_weight = kv_w.reshape(1, h, 2 * dh, d)  # '(r h d) i -> r h d i'
    kv = jnp.einsum('rhdi,brni->brhnd', kv_weight, cn)
    k = kv[..., :dh]
    v = kv[..., dh:]
    nkv = k.shape[3]
    k = k.reshape(b, h, nkv, dh)
    v = v.reshape(b, h, nkv, dh)
    q = q * (dh ** -0.5)
    sim = jnp.einsum('bhid,bhjd->bhij', q, k)
    attn = jax.nn.softmax(sim, axis=-1)
    o = jnp.einsum('bhij,bhjd->bhid', attn, v)
    o = o.transpose(0, 2, 1, 3).reshape(b, nq, h * dh)
    return o @ out_w


def reference(x, ln_g, ln_b, light_qkv_w, light_out_w, heavy_gamma, heavy_q_w, heavy_kv_w, heavy_out_w, q_routing_token, kv_routing_token):
    b = x.shape[0]
    light_out = light_local_attn(x, ln_g, ln_b, light_qkv_w, light_out_w)
    ns_q, idx_q = route(x, q_routing_token, NUM_HEAVY_Q)
    ns_kv, idx_kv = route(x, kv_routing_token, NUM_HEAVY_KV)
    br = jnp.arange(b)[:, None]
    routed_q = x[br, idx_q]
    routed_kv = x[br, idx_kv]
    routed_out = heavy_attn(routed_q, routed_kv, heavy_gamma, heavy_q_w, heavy_kv_w, heavy_out_w)
    out = light_out.at[br, idx_q].add(routed_out)
    return out


if False:  # reference __main__ guard neutralized (emitter)
    out = reference(**setup_inputs())
    print(out.shape)

if __name__ == "__main__":
    import jax
    _d = setup_inputs()
    print(jax.jit(kernel)(*tuple(_d.values())))

</pallas_src>

<mosaic_0001>
#map = affine_map<(d0, d1) -> (0, 0)>
module attributes {stable_mosaic.version = 14 : i64} {
  func.func @_sc_compact_body(%arg0: i32, %arg1: i32, %arg2: memref<4x4096xi32, #tpu.memory_space<hbm>>, %arg3: memref<4x128xi32, #tpu.memory_space<hbm>>, %arg4: memref<4x256xi32, #tpu.memory_space<hbm>>, %arg5: memref<4x256xi32, #tpu.memory_space<hbm>>, %arg6: memref<4x1024xi32, #tpu.memory_space<hbm>>, %arg7: memref<4096xi32, #tpu.memory_space<vmem>>, %arg8: memref<1040xi32, #tpu.memory_space<vmem>>, %arg9: memref<4112xi32, #tpu.memory_space<vmem>>, %arg10: memref<128xi32, #tpu.memory_space<vmem>>, %arg11: memref<256xi32, #tpu.memory_space<vmem>>, %arg12: memref<256xi32, #tpu.memory_space<vmem>>) attributes {dimension_semantics = [#tpu.dimension_semantics<core_parallel>, #tpu.dimension_semantics<subcore_parallel>], iteration_bounds = array<i64: 2, 16>, scalar_prefetch = 0 : i64, scratch_operands = 6 : i64, tpu.core_type = #tpu.core_type<sc_vector_subcore>, window_params = [{transform_indices = #map}, {transform_indices = #map}, {transform_indices = #map}, {transform_indices = #map}, {transform_indices = #map}]} {
    %mul3A = arith.constant 2 : i32
    %mul3A_0 = arith.muli %arg1, %mul3A : i32
    %add3A = arith.addi %mul3A_0, %arg0 : i32
    %lt3A = arith.constant 4 : i32
    %lt3A_1 = arith.cmpi slt, %add3A, %lt3A : i32
    %convert_element_type3A = arith.extui %lt3A_1 : i1 to i32
    %cond3A = arith.constant 0 : i32
    %cond3A_2 = arith.cmpi ne, %convert_element_type3A, %cond3A : i32
    scf.if %cond3A_2 {
      "tpu.region"() ({
        %run_scoped3A = tpu.sem_alloc : memref<!tpu.dma_semaphore, #tpu.memory_space<semaphore_mem>>
        %dma_start3A = arith.constant 0 : i32
        %dma_start3A_48 = tpu.memref_slice %arg2[%add3A, %dma_start3A] : memref<4x4096xi32, #tpu.memory_space<hbm>> -> memref<1x4096xi32, #tpu.memory_space<hbm>>
        %dma_start3A_49 = tpu.memref_squeeze %dma_start3A_48 : memref<1x4096xi32, #tpu.memory_space<hbm>> -> memref<4096xi32, #tpu.memory_space<hbm>>
        %dma_start3A_50 = arith.constant 0 : i32
        %dma_start3A_51 = tpu.memref_slice %arg2[%add3A, %dma_start3A_50] : memref<4x4096xi32, #tpu.memory_space<hbm>> -> memref<1x4096xi32, #tpu.memory_space<hbm>>
        %dma_start3A_52 = tpu.memref_squeeze %dma_start3A_51 : memref<1x4096xi32, #tpu.memory_space<hbm>> -> memref<4096xi32, #tpu.memory_space<hbm>>
        tpu.enqueue_dma source(%dma_start3A_52 : memref<4096xi32, #tpu.memory_space<hbm>>) target(%arg7 : memref<4096xi32, #tpu.memory_space<vmem>>) target_semaphore(%run_scoped3A : memref<!tpu.dma_semaphore, #tpu.memory_space<semaphore_mem>>)
        %dma_wait3A = arith.constant 0 : i32
        %dma_wait3A_53 = tpu.memref_slice %arg2[%add3A, %dma_wait3A] : memref<4x4096xi32, #tpu.memory_space<hbm>> -> memref<1x4096xi32, #tpu.memory_space<hbm>>
        %dma_wait3A_54 = tpu.memref_squeeze %dma_wait3A_53 : memref<1x4096xi32, #tpu.memory_space<hbm>> -> memref<4096xi32, #tpu.memory_space<hbm>>
        %dma_wait3A_55 = arith.constant 0 : i32
        %dma_wait3A_56 = tpu.memref_slice %arg2[%add3A, %dma_wait3A_55] : memref<4x4096xi32, #tpu.memory_space<hbm>> -> memref<1x4096xi32, #tpu.memory_space<hbm>>
        %dma_wait3A_57 = tpu.memref_squeeze %dma_wait3A_56 : memref<1x4096xi32, #tpu.memory_space<hbm>> -> memref<4096xi32, #tpu.memory_space<hbm>>
        tpu.wait_dma2 semaphore(%run_scoped3A : memref<!tpu.dma_semaphore, #tpu.memory_space<semaphore_mem>>) src(%dma_wait3A_57 : memref<4096xi32, #tpu.memory_space<hbm>>) dst(%arg7 : memref<4096xi32, #tpu.memory_space<vmem>>)
        tpu.yield
      }) : () -> ()
      "tpu.region"() ({
        %run_scoped3A = tpu.sem_alloc : memref<!tpu.dma_semaphore, #tpu.memory_space<semaphore_mem>>
        %dma_start3A = arith.constant 0 : i32
        %dma_start3A_48 = tpu.memref_slice %arg3[%add3A, %dma_start3A] : memref<4x128xi32, #tpu.memory_space<hbm>> -> memref<1x128xi32, #tpu.memory_space<hbm>>
        %dma_start3A_49 = tpu.memref_squeeze %dma_start3A_48 : memref<1x128xi32, #tpu.memory_space<hbm>> -> memref<128xi32, #tpu.memory_space<hbm>>
        %dma_start3A_50 = arith.constant 0 : i32
        %dma_start3A_51 = tpu.memref_slice %arg3[%add3A, %dma_start3A_50] : memref<4x128xi32, #tpu.memory_space<hbm>> -> memref<1x128xi32, #tpu.memory_space<hbm>>
        %dma_start3A_52 = tpu.memref_squeeze %dma_start3A_51 : memref<1x128xi32, #tpu.memory_space<hbm>> -> memref<128xi32, #tpu.memory_space<hbm>>
        tpu.enqueue_dma source(%dma_start3A_52 : memref<128xi32, #tpu.memory_space<hbm>>) target(%arg10 : memref<128xi32, #tpu.memory_space<vmem>>) target_semaphore(%run_scoped3A : memref<!tpu.dma_semaphore, #tpu.memory_space<semaphore_mem>>)
        %dma_wait3A = arith.constant 0 : i32
        %dma_wait3A_53 = tpu.memref_slice %arg3[%add3A, %dma_wait3A] : memref<4x128xi32, #tpu.memory_space<hbm>> -> memref<1x128xi32, #tpu.memory_space<hbm>>
        %dma_wait3A_54 = tpu.memref_squeeze %dma_wait3A_53 : memref<1x128xi32, #tpu.memory_space<hbm>> -> memref<128xi32, #tpu.memory_space<hbm>>
        %dma_wait3A_55 = arith.constant 0 : i32
        %dma_wait3A_56 = tpu.memref_slice %arg3[%add3A, %dma_wait3A_55] : memref<4x128xi32, #tpu.memory_space<hbm>> -> memref<1x128xi32, #tpu.memory_space<hbm>>
        %dma_wait3A_57 = tpu.memref_squeeze %dma_wait3A_56 : memref<1x128xi32, #tpu.memory_space<hbm>> -> memref<128xi32, #tpu.memory_space<hbm>>
        tpu.wait_dma2 semaphore(%run_scoped3A : memref<!tpu.dma_semaphore, #tpu.memory_space<semaphore_mem>>) src(%dma_wait3A_57 : memref<128xi32, #tpu.memory_space<hbm>>) dst(%arg10 : memref<128xi32, #tpu.memory_space<vmem>>)
        tpu.yield
      }) : () -> ()
      "tpu.region"() ({
        %run_scoped3A = tpu.sem_alloc : memref<!tpu.dma_semaphore, #tpu.memory_space<semaphore_mem>>
        %dma_start3A = arith.constant 0 : i32
        %dma_start3A_48 = tpu.memref_slice %arg4[%add3A, %dma_start3A] : memref<4x256xi32, #tpu.memory_space<hbm>> -> memref<1x256xi32, #tpu.memory_space<hbm>>
        %dma_start3A_49 = tpu.memref_squeeze %dma_start3A_48 : memref<1x256xi32, #tpu.memory_space<hbm>> -> memref<256xi32, #tpu.memory_space<hbm>>
        %dma_start3A_50 = arith.constant 0 : i32
        %dma_start3A_51 = tpu.memref_slice %arg4[%add3A, %dma_start3A_50] : memref<4x256xi32, #tpu.memory_space<hbm>> -> memref<1x256xi32, #tpu.memory_space<hbm>>
        %dma_start3A_52 = tpu.memref_squeeze %dma_start3A_51 : memref<1x256xi32, #tpu.memory_space<hbm>> -> memref<256xi32, #tpu.memory_space<hbm>>
        tpu.enqueue_dma source(%dma_start3A_52 : memref<256xi32, #tpu.memory_space<hbm>>) target(%arg11 : memref<256xi32, #tpu.memory_space<vmem>>) target_semaphore(%run_scoped3A : memref<!tpu.dma_semaphore, #tpu.memory_space<semaphore_mem>>)
        %dma_wait3A = arith.constant 0 : i32
        %dma_wait3A_53 = tpu.memref_slice %arg4[%add3A, %dma_wait3A] : memref<4x256xi32, #tpu.memory_space<hbm>> -> memref<1x256xi32, #tpu.memory_space<hbm>>
        %dma_wait3A_54 = tpu.memref_squeeze %dma_wait3A_53 : memref<1x256xi32, #tpu.memory_space<hbm>> -> memref<256xi32, #tpu.memory_space<hbm>>
        %dma_wait3A_55 = arith.constant 0 : i32
        %dma_wait3A_56 = tpu.memref_slice %arg4[%add3A, %dma_wait3A_55] : memref<4x256xi32, #tpu.memory_space<hbm>> -> memref<1x256xi32, #tpu.memory_space<hbm>>
        %dma_wait3A_57 = tpu.memref_squeeze %dma_wait3A_56 : memref<1x256xi32, #tpu.memory_space<hbm>> -> memref<256xi32, #tpu.memory_space<hbm>>
        tpu.wait_dma2 semaphore(%run_scoped3A : memref<!tpu.dma_semaphore, #tpu.memory_space<semaphore_mem>>) src(%dma_wait3A_57 : memref<256xi32, #tpu.memory_space<hbm>>) dst(%arg11 : memref<256xi32, #tpu.memory_space<vmem>>)
        tpu.yield
      }) : () -> ()
      "tpu.region"() ({
        %run_scoped3A = tpu.sem_alloc : memref<!tpu.dma_semaphore, #tpu.memory_space<semaphore_mem>>
        %dma_start3A = arith.constant 0 : i32
        %dma_start3A_48 = tpu.memref_slice %arg5[%add3A, %dma_start3A] : memref<4x256xi32, #tpu.memory_space<hbm>> -> memref<1x256xi32, #tpu.memory_space<hbm>>
        %dma_start3A_49 = tpu.memref_squeeze %dma_start3A_48 : memref<1x256xi32, #tpu.memory_space<hbm>> -> memref<256xi32, #tpu.memory_space<hbm>>
        %dma_start3A_50 = arith.constant 0 : i32
        %dma_start3A_51 = tpu.memref_slice %arg5[%add3A, %dma_start3A_50] : memref<4x256xi32, #tpu.memory_space<hbm>> -> memref<1x256xi32, #tpu.memory_space<hbm>>
        %dma_start3A_52 = tpu.memref_squeeze %dma_start3A_51 : memref<1x256xi32, #tpu.memory_space<hbm>> -> memref<256xi32, #tpu.memory_space<hbm>>
        tpu.enqueue_dma source(%dma_start3A_52 : memref<256xi32, #tpu.memory_space<hbm>>) target(%arg12 : memref<256xi32, #tpu.memory_space<vmem>>) target_semaphore(%run_scoped3A : memref<!tpu.dma_semaphore, #tpu.memory_space<semaphore_mem>>)
        %dma_wait3A = arith.constant 0 : i32
        %dma_wait3A_53 = tpu.memref_slice %arg5[%add3A, %dma_wait3A] : memref<4x256xi32, #tpu.memory_space<hbm>> -> memref<1x256xi32, #tpu.memory_space<hbm>>
        %dma_wait3A_54 = tpu.memref_squeeze %dma_wait3A_53 : memref<1x256xi32, #tpu.memory_space<hbm>> -> memref<256xi32, #tpu.memory_space<hbm>>
        %dma_wait3A_55 = arith.constant 0 : i32
        %dma_wait3A_56 = tpu.memref_slice %arg5[%add3A, %dma_wait3A_55] : memref<4x256xi32, #tpu.memory_space<hbm>> -> memref<1x256xi32, #tpu.memory_space<hbm>>
        %dma_wait3A_57 = tpu.memref_squeeze %dma_wait3A_56 : memref<1x256xi32, #tpu.memory_space<hbm>> -> memref<256xi32, #tpu.memory_space<hbm>>
        tpu.wait_dma2 semaphore(%run_scoped3A : memref<!tpu.dma_semaphore, #tpu.memory_space<semaphore_mem>>) src(%dma_wait3A_57 : memref<256xi32, #tpu.memory_space<hbm>>) dst(%arg12 : memref<256xi32, #tpu.memory_space<vmem>>)
        tpu.yield
      }) : () -> ()
      %get3A = arith.constant 0 : index
      %get3A_3 = tpu.vector_load %arg10[%get3A] {strides = array<i32>} : memref<128xi32, #tpu.memory_space<vmem>>, vector<16xi32>,
      %slice3A = vector.extract_strided_slice %get3A_3 {offsets = [0], sizes = [1], strides = [1]} : vector<16xi32> to vector<1xi32>
      %squeeze3A = vector.extract %slice3A[0] : i32 from vector<1xi32>
      %slice3A_4 = vector.extract_strided_slice %get3A_3 {offsets = [1], sizes = [1], strides = [1]} : vector<16xi32> to vector<1xi32>
      %squeeze3A_5 = vector.extract %slice3A_4[0] : i32 from vector<1xi32>
      %sub3A = arith.constant 1024 : i32
      %sub3A_6 = arith.subi %sub3A, %squeeze3A_5 : i32
      %and3A = arith.constant 1 : i32
      %and3A_7 = arith.andi %add3A, %and3A : i32
      %mul3A_8 = arith.constant 4096 : i32
      %mul3A_9 = arith.muli %and3A_7, %mul3A_8 : i32
      %iota3A = tpu.iota {dimensions = array<i32: 0>} : vector<16xi32>
      %scan3A = arith.constant 1073741824 : i32
      %scan3A_10 = arith.constant 0 : i32
      %scan3A_11 = arith.constant 0 : i32
      %scan3A_12 = arith.constant 16 : i32
      %scan3A_13 = arith.addi %scan3A_11, %scan3A_12 : i32
      %scan3A_14 = arith.constant 1 : i32
      %scan3A_15 = scf.for %scan3A_48 = %scan3A_11 to %scan3A_13 step %scan3A_14 iter_args(%scan3A_49 = %scan3A_10) -> (i32)  : i32 {
        %mul3A_50 = arith.constant 16 : i32
        %mul3A_51 = arith.muli %scan3A_48, %mul3A_50 : i32
        %get3A_52 = arith.index_cast %mul3A_51 : i32 to index
        %get3A_53 = tpu.vector_load %arg11[%get3A_52] {strides = array<i32>} : memref<256xi32, #tpu.memory_space<vmem>>, vector<16xi32>,
        %mul3A_54 = arith.constant 16 : i32
        %mul3A_55 = arith.muli %scan3A_48, %mul3A_54 : i32
        %get3A_56 = arith.index_cast %mul3A_55 : i32 to index
        %get3A_57 = tpu.vector_load %arg12[%get3A_56] {strides = array<i32>} : memref<256xi32, #tpu.memory_space<vmem>>, vector<16xi32>,
        %mul3A_58 = arith.constant 256 : i32
        %mul3A_59 = arith.muli %scan3A_48, %mul3A_58 : i32
        %add3A_60 = arith.constant 0 : i32
        %add3A_61 = arith.addi %mul3A_59, %add3A_60 : i32
        %get3A_62 = arith.index_cast %add3A_61 : i32 to index
        %get3A_63 = tpu.vector_load %arg7[%get3A_62] {strides = array<i32>} : memref<4096xi32, #tpu.memory_space<vmem>>, vector<16xi32>,
        %add3A_64 = vector.broadcast %add3A_61 : i32 to vector<16xi32>
        %add3A_65 = arith.addi %iota3A, %add3A_64 : vector<16xi32>
        %gt3A = vector.broadcast %squeeze3A : i32 to vector<16xi32>
        %gt3A_66 = arith.cmpi sgt, %get3A_63, %gt3A : vector<16xi32>
        %eq3A = vector.broadcast %squeeze3A : i32 to vector<16xi32>
        %eq3A_67 = arith.cmpi eq, %get3A_63, %eq3A : vector<16xi32>
        %broadcast_in_dim3A = vector.broadcast %scan3A : i32 to vector<16xi32>
        %select_n3A_68 = arith.select %gt3A_66, %add3A_65, %broadcast_in_dim3A : vector<16xi1>, vector<16xi32>
        %sort3A = arith.constant dense<true> : vector<16xi1>
        %sort3A_69, %sort3A_70, %sort3A_71 = tpu.sort %select_n3A_68, %select_n3A_68 masked %sort3A : (vector<16xi32>, vector<16xi32>, vector<16xi1>) -> (vector<16xi1>, vector<16xi32>, vector<16xi32>)
        %broadcast_in_dim3A_72 = vector.broadcast %scan3A : i32 to vector<16xi32>
        %select_n3A_73 = arith.select %eq3A_67, %add3A_65, %broadcast_in_dim3A_72 : vector<16xi1>, vector<16xi32>
        %sort3A_74 = arith.constant dense<true> : vector<16xi1>
        %sort3A_75, %sort3A_76, %sort3A_77 = tpu.sort %select_n3A_73, %select_n3A_73 masked %sort3A_74 : (vector<16xi32>, vector<16xi32>, vector<16xi1>) -> (vector<16xi1>, vector<16xi32>, vector<16xi32>)
        %add3A_78 = vector.broadcast %mul3A_9 : i32 to vector<16xi32>
        %add3A_79 = arith.addi %sort3A_70, %add3A_78 : vector<16xi32>
        %slice3A_80 = vector.extract_strided_slice %get3A_53 {offsets = [0], sizes = [1], strides = [1]} : vector<16xi32> to vector<1xi32>
        %squeeze3A_81 = vector.extract %slice3A_80[0] : i32 from vector<1xi32>
        %swap3A = arith.index_cast %squeeze3A_81 : i32 to index
        %swap3A_82 = tpu.vector_load %arg8[%swap3A] {strides = array<i32>} : memref<1040xi32, #tpu.memory_space<vmem>>, vector<16xi32>,
        tpu.vector_store %arg8[%swap3A], %add3A_79 {strides = array<i32>} : memref<1040xi32, #tpu.memory_space<vmem>>, vector<16xi32>,
        %add3A_83 = vector.broadcast %mul3A_9 : i32 to vector<16xi32>
        %add3A_84 = arith.addi %sort3A_76, %add3A_83 : vector<16xi32>
        %slice3A_85 = vector.extract_strided_slice %get3A_57 {offsets = [0], sizes = [1], strides = [1]} : vector<16xi32> to vector<1xi32>
        %squeeze3A_86 = vector.extract %slice3A_85[0] : i32 from vector<1xi32>
        %swap3A_87 = arith.index_cast %squeeze3A_86 : i32 to index
        %swap3A_88 = tpu.vector_load %arg9[%swap3A_87] {strides = array<i32>} : memref<4112xi32, #tpu.memory_space<vmem>>, vector<16xi32>,
        tpu.vector_store %arg9[%swap3A_87], %add3A_84 {strides = array<i32>} : memref<4112xi32, #tpu.memory_space<vmem>>, vector<16xi32>,
        %mul3A_89 = arith.constant 256 : i32
        %mul3A_90 = arith.muli %scan3A_48, %mul3A_89 : i32
        %add3A_91 = arith.constant 16 : i32
        %add3A_92 = arith.addi %mul3A_90, %add3A_91 : i32
        %get3A_93 = arith.index_cast %add3A_92 : i32 to index
        %get3A_94 = tpu.vector_load %arg7[%get3A_93] {strides = array<i32>} : memref<4096xi32, #tpu.memory_space<vmem>>, vector<16xi32>,
        %add3A_95 = vector.broadcast %add3A_92 : i32 to vector<16xi32>
        %add3A_96 = arith.addi %iota3A, %add3A_95 : vector<16xi32>
        %gt3A_97 = vector.broadcast %squeeze3A : i32 to vector<16xi32>
        %gt3A_98 = arith.cmpi sgt, %get3A_94, %gt3A_97 : vector<16xi32>
        %eq3A_99 = vector.broadcast %squeeze3A : i32 to vector<16xi32>
        %eq3A_100 = arith.cmpi eq, %get3A_94, %eq3A_99 : vector<16xi32>
        %broadcast_in_dim3A_101 = vector.broadcast %scan3A : i32 to vector<16xi32>
        %select_n3A_102 = arith.select %gt3A_98, %add3A_96, %broadcast_in_dim3A_101 : vector<16xi1>, vector<16xi32>
        %sort3A_103 = arith.constant dense<true> : vector<16xi1>
        %sort3A_104, %sort3A_105, %sort3A_106 = tpu.sort %select_n3A_102, %select_n3A_102 masked %sort3A_103 : (vector<16xi32>, vector<16xi32>, vector<16xi1>) -> (vector<16xi1>, vector<16xi32>, vector<16xi32>)
        %broadcast_in_dim3A_107 = vector.broadcast %scan3A : i32 to vector<16xi32>
        %select_n3A_108 = arith.select %eq3A_100, %add3A_96, %broadcast_in_dim3A_107 : vector<16xi1>, vector<16xi32>
        %sort3A_109 = arith.constant dense<true> : vector<16xi1>
        %sort3A_110, %sort3A_111, %sort3A_112 = tpu.sort %select_n3A_108, %select_n3A_108 masked %sort3A_109 : (vector<16xi32>, vector<16xi32>, vector<16xi1>) -> (vector<16xi1>, vector<16xi32>, vector<16xi32>)
        %add3A_113 = vector.broadcast %mul3A_9 : i32 to vector<16xi32>
        %add3A_114 = arith.addi %sort3A_105, %add3A_113 : vector<16xi32>
        %slice3A_115 = vector.extract_strided_slice %get3A_53 {offsets = [1], sizes = [1], strides = [1]} : vector<16xi32> to vector<1xi32>
        %squeeze3A_116 = vector.extract %slice3A_115[0] : i32 from vector<1xi32>
        %swap3A_117 = arith.index_cast %squeeze3A_116 : i32 to index
        %swap3A_118 = tpu.vector_load %arg8[%swap3A_117] {strides = array<i32>} : memref<1040xi32, #tpu.memory_space<vmem>>, vector<16xi32>,
        tpu.vector_store %arg8[%swap3A_117], %add3A_114 {strides = array<i32>} : memref<1040xi32, #tpu.memory_space<vmem>>, vector<16xi32>,
        %add3A_119 = vector.broadcast %mul3A_9 : i32 to vector<16xi32>
        %add3A_120 = arith.addi %sort3A_111, %add3A_119 : vector<16xi32>
        %slice3A_121 = vector.extract_strided_slice %get3A_57 {offsets = [1], sizes = [1], strides = [1]} : vector<16xi32> to vector<1xi32>
        %squeeze3A_122 = vector.extract %slice3A_121[0] : i32 from vector<1xi32>
        %swap3A_123 = arith.index_cast %squeeze3A_122 : i32 to index
        %swap3A_124 = tpu.vector_load %arg9[%swap3A_123] {strides = array<i32>} : memref<4112xi32, #tpu.memory_space<vmem>>, vector<16xi32>,
        tpu.vector_store %arg9[%swap3A_123], %add3A_120 {strides = array<i32>} : memref<4112xi32, #tpu.memory_space<vmem>>, vector<16xi32>,
        %mul3A_125 = arith.constant 256 : i32
        %mul3A_126 = arith.muli %scan3A_48, %mul3A_125 : i32
        %add3A_127 = arith.constant 32 : i32
        %add3A_128 = arith.addi %mul3A_126, %add3A_127 : i32
        %get3A_129 = arith.index_cast %add3A_128 : i32 to index
        %get3A_130 = tpu.vector_load %arg7[%get3A_129] {strides = array<i32>} : memref<4096xi32, #tpu.memory_space<vmem>>, vector<16xi32>,
        %add3A_131 = vector.broadcast %add3A_128 : i32 to vector<16xi32>
        %add3A_132 = arith.addi %iota3A, %add3A_131 : vector<16xi32>
        %gt3A_133 = vector.broadcast %squeeze3A : i32 to vector<16xi32>
        %gt3A_134 = arith.cmpi sgt, %get3A_130, %gt3A_133 : vector<16xi32>
        %eq3A_135 = vector.broadcast %squeeze3A : i32 to vector<16xi32>
        %eq3A_136 = arith.cmpi eq, %get3A_130, %eq3A_135 : vector<16xi32>
        %broadcast_in_dim3A_137 = vector.broadcast %scan3A : i32 to vector<16xi32>
        %select_n3A_138 = arith.select %gt3A_134, %add3A_132, %broadcast_in_dim3A_137 : vector<16xi1>, vector<16xi32>
        %sort3A_139 = arith.constant dense<true> : vector<16xi1>
        %sort3A_140, %sort3A_141, %sort3A_142 = tpu.sort %select_n3A_138, %select_n3A_138 masked %sort3A_139 : (vector<16xi32>, vector<16xi32>, vector<16xi1>) -> (vector<16xi1>, vector<16xi32>, vector<16xi32>)
        %broadcast_in_dim3A_143 = vector.broadcast %scan3A : i32 to vector<16xi32>
        %select_n3A_144 = arith.select %eq3A_136, %add3A_132, %broadcast_in_dim3A_143 : vector<16xi1>, vector<16xi32>
        %sort3A_145 = arith.constant dense<true> : vector<16xi1>
        %sort3A_146, %sort3A_147, %sort3A_148 = tpu.sort %select_n3A_144, %select_n3A_144 masked %sort3A_145 : (vector<16xi32>, vector<16xi32>, vector<16xi1>) -> (vector<16xi1>, vector<16xi32>, vector<16xi32>)
        %add3A_149 = vector.broadcast %mul3A_9 : i32 to vector<16xi32>
        %add3A_150 = arith.addi %sort3A_141, %add3A_149 : vector<16xi32>
        %slice3A_151 = vector.extract_strided_slice %get3A_53 {offsets = [2], sizes = [1], strides = [1]} : vector<16xi32> to vector<1xi32>
        %squeeze3A_152 = vector.extract %slice3A_151[0] : i32 from vector<1xi32>
        %swap3A_153 = arith.index_cast %squeeze3A_152 : i32 to index
        %swap3A_154 = tpu.vector_load %arg8[%swap3A_153] {strides = array<i32>} : memref<1040xi32, #tpu.memory_space<vmem>>, vector<16xi32>,
        tpu.vector_store %arg8[%swap3A_153], %add3A_150 {strides = array<i32>} : memref<1040xi32, #tpu.memory_space<vmem>>, vector<16xi32>,
        %add3A_155 = vector.broadcast %mul3A_9 : i32 to vector<16xi32>
        %add3A_156 = arith.addi %sort3A_147, %add3A_155 : vector<16xi32>
        %slice3A_157 = vector.extract_strided_slice %get3A_57 {offsets = [2], sizes = [1], strides = [1]} : vector<16xi32> to vector<1xi32>
        %squeeze3A_158 = vector.extract %slice3A_157[0] : i32 from vector<1xi32>
        %swap3A_159 = arith.index_cast %squeeze3A_158 : i32 to index
        %swap3A_160 = tpu.vector_load %arg9[%swap3A_159] {strides = array<i32>} : memref<4112xi32, #tpu.memory_space<vmem>>, vector<16xi32>,
        tpu.vector_store %arg9[%swap3A_159], %add3A_156 {strides = array<i32>} : memref<4112xi32, #tpu.memory_space<vmem>>, vector<16xi32>,
        %mul3A_161 = arith.constant 256 : i32
        %mul3A_162 = arith.muli %scan3A_48, %mul3A_161 : i32
        %add3A_163 = arith.constant 48 : i32
        %add3A_164 = arith.addi %mul3A_162, %add3A_163 : i32
        %get3A_165 = arith.index_cast %add3A_164 : i32 to index
        %get3A_166 = tpu.vector_load %arg7[%get3A_165] {strides = array<i32>} : memref<4096xi32, #tpu.memory_space<vmem>>, vector<16xi32>,
        %add3A_167 = vector.broadcast %add3A_164 : i32 to vector<16xi32>
        %add3A_168 = arith.addi %iota3A, %add3A_167 : vector<16xi32>
        %gt3A_169 = vector.broadcast %squeeze3A : i32 to vector<16xi32>
        %gt3A_170 = arith.cmpi sgt, %get3A_166, %gt3A_169 : vector<16xi32>
        %eq3A_171 = vector.broadcast %squeeze3A : i32 to vector<16xi32>
        %eq3A_172 = arith.cmpi eq, %get3A_166, %eq3A_171 : vector<16xi32>
        %broadcast_in_dim3A_173 = vector.broadcast %scan3A : i32 to vector<16xi32>
        %select_n3A_174 = arith.select %gt3A_170, %add3A_168, %broadcast_in_dim3A_173 : vector<16xi1>, vector<16xi32>
        %sort3A_175 = arith.constant dense<true> : vector<16xi1>
        %sort3A_176, %sort3A_177, %sort3A_178 = tpu.sort %select_n3A_174, %select_n3A_174 masked %sort3A_175 : (vector<16xi32>, vector<16xi32>, vector<16xi1>) -> (vector<16xi1>, vector<16xi32>, vector<16xi32>)
        %broadcast_in_dim3A_179 = vector.broadcast %scan3A : i32 to vector<16xi32>
        %select_n3A_180 = arith.select %eq3A_172, %add3A_168, %broadcast_in_dim3A_179 : vector<16xi1>, vector<16xi32>
        %sort3A_181 = arith.constant dense<true> : vector<16xi1>
        %sort3A_182, %sort3A_183, %sort3A_184 = tpu.sort %select_n3A_180, %select_n3A_180 masked %sort3A_181 : (vector<16xi32>, vector<16xi32>, vector<16xi1>) -> (vector<16xi1>, vector<16xi32>, vector<16xi32>)
        %add3A_185 = vector.broadcast %mul3A_9 : i32 to vector<16xi32>
        %add3A_186 = arith.addi %sort3A_177, %add3A_185 : vector<16xi32>
        %slice3A_187 = vector.extract_strided_slice %get3A_53 {offsets = [3], sizes = [1], strides = [1]} : vector<16xi32> to vector<1xi32>
        %squeeze3A_188 = vector.extract %slice3A_187[0] : i32 from vector<1xi32>
        %swap3A_189 = arith.index_cast %squeeze3A_188 : i32 to index
        %swap3A_190 = tpu.vector_load %arg8[%swap3A_189] {strides = array<i32>} : memref<1040xi32, #tpu.memory_space<vmem>>, vector<16xi32>,
        tpu.vector_store %arg8[%swap3A_189], %add3A_186 {strides = array<i32>} : memref<1040xi32, #tpu.memory_space<vmem>>, vector<16xi32>,
        %add3A_191 = vector.broadcast %mul3A_9 : i32 to vector<16xi32>
        %add3A_192 = arith.addi %sort3A_183, %add3A_191 : vector<16xi32>
        %slice3A_193 = vector.extract_strided_slice %get3A_57 {offsets = [3], sizes = [1], strides = [1]} : vector<16xi32> to vector<1xi32>
        %squeeze3A_194 = vector.extract %slice3A_193[0] : i32 from vector<1xi32>
        %swap3A_195 = arith.index_cast %squeeze3A_194 : i32 to index
        %swap3A_196 = tpu.vector_load %arg9[%swap3A_195] {strides = array<i32>} : memref<4112xi32, #tpu.memory_space<vmem>>, vector<16xi32>,
        tpu.vector_store %arg9[%swap3A_195], %add3A_192 {strides = array<i32>} : memref<4112xi32, #tpu.memory_space<vmem>>, vector<16xi32>,
        %mul3A_197 = arith.constant 256 : i32
        %mul3A_198 = arith.muli %scan3A_48, %mul3A_197 : i32
        %add3A_199 = arith.constant 64 : i32
        %add3A_200 = arith.addi %mul3A_198, %add3A_199 : i32
        %get3A_201 = arith.index_cast %add3A_200 : i32 to index
        %get3A_202 = tpu.vector_load %arg7[%get3A_201] {strides = array<i32>} : memref<4096xi32, #tpu.memory_space<vmem>>, vector<16xi32>,
        %add3A_203 = vector.broadcast %add3A_200 : i32 to vector<16xi32>
        %add3A_204 = arith.addi %iota3A, %add3A_203 : vector<16xi32>
        %gt3A_205 = vector.broadcast %squeeze3A : i32 to vector<16xi32>
        %gt3A_206 = arith.cmpi sgt, %get3A_202, %gt3A_205 : vector<16xi32>
        %eq3A_207 = vector.broadcast %squeeze3A : i32 to vector<16xi32>
        %eq3A_208 = arith.cmpi eq, %get3A_202, %eq3A_207 : vector<16xi32>
        %broadcast_in_dim3A_209 = vector.broadcast %scan3A : i32 to vector<16xi32>
        %select_n3A_210 = arith.select %gt3A_206, %add3A_204, %broadcast_in_dim3A_209 : vector<16xi1>, vector<16xi32>
        %sort3A_211 = arith.constant dense<true> : vector<16xi1>
        %sort3A_212, %sort3A_213, %sort3A_214 = tpu.sort %select_n3A_210, %select_n3A_210 masked %sort3A_211 : (vector<16xi32>, vector<16xi32>, vector<16xi1>) -> (vector<16xi1>, vector<16xi32>, vector<16xi32>)
        %broadcast_in_dim3A_215 = vector.broadcast %scan3A : i32 to vector<16xi32>
        %select_n3A_216 = arith.select %eq3A_208, %add3A_204, %broadcast_in_dim3A_215 : vector<16xi1>, vector<16xi32>
        %sort3A_217 = arith.constant dense<true> : vector<16xi1>
        %sort3A_218, %sort3A_219, %sort3A_220 = tpu.sort %select_n3A_216, %select_n3A_216 masked %sort3A_217 : (vector<16xi32>, vector<16xi32>, vector<16xi1>) -> (vector<16xi1>, vector<16xi32>, vector<16xi32>)
        %add3A_221 = vector.broadcast %mul3A_9 : i32 to vector<16xi32>
        %add3A_222 = arith.addi %sort3A_213, %add3A_221 : vector<16xi32>
        %slice3A_223 = vector.extract_strided_slice %get3A_53 {offsets = [4], sizes = [1], strides = [1]} : vector<16xi32> to vector<1xi32>
        %squeeze3A_224 = vector.extract %slice3A_223[0] : i32 from vector<1xi32>
        %swap3A_225 = arith.index_cast %squeeze3A_224 : i32 to index
        %swap3A_226 = tpu.vector_load %arg8[%swap3A_225] {strides = array<i32>} : memref<1040xi32, #tpu.memory_space<vmem>>, vector<16xi32>,
        tpu.vector_store %arg8[%swap3A_225], %add3A_222 {strides = array<i32>} : memref<1040xi32, #tpu.memory_space<vmem>>, vector<16xi32>,
        %add3A_227 = vector.broadcast %mul3A_9 : i32 to vector<16xi32>
        %add3A_228 = arith.addi %sort3A_219, %add3A_227 : vector<16xi32>
        %slice3A_229 = vector.extract_strided_slice %get3A_57 {offsets = [4], sizes = [1], strides = [1]} : vector<16xi32> to vector<1xi32>
        %squeeze3A_230 = vector.extract %slice3A_229[0] : i32 from vector<1xi32>
        %swap3A_231 = arith.index_cast %squeeze3A_230 : i32 to index
        %swap3A_232 = tpu.vector_load %arg9[%swap3A_231] {strides = array<i32>} : memref<4112xi32, #tpu.memory_space<vmem>>, vector<16xi32>,
        tpu.vector_store %arg9[%swap3A_231], %add3A_228 {strides = array<i32>} : memref<4112xi32, #tpu.memory_space<vmem>>, vector<16xi32>,
        %mul3A_233 = arith.constant 256 : i32
        %mul3A_234 = arith.muli %scan3A_48, %mul3A_233 : i32
        %add3A_235 = arith.constant 80 : i32
        %add3A_236 = arith.addi %mul3A_234, %add3A_235 : i32
        %get3A_237 = arith.index_cast %add3A_236 : i32 to index
        %get3A_238 = tpu.vector_load %arg7[%get3A_237] {strides = array<i32>} : memref<4096xi32, #tpu.memory_space<vmem>>, vector<16xi32>,
        %add3A_239 = vector.broadcast %add3A_236 : i32 to vector<16xi32>
        %add3A_240 = arith.addi %iota3A, %add3A_239 : vector<16xi32>
        %gt3A_241 = vector.broadcast %squeeze3A : i32 to vector<16xi32>
        %gt3A_242 = arith.cmpi sgt, %get3A_238, %gt3A_241 : vector<16xi32>
        %eq3A_243 = vector.broadcast %squeeze3A : i32 to vector<16xi32>
        %eq3A_244 = arith.cmpi eq, %get3A_238, %eq3A_243 : vector<16xi32>
        %broadcast_in_dim3A_245 = vector.broadcast %scan3A : i32 to vector<16xi32>
        %select_n3A_246 = arith.select %gt3A_242, %add3A_240, %broadcast_in_dim3A_245 : vector<16xi1>, vector<16xi32>
        %sort3A_247 = arith.constant dense<true> : vector<16xi1>
        %sort3A_248, %sort3A_249, %sort3A_250 = tpu.sort %select_n3A_246, %select_n3A_246 masked %sort3A_247 : (vector<16xi32>, vector<16xi32>, vector<16xi1>) -> (vector<16xi1>, vector<16xi32>, vector<16xi32>)
        %broadcast_in_dim3A_251 = vector.broadcast %scan3A : i32 to vector<16xi32>
        %select_n3A_252 = arith.select %eq3A_244, %add3A_240, %broadcast_in_dim3A_251 : vector<16xi1>, vector<16xi32>
        %sort3A_253 = arith.constant dense<true> : vector<16xi1>
        %sort3A_254, %sort3A_255, %sort3A_256 = tpu.sort %select_n3A_252, %select_n3A_252 masked %sort3A_253 : (vector<16xi32>, vector<16xi32>, vector<16xi1>) -> (vector<16xi1>, vector<16xi32>, vector<16xi32>)
        %add3A_257 = vector.broadcast %mul3A_9 : i32 to vector<16xi32>
        %add3A_258 = arith.addi %sort3A_249, %add3A_257 : vector<16xi32>
        %slice3A_259 = vector.extract_strided_slice %get3A_53 {offsets = [5], sizes = [1], strides = [1]} : vector<16xi32> to vector<1xi32>
        %squeeze3A_260 = vector.extract %slice3A_259[0] : i32 from vector<1xi32>
        %swap3A_261 = arith.index_cast %squeeze3A_260 : i32 to index
        %swap3A_262 = tpu.vector_load %arg8[%swap3A_261] {strides = array<i32>} : memref<1040xi32, #tpu.memory_space<vmem>>, vector<16xi32>,
        tpu.vector_store %arg8[%swap3A_261], %add3A_258 {strides = array<i32>} : memref<1040xi32, #tpu.memory_space<vmem>>, vector<16xi32>,
        %add3A_263 = vector.broadcast %mul3A_9 : i32 to vector<16xi32>
        %add3A_264 = arith.addi %sort3A_255, %add3A_263 : vector<16xi32>
        %slice3A_265 = vector.extract_strided_slice %get3A_57 {offsets = [5], sizes = [1], strides = [1]} : vector<16xi32> to vector<1xi32>
        %squeeze3A_266 = vector.extract %slice3A_265[0] : i32 from vector<1xi32>
        %swap3A_267 = arith.index_cast %squeeze3A_266 : i32 to index
        %swap3A_268 = tpu.vector_load %arg9[%swap3A_267] {strides = array<i32>} : memref<4112xi32, #tpu.memory_space<vmem>>, vector<16xi32>,
        tpu.vector_store %arg9[%swap3A_267], %add3A_264 {strides = array<i32>} : memref<4112xi32, #tpu.memory_space<vmem>>, vector<16xi32>,
        %mul3A_269 = arith.constant 256 : i32
        %mul3A_270 = arith.muli %scan3A_48, %mul3A_269 : i32
        %add3A_271 = arith.constant 96 : i32
        %add3A_272 = arith.addi %mul3A_270, %add3A_271 : i32
        %get3A_273 = arith.index_cast %add3A_272 : i32 to index
        %get3A_274 = tpu.vector_load %arg7[%get3A_273] {strides = array<i32>} : memref<4096xi32, #tpu.memory_space<vmem>>, vector<16xi32>,
        %add3A_275 = vector.broadcast %add3A_272 : i32 to vector<16xi32>
        %add3A_276 = arith.addi %iota3A, %add3A_275 : vector<16xi32>
        %gt3A_277 = vector.broadcast %squeeze3A : i32 to vector<16xi32>
        %gt3A_278 = arith.cmpi sgt, %get3A_274, %gt3A_277 : vector<16xi32>
        %eq3A_279 = vector.broadcast %squeeze3A : i32 to vector<16xi32>
        %eq3A_280 = arith.cmpi eq, %get3A_274, %eq3A_279 : vector<16xi32>
        %broadcast_in_dim3A_281 = vector.broadcast %scan3A : i32 to vector<16xi32>
        %select_n3A_282 = arith.select %gt3A_278, %add3A_276, %broadcast_in_dim3A_281 : vector<16xi1>, vector<16xi32>
        %sort3A_283 = arith.constant dense<true> : vector<16xi1>
        %sort3A_284, %sort3A_285, %sort3A_286 = tpu.sort %select_n3A_282, %select_n3A_282 masked %sort3A_283 : (vector<16xi32>, vector<16xi32>, vector<16xi1>) -> (vector<16xi1>, vector<16xi32>, vector<16xi32>)
        %broadcast_in_dim3A_287 = vector.broadcast %scan3A : i32 to vector<16xi32>
        %select_n3A_288 = arith.select %eq3A_280, %add3A_276, %broadcast_in_dim3A_287 : vector<16xi1>, vector<16xi32>
        %sort3A_289 = arith.constant dense<true> : vector<16xi1>
        %sort3A_290, %sort3A_291, %sort3A_292 = tpu.sort %select_n3A_288, %select_n3A_288 masked %sort3A_289 : (vector<16xi32>, vector<16xi32>, vector<16xi1>) -> (vector<16xi1>, vector<16xi32>, vector<16xi32>)
        %add3A_293 = vector.broadcast %mul3A_9 : i32 to vector<16xi32>
        %add3A_294 = arith.addi %sort3A_285, %add3A_293 : vector<16xi32>
        %slice3A_295 = vector.extract_strided_slice %get3A_53 {offsets = [6], sizes = [1], strides = [1]} : vector<16xi32> to vector<1xi32>
        %squeeze3A_296 = vector.extract %slice3A_295[0] : i32 from vector<1xi32>
        %swap3A_297 = arith.index_cast %squeeze3A_296 : i32 to index
        %swap3A_298 = tpu.vector_load %arg8[%swap3A_297] {strides = array<i32>} : memref<1040xi32, #tpu.memory_space<vmem>>, vector<16xi32>,
        tpu.vector_store %arg8[%swap3A_297], %add3A_294 {strides = array<i32>} : memref<1040xi32, #tpu.memory_space<vmem>>, vector<16xi32>,
        %add3A_299 = vector.broadcast %mul3A_9 : i32 to vector<16xi32>
        %add3A_300 = arith.addi %sort3A_291, %add3A_299 : vector<16xi32>
        %slice3A_301 = vector.extract_strided_slice %get3A_57 {offsets = [6], sizes = [1], strides = [1]} : vector<16xi32> to vector<1xi32>
        %squeeze3A_302 = vector.extract %slice3A_301[0] : i32 from vector<1xi32>
        %swap3A_303 = arith.index_cast %squeeze3A_302 : i32 to index
        %swap3A_304 = tpu.vector_load %arg9[%swap3A_303] {strides = array<i32>} : memref<4112xi32, #tpu.memory_space<vmem>>, vector<16xi32>,
        tpu.vector_store %arg9[%swap3A_303], %add3A_300 {strides = array<i32>} : memref<4112xi32, #tpu.memory_space<vmem>>, vector<16xi32>,
        %mul3A_305 = arith.constant 256 : i32
        %mul3A_306 = arith.muli %scan3A_48, %mul3A_305 : i32
        %add3A_307 = arith.constant 112 : i32
        %add3A_308 = arith.addi %mul3A_306, %add3A_307 : i32
        %get3A_309 = arith.index_cast %add3A_308 : i32 to index
        %get3A_310 = tpu.vector_load %arg7[%get3A_309] {strides = array<i32>} : memref<4096xi32, #tpu.memory_space<vmem>>, vector<16xi32>,
        %add3A_311 = vector.broadcast %add3A_308 : i32 to vector<16xi32>
        %add3A_312 = arith.addi %iota3A, %add3A_311 : vector<16xi32>
        %gt3A_313 = vector.broadcast %squeeze3A : i32 to vector<16xi32>
        %gt3A_314 = arith.cmpi sgt, %get3A_310, %gt3A_313 : vector<16xi32>
        %eq3A_315 = vector.broadcast %squeeze3A : i32 to vector<16xi32>
        %eq3A_316 = arith.cmpi eq, %get3A_310, %eq3A_315 : vector<16xi32>
        %broadcast_in_dim3A_317 = vector.broadcast %scan3A : i32 to vector<16xi32>
        %select_n3A_318 = arith.select %gt3A_314, %add3A_312, %broadcast_in_dim3A_317 : vector<16xi1>, vector<16xi32>
        %sort3A_319 = arith.constant dense<true> : vector<16xi1>
        %sort3A_320, %sort3A_321, %sort3A_322 = tpu.sort %select_n3A_318, %select_n3A_318 masked %sort3A_319 : (vector<16xi32>, vector<16xi32>, vector<16xi1>) -> (vector<16xi1>, vector<16xi32>, vector<16xi32>)
        %broadcast_in_dim3A_323 = vector.broadcast %scan3A : i32 to vector<16xi32>
        %select_n3A_324 = arith.select %eq3A_316, %add3A_312, %broadcast_in_dim3A_323 : vector<16xi1>, vector<16xi32>
        %sort3A_325 = arith.constant dense<true> : vector<16xi1>
        %sort3A_326, %sort3A_327, %sort3A_328 = tpu.sort %select_n3A_324, %select_n3A_324 masked %sort3A_325 : (vector<16xi32>, vector<16xi32>, vector<16xi1>) -> (vector<16xi1>, vector<16xi32>, vector<16xi32>)
        %add3A_329 = vector.broadcast %mul3A_9 : i32 to vector<16xi32>
        %add3A_330 = arith.addi %sort3A_321, %add3A_329 : vector<16xi32>
        %slice3A_331 = vector.extract_strided_slice %get3A_53 {offsets = [7], sizes = [1], strides = [1]} : vector<16xi32> to vector<1xi32>
        %squeeze3A_332 = vector.extract %slice3A_331[0] : i32 from vector<1xi32>
        %swap3A_333 = arith.index_cast %squeeze3A_332 : i32 to index
        %swap3A_334 = tpu.vector_load %arg8[%swap3A_333] {strides = array<i32>} : memref<1040xi32, #tpu.memory_space<vmem>>, vector<16xi32>,
        tpu.vector_store %arg8[%swap3A_333], %add3A_330 {strides = array<i32>} : memref<1040xi32, #tpu.memory_space<vmem>>, vector<16xi32>,
        %add3A_335 = vector.broadcast %mul3A_9 : i32 to vector<16xi32>
        %add3A_336 = arith.addi %sort3A_327, %add3A_335 : vector<16xi32>
        %slice3A_337 = vector.extract_strided_slice %get3A_57 {offsets = [7], sizes = [1], strides = [1]} : vector<16xi32> to vector<1xi32>
        %squeeze3A_338 = vector.extract %slice3A_337[0] : i32 from vector<1xi32>
        %swap3A_339 = arith.index_cast %squeeze3A_338 : i32 to index
        %swap3A_340 = tpu.vector_load %arg9[%swap3A_339] {strides = array<i32>} : memref<4112xi32, #tpu.memory_space<vmem>>, vector<16xi32>,
        tpu.vector_store %arg9[%swap3A_339], %add3A_336 {strides = array<i32>} : memref<4112xi32, #tpu.memory_space<vmem>>, vector<16xi32>,
        %mul3A_341 = arith.constant 256 : i32
        %mul3A_342 = arith.muli %scan3A_48, %mul3A_341 : i32
        %add3A_343 = arith.constant 128 : i32
        %add3A_344 = arith.addi %mul3A_342, %add3A_343 : i32
        %get3A_345 = arith.index_cast %add3A_344 : i32 to index
        %get3A_346 = tpu.vector_load %arg7[%get3A_345] {strides = array<i32>} : memref<4096xi32, #tpu.memory_space<vmem>>, vector<16xi32>,
        %add3A_347 = vector.broadcast %add3A_344 : i32 to vector<16xi32>
        %add3A_348 = arith.addi %iota3A, %add3A_347 : vector<16xi32>
        %gt3A_349 = vector.broadcast %squeeze3A : i32 to vector<16xi32>
        %gt3A_350 = arith.cmpi sgt, %get3A_346, %gt3A_349 : vector<16xi32>
        %eq3A_351 = vector.broadcast %squeeze3A : i32 to vector<16xi32>
        %eq3A_352 = arith.cmpi eq, %get3A_346, %eq3A_351 : vector<16xi32>
        %broadcast_in_dim3A_353 = vector.broadcast %scan3A : i32 to vector<16xi32>
        %select_n3A_354 = arith.select %gt3A_350, %add3A_348, %broadcast_in_dim3A_353 : vector<16xi1>, vector<16xi32>
        %sort3A_355 = arith.constant dense<true> : vector<16xi1>
        %sort3A_356, %sort3A_357, %sort3A_358 = tpu.sort %select_n3A_354, %select_n3A_354 masked %sort3A_355 : (vector<16xi32>, vector<16xi32>, vector<16xi1>) -> (vector<16xi1>, vector<16xi32>, vector<16xi32>)
        %broadcast_in_dim3A_359 = vector.broadcast %scan3A : i32 to vector<16xi32>
        %select_n3A_360 = arith.select %eq3A_352, %add3A_348, %broadcast_in_dim3A_359 : vector<16xi1>, vector<16xi32>
        %sort3A_361 = arith.constant dense<true> : vector<16xi1>
        %sort3A_362, %sort3A_363, %sort3A_364 = tpu.sort %select_n3A_360, %select_n3A_360 masked %sort3A_361 : (vector<16xi32>, vector<16xi32>, vector<16xi1>) -> (vector<16xi1>, vector<16xi32>, vector<16xi32>)
        %add3A_365 = vector.broadcast %mul3A_9 : i32 to vector<16xi32>
        %add3A_366 = arith.addi %sort3A_357, %add3A_365 : vector<16xi32>
        %slice3A_367 = vector.extract_strided_slice %get3A_53 {offsets = [8], sizes = [1], strides = [1]} : vector<16xi32> to vector<1xi32>
        %squeeze3A_368 = vector.extract %slice3A_367[0] : i32 from vector<1xi32>
        %swap3A_369 = arith.index_cast %squeeze3A_368 : i32 to index
        %swap3A_370 = tpu.vector_load %arg8[%swap3A_369] {strides = array<i32>} : memref<1040xi32, #tpu.memory_space<vmem>>, vector<16xi32>,
        tpu.vector_store %arg8[%swap3A_369], %add3A_366 {strides = array<i32>} : memref<1040xi32, #tpu.memory_space<vmem>>, vector<16xi32>,
        %add3A_371 = vector.broadcast %mul3A_9 : i32 to vector<16xi32>
        %add3A_372 = arith.addi %sort3A_363, %add3A_371 : vector<16xi32>
        %slice3A_373 = vector.extract_strided_slice %get3A_57 {offsets = [8], sizes = [1], strides = [1]} : vector<16xi32> to vector<1xi32>
        %squeeze3A_374 = vector.extract %slice3A_373[0] : i32 from vector<1xi32>
        %swap3A_375 = arith.index_cast %squeeze3A_374 : i32 to index
        %swap3A_376 = tpu.vector_load %arg9[%swap3A_375] {strides = array<i32>} : memref<4112xi32, #tpu.memory_space<vmem>>, vector<16xi32>,
        tpu.vector_store %arg9[%swap3A_375], %add3A_372 {strides = array<i32>} : memref<4112xi32, #tpu.memory_space<vmem>>, vector<16xi32>,
        %mul3A_377 = arith.constant 256 : i32
        %mul3A_378 = arith.muli %scan3A_48, %mul3A_377 : i32
        %add3A_379 = arith.constant 144 : i32
        %add3A_380 = arith.addi %mul3A_378, %add3A_379 : i32
        %get3A_381 = arith.index_cast %add3A_380 : i32 to index
        %get3A_382 = tpu.vector_load %arg7[%get3A_381] {strides = array<i32>} : memref<4096xi32, #tpu.memory_space<vmem>>, vector<16xi32>,
        %add3A_383 = vector.broadcast %add3A_380 : i32 to vector<16xi32>
        %add3A_384 = arith.addi %iota3A, %add3A_383 : vector<16xi32>
        %gt3A_385 = vector.broadcast %squeeze3A : i32 to vector<16xi32>
        %gt3A_386 = arith.cmpi sgt, %get3A_382, %gt3A_385 : vector<16xi32>
        %eq3A_387 = vector.broadcast %squeeze3A : i32 to vector<16xi32>
        %eq3A_388 = arith.cmpi eq, %get3A_382, %eq3A_387 : vector<16xi32>
        %broadcast_in_dim3A_389 = vector.broadcast %scan3A : i32 to vector<16xi32>
        %select_n3A_390 = arith.select %gt3A_386, %add3A_384, %broadcast_in_dim3A_389 : vector<16xi1>, vector<16xi32>
        %sort3A_391 = arith.constant dense<true> : vector<16xi1>
        %sort3A_392, %sort3A_393, %sort3A_394 = tpu.sort %select_n3A_390, %select_n3A_390 masked %sort3A_391 : (vector<16xi32>, vector<16xi32>, vector<16xi1>) -> (vector<16xi1>, vector<16xi32>, vector<16xi32>)
        %broadcast_in_dim3A_395 = vector.broadcast %scan3A : i32 to vector<16xi32>
        %select_n3A_396 = arith.select %eq3A_388, %add3A_384, %broadcast_in_dim3A_395 : vector<16xi1>, vector<16xi32>
        %sort3A_397 = arith.constant dense<true> : vector<16xi1>
        %sort3A_398, %sort3A_399, %sort3A_400 = tpu.sort %select_n3A_396, %select_n3A_396 masked %sort3A_397 : (vector<16xi32>, vector<16xi32>, vector<16xi1>) -> (vector<16xi1>, vector<16xi32>, vector<16xi32>)
        %add3A_401 = vector.broadcast %mul3A_9 : i32 to vector<16xi32>
        %add3A_402 = arith.addi %sort3A_393, %add3A_401 : vector<16xi32>
        %slice3A_403 = vector.extract_strided_slice %get3A_53 {offsets = [9], sizes = [1], strides = [1]} : vector<16xi32> to vector<1xi32>
        %squeeze3A_404 = vector.extract %slice3A_403[0] : i32 from vector<1xi32>
        %swap3A_405 = arith.index_cast %squeeze3A_404 : i32 to index
        %swap3A_406 = tpu.vector_load %arg8[%swap3A_405] {strides = array<i32>} : memref<1040xi32, #tpu.memory_space<vmem>>, vector<16xi32>,
        tpu.vector_store %arg8[%swap3A_405], %add3A_402 {strides = array<i32>} : memref<1040xi32, #tpu.memory_space<vmem>>, vector<16xi32>,
        %add3A_407 = vector.broadcast %mul3A_9 : i32 to vector<16xi32>
        %add3A_408 = arith.addi %sort3A_399, %add3A_407 : vector<16xi32>
        %slice3A_409 = vector.extract_strided_slice %get3A_57 {offsets = [9], sizes = [1], strides = [1]} : vector<16xi32> to vector<1xi32>
        %squeeze3A_410 = vector.extract %slice3A_409[0] : i32 from vector<1xi32>
        %swap3A_411 = arith.index_cast %squeeze3A_410 : i32 to index
        %swap3A_412 = tpu.vector_load %arg9[%swap3A_411] {strides = array<i32>} : memref<4112xi32, #tpu.memory_space<vmem>>, vector<16xi32>,
        tpu.vector_store %arg9[%swap3A_411], %add3A_408 {strides = array<i32>} : memref<4112xi32, #tpu.memory_space<vmem>>, vector<16xi32>,
        %mul3A_413 = arith.constant 256 : i32
        %mul3A_414 = arith.muli %scan3A_48, %mul3A_413 : i32
        %add3A_415 = arith.constant 160 : i32
        %add3A_416 = arith.addi %mul3A_414, %add3A_415 : i32
        %get3A_417 = arith.index_cast %add3A_416 : i32 to index
        %get3A_418 = tpu.vector_load %arg7[%get3A_417] {strides = array<i32>} : memref<4096xi32, #tpu.memory_space<vmem>>, vector<16xi32>,
        %add3A_419 = vector.broadcast %add3A_416 : i32 to vector<16xi32>
        %add3A_420 = arith.addi %iota3A, %add3A_419 : vector<16xi32>
        %gt3A_421 = vector.broadcast %squeeze3A : i32 to vector<16xi32>
        %gt3A_422 = arith.cmpi sgt, %get3A_418, %gt3A_421 : vector<16xi32>
        %eq3A_423 = vector.broadcast %squeeze3A : i32 to vector<16xi32>
        %eq3A_424 = arith.cmpi eq, %get3A_418, %eq3A_423 : vector<16xi32>
        %broadcast_in_dim3A_425 = vector.broadcast %scan3A : i32 to vector<16xi32>
        %select_n3A_426 = arith.select %gt3A_422, %add3A_420, %broadcast_in_dim3A_425 : vector<16xi1>, vector<16xi32>
        %sort3A_427 = arith.constant dense<true> : vector<16xi1>
        %sort3A_428, %sort3A_429, %sort3A_430 = tpu.sort %select_n3A_426, %select_n3A_426 masked %sort3A_427 : (vector<16xi32>, vector<16xi32>, vector<16xi1>) -> (vector<16xi1>, vector<16xi32>, vector<16xi32>)
        %broadcast_in_dim3A_431 = vector.broadcast %scan3A : i32 to vector<16xi32>
        %select_n3A_432 = arith.select %eq3A_424, %add3A_420, %broadcast_in_dim3A_431 : vector<16xi1>, vector<16xi32>
        %sort3A_433 = arith.constant dense<true> : vector<16xi1>
        %sort3A_434, %sort3A_435, %sort3A_436 = tpu.sort %select_n3A_432, %select_n3A_432 masked %sort3A_433 : (vector<16xi32>, vector<16xi32>, vector<16xi1>) -> (vector<16xi1>, vector<16xi32>, vector<16xi32>)
        %add3A_437 = vector.broadcast %mul3A_9 : i32 to vector<16xi32>
        %add3A_438 = arith.addi %sort3A_429, %add3A_437 : vector<16xi32>
        %slice3A_439 = vector.extract_strided_slice %get3A_53 {offsets = [10], sizes = [1], strides = [1]} : vector<16xi32> to vector<1xi32>
        %squeeze3A_440 = vector.extract %slice3A_439[0] : i32 from vector<1xi32>
        %swap3A_441 = arith.index_cast %squeeze3A_440 : i32 to index
        %swap3A_442 = tpu.vector_load %arg8[%swap3A_441] {strides = array<i32>} : memref<1040xi32, #tpu.memory_space<vmem>>, vector<16xi32>,
        tpu.vector_store %arg8[%swap3A_441], %add3A_438 {strides = array<i32>} : memref<1040xi32, #tpu.memory_space<vmem>>, vector<16xi32>,
        %add3A_443 = vector.broadcast %mul3A_9 : i32 to vector<16xi32>
        %add3A_444 = arith.addi %sort3A_435, %add3A_443 : vector<16xi32>
        %slice3A_445 = vector.extract_strided_slice %get3A_57 {offsets = [10], sizes = [1], strides = [1]} : vector<16xi32> to vector<1xi32>
        %squeeze3A_446 = vector.extract %slice3A_445[0] : i32 from vector<1xi32>
        %swap3A_447 = arith.index_cast %squeeze3A_446 : i32 to index
        %swap3A_448 = tpu.vector_load %arg9[%swap3A_447] {strides = array<i32>} : memref<4112xi32, #tpu.memory_space<vmem>>, vector<16xi32>,
        tpu.vector_store %arg9[%swap3A_447], %add3A_444 {strides = array<i32>} : memref<4112xi32, #tpu.memory_space<vmem>>, vector<16xi32>,
        %mul3A_449 = arith.constant 256 : i32
        %mul3A_450 = arith.muli %scan3A_48, %mul3A_449 : i32
        %add3A_451 = arith.constant 176 : i32
        %add3A_452 = arith.addi %mul3A_450, %add3A_451 : i32
        %get3A_453 = arith.index_cast %add3A_452 : i32 to index
        %get3A_454 = tpu.vector_load %arg7[%get3A_453] {strides = array<i32>} : memref<4096xi32, #tpu.memory_space<vmem>>, vector<16xi32>,
        %add3A_455 = vector.broadcast %add3A_452 : i32 to vector<16xi32>
        %add3A_456 = arith.addi %iota3A, %add3A_455 : vector<16xi32>
        %gt3A_457 = vector.broadcast %squeeze3A : i32 to vector<16xi32>
        %gt3A_458 = arith.cmpi sgt, %get3A_454, %gt3A_457 : vector<16xi32>
        %eq3A_459 = vector.broadcast %squeeze3A : i32 to vector<16xi32>
        %eq3A_460 = arith.cmpi eq, %get3A_454, %eq3A_459 : vector<16xi32>
        %broadcast_in_dim3A_461 = vector.broadcast %scan3A : i32 to vector<16xi32>
        %select_n3A_462 = arith.select %gt3A_458, %add3A_456, %broadcast_in_dim3A_461 : vector<16xi1>, vector<16xi32>
        %sort3A_463 = arith.constant dense<true> : vector<16xi1>
        %sort3A_464, %sort3A_465, %sort3A_466 = tpu.sort %select_n3A_462, %select_n3A_462 masked %sort3A_463 : (vector<16xi32>, vector<16xi32>, vector<16xi1>) -> (vector<16xi1>, vector<16xi32>, vector<16xi32>)
        %broadcast_in_dim3A_467 = vector.broadcast %scan3A : i32 to vector<16xi32>
        %select_n3A_468 = arith.select %eq3A_460, %add3A_456, %broadcast_in_dim3A_467 : vector<16xi1>, vector<16xi32>
        %sort3A_469 = arith.constant dense<true> : vector<16xi1>
        %sort3A_470, %sort3A_471, %sort3A_472 = tpu.sort %select_n3A_468, %select_n3A_468 masked %sort3A_469 : (vector<16xi32>, vector<16xi32>, vector<16xi1>) -> (vector<16xi1>, vector<16xi32>, vector<16xi32>)
        %add3A_473 = vector.broadcast %mul3A_9 : i32 to vector<16xi32>
        %add3A_474 = arith.addi %sort3A_465, %add3A_473 : vector<16xi32>
        %slice3A_475 = vector.extract_strided_slice %get3A_53 {offsets = [11], sizes = [1], strides = [1]} : vector<16xi32> to vector<1xi32>
        %squeeze3A_476 = vector.extract %slice3A_475[0] : i32 from vector<1xi32>
        %swap3A_477 = arith.index_cast %squeeze3A_476 : i32 to index
        %swap3A_478 = tpu.vector_load %arg8[%swap3A_477] {strides = array<i32>} : memref<1040xi32, #tpu.memory_space<vmem>>, vector<16xi32>,
        tpu.vector_store %arg8[%swap3A_477], %add3A_474 {strides = array<i32>} : memref<1040xi32, #tpu.memory_space<vmem>>, vector<16xi32>,
        %add3A_479 = vector.broadcast %mul3A_9 : i32 to vector<16xi32>
        %add3A_480 = arith.addi %sort3A_471, %add3A_479 : vector<16xi32>
        %slice3A_481 = vector.extract_strided_slice %get3A_57 {offsets = [11], sizes = [1], strides = [1]} : vector<16xi32> to vector<1xi32>
        %squeeze3A_482 = vector.extract %slice3A_481[0] : i32 from vector<1xi32>
        %swap3A_483 = arith.index_cast %squeeze3A_482 : i32 to index
        %swap3A_484 = tpu.vector_load %arg9[%swap3A_483] {strides = array<i32>} : memref<4112xi32, #tpu.memory_space<vmem>>, vector<16xi32>,
        tpu.vector_store %arg9[%swap3A_483], %add3A_480 {strides = array<i32>} : memref<4112xi32, #tpu.memory_space<vmem>>, vector<16xi32>,
        %mul3A_485 = arith.constant 256 : i32
        %mul3A_486 = arith.muli %scan3A_48, %mul3A_485 : i32
        %add3A_487 = arith.constant 192 : i32
        %add3A_488 = arith.addi %mul3A_486, %add3A_487 : i32
        %get3A_489 = arith.index_cast %add3A_488 : i32 to index
        %get3A_490 = tpu.vector_load %arg7[%get3A_489] {strides = array<i32>} : memref<4096xi32, #tpu.memory_space<vmem>>, vector<16xi32>,
        %add3A_491 = vector.broadcast %add3A_488 : i32 to vector<16xi32>
        %add3A_492 = arith.addi %iota3A, %add3A_491 : vector<16xi32>
        %gt3A_493 = vector.broadcast %squeeze3A : i32 to vector<16xi32>
        %gt3A_494 = arith.cmpi sgt, %get3A_490, %gt3A_493 : vector<16xi32>
        %eq3A_495 = vector.broadcast %squeeze3A : i32 to vector<16xi32>
        %eq3A_496 = arith.cmpi eq, %get3A_490, %eq3A_495 : vector<16xi32>
        %broadcast_in_dim3A_497 = vector.broadcast %scan3A : i32 to vector<16xi32>
        %select_n3A_498 = arith.select %gt3A_494, %add3A_492, %broadcast_in_dim3A_497 : vector<16xi1>, vector<16xi32>
        %sort3A_499 = arith.constant dense<true> : vector<16xi1>
        %sort3A_500, %sort3A_501, %sort3A_502 = tpu.sort %select_n3A_498, %select_n3A_498 masked %sort3A_499 : (vector<16xi32>, vector<16xi32>, vector<16xi1>) -> (vector<16xi1>, vector<16xi32>, vector<16xi32>)
        %broadcast_in_dim3A_503 = vector.broadcast %scan3A : i32 to vector<16xi32>
        %select_n3A_504 = arith.select %eq3A_496, %add3A_492, %broadcast_in_dim3A_503 : vector<16xi1>, vector<16xi32>
        %sort3A_505 = arith.constant dense<true> : vector<16xi1>
        %sort3A_506, %sort3A_507, %sort3A_508 = tpu.sort %select_n3A_504, %select_n3A_504 masked %sort3A_505 : (vector<16xi32>, vector<16xi32>, vector<16xi1>) -> (vector<16xi1>, vector<16xi32>, vector<16xi32>)
        %add3A_509 = vector.broadcast %mul3A_9 : i32 to vector<16xi32>
        %add3A_510 = arith.addi %sort3A_501, %add3A_509 : vector<16xi32>
        %slice3A_511 = vector.extract_strided_slice %get3A_53 {offsets = [12], sizes = [1], strides = [1]} : vector<16xi32> to vector<1xi32>
        %squeeze3A_512 = vector.extract %slice3A_511[0] : i32 from vector<1xi32>
        %swap3A_513 = arith.index_cast %squeeze3A_512 : i32 to index
        %swap3A_514 = tpu.vector_load %arg8[%swap3A_513] {strides = array<i32>} : memref<1040xi32, #tpu.memory_space<vmem>>, vector<16xi32>,
        tpu.vector_store %arg8[%swap3A_513], %add3A_510 {strides = array<i32>} : memref<1040xi32, #tpu.memory_space<vmem>>, vector<16xi32>,
        %add3A_515 = vector.broadcast %mul3A_9 : i32 to vector<16xi32>
        %add3A_516 = arith.addi %sort3A_507, %add3A_515 : vector<16xi32>
        %slice3A_517 = vector.extract_strided_slice %get3A_57 {offsets = [12], sizes = [1], strides = [1]} : vector<16xi32> to vector<1xi32>
        %squeeze3A_518 = vector.extract %slice3A_517[0] : i32 from vector<1xi32>
        %swap3A_519 = arith.index_cast %squeeze3A_518 : i32 to index
        %swap3A_520 = tpu.vector_load %arg9[%swap3A_519] {strides = array<i32>} : memref<4112xi32, #tpu.memory_space<vmem>>, vector<16xi32>,
        tpu.vector_store %arg9[%swap3A_519], %add3A_516 {strides = array<i32>} : memref<4112xi32, #tpu.memory_space<vmem>>, vector<16xi32>,
        %mul3A_521 = arith.constant 256 : i32
        %mul3A_522 = arith.muli %scan3A_48, %mul3A_521 : i32
        %add3A_523 = arith.constant 208 : i32
        %add3A_524 = arith.addi %mul3A_522, %add3A_523 : i32
        %get3A_525 = arith.index_cast %add3A_524 : i32 to index
        %get3A_526 = tpu.vector_load %arg7[%get3A_525] {strides = array<i32>} : memref<4096xi32, #tpu.memory_space<vmem>>, vector<16xi32>,
        %add3A_527 = vector.broadcast %add3A_524 : i32 to vector<16xi32>
        %add3A_528 = arith.addi %iota3A, %add3A_527 : vector<16xi32>
        %gt3A_529 = vector.broadcast %squeeze3A : i32 to vector<16xi32>
        %gt3A_530 = arith.cmpi sgt, %get3A_526, %gt3A_529 : vector<16xi32>
        %eq3A_531 = vector.broadcast %squeeze3A : i32 to vector<16xi32>
        %eq3A_532 = arith.cmpi eq, %get3A_526, %eq3A_531 : vector<16xi32>
        %broadcast_in_dim3A_533 = vector.broadcast %scan3A : i32 to vector<16xi32>
        %select_n3A_534 = arith.select %gt3A_530, %add3A_528, %broadcast_in_dim3A_533 : vector<16xi1>, vector<16xi32>
        %sort3A_535 = arith.constant dense<true> : vector<16xi1>
        %sort3A_536, %sort3A_537, %sort3A_538 = tpu.sort %select_n3A_534, %select_n3A_534 masked %sort3A_535 : (vector<16xi32>, vector<16xi32>, vector<16xi1>) -> (vector<16xi1>, vector<16xi32>, vector<16xi32>)
        %broadcast_in_dim3A_539 = vector.broadcast %scan3A : i32 to vector<16xi32>
        %select_n3A_540 = arith.select %eq3A_532, %add3A_528, %broadcast_in_dim3A_539 : vector<16xi1>, vector<16xi32>
        %sort3A_541 = arith.constant dense<true> : vector<16xi1>
        %sort3A_542, %sort3A_543, %sort3A_544 = tpu.sort %select_n3A_540, %select_n3A_540 masked %sort3A_541 : (vector<16xi32>, vector<16xi32>, vector<16xi1>) -> (vector<16xi1>, vector<16xi32>, vector<16xi32>)
        %add3A_545 = vector.broadcast %mul3A_9 : i32 to vector<16xi32>
        %add3A_546 = arith.addi %sort3A_537, %add3A_545 : vector<16xi32>
        %slice3A_547 = vector.extract_strided_slice %get3A_53 {offsets = [13], sizes = [1], strides = [1]} : vector<16xi32> to vector<1xi32>
        %squeeze3A_548 = vector.extract %slice3A_547[0] : i32 from vector<1xi32>
        %swap3A_549 = arith.index_cast %squeeze3A_548 : i32 to index
        %swap3A_550 = tpu.vector_load %arg8[%swap3A_549] {strides = array<i32>} : memref<1040xi32, #tpu.memory_space<vmem>>, vector<16xi32>,
        tpu.vector_store %arg8[%swap3A_549], %add3A_546 {strides = array<i32>} : memref<1040xi32, #tpu.memory_space<vmem>>, vector<16xi32>,
        %add3A_551 = vector.broadcast %mul3A_9 : i32 to vector<16xi32>
        %add3A_552 = arith.addi %sort3A_543, %add3A_551 : vector<16xi32>
        %slice3A_553 = vector.extract_strided_slice %get3A_57 {offsets = [13], sizes = [1], strides = [1]} : vector<16xi32> to vector<1xi32>
        %squeeze3A_554 = vector.extract %slice3A_553[0] : i32 from vector<1xi32>
        %swap3A_555 = arith.index_cast %squeeze3A_554 : i32 to index
        %swap3A_556 = tpu.vector_load %arg9[%swap3A_555] {strides = array<i32>} : memref<4112xi32, #tpu.memory_space<vmem>>, vector<16xi32>,
        tpu.vector_store %arg9[%swap3A_555], %add3A_552 {strides = array<i32>} : memref<4112xi32, #tpu.memory_space<vmem>>, vector<16xi32>,
        %mul3A_557 = arith.constant 256 : i32
        %mul3A_558 = arith.muli %scan3A_48, %mul3A_557 : i32
        %add3A_559 = arith.constant 224 : i32
        %add3A_560 = arith.addi %mul3A_558, %add3A_559 : i32
        %get3A_561 = arith.index_cast %add3A_560 : i32 to index
        %get3A_562 = tpu.vector_load %arg7[%get3A_561] {strides = array<i32>} : memref<4096xi32, #tpu.memory_space<vmem>>, vector<16xi32>,
        %add3A_563 = vector.broadcast %add3A_560 : i32 to vector<16xi32>
        %add3A_564 = arith.addi %iota3A, %add3A_563 : vector<16xi32>
        %gt3A_565 = vector.broadcast %squeeze3A : i32 to vector<16xi32>
        %gt3A_566 = arith.cmpi sgt, %get3A_562, %gt3A_565 : vector<16xi32>
        %eq3A_567 = vector.broadcast %squeeze3A : i32 to vector<16xi32>
        %eq3A_568 = arith.cmpi eq, %get3A_562, %eq3A_567 : vector<16xi32>
        %broadcast_in_dim3A_569 = vector.broadcast %scan3A : i32 to vector<16xi32>
        %select_n3A_570 = arith.select %gt3A_566, %add3A_564, %broadcast_in_dim3A_569 : vector<16xi1>, vector<16xi32>
        %sort3A_571 = arith.constant dense<true> : vector<16xi1>
        %sort3A_572, %sort3A_573, %sort3A_574 = tpu.sort %select_n3A_570, %select_n3A_570 masked %sort3A_571 : (vector<16xi32>, vector<16xi32>, vector<16xi1>) -> (vector<16xi1>, vector<16xi32>, vector<16xi32>)
        %broadcast_in_dim3A_575 = vector.broadcast %scan3A : i32 to vector<16xi32>
        %select_n3A_576 = arith.select %eq3A_568, %add3A_564, %broadcast_in_dim3A_575 : vector<16xi1>, vector<16xi32>
        %sort3A_577 = arith.constant dense<true> : vector<16xi1>
        %sort3A_578, %sort3A_579, %sort3A_580 = tpu.sort %select_n3A_576, %select_n3A_576 masked %sort3A_577 : (vector<16xi32>, vector<16xi32>, vector<16xi1>) -> (vector<16xi1>, vector<16xi32>, vector<16xi32>)
        %add3A_581 = vector.broadcast %mul3A_9 : i32 to vector<16xi32>
        %add3A_582 = arith.addi %sort3A_573, %add3A_581 : vector<16xi32>
        %slice3A_583 = vector.extract_strided_slice %get3A_53 {offsets = [14], sizes = [1], strides = [1]} : vector<16xi32> to vector<1xi32>
        %squeeze3A_584 = vector.extract %slice3A_583[0] : i32 from vector<1xi32>
        %swap3A_585 = arith.index_cast %squeeze3A_584 : i32 to index
        %swap3A_586 = tpu.vector_load %arg8[%swap3A_585] {strides = array<i32>} : memref<1040xi32, #tpu.memory_space<vmem>>, vector<16xi32>,
        tpu.vector_store %arg8[%swap3A_585], %add3A_582 {strides = array<i32>} : memref<1040xi32, #tpu.memory_space<vmem>>, vector<16xi32>,
        %add3A_587 = vector.broadcast %mul3A_9 : i32 to vector<16xi32>
        %add3A_588 = arith.addi %sort3A_579, %add3A_587 : vector<16xi32>
        %slice3A_589 = vector.extract_strided_slice %get3A_57 {offsets = [14], sizes = [1], strides = [1]} : vector<16xi32> to vector<1xi32>
        %squeeze3A_590 = vector.extract %slice3A_589[0] : i32 from vector<1xi32>
        %swap3A_591 = arith.index_cast %squeeze3A_590 : i32 to index
        %swap3A_592 = tpu.vector_load %arg9[%swap3A_591] {strides = array<i32>} : memref<4112xi32, #tpu.memory_space<vmem>>, vector<16xi32>,
        tpu.vector_store %arg9[%swap3A_591], %add3A_588 {strides = array<i32>} : memref<4112xi32, #tpu.memory_space<vmem>>, vector<16xi32>,
        %mul3A_593 = arith.constant 256 : i32
        %mul3A_594 = arith.muli %scan3A_48, %mul3A_593 : i32
        %add3A_595 = arith.constant 240 : i32
        %add3A_596 = arith.addi %mul3A_594, %add3A_595 : i32
        %get3A_597 = arith.index_cast %add3A_596 : i32 to index
        %get3A_598 = tpu.vector_load %arg7[%get3A_597] {strides = array<i32>} : memref<4096xi32, #tpu.memory_space<vmem>>, vector<16xi32>,
        %add3A_599 = vector.broadcast %add3A_596 : i32 to vector<16xi32>
        %add3A_600 = arith.addi %iota3A, %add3A_599 : vector<16xi32>
        %gt3A_601 = vector.broadcast %squeeze3A : i32 to vector<16xi32>
        %gt3A_602 = arith.cmpi sgt, %get3A_598, %gt3A_601 : vector<16xi32>
        %eq3A_603 = vector.broadcast %squeeze3A : i32 to vector<16xi32>
        %eq3A_604 = arith.cmpi eq, %get3A_598, %eq3A_603 : vector<16xi32>
        %broadcast_in_dim3A_605 = vector.broadcast %scan3A : i32 to vector<16xi32>
        %select_n3A_606 = arith.select %gt3A_602, %add3A_600, %broadcast_in_dim3A_605 : vector<16xi1>, vector<16xi32>
        %sort3A_607 = arith.constant dense<true> : vector<16xi1>
        %sort3A_608, %sort3A_609, %sort3A_610 = tpu.sort %select_n3A_606, %select_n3A_606 masked %sort3A_607 : (vector<16xi32>, vector<16xi32>, vector<16xi1>) -> (vector<16xi1>, vector<16xi32>, vector<16xi32>)
        %broadcast_in_dim3A_611 = vector.broadcast %scan3A : i32 to vector<16xi32>
        %select_n3A_612 = arith.select %eq3A_604, %add3A_600, %broadcast_in_dim3A_611 : vector<16xi1>, vector<16xi32>
        %sort3A_613 = arith.constant dense<true> : vector<16xi1>
        %sort3A_614, %sort3A_615, %sort3A_616 = tpu.sort %select_n3A_612, %select_n3A_612 masked %sort3A_613 : (vector<16xi32>, vector<16xi32>, vector<16xi1>) -> (vector<16xi1>, vector<16xi32>, vector<16xi32>)
        %add3A_617 = vector.broadcast %mul3A_9 : i32 to vector<16xi32>
        %add3A_618 = arith.addi %sort3A_609, %add3A_617 : vector<16xi32>
        %slice3A_619 = vector.extract_strided_slice %get3A_53 {offsets = [15], sizes = [1], strides = [1]} : vector<16xi32> to vector<1xi32>
        %squeeze3A_620 = vector.extract %slice3A_619[0] : i32 from vector<1xi32>
        %swap3A_621 = arith.index_cast %squeeze3A_620 : i32 to index
        %swap3A_622 = tpu.vector_load %arg8[%swap3A_621] {strides = array<i32>} : memref<1040xi32, #tpu.memory_space<vmem>>, vector<16xi32>,
        tpu.vector_store %arg8[%swap3A_621], %add3A_618 {strides = array<i32>} : memref<1040xi32, #tpu.memory_space<vmem>>, vector<16xi32>,
        %add3A_623 = vector.broadcast %mul3A_9 : i32 to vector<16xi32>
        %add3A_624 = arith.addi %sort3A_615, %add3A_623 : vector<16xi32>
        %slice3A_625 = vector.extract_strided_slice %get3A_57 {offsets = [15], sizes = [1], strides = [1]} : vector<16xi32> to vector<1xi32>
        %squeeze3A_626 = vector.extract %slice3A_625[0] : i32 from vector<1xi32>
        %swap3A_627 = arith.index_cast %squeeze3A_626 : i32 to index
        %swap3A_628 = tpu.vector_load %arg9[%swap3A_627] {strides = array<i32>} : memref<4112xi32, #tpu.memory_space<vmem>>, vector<16xi32>,
        tpu.vector_store %arg9[%swap3A_627], %add3A_624 {strides = array<i32>} : memref<4112xi32, #tpu.memory_space<vmem>>, vector<16xi32>,
        %scan3A_629 = arith.constant 0 : i32
        scf.yield %scan3A_629 : i32
      }
      %scan3A_16 = arith.constant 16 : i32
      %add3A_17 = arith.constant 15 : i32
      %add3A_18 = arith.addi %squeeze3A_5, %add3A_17 : i32
      %jit3A = arith.constant 16 : i32
      %div3A = arith.divsi %add3A_18, %jit3A : i32
      %sign3A = arith.constant 0 : i32
      %sign3A_19 = arith.cmpi sgt, %add3A_18, %sign3A : i32
      %sign3A_20 = arith.extui %sign3A_19 : i1 to i32
      %sign3A_21 = arith.constant 0 : i32
      %sign3A_22 = arith.cmpi slt, %add3A_18, %sign3A_21 : i32
      %sign3A_23 = arith.extui %sign3A_22 : i1 to i32
      %sign3A_24 = arith.subi %sign3A_20, %sign3A_23 : i32
      %sign3A_25 = arith.constant 0 : i32
      %sign3A_26 = arith.cmpi sgt, %jit3A, %sign3A_25 : i32
      %sign3A_27 = arith.extui %sign3A_26 : i1 to i32
      %sign3A_28 = arith.constant 0 : i32
      %sign3A_29 = arith.cmpi slt, %jit3A, %sign3A_28 : i32
      %sign3A_30 = arith.extui %sign3A_29 : i1 to i32
      %sign3A_31 = arith.subi %sign3A_27, %sign3A_30 : i32
      %ne3A = arith.cmpi ne, %sign3A_24, %sign3A_31 : i32
      %rem3A = arith.remsi %add3A_18, %jit3A : i32
      %ne3A_32 = arith.constant 0 : i32
      %ne3A_33 = arith.cmpi ne, %rem3A, %ne3A_32 : i32
      %and3A_34 = arith.andi %ne3A, %ne3A_33 : i1
      %sub3A_35 = arith.constant 1 : i32
      %sub3A_36 = arith.subi %div3A, %sub3A_35 : i32
      %select_n3A = arith.select %and3A_34, %sub3A_36, %div3A : i32
      %while3A = arith.constant 0 : i32
      %while3A_37 = arith.constant 0 : i32
      %while3A_38 = arith.subi %select_n3A, %while3A : i32
      %while3A_39 = arith.addi %while3A, %while3A_38 : i32
      %while3A_40 = arith.constant 1 : i32
      %while3A_41 = arith.divsi %while3A_38, %while3A_40 : i32
      %while3A_42 = arith.muli %while3A_41, %while3A_40 : i32
      %while3A_43 = arith.addi %while3A, %while3A_42 : i32
      %while3A_44 = arith.constant 1 : i32
      %while3A_45 = scf.for %while3A_48 = %while3A to %while3A_43 step %while3A_44 iter_args(%while3A_49 = %while3A_37) -> (i32)  : i32 {
        %mul3A_50 = arith.constant 16 : i32
        %mul3A_51 = arith.muli %while3A_48, %mul3A_50 : i32
        %get3A_52 = arith.index_cast %mul3A_51 : i32 to index
        %get3A_53 = tpu.vector_load %arg9[%get3A_52] {strides = array<i32>} : memref<4112xi32, #tpu.memory_space<vmem>>, vector<16xi32>,
        %mul3A_54 = arith.constant 16 : i32
        %mul3A_55 = arith.muli %while3A_48, %mul3A_54 : i32
        %add3A_56 = arith.addi %sub3A_6, %mul3A_55 : i32
        %swap3A = arith.index_cast %add3A_56 : i32 to index
        %swap3A_57 = tpu.vector_load %arg8[%swap3A] {strides = array<i32>} : memref<1040xi32, #tpu.memory_space<vmem>>, vector<16xi32>,
        tpu.vector_store %arg8[%swap3A], %get3A_53 {strides = array<i32>} : memref<1040xi32, #tpu.memory_space<vmem>>, vector<16xi32>,
        %while3A_58 = arith.constant 0 : i32
        scf.yield %while3A_58 : i32
      }
      %while3A_46 = arith.constant 1 : i32
      %while3A_47 = scf.for %while3A_48 = %while3A_43 to %while3A_39 step %while3A_46 iter_args(%while3A_49 = %while3A_45) -> (i32)  : i32 {
        %mul3A_50 = arith.constant 16 : i32
        %mul3A_51 = arith.muli %while3A_48, %mul3A_50 : i32
        %get3A_52 = arith.index_cast %mul3A_51 : i32 to index
        %get3A_53 = tpu.vector_load %arg9[%get3A_52] {strides = array<i32>} : memref<4112xi32, #tpu.memory_space<vmem>>, vector<16xi32>,
        %mul3A_54 = arith.constant 16 : i32
        %mul3A_55 = arith.muli %while3A_48, %mul3A_54 : i32
        %add3A_56 = arith.addi %sub3A_6, %mul3A_55 : i32
        %swap3A = arith.index_cast %add3A_56 : i32 to index
        %swap3A_57 = tpu.vector_load %arg8[%swap3A] {strides = array<i32>} : memref<1040xi32, #tpu.memory_space<vmem>>, vector<16xi32>,
        tpu.vector_store %arg8[%swap3A], %get3A_53 {strides = array<i32>} : memref<1040xi32, #tpu.memory_space<vmem>>, vector<16xi32>,
        %while3A_58 = arith.constant 0 : i32
        scf.yield %while3A_58 : i32
      }
      "tpu.region"() ({
        %run_scoped3A = tpu.sem_alloc : memref<!tpu.dma_semaphore, #tpu.memory_space<semaphore_mem>>
        %dma_start3A = arith.constant 0 : i32
        %dma_start3A_48 = tpu.memref_slice %arg8[%dma_start3A] : memref<1040xi32, #tpu.memory_space<vmem>> -> memref<1024xi32, #tpu.memory_space<vmem>>
        %dma_start3A_49 = arith.constant 0 : i32
        %dma_start3A_50 = tpu.memref_slice %arg6[%add3A, %dma_start3A_49] : memref<4x1024xi32, #tpu.memory_space<hbm>> -> memref<1x1024xi32, #tpu.memory_space<hbm>>
        %dma_start3A_51 = tpu.memref_squeeze %dma_start3A_50 : memref<1x1024xi32, #tpu.memory_space<hbm>> -> memref<1024xi32, #tpu.memory_space<hbm>>
        %dma_start3A_52 = arith.constant 0 : i32
        %dma_start3A_53 = tpu.memref_slice %arg6[%add3A, %dma_start3A_52] : memref<4x1024xi32, #tpu.memory_space<hbm>> -> memref<1x1024xi32, #tpu.memory_space<hbm>>
        %dma_start3A_54 = tpu.memref_squeeze %dma_start3A_53 : memref<1x1024xi32, #tpu.memory_space<hbm>> -> memref<1024xi32, #tpu.memory_space<hbm>>
        %dma_start3A_55 = arith.constant 0 : i32
        %dma_start3A_56 = tpu.memref_slice %arg8[%dma_start3A_55] : memref<1040xi32, #tpu.memory_space<vmem>> -> memref<1024xi32, #tpu.memory_space<vmem>>
        tpu.enqueue_dma source(%dma_start3A_56 : memref<1024xi32, #tpu.memory_space<vmem>>) target(%dma_start3A_54 : memref<1024xi32, #tpu.memory_space<hbm>>) target_semaphore(%run_scoped3A : memref<!tpu.dma_semaphore, #tpu.memory_space<semaphore_mem>>)
        %dma_wait3A = arith.constant 0 : i32
        %dma_wait3A_57 = tpu.memref_slice %arg8[%dma_wait3A] : memref<1040xi32, #tpu.memory_space<vmem>> -> memref<1024xi32, #tpu.memory_space<vmem>>
        %dma_wait3A_58 = arith.constant 0 : i32
        %dma_wait3A_59 = tpu.memref_slice %arg6[%add3A, %dma_wait3A_58] : memref<4x1024xi32, #tpu.memory_space<hbm>> -> memref<1x1024xi32, #tpu.memory_space<hbm>>
        %dma_wait3A_60 = tpu.memref_squeeze %dma_wait3A_59 : memref<1x1024xi32, #tpu.memory_space<hbm>> -> memref<1024xi32, #tpu.memory_space<hbm>>
        %dma_wait3A_61 = arith.constant 0 : i32
        %dma_wait3A_62 = tpu.memref_slice %arg6[%add3A, %dma_wait3A_61] : memref<4x1024xi32, #tpu.memory_space<hbm>> -> memref<1x1024xi32, #tpu.memory_space<hbm>>
        %dma_wait3A_63 = tpu.memref_squeeze %dma_wait3A_62 : memref<1x1024xi32, #tpu.memory_space<hbm>> -> memref<1024xi32, #tpu.memory_space<hbm>>
        %dma_wait3A_64 = arith.constant 0 : i32
        %dma_wait3A_65 = tpu.memref_slice %arg8[%dma_wait3A_64] : memref<1040xi32, #tpu.memory_space<vmem>> -> memref<1024xi32, #tpu.memory_space<vmem>>
        tpu.wait_dma2 semaphore(%run_scoped3A : memref<!tpu.dma_semaphore, #tpu.memory_space<semaphore_mem>>) src(%dma_wait3A_65 : memref<1024xi32, #tpu.memory_space<vmem>>) dst(%dma_wait3A_63 : memref<1024xi32, #tpu.memory_space<hbm>>)
        tpu.yield
      }) : () -> ()
    } else {
    }
    return
  }
}

#map = affine_map<(d0, d1) -> (0, 0)>
#map1 = affine_map<(d0, d1) -> (0, 0, 0)>
module attributes {stable_mosaic.version = 14 : i64} {
  func.func @_sc_gather_body(%arg0: i32, %arg1: i32, %arg2: memref<8192x2048xf32, #tpu.memory_space<hbm>>, %arg3: memref<4x1024xi32, #tpu.memory_space<hbm>>, %arg4: memref<4x1024x2048xf32, #tpu.memory_space<hbm>>, %arg5: memref<16xi32, #tpu.memory_space<vmem>>, %arg6: memref<16xi32, #tpu.memory_space<vmem>>, %arg7: memref<16x2048xf32, #tpu.memory_space<vmem>>, %arg8: memref<16x2048xf32, #tpu.memory_space<vmem>>, %arg9: memref<!tpu.dma_semaphore, #tpu.memory_space<semaphore_mem>>, %arg10: memref<!tpu.dma_semaphore, #tpu.memory_space<semaphore_mem>>, %arg11: memref<!tpu.dma_semaphore, #tpu.memory_space<semaphore_mem>>, %arg12: memref<!tpu.dma_semaphore, #tpu.memory_space<semaphore_mem>>) attributes {dimension_semantics = [#tpu.dimension_semantics<core_parallel>, #tpu.dimension_semantics<subcore_parallel>], iteration_bounds = array<i64: 2, 16>, scalar_prefetch = 0 : i64, scratch_operands = 8 : i64, tpu.core_type = #tpu.core_type<sc_vector_subcore>, window_params = [{transform_indices = #map}, {transform_indices = #map}, {transform_indices = #map1}]} {
    %mul3A = arith.constant 2 : i32
    %mul3A_0 = arith.muli %arg1, %mul3A : i32
    %add3A = arith.addi %mul3A_0, %arg0 : i32
    %mul3A_1 = arith.constant 32 : i32
    %mul3A_2 = arith.muli %add3A, %mul3A_1 : i32
    %add3A_3 = arith.constant 0 : i32
    %add3A_4 = arith.addi %mul3A_2, %add3A_3 : i32
    %run_scoped3A = arith.constant 0 : i32
    "tpu.region"() ({
      %run_scoped3A_230 = tpu.sem_alloc : memref<!tpu.dma_semaphore, #tpu.memory_space<semaphore_mem>>
      %dma_start3A_231 = tpu.memref_slice %arg3[%run_scoped3A, %add3A_4] : memref<4x1024xi32, #tpu.memory_space<hbm>> -> memref<1x16xi32, #tpu.memory_space<hbm>>
      %dma_start3A_232 = tpu.memref_squeeze %dma_start3A_231 : memref<1x16xi32, #tpu.memory_space<hbm>> -> memref<16xi32, #tpu.memory_space<hbm>>
      %dma_start3A_233 = tpu.memref_slice %arg3[%run_scoped3A, %add3A_4] : memref<4x1024xi32, #tpu.memory_space<hbm>> -> memref<1x16xi32, #tpu.memory_space<hbm>>
      %dma_start3A_234 = tpu.memref_squeeze %dma_start3A_233 : memref<1x16xi32, #tpu.memory_space<hbm>> -> memref<16xi32, #tpu.memory_space<hbm>>
      tpu.enqueue_dma source(%dma_start3A_234 : memref<16xi32, #tpu.memory_space<hbm>>) target(%arg5 : memref<16xi32, #tpu.memory_space<vmem>>) target_semaphore(%run_scoped3A_230 : memref<!tpu.dma_semaphore, #tpu.memory_space<semaphore_mem>>)
      %dma_wait3A_235 = tpu.memref_slice %arg3[%run_scoped3A, %add3A_4] : memref<4x1024xi32, #tpu.memory_space<hbm>> -> memref<1x16xi32, #tpu.memory_space<hbm>>
      %dma_wait3A_236 = tpu.memref_squeeze %dma_wait3A_235 : memref<1x16xi32, #tpu.memory_space<hbm>> -> memref<16xi32, #tpu.memory_space<hbm>>
      %dma_wait3A_237 = tpu.memref_slice %arg3[%run_scoped3A, %add3A_4] : memref<4x1024xi32, #tpu.memory_space<hbm>> -> memref<1x16xi32, #tpu.memory_space<hbm>>
      %dma_wait3A_238 = tpu.memref_squeeze %dma_wait3A_237 : memref<1x16xi32, #tpu.memory_space<hbm>> -> memref<16xi32, #tpu.memory_space<hbm>>
      tpu.wait_dma2 semaphore(%run_scoped3A_230 : memref<!tpu.dma_semaphore, #tpu.memory_space<semaphore_mem>>) src(%dma_wait3A_238 : memref<16xi32, #tpu.memory_space<hbm>>) dst(%arg5 : memref<16xi32, #tpu.memory_space<vmem>>)
      tpu.yield
    }) : () -> ()
    %dma_start3A = arith.constant 0 : i32
    %dma_start3A_5 = arith.constant 0 : i32
    %dma_start3A_6 = tpu.memref_slice %arg2[%dma_start3A, %dma_start3A_5] : memref<8192x2048xf32, #tpu.memory_space<hbm>> -> memref<8192x2048xf32, #tpu.memory_space<hbm>>
    tpu.enqueue_indirect_dma source(%dma_start3A_6 : memref<8192x2048xf32, #tpu.memory_space<hbm>>) target(%arg7 : memref<16x2048xf32, #tpu.memory_space<vmem>>) offsets(%arg5 : memref<16xi32, #tpu.memory_space<vmem>>) semaphore(%arg9 : memref<!tpu.dma_semaphore, #tpu.memory_space<semaphore_mem>>)
    %mul3A_7 = arith.constant 32 : i32
    %mul3A_8 = arith.muli %add3A, %mul3A_7 : i32
    %add3A_9 = arith.constant 16 : i32
    %add3A_10 = arith.addi %mul3A_8, %add3A_9 : i32
    %run_scoped3A_11 = arith.constant 0 : i32
    "tpu.region"() ({
      %run_scoped3A_230 = tpu.sem_alloc : memref<!tpu.dma_semaphore, #tpu.memory_space<semaphore_mem>>
      %dma_start3A_231 = tpu.memref_slice %arg3[%run_scoped3A_11, %add3A_10] : memref<4x1024xi32, #tpu.memory_space<hbm>> -> memref<1x16xi32, #tpu.memory_space<hbm>>
      %dma_start3A_232 = tpu.memref_squeeze %dma_start3A_231 : memref<1x16xi32, #tpu.memory_space<hbm>> -> memref<16xi32, #tpu.memory_space<hbm>>
      %dma_start3A_233 = tpu.memref_slice %arg3[%run_scoped3A_11, %add3A_10] : memref<4x1024xi32, #tpu.memory_space<hbm>> -> memref<1x16xi32, #tpu.memory_space<hbm>>
      %dma_start3A_234 = tpu.memref_squeeze %dma_start3A_233 : memref<1x16xi32, #tpu.memory_space<hbm>> -> memref<16xi32, #tpu.memory_space<hbm>>
      tpu.enqueue_dma source(%dma_start3A_234 : memref<16xi32, #tpu.memory_space<hbm>>) target(%arg6 : memref<16xi32, #tpu.memory_space<vmem>>) target_semaphore(%run_scoped3A_230 : memref<!tpu.dma_semaphore, #tpu.memory_space<semaphore_mem>>)
      %dma_wait3A_235 = tpu.memref_slice %arg3[%run_scoped3A_11, %add3A_10] : memref<4x1024xi32, #tpu.memory_space<hbm>> -> memref<1x16xi32, #tpu.memory_space<hbm>>
      %dma_wait3A_236 = tpu.memref_squeeze %dma_wait3A_235 : memref<1x16xi32, #tpu.memory_space<hbm>> -> memref<16xi32, #tpu.memory_space<hbm>>
      %dma_wait3A_237 = tpu.memref_slice %arg3[%run_scoped3A_11, %add3A_10] : memref<4x1024xi32, #tpu.memory_space<hbm>> -> memref<1x16xi32, #tpu.memory_space<hbm>>
      %dma_wait3A_238 = tpu.memref_squeeze %dma_wait3A_237 : memref<1x16xi32, #tpu.memory_space<hbm>> -> memref<16xi32, #tpu.memory_space<hbm>>
      tpu.wait_dma2 semaphore(%run_scoped3A_230 : memref<!tpu.dma_semaphore, #tpu.memory_space<semaphore_mem>>) src(%dma_wait3A_238 : memref<16xi32, #tpu.memory_space<hbm>>) dst(%arg6 : memref<16xi32, #tpu.memory_space<vmem>>)
      tpu.yield
    }) : () -> ()
    %dma_start3A_12 = arith.constant 0 : i32
    %dma_start3A_13 = arith.constant 0 : i32
    %dma_start3A_14 = tpu.memref_slice %arg2[%dma_start3A_12, %dma_start3A_13] : memref<8192x2048xf32, #tpu.memory_space<hbm>> -> memref<8192x2048xf32, #tpu.memory_space<hbm>>
    tpu.enqueue_indirect_dma source(%dma_start3A_14 : memref<8192x2048xf32, #tpu.memory_space<hbm>>) target(%arg8 : memref<16x2048xf32, #tpu.memory_space<vmem>>) offsets(%arg6 : memref<16xi32, #tpu.memory_space<vmem>>) semaphore(%arg10 : memref<!tpu.dma_semaphore, #tpu.memory_space<semaphore_mem>>)
    %dma_wait3A = arith.constant 0 : i32
    %dma_wait3A_15 = arith.constant 0 : i32
    %dma_wait3A_16 = tpu.memref_slice %arg2[%dma_wait3A, %dma_wait3A_15] : memref<8192x2048xf32, #tpu.memory_space<hbm>> -> memref<8192x2048xf32, #tpu.memory_space<hbm>>
    tpu.wait_indirect_dma semaphore(%arg9 : memref<!tpu.dma_semaphore, #tpu.memory_space<semaphore_mem>>) src(%dma_wait3A_16 : memref<8192x2048xf32, #tpu.memory_space<hbm>>) dst(%arg7 : memref<16x2048xf32, #tpu.memory_space<vmem>>)
    %mul3A_17 = arith.constant 32 : i32
    %mul3A_18 = arith.muli %add3A, %mul3A_17 : i32
    %add3A_19 = arith.constant 0 : i32
    %add3A_20 = arith.addi %mul3A_18, %add3A_19 : i32
    %dma_start3A_21 = arith.constant 0 : i32
    %dma_start3A_22 = arith.constant 0 : i32
    %dma_start3A_23 = tpu.memref_slice %arg4[%dma_start3A_21, %add3A_20, %dma_start3A_22] : memref<4x1024x2048xf32, #tpu.memory_space<hbm>> -> memref<1x16x2048xf32, #tpu.memory_space<hbm>>
    %dma_start3A_24 = tpu.memref_squeeze %dma_start3A_23 : memref<1x16x2048xf32, #tpu.memory_space<hbm>> -> memref<16x2048xf32, #tpu.memory_space<hbm>>
    %dma_start3A_25 = arith.constant 0 : i32
    %dma_start3A_26 = tpu.memref_slice %arg4[%dma_start3A_21, %add3A_20, %dma_start3A_25] : memref<4x1024x2048xf32, #tpu.memory_space<hbm>> -> memref<1x16x2048xf32, #tpu.memory_space<hbm>>
    %dma_start3A_27 = tpu.memref_squeeze %dma_start3A_26 : memref<1x16x2048xf32, #tpu.memory_space<hbm>> -> memref<16x2048xf32, #tpu.memory_space<hbm>>
    tpu.enqueue_dma source(%arg7 : memref<16x2048xf32, #tpu.memory_space<vmem>>) target(%dma_start3A_27 : memref<16x2048xf32, #tpu.memory_space<hbm>>) target_semaphore(%arg11 : memref<!tpu.dma_semaphore, #tpu.memory_space<semaphore_mem>>)
    %dma_wait3A_28 = arith.constant 0 : i32
    %dma_wait3A_29 = arith.constant 0 : i32
    %dma_wait3A_30 = tpu.memref_slice %arg4[%dma_wait3A_28, %add3A_20, %dma_wait3A_29] : memref<4x1024x2048xf32, #tpu.memory_space<hbm>> -> memref<1x16x2048xf32, #tpu.memory_space<hbm>>
    %dma_wait3A_31 = tpu.memref_squeeze %dma_wait3A_30 : memref<1x16x2048xf32, #tpu.memory_space<hbm>> -> memref<16x2048xf32, #tpu.memory_space<hbm>>
    %dma_wait3A_32 = arith.constant 0 : i32
    %dma_wait3A_33 = tpu.memref_slice %arg4[%dma_wait3A_28, %add3A_20, %dma_wait3A_32] : memref<4x1024x2048xf32, #tpu.memory_space<hbm>> -> memref<1x16x2048xf32, #tpu.memory_space<hbm>>
    %dma_wait3A_34 = tpu.memref_squeeze %dma_wait3A_33 : memref<1x16x2048xf32, #tpu.memory_space<hbm>> -> memref<16x2048xf32, #tpu.memory_space<hbm>>
    tpu.wait_dma2 semaphore(%arg11 : memref<!tpu.dma_semaphore, #tpu.memory_space<semaphore_mem>>) src(%arg7 : memref<16x2048xf32, #tpu.memory_space<vmem>>) dst(%dma_wait3A_34 : memref<16x2048xf32, #tpu.memory_space<hbm>>)
    %mul3A_35 = arith.constant 32 : i32
    %mul3A_36 = arith.muli %add3A, %mul3A_35 : i32
    %add3A_37 = arith.constant 0 : i32
    %add3A_38 = arith.addi %mul3A_36, %add3A_37 : i32
    %run_scoped3A_39 = arith.constant 1 : i32
    "tpu.region"() ({
      %run_scoped3A_230 = tpu.sem_alloc : memref<!tpu.dma_semaphore, #tpu.memory_space<semaphore_mem>>
      %dma_start3A_231 = tpu.memref_slice %arg3[%run_scoped3A_39, %add3A_38] : memref<4x1024xi32, #tpu.memory_space<hbm>> -> memref<1x16xi32, #tpu.memory_space<hbm>>
      %dma_start3A_232 = tpu.memref_squeeze %dma_start3A_231 : memref<1x16xi32, #tpu.memory_space<hbm>> -> memref<16xi32, #tpu.memory_space<hbm>>
      %dma_start3A_233 = tpu.memref_slice %arg3[%run_scoped3A_39, %add3A_38] : memref<4x1024xi32, #tpu.memory_space<hbm>> -> memref<1x16xi32, #tpu.memory_space<hbm>>
      %dma_start3A_234 = tpu.memref_squeeze %dma_start3A_233 : memref<1x16xi32, #tpu.memory_space<hbm>> -> memref<16xi32, #tpu.memory_space<hbm>>
      tpu.enqueue_dma source(%dma_start3A_234 : memref<16xi32, #tpu.memory_space<hbm>>) target(%arg5 : memref<16xi32, #tpu.memory_space<vmem>>) target_semaphore(%run_scoped3A_230 : memref<!tpu.dma_semaphore, #tpu.memory_space<semaphore_mem>>)
      %dma_wait3A_235 = tpu.memref_slice %arg3[%run_scoped3A_39, %add3A_38] : memref<4x1024xi32, #tpu.memory_space<hbm>> -> memref<1x16xi32, #tpu.memory_space<hbm>>
      %dma_wait3A_236 = tpu.memref_squeeze %dma_wait3A_235 : memref<1x16xi32, #tpu.memory_space<hbm>> -> memref<16xi32, #tpu.memory_space<hbm>>
      %dma_wait3A_237 = tpu.memref_slice %arg3[%run_scoped3A_39, %add3A_38] : memref<4x1024xi32, #tpu.memory_space<hbm>> -> memref<1x16xi32, #tpu.memory_space<hbm>>
      %dma_wait3A_238 = tpu.memref_squeeze %dma_wait3A_237 : memref<1x16xi32, #tpu.memory_space<hbm>> -> memref<16xi32, #tpu.memory_space<hbm>>
      tpu.wait_dma2 semaphore(%run_scoped3A_230 : memref<!tpu.dma_semaphore, #tpu.memory_space<semaphore_mem>>) src(%dma_wait3A_238 : memref<16xi32, #tpu.memory_space<hbm>>) dst(%arg5 : memref<16xi32, #tpu.memory_space<vmem>>)
      tpu.yield
    }) : () -> ()
    %dma_start3A_40 = arith.constant 0 : i32
    %dma_start3A_41 = arith.constant 0 : i32
    %dma_start3A_42 = tpu.memref_slice %arg2[%dma_start3A_40, %dma_start3A_41] : memref<8192x2048xf32, #tpu.memory_space<hbm>> -> memref<8192x2048xf32, #tpu.memory_space<hbm>>
    tpu.enqueue_indirect_dma source(%dma_start3A_42 : memref<8192x2048xf32, #tpu.memory_space<hbm>>) target(%arg7 : memref<16x2048xf32, #tpu.memory_space<vmem>>) offsets(%arg5 : memref<16xi32, #tpu.memory_space<vmem>>) semaphore(%arg9 : memref<!tpu.dma_semaphore, #tpu.memory_space<semaphore_mem>>)
    %dma_wait3A_43 = arith.constant 0 : i32
    %dma_wait3A_44 = arith.constant 0 : i32
    %dma_wait3A_45 = tpu.memref_slice %arg2[%dma_wait3A_43, %dma_wait3A_44] : memref<8192x2048xf32, #tpu.memory_space<hbm>> -> memref<8192x2048xf32, #tpu.memory_space<hbm>>
    tpu.wait_indirect_dma semaphore(%arg10 : memref<!tpu.dma_semaphore, #tpu.memory_space<semaphore_mem>>) src(%dma_wait3A_45 : memref<8192x2048xf32, #tpu.memory_space<hbm>>) dst(%arg8 : memref<16x2048xf32, #tpu.memory_space<vmem>>)
    %mul3A_46 = arith.constant 32 : i32
    %mul3A_47 = arith.muli %add3A, %mul3A_46 : i32
    %add3A_48 = arith.constant 16 : i32
    %add3A_49 = arith.addi %mul3A_47, %add3A_48 : i32
    %dma_start3A_50 = arith.constant 0 : i32
    %dma_start3A_51 = arith.constant 0 : i32
    %dma_start3A_52 = tpu.memref_slice %arg4[%dma_start3A_50, %add3A_49, %dma_start3A_51] : memref<4x1024x2048xf32, #tpu.memory_space<hbm>> -> memref<1x16x2048xf32, #tpu.memory_space<hbm>>
    %dma_start3A_53 = tpu.memref_squeeze %dma_start3A_52 : memref<1x16x2048xf32, #tpu.memory_space<hbm>> -> memref<16x2048xf32, #tpu.memory_space<hbm>>
    %dma_start3A_54 = arith.constant 0 : i32
    %dma_start3A_55 = tpu.memref_slice %arg4[%dma_start3A_50, %add3A_49, %dma_start3A_54] : memref<4x1024x2048xf32, #tpu.memory_space<hbm>> -> memref<1x16x2048xf32, #tpu.memory_space<hbm>>
    %dma_start3A_56 = tpu.memref_squeeze %dma_start3A_55 : memref<1x16x2048xf32, #tpu.memory_space<hbm>> -> memref<16x2048xf32, #tpu.memory_space<hbm>>
    tpu.enqueue_dma source(%arg8 : memref<16x2048xf32, #tpu.memory_space<vmem>>) target(%dma_start3A_56 : memref<16x2048xf32, #tpu.memory_space<hbm>>) target_semaphore(%arg12 : memref<!tpu.dma_semaphore, #tpu.memory_space<semaphore_mem>>)
    %dma_wait3A_57 = arith.constant 0 : i32
    %dma_wait3A_58 = arith.constant 0 : i32
    %dma_wait3A_59 = tpu.memref_slice %arg4[%dma_wait3A_57, %add3A_49, %dma_wait3A_58] : memref<4x1024x2048xf32, #tpu.memory_space<hbm>> -> memref<1x16x2048xf32, #tpu.memory_space<hbm>>
    %dma_wait3A_60 = tpu.memref_squeeze %dma_wait3A_59 : memref<1x16x2048xf32, #tpu.memory_space<hbm>> -> memref<16x2048xf32, #tpu.memory_space<hbm>>
    %dma_wait3A_61 = arith.constant 0 : i32
    %dma_wait3A_62 = tpu.memref_slice %arg4[%dma_wait3A_57, %add3A_49, %dma_wait3A_61] : memref<4x1024x2048xf32, #tpu.memory_space<hbm>> -> memref<1x16x2048xf32, #tpu.memory_space<hbm>>
    %dma_wait3A_63 = tpu.memref_squeeze %dma_wait3A_62 : memref<1x16x2048xf32, #tpu.memory_space<hbm>> -> memref<16x2048xf32, #tpu.memory_space<hbm>>
    tpu.wait_dma2 semaphore(%arg12 : memref<!tpu.dma_semaphore, #tpu.memory_space<semaphore_mem>>) src(%arg8 : memref<16x2048xf32, #tpu.memory_space<vmem>>) dst(%dma_wait3A_63 : memref<16x2048xf32, #tpu.memory_space<hbm>>)
    %mul3A_64 = arith.constant 32 : i32
    %mul3A_65 = arith.muli %add3A, %mul3A_64 : i32
    %add3A_66 = arith.constant 16 : i32
    %add3A_67 = arith.addi %mul3A_65, %add3A_66 : i32
    %run_scoped3A_68 = arith.constant 1 : i32
    "tpu.region"() ({
      %run_scoped3A_230 = tpu.sem_alloc : memref<!tpu.dma_semaphore, #tpu.memory_space<semaphore_mem>>
      %dma_start3A_231 = tpu.memref_slice %arg3[%run_scoped3A_68, %add3A_67] : memref<4x1024xi32, #tpu.memory_space<hbm>> -> memref<1x16xi32, #tpu.memory_space<hbm>>
      %dma_start3A_232 = tpu.memref_squeeze %dma_start3A_231 : memref<1x16xi32, #tpu.memory_space<hbm>> -> memref<16xi32, #tpu.memory_space<hbm>>
      %dma_start3A_233 = tpu.memref_slice %arg3[%run_scoped3A_68, %add3A_67] : memref<4x1024xi32, #tpu.memory_space<hbm>> -> memref<1x16xi32, #tpu.memory_space<hbm>>
      %dma_start3A_234 = tpu.memref_squeeze %dma_start3A_233 : memref<1x16xi32, #tpu.memory_space<hbm>> -> memref<16xi32, #tpu.memory_space<hbm>>
      tpu.enqueue_dma source(%dma_start3A_234 : memref<16xi32, #tpu.memory_space<hbm>>) target(%arg6 : memref<16xi32, #tpu.memory_space<vmem>>) target_semaphore(%run_scoped3A_230 : memref<!tpu.dma_semaphore, #tpu.memory_space<semaphore_mem>>)
      %dma_wait3A_235 = tpu.memref_slice %arg3[%run_scoped3A_68, %add3A_67] : memref<4x1024xi32, #tpu.memory_space<hbm>> -> memref<1x16xi32, #tpu.memory_space<hbm>>
      %dma_wait3A_236 = tpu.memref_squeeze %dma_wait3A_235 : memref<1x16xi32, #tpu.memory_space<hbm>> -> memref<16xi32, #tpu.memory_space<hbm>>
      %dma_wait3A_237 = tpu.memref_slice %arg3[%run_scoped3A_68, %add3A_67] : memref<4x1024xi32, #tpu.memory_space<hbm>> -> memref<1x16xi32, #tpu.memory_space<hbm>>
      %dma_wait3A_238 = tpu.memref_squeeze %dma_wait3A_237 : memref<1x16xi32, #tpu.memory_space<hbm>> -> memref<16xi32, #tpu.memory_space<hbm>>
      tpu.wait_dma2 semaphore(%run_scoped3A_230 : memref<!tpu.dma_semaphore, #tpu.memory_space<semaphore_mem>>) src(%dma_wait3A_238 : memref<16xi32, #tpu.memory_space<hbm>>) dst(%arg6 : memref<16xi32, #tpu.memory_space<vmem>>)
      tpu.yield
    }) : () -> ()
    %dma_start3A_69 = arith.constant 0 : i32
    %dma_start3A_70 = arith.constant 0 : i32
    %dma_start3A_71 = tpu.memref_slice %arg2[%dma_start3A_69, %dma_start3A_70] : memref<8192x2048xf32, #tpu.memory_space<hbm>> -> memref<8192x2048xf32, #tpu.memory_space<hbm>>
    tpu.enqueue_indirect_dma source(%dma_start3A_71 : memref<8192x2048xf32, #tpu.memory_space<hbm>>) target(%arg8 : memref<16x2048xf32, #tpu.memory_space<vmem>>) offsets(%arg6 : memref<16xi32, #tpu.memory_space<vmem>>) semaphore(%arg10 : memref<!tpu.dma_semaphore, #tpu.memory_space<semaphore_mem>>)
    %dma_wait3A_72 = arith.constant 0 : i32
    %dma_wait3A_73 = arith.constant 0 : i32
    %dma_wait3A_74 = tpu.memref_slice %arg2[%dma_wait3A_72, %dma_wait3A_73] : memref<8192x2048xf32, #tpu.memory_space<hbm>> -> memref<8192x2048xf32, #tpu.memory_space<hbm>>
    tpu.wait_indirect_dma semaphore(%arg9 : memref<!tpu.dma_semaphore, #tpu.memory_space<semaphore_mem>>) src(%dma_wait3A_74 : memref<8192x2048xf32, #tpu.memory_space<hbm>>) dst(%arg7 : memref<16x2048xf32, #tpu.memory_space<vmem>>)
    %mul3A_75 = arith.constant 32 : i32
    %mul3A_76 = arith.muli %add3A, %mul3A_75 : i32
    %add3A_77 = arith.constant 0 : i32
    %add3A_78 = arith.addi %mul3A_76, %add3A_77 : i32
    %dma_start3A_79 = arith.constant 1 : i32
    %dma_start3A_80 = arith.constant 0 : i32
    %dma_start3A_81 = tpu.memref_slice %arg4[%dma_start3A_79, %add3A_78, %dma_start3A_80] : memref<4x1024x2048xf32, #tpu.memory_space<hbm>> -> memref<1x16x2048xf32, #tpu.memory_space<hbm>>
    %dma_start3A_82 = tpu.memref_squeeze %dma_start3A_81 : memref<1x16x2048xf32, #tpu.memory_space<hbm>> -> memref<16x2048xf32, #tpu.memory_space<hbm>>
    %dma_start3A_83 = arith.constant 0 : i32
    %dma_start3A_84 = tpu.memref_slice %arg4[%dma_start3A_79, %add3A_78, %dma_start3A_83] : memref<4x1024x2048xf32, #tpu.memory_space<hbm>> -> memref<1x16x2048xf32, #tpu.memory_space<hbm>>
    %dma_start3A_85 = tpu.memref_squeeze %dma_start3A_84 : memref<1x16x2048xf32, #tpu.memory_space<hbm>> -> memref<16x2048xf32, #tpu.memory_space<hbm>>
    tpu.enqueue_dma source(%arg7 : memref<16x2048xf32, #tpu.memory_space<vmem>>) target(%dma_start3A_85 : memref<16x2048xf32, #tpu.memory_space<hbm>>) target_semaphore(%arg11 : memref<!tpu.dma_semaphore, #tpu.memory_space<semaphore_mem>>)
    %dma_wait3A_86 = arith.constant 1 : i32
    %dma_wait3A_87 = arith.constant 0 : i32
    %dma_wait3A_88 = tpu.memref_slice %arg4[%dma_wait3A_86, %add3A_78, %dma_wait3A_87] : memref<4x1024x2048xf32, #tpu.memory_space<hbm>> -> memref<1x16x2048xf32, #tpu.memory_space<hbm>>
    %dma_wait3A_89 = tpu.memref_squeeze %dma_wait3A_88 : memref<1x16x2048xf32, #tpu.memory_space<hbm>> -> memref<16x2048xf32, #tpu.memory_space<hbm>>
    %dma_wait3A_90 = arith.constant 0 : i32
    %dma_wait3A_91 = tpu.memref_slice %arg4[%dma_wait3A_86, %add3A_78, %dma_wait3A_90] : memref<4x1024x2048xf32, #tpu.memory_space<hbm>> -> memref<1x16x2048xf32, #tpu.memory_space<hbm>>
    %dma_wait3A_92 = tpu.memref_squeeze %dma_wait3A_91 : memref<1x16x2048xf32, #tpu.memory_space<hbm>> -> memref<16x2048xf32, #tpu.memory_space<hbm>>
    tpu.wait_dma2 semaphore(%arg11 : memref<!tpu.dma_semaphore, #tpu.memory_space<semaphore_mem>>) src(%arg7 : memref<16x2048xf32, #tpu.memory_space<vmem>>) dst(%dma_wait3A_92 : memref<16x2048xf32, #tpu.memory_space<hbm>>)
    %mul3A_93 = arith.constant 32 : i32
    %mul3A_94 = arith.muli %add3A, %mul3A_93 : i32
    %add3A_95 = arith.constant 0 : i32
    %add3A_96 = arith.addi %mul3A_94, %add3A_95 : i32
    %run_scoped3A_97 = arith.constant 2 : i32
    "tpu.region"() ({
      %run_scoped3A_230 = tpu.sem_alloc : memref<!tpu.dma_semaphore, #tpu.memory_space<semaphore_mem>>
      %dma_start3A_231 = tpu.memref_slice %arg3[%run_scoped3A_97, %add3A_96] : memref<4x1024xi32, #tpu.memory_space<hbm>> -> memref<1x16xi32, #tpu.memory_space<hbm>>
      %dma_start3A_232 = tpu.memref_squeeze %dma_start3A_231 : memref<1x16xi32, #tpu.memory_space<hbm>> -> memref<16xi32, #tpu.memory_space<hbm>>
      %dma_start3A_233 = tpu.memref_slice %arg3[%run_scoped3A_97, %add3A_96] : memref<4x1024xi32, #tpu.memory_space<hbm>> -> memref<1x16xi32, #tpu.memory_space<hbm>>
      %dma_start3A_234 = tpu.memref_squeeze %dma_start3A_233 : memref<1x16xi32, #tpu.memory_space<hbm>> -> memref<16xi32, #tpu.memory_space<hbm>>
      tpu.enqueue_dma source(%dma_start3A_234 : memref<16xi32, #tpu.memory_space<hbm>>) target(%arg5 : memref<16xi32, #tpu.memory_space<vmem>>) target_semaphore(%run_scoped3A_230 : memref<!tpu.dma_semaphore, #tpu.memory_space<semaphore_mem>>)
      %dma_wait3A_235 = tpu.memref_slice %arg3[%run_scoped3A_97, %add3A_96] : memref<4x1024xi32, #tpu.memory_space<hbm>> -> memref<1x16xi32, #tpu.memory_space<hbm>>
      %dma_wait3A_236 = tpu.memref_squeeze %dma_wait3A_235 : memref<1x16xi32, #tpu.memory_space<hbm>> -> memref<16xi32, #tpu.memory_space<hbm>>
      %dma_wait3A_237 = tpu.memref_slice %arg3[%run_scoped3A_97, %add3A_96] : memref<4x1024xi32, #tpu.memory_space<hbm>> -> memref<1x16xi32, #tpu.memory_space<hbm>>
      %dma_wait3A_238 = tpu.memref_squeeze %dma_wait3A_237 : memref<1x16xi32, #tpu.memory_space<hbm>> -> memref<16xi32, #tpu.memory_space<hbm>>
      tpu.wait_dma2 semaphore(%run_scoped3A_230 : memref<!tpu.dma_semaphore, #tpu.memory_space<semaphore_mem>>) src(%dma_wait3A_238 : memref<16xi32, #tpu.memory_space<hbm>>) dst(%arg5 : memref<16xi32, #tpu.memory_space<vmem>>)
      tpu.yield
    }) : () -> ()
    %dma_start3A_98 = arith.constant 0 : i32
    %dma_start3A_99 = arith.constant 0 : i32
    %dma_start3A_100 = tpu.memref_slice %arg2[%dma_start3A_98, %dma_start3A_99] : memref<8192x2048xf32, #tpu.memory_space<hbm>> -> memref<8192x2048xf32, #tpu.memory_space<hbm>>
    tpu.enqueue_indirect_dma source(%dma_start3A_100 : memref<8192x2048xf32, #tpu.memory_space<hbm>>) target(%arg7 : memref<16x2048xf32, #tpu.memory_space<vmem>>) offsets(%arg5 : memref<16xi32, #tpu.memory_space<vmem>>) semaphore(%arg9 : memref<!tpu.dma_semaphore, #tpu.memory_space<semaphore_mem>>)
    %dma_wait3A_101 = arith.constant 0 : i32
    %dma_wait3A_102 = arith.constant 0 : i32
    %dma_wait3A_103 = tpu.memref_slice %arg2[%dma_wait3A_101, %dma_wait3A_102] : memref<8192x2048xf32, #tpu.memory_space<hbm>> -> memref<8192x2048xf32, #tpu.memory_space<hbm>>
    tpu.wait_indirect_dma semaphore(%arg10 : memref<!tpu.dma_semaphore, #tpu.memory_space<semaphore_mem>>) src(%dma_wait3A_103 : memref<8192x2048xf32, #tpu.memory_space<hbm>>) dst(%arg8 : memref<16x2048xf32, #tpu.memory_space<vmem>>)
    %mul3A_104 = arith.constant 32 : i32
    %mul3A_105 = arith.muli %add3A, %mul3A_104 : i32
    %add3A_106 = arith.constant 16 : i32
    %add3A_107 = arith.addi %mul3A_105, %add3A_106 : i32
    %dma_start3A_108 = arith.constant 1 : i32
    %dma_start3A_109 = arith.constant 0 : i32
    %dma_start3A_110 = tpu.memref_slice %arg4[%dma_start3A_108, %add3A_107, %dma_start3A_109] : memref<4x1024x2048xf32, #tpu.memory_space<hbm>> -> memref<1x16x2048xf32, #tpu.memory_space<hbm>>
    %dma_start3A_111 = tpu.memref_squeeze %dma_start3A_110 : memref<1x16x2048xf32, #tpu.memory_space<hbm>> -> memref<16x2048xf32, #tpu.memory_space<hbm>>
    %dma_start3A_112 = arith.constant 0 : i32
    %dma_start3A_113 = tpu.memref_slice %arg4[%dma_start3A_108, %add3A_107, %dma_start3A_112] : memref<4x1024x2048xf32, #tpu.memory_space<hbm>> -> memref<1x16x2048xf32, #tpu.memory_space<hbm>>
    %dma_start3A_114 = tpu.memref_squeeze %dma_start3A_113 : memref<1x16x2048xf32, #tpu.memory_space<hbm>> -> memref<16x2048xf32, #tpu.memory_space<hbm>>
    tpu.enqueue_dma source(%arg8 : memref<16x2048xf32, #tpu.memory_space<vmem>>) target(%dma_start3A_114 : memref<16x2048xf32, #tpu.memory_space<hbm>>) target_semaphore(%arg12 : memref<!tpu.dma_semaphore, #tpu.memory_space<semaphore_mem>>)
    %dma_wait3A_115 = arith.constant 1 : i32
    %dma_wait3A_116 = arith.constant 0 : i32
    %dma_wait3A_117 = tpu.memref_slice %arg4[%dma_wait3A_115, %add3A_107, %dma_wait3A_116] : memref<4x1024x2048xf32, #tpu.memory_space<hbm>> -> memref<1x16x2048xf32, #tpu.memory_space<hbm>>
    %dma_wait3A_118 = tpu.memref_squeeze %dma_wait3A_117 : memref<1x16x2048xf32, #tpu.memory_space<hbm>> -> memref<16x2048xf32, #tpu.memory_space<hbm>>
    %dma_wait3A_119 = arith.constant 0 : i32
    %dma_wait3A_120 = tpu.memref_slice %arg4[%dma_wait3A_115, %add3A_107, %dma_wait3A_119] : memref<4x1024x2048xf32, #tpu.memory_space<hbm>> -> memref<1x16x2048xf32, #tpu.memory_space<hbm>>
    %dma_wait3A_121 = tpu.memref_squeeze %dma_wait3A_120 : memref<1x16x2048xf32, #tpu.memory_space<hbm>> -> memref<16x2048xf32, #tpu.memory_space<hbm>>
    tpu.wait_dma2 semaphore(%arg12 : memref<!tpu.dma_semaphore, #tpu.memory_space<semaphore_mem>>) src(%arg8 : memref<16x2048xf32, #tpu.memory_space<vmem>>) dst(%dma_wait3A_121 : memref<16x2048xf32, #tpu.memory_space<hbm>>)
    %mul3A_122 = arith.constant 32 : i32
    %mul3A_123 = arith.muli %add3A, %mul3A_122 : i32
    %add3A_124 = arith.constant 16 : i32
    %add3A_125 = arith.addi %mul3A_123, %add3A_124 : i32
    %run_scoped3A_126 = arith.constant 2 : i32
    "tpu.region"() ({
      %run_scoped3A_230 = tpu.sem_alloc : memref<!tpu.dma_semaphore, #tpu.memory_space<semaphore_mem>>
      %dma_start3A_231 = tpu.memref_slice %arg3[%run_scoped3A_126, %add3A_125] : memref<4x1024xi32, #tpu.memory_space<hbm>> -> memref<1x16xi32, #tpu.memory_space<hbm>>
      %dma_start3A_232 = tpu.memref_squeeze %dma_start3A_231 : memref<1x16xi32, #tpu.memory_space<hbm>> -> memref<16xi32, #tpu.memory_space<hbm>>
      %dma_start3A_233 = tpu.memref_slice %arg3[%run_scoped3A_126, %add3A_125] : memref<4x1024xi32, #tpu.memory_space<hbm>> -> memref<1x16xi32, #tpu.memory_space<hbm>>
      %dma_start3A_234 = tpu.memref_squeeze %dma_start3A_233 : memref<1x16xi32, #tpu.memory_space<hbm>> -> memref<16xi32, #tpu.memory_space<hbm>>
      tpu.enqueue_dma source(%dma_start3A_234 : memref<16xi32, #tpu.memory_space<hbm>>) target(%arg6 : memref<16xi32, #tpu.memory_space<vmem>>) target_semaphore(%run_scoped3A_230 : memref<!tpu.dma_semaphore, #tpu.memory_space<semaphore_mem>>)
      %dma_wait3A_235 = tpu.memref_slice %arg3[%run_scoped3A_126, %add3A_125] : memref<4x1024xi32, #tpu.memory_space<hbm>> -> memref<1x16xi32, #tpu.memory_space<hbm>>
      %dma_wait3A_236 = tpu.memref_squeeze %dma_wait3A_235 : memref<1x16xi32, #tpu.memory_space<hbm>> -> memref<16xi32, #tpu.memory_space<hbm>>
      %dma_wait3A_237 = tpu.memref_slice %arg3[%run_scoped3A_126, %add3A_125] : memref<4x1024xi32, #tpu.memory_space<hbm>> -> memref<1x16xi32, #tpu.memory_space<hbm>>
      %dma_wait3A_238 = tpu.memref_squeeze %dma_wait3A_237 : memref<1x16xi32, #tpu.memory_space<hbm>> -> memref<16xi32, #tpu.memory_space<hbm>>
      tpu.wait_dma2 semaphore(%run_scoped3A_230 : memref<!tpu.dma_semaphore, #tpu.memory_space<semaphore_mem>>) src(%dma_wait3A_238 : memref<16xi32, #tpu.memory_space<hbm>>) dst(%arg6 : memref<16xi32, #tpu.memory_space<vmem>>)
      tpu.yield
    }) : () -> ()
    %dma_start3A_127 = arith.constant 0 : i32
    %dma_start3A_128 = arith.constant 0 : i32
    %dma_start3A_129 = tpu.memref_slice %arg2[%dma_start3A_127, %dma_start3A_128] : memref<8192x2048xf32, #tpu.memory_space<hbm>> -> memref<8192x2048xf32, #tpu.memory_space<hbm>>
    tpu.enqueue_indirect_dma source(%dma_start3A_129 : memref<8192x2048xf32, #tpu.memory_space<hbm>>) target(%arg8 : memref<16x2048xf32, #tpu.memory_space<vmem>>) offsets(%arg6 : memref<16xi32, #tpu.memory_space<vmem>>) semaphore(%arg10 : memref<!tpu.dma_semaphore, #tpu.memory_space<semaphore_mem>>)
    %dma_wait3A_130 = arith.constant 0 : i32
    %dma_wait3A_131 = arith.constant 0 : i32
    %dma_wait3A_132 = tpu.memref_slice %arg2[%dma_wait3A_130, %dma_wait3A_131] : memref<8192x2048xf32, #tpu.memory_space<hbm>> -> memref<8192x2048xf32, #tpu.memory_space<hbm>>
    tpu.wait_indirect_dma semaphore(%arg9 : memref<!tpu.dma_semaphore, #tpu.memory_space<semaphore_mem>>) src(%dma_wait3A_132 : memref<8192x2048xf32, #tpu.memory_space<hbm>>) dst(%arg7 : memref<16x2048xf32, #tpu.memory_space<vmem>>)
    %mul3A_133 = arith.constant 32 : i32
    %mul3A_134 = arith.muli %add3A, %mul3A_133 : i32
    %add3A_135 = arith.constant 0 : i32
    %add3A_136 = arith.addi %mul3A_134, %add3A_135 : i32
    %dma_start3A_137 = arith.constant 2 : i32
    %dma_start3A_138 = arith.constant 0 : i32
    %dma_start3A_139 = tpu.memref_slice %arg4[%dma_start3A_137, %add3A_136, %dma_start3A_138] : memref<4x1024x2048xf32, #tpu.memory_space<hbm>> -> memref<1x16x2048xf32, #tpu.memory_space<hbm>>
    %dma_start3A_140 = tpu.memref_squeeze %dma_start3A_139 : memref<1x16x2048xf32, #tpu.memory_space<hbm>> -> memref<16x2048xf32, #tpu.memory_space<hbm>>
    %dma_start3A_141 = arith.constant 0 : i32
    %dma_start3A_142 = tpu.memref_slice %arg4[%dma_start3A_137, %add3A_136, %dma_start3A_141] : memref<4x1024x2048xf32, #tpu.memory_space<hbm>> -> memref<1x16x2048xf32, #tpu.memory_space<hbm>>
    %dma_start3A_143 = tpu.memref_squeeze %dma_start3A_142 : memref<1x16x2048xf32, #tpu.memory_space<hbm>> -> memref<16x2048xf32, #tpu.memory_space<hbm>>
    tpu.enqueue_dma source(%arg7 : memref<16x2048xf32, #tpu.memory_space<vmem>>) target(%dma_start3A_143 : memref<16x2048xf32, #tpu.memory_space<hbm>>) target_semaphore(%arg11 : memref<!tpu.dma_semaphore, #tpu.memory_space<semaphore_mem>>)
    %dma_wait3A_144 = arith.constant 2 : i32
    %dma_wait3A_145 = arith.constant 0 : i32
    %dma_wait3A_146 = tpu.memref_slice %arg4[%dma_wait3A_144, %add3A_136, %dma_wait3A_145] : memref<4x1024x2048xf32, #tpu.memory_space<hbm>> -> memref<1x16x2048xf32, #tpu.memory_space<hbm>>
    %dma_wait3A_147 = tpu.memref_squeeze %dma_wait3A_146 : memref<1x16x2048xf32, #tpu.memory_space<hbm>> -> memref<16x2048xf32, #tpu.memory_space<hbm>>
    %dma_wait3A_148 = arith.constant 0 : i32
    %dma_wait3A_149 = tpu.memref_slice %arg4[%dma_wait3A_144, %add3A_136, %dma_wait3A_148] : memref<4x1024x2048xf32, #tpu.memory_space<hbm>> -> memref<1x16x2048xf32, #tpu.memory_space<hbm>>
    %dma_wait3A_150 = tpu.memref_squeeze %dma_wait3A_149 : memref<1x16x2048xf32, #tpu.memory_space<hbm>> -> memref<16x2048xf32, #tpu.memory_space<hbm>>
    tpu.wait_dma2 semaphore(%arg11 : memref<!tpu.dma_semaphore, #tpu.memory_space<semaphore_mem>>) src(%arg7 : memref<16x2048xf32, #tpu.memory_space<vmem>>) dst(%dma_wait3A_150 : memref<16x2048xf32, #tpu.memory_space<hbm>>)
    %mul3A_151 = arith.constant 32 : i32
    %mul3A_152 = arith.muli %add3A, %mul3A_151 : i32
    %add3A_153 = arith.constant 0 : i32
    %add3A_154 = arith.addi %mul3A_152, %add3A_153 : i32
    %run_scoped3A_155 = arith.constant 3 : i32
    "tpu.region"() ({
      %run_scoped3A_230 = tpu.sem_alloc : memref<!tpu.dma_semaphore, #tpu.memory_space<semaphore_mem>>
      %dma_start3A_231 = tpu.memref_slice %arg3[%run_scoped3A_155, %add3A_154] : memref<4x1024xi32, #tpu.memory_space<hbm>> -> memref<1x16xi32, #tpu.memory_space<hbm>>
      %dma_start3A_232 = tpu.memref_squeeze %dma_start3A_231 : memref<1x16xi32, #tpu.memory_space<hbm>> -> memref<16xi32, #tpu.memory_space<hbm>>
      %dma_start3A_233 = tpu.memref_slice %arg3[%run_scoped3A_155, %add3A_154] : memref<4x1024xi32, #tpu.memory_space<hbm>> -> memref<1x16xi32, #tpu.memory_space<hbm>>
      %dma_start3A_234 = tpu.memref_squeeze %dma_start3A_233 : memref<1x16xi32, #tpu.memory_space<hbm>> -> memref<16xi32, #tpu.memory_space<hbm>>
      tpu.enqueue_dma source(%dma_start3A_234 : memref<16xi32, #tpu.memory_space<hbm>>) target(%arg5 : memref<16xi32, #tpu.memory_space<vmem>>) target_semaphore(%run_scoped3A_230 : memref<!tpu.dma_semaphore, #tpu.memory_space<semaphore_mem>>)
      %dma_wait3A_235 = tpu.memref_slice %arg3[%run_scoped3A_155, %add3A_154] : memref<4x1024xi32, #tpu.memory_space<hbm>> -> memref<1x16xi32, #tpu.memory_space<hbm>>
      %dma_wait3A_236 = tpu.memref_squeeze %dma_wait3A_235 : memref<1x16xi32, #tpu.memory_space<hbm>> -> memref<16xi32, #tpu.memory_space<hbm>>
      %dma_wait3A_237 = tpu.memref_slice %arg3[%run_scoped3A_155, %add3A_154] : memref<4x1024xi32, #tpu.memory_space<hbm>> -> memref<1x16xi32, #tpu.memory_space<hbm>>
      %dma_wait3A_238 = tpu.memref_squeeze %dma_wait3A_237 : memref<1x16xi32, #tpu.memory_space<hbm>> -> memref<16xi32, #tpu.memory_space<hbm>>
      tpu.wait_dma2 semaphore(%run_scoped3A_230 : memref<!tpu.dma_semaphore, #tpu.memory_space<semaphore_mem>>) src(%dma_wait3A_238 : memref<16xi32, #tpu.memory_space<hbm>>) dst(%arg5 : memref<16xi32, #tpu.memory_space<vmem>>)
      tpu.yield
    }) : () -> ()
    %dma_start3A_156 = arith.constant 0 : i32
    %dma_start3A_157 = arith.constant 0 : i32
    %dma_start3A_158 = tpu.memref_slice %arg2[%dma_start3A_156, %dma_start3A_157] : memref<8192x2048xf32, #tpu.memory_space<hbm>> -> memref<8192x2048xf32, #tpu.memory_space<hbm>>
    tpu.enqueue_indirect_dma source(%dma_start3A_158 : memref<8192x2048xf32, #tpu.memory_space<hbm>>) target(%arg7 : memref<16x2048xf32, #tpu.memory_space<vmem>>) offsets(%arg5 : memref<16xi32, #tpu.memory_space<vmem>>) semaphore(%arg9 : memref<!tpu.dma_semaphore, #tpu.memory_space<semaphore_mem>>)
    %dma_wait3A_159 = arith.constant 0 : i32
    %dma_wait3A_160 = arith.constant 0 : i32
    %dma_wait3A_161 = tpu.memref_slice %arg2[%dma_wait3A_159, %dma_wait3A_160] : memref<8192x2048xf32, #tpu.memory_space<hbm>> -> memref<8192x2048xf32, #tpu.memory_space<hbm>>
    tpu.wait_indirect_dma semaphore(%arg10 : memref<!tpu.dma_semaphore, #tpu.memory_space<semaphore_mem>>) src(%dma_wait3A_161 : memref<8192x2048xf32, #tpu.memory_space<hbm>>) dst(%arg8 : memref<16x2048xf32, #tpu.memory_space<vmem>>)
    %mul3A_162 = arith.constant 32 : i32
    %mul3A_163 = arith.muli %add3A, %mul3A_162 : i32
    %add3A_164 = arith.constant 16 : i32
    %add3A_165 = arith.addi %mul3A_163, %add3A_164 : i32
    %dma_start3A_166 = arith.constant 2 : i32
    %dma_start3A_167 = arith.constant 0 : i32
    %dma_start3A_168 = tpu.memref_slice %arg4[%dma_start3A_166, %add3A_165, %dma_start3A_167] : memref<4x1024x2048xf32, #tpu.memory_space<hbm>> -> memref<1x16x2048xf32, #tpu.memory_space<hbm>>
    %dma_start3A_169 = tpu.memref_squeeze %dma_start3A_168 : memref<1x16x2048xf32, #tpu.memory_space<hbm>> -> memref<16x2048xf32, #tpu.memory_space<hbm>>
    %dma_start3A_170 = arith.constant 0 : i32
    %dma_start3A_171 = tpu.memref_slice %arg4[%dma_start3A_166, %add3A_165, %dma_start3A_170] : memref<4x1024x2048xf32, #tpu.memory_space<hbm>> -> memref<1x16x2048xf32, #tpu.memory_space<hbm>>
    %dma_start3A_172 = tpu.memref_squeeze %dma_start3A_171 : memref<1x16x2048xf32, #tpu.memory_space<hbm>> -> memref<16x2048xf32, #tpu.memory_space<hbm>>
    tpu.enqueue_dma source(%arg8 : memref<16x2048xf32, #tpu.memory_space<vmem>>) target(%dma_start3A_172 : memref<16x2048xf32, #tpu.memory_space<hbm>>) target_semaphore(%arg12 : memref<!tpu.dma_semaphore, #tpu.memory_space<semaphore_mem>>)
    %dma_wait3A_173 = arith.constant 2 : i32
    %dma_wait3A_174 = arith.constant 0 : i32
    %dma_wait3A_175 = tpu.memref_slice %arg4[%dma_wait3A_173, %add3A_165, %dma_wait3A_174] : memref<4x1024x2048xf32, #tpu.memory_space<hbm>> -> memref<1x16x2048xf32, #tpu.memory_space<hbm>>
    %dma_wait3A_176 = tpu.memref_squeeze %dma_wait3A_175 : memref<1x16x2048xf32, #tpu.memory_space<hbm>> -> memref<16x2048xf32, #tpu.memory_space<hbm>>
    %dma_wait3A_177 = arith.constant 0 : i32
    %dma_wait3A_178 = tpu.memref_slice %arg4[%dma_wait3A_173, %add3A_165, %dma_wait3A_177] : memref<4x1024x2048xf32, #tpu.memory_space<hbm>> -> memref<1x16x2048xf32, #tpu.memory_space<hbm>>
    %dma_wait3A_179 = tpu.memref_squeeze %dma_wait3A_178 : memref<1x16x2048xf32, #tpu.memory_space<hbm>> -> memref<16x2048xf32, #tpu.memory_space<hbm>>
    tpu.wait_dma2 semaphore(%arg12 : memref<!tpu.dma_semaphore, #tpu.memory_space<semaphore_mem>>) src(%arg8 : memref<16x2048xf32, #tpu.memory_space<vmem>>) dst(%dma_wait3A_179 : memref<16x2048xf32, #tpu.memory_space<hbm>>)
    %mul3A_180 = arith.constant 32 : i32
    %mul3A_181 = arith.muli %add3A, %mul3A_180 : i32
    %add3A_182 = arith.constant 16 : i32
    %add3A_183 = arith.addi %mul3A_181, %add3A_182 : i32
    %run_scoped3A_184 = arith.constant 3 : i32
    "tpu.region"() ({
      %run_scoped3A_230 = tpu.sem_alloc : memref<!tpu.dma_semaphore, #tpu.memory_space<semaphore_mem>>
      %dma_start3A_231 = tpu.memref_slice %arg3[%run_scoped3A_184, %add3A_183] : memref<4x1024xi32, #tpu.memory_space<hbm>> -> memref<1x16xi32, #tpu.memory_space<hbm>>
      %dma_start3A_232 = tpu.memref_squeeze %dma_start3A_231 : memref<1x16xi32, #tpu.memory_space<hbm>> -> memref<16xi32, #tpu.memory_space<hbm>>
      %dma_start3A_233 = tpu.memref_slice %arg3[%run_scoped3A_184, %add3A_183] : memref<4x1024xi32, #tpu.memory_space<hbm>> -> memref<1x16xi32, #tpu.memory_space<hbm>>
      %dma_start3A_234 = tpu.memref_squeeze %dma_start3A_233 : memref<1x16xi32, #tpu.memory_space<hbm>> -> memref<16xi32, #tpu.memory_space<hbm>>
      tpu.enqueue_dma source(%dma_start3A_234 : memref<16xi32, #tpu.memory_space<hbm>>) target(%arg6 : memref<16xi32, #tpu.memory_space<vmem>>) target_semaphore(%run_scoped3A_230 : memref<!tpu.dma_semaphore, #tpu.memory_space<semaphore_mem>>)
      %dma_wait3A_235 = tpu.memref_slice %arg3[%run_scoped3A_184, %add3A_183] : memref<4x1024xi32, #tpu.memory_space<hbm>> -> memref<1x16xi32, #tpu.memory_space<hbm>>
      %dma_wait3A_236 = tpu.memref_squeeze %dma_wait3A_235 : memref<1x16xi32, #tpu.memory_space<hbm>> -> memref<16xi32, #tpu.memory_space<hbm>>
      %dma_wait3A_237 = tpu.memref_slice %arg3[%run_scoped3A_184, %add3A_183] : memref<4x1024xi32, #tpu.memory_space<hbm>> -> memref<1x16xi32, #tpu.memory_space<hbm>>
      %dma_wait3A_238 = tpu.memref_squeeze %dma_wait3A_237 : memref<1x16xi32, #tpu.memory_space<hbm>> -> memref<16xi32, #tpu.memory_space<hbm>>
      tpu.wait_dma2 semaphore(%run_scoped3A_230 : memref<!tpu.dma_semaphore, #tpu.memory_space<semaphore_mem>>) src(%dma_wait3A_238 : memref<16xi32, #tpu.memory_space<hbm>>) dst(%arg6 : memref<16xi32, #tpu.memory_space<vmem>>)
      tpu.yield
    }) : () -> ()
    %dma_start3A_185 = arith.constant 0 : i32
    %dma_start3A_186 = arith.constant 0 : i32
    %dma_start3A_187 = tpu.memref_slice %arg2[%dma_start3A_185, %dma_start3A_186] : memref<8192x2048xf32, #tpu.memory_space<hbm>> -> memref<8192x2048xf32, #tpu.memory_space<hbm>>
    tpu.enqueue_indirect_dma source(%dma_start3A_187 : memref<8192x2048xf32, #tpu.memory_space<hbm>>) target(%arg8 : memref<16x2048xf32, #tpu.memory_space<vmem>>) offsets(%arg6 : memref<16xi32, #tpu.memory_space<vmem>>) semaphore(%arg10 : memref<!tpu.dma_semaphore, #tpu.memory_space<semaphore_mem>>)
    %dma_wait3A_188 = arith.constant 0 : i32
    %dma_wait3A_189 = arith.constant 0 : i32
    %dma_wait3A_190 = tpu.memref_slice %arg2[%dma_wait3A_188, %dma_wait3A_189] : memref<8192x2048xf32, #tpu.memory_space<hbm>> -> memref<8192x2048xf32, #tpu.memory_space<hbm>>
    tpu.wait_indirect_dma semaphore(%arg9 : memref<!tpu.dma_semaphore, #tpu.memory_space<semaphore_mem>>) src(%dma_wait3A_190 : memref<8192x2048xf32, #tpu.memory_space<hbm>>) dst(%arg7 : memref<16x2048xf32, #tpu.memory_space<vmem>>)
    %mul3A_191 = arith.constant 32 : i32
    %mul3A_192 = arith.muli %add3A, %mul3A_191 : i32
    %add3A_193 = arith.constant 0 : i32
    %add3A_194 = arith.addi %mul3A_192, %add3A_193 : i32
    %dma_start3A_195 = arith.constant 3 : i32
    %dma_start3A_196 = arith.constant 0 : i32
    %dma_start3A_197 = tpu.memref_slice %arg4[%dma_start3A_195, %add3A_194, %dma_start3A_196] : memref<4x1024x2048xf32, #tpu.memory_space<hbm>> -> memref<1x16x2048xf32, #tpu.memory_space<hbm>>
    %dma_start3A_198 = tpu.memref_squeeze %dma_start3A_197 : memref<1x16x2048xf32, #tpu.memory_space<hbm>> -> memref<16x2048xf32, #tpu.memory_space<hbm>>
    %dma_start3A_199 = arith.constant 0 : i32
    %dma_start3A_200 = tpu.memref_slice %arg4[%dma_start3A_195, %add3A_194, %dma_start3A_199] : memref<4x1024x2048xf32, #tpu.memory_space<hbm>> -> memref<1x16x2048xf32, #tpu.memory_space<hbm>>
    %dma_start3A_201 = tpu.memref_squeeze %dma_start3A_200 : memref<1x16x2048xf32, #tpu.memory_space<hbm>> -> memref<16x2048xf32, #tpu.memory_space<hbm>>
    tpu.enqueue_dma source(%arg7 : memref<16x2048xf32, #tpu.memory_space<vmem>>) target(%dma_start3A_201 : memref<16x2048xf32, #tpu.memory_space<hbm>>) target_semaphore(%arg11 : memref<!tpu.dma_semaphore, #tpu.memory_space<semaphore_mem>>)
    %dma_wait3A_202 = arith.constant 0 : i32
    %dma_wait3A_203 = arith.constant 0 : i32
    %dma_wait3A_204 = tpu.memref_slice %arg2[%dma_wait3A_202, %dma_wait3A_203] : memref<8192x2048xf32, #tpu.memory_space<hbm>> -> memref<8192x2048xf32, #tpu.memory_space<hbm>>
    tpu.wait_indirect_dma semaphore(%arg10 : memref<!tpu.dma_semaphore, #tpu.memory_space<semaphore_mem>>) src(%dma_wait3A_204 : memref<8192x2048xf32, #tpu.memory_space<hbm>>) dst(%arg8 : memref<16x2048xf32, #tpu.memory_space<vmem>>)
    %mul3A_205 = arith.constant 32 : i32
    %mul3A_206 = arith.muli %add3A, %mul3A_205 : i32
    %add3A_207 = arith.constant 16 : i32
    %add3A_208 = arith.addi %mul3A_206, %add3A_207 : i32
    %dma_start3A_209 = arith.constant 3 : i32
    %dma_start3A_210 = arith.constant 0 : i32
    %dma_start3A_211 = tpu.memref_slice %arg4[%dma_start3A_209, %add3A_208, %dma_start3A_210] : memref<4x1024x2048xf32, #tpu.memory_space<hbm>> -> memref<1x16x2048xf32, #tpu.memory_space<hbm>>
    %dma_start3A_212 = tpu.memref_squeeze %dma_start3A_211 : memref<1x16x2048xf32, #tpu.memory_space<hbm>> -> memref<16x2048xf32, #tpu.memory_space<hbm>>
    %dma_start3A_213 = arith.constant 0 : i32
    %dma_start3A_214 = tpu.memref_slice %arg4[%dma_start3A_209, %add3A_208, %dma_start3A_213] : memref<4x1024x2048xf32, #tpu.memory_space<hbm>> -> memref<1x16x2048xf32, #tpu.memory_space<hbm>>
    %dma_start3A_215 = tpu.memref_squeeze %dma_start3A_214 : memref<1x16x2048xf32, #tpu.memory_space<hbm>> -> memref<16x2048xf32, #tpu.memory_space<hbm>>
    tpu.enqueue_dma source(%arg8 : memref<16x2048xf32, #tpu.memory_space<vmem>>) target(%dma_start3A_215 : memref<16x2048xf32, #tpu.memory_space<hbm>>) target_semaphore(%arg12 : memref<!tpu.dma_semaphore, #tpu.memory_space<semaphore_mem>>)
    %dma_wait3A_216 = arith.constant 3 : i32
    %dma_wait3A_217 = arith.constant 0 : i32
    %dma_wait3A_218 = tpu.memref_slice %arg4[%dma_wait3A_216, %add3A_194, %dma_wait3A_217] : memref<4x1024x2048xf32, #tpu.memory_space<hbm>> -> memref<1x16x2048xf32, #tpu.memory_space<hbm>>
    %dma_wait3A_219 = tpu.memref_squeeze %dma_wait3A_218 : memref<1x16x2048xf32, #tpu.memory_space<hbm>> -> memref<16x2048xf32, #tpu.memory_space<hbm>>
    %dma_wait3A_220 = arith.constant 0 : i32
    %dma_wait3A_221 = tpu.memref_slice %arg4[%dma_wait3A_216, %add3A_194, %dma_wait3A_220] : memref<4x1024x2048xf32, #tpu.memory_space<hbm>> -> memref<1x16x2048xf32, #tpu.memory_space<hbm>>
    %dma_wait3A_222 = tpu.memref_squeeze %dma_wait3A_221 : memref<1x16x2048xf32, #tpu.memory_space<hbm>> -> memref<16x2048xf32, #tpu.memory_space<hbm>>
    tpu.wait_dma2 semaphore(%arg11 : memref<!tpu.dma_semaphore, #tpu.memory_space<semaphore_mem>>) src(%arg7 : memref<16x2048xf32, #tpu.memory_space<vmem>>) dst(%dma_wait3A_222 : memref<16x2048xf32, #tpu.memory_space<hbm>>)
    %dma_wait3A_223 = arith.constant 3 : i32
    %dma_wait3A_224 = arith.constant 0 : i32
    %dma_wait3A_225 = tpu.memref_slice %arg4[%dma_wait3A_223, %add3A_208, %dma_wait3A_224] : memref<4x1024x2048xf32, #tpu.memory_space<hbm>> -> memref<1x16x2048xf32, #tpu.memory_space<hbm>>
    %dma_wait3A_226 = tpu.memref_squeeze %dma_wait3A_225 : memref<1x16x2048xf32, #tpu.memory_space<hbm>> -> memref<16x2048xf32, #tpu.memory_space<hbm>>
    %dma_wait3A_227 = arith.constant 0 : i32
    %dma_wait3A_228 = tpu.memref_slice %arg4[%dma_wait3A_223, %add3A_208, %dma_wait3A_227] : memref<4x1024x2048xf32, #tpu.memory_space<hbm>> -> memref<1x16x2048xf32, #tpu.memory_space<hbm>>
    %dma_wait3A_229 = tpu.memref_squeeze %dma_wait3A_228 : memref<1x16x2048xf32, #tpu.memory_space<hbm>> -> memref<16x2048xf32, #tpu.memory_space<hbm>>
    tpu.wait_dma2 semaphore(%arg12 : memref<!tpu.dma_semaphore, #tpu.memory_space<semaphore_mem>>) src(%arg8 : memref<16x2048xf32, #tpu.memory_space<vmem>>) dst(%dma_wait3A_229 : memref<16x2048xf32, #tpu.memory_space<hbm>>)
    return
  }
}

#map = affine_map<(d0, d1) -> (0, 0)>
#map1 = affine_map<(d0, d1) -> (0)>
module attributes {stable_mosaic.version = 14 : i64} {
  func.func @new_body(%arg0: i32, %arg1: i32, %arg2: memref<8192x2048xf32, #tpu.memory_space<hbm>>, %arg3: memref<2048x2048xf32, #tpu.memory_space<hbm>>, %arg4: memref<2048xi32, #tpu.memory_space<hbm>>, %arg5: memref<8192x2048xf32, #tpu.memory_space<hbm>>, %arg6: memref<8xi32, #tpu.memory_space<vmem>>, %arg7: memref<8xi32, #tpu.memory_space<vmem>>, %arg8: memref<8x2048xf32, #tpu.memory_space<vmem>>, %arg9: memref<8x2048xf32, #tpu.memory_space<vmem>>, %arg10: memref<8x2048xf32, #tpu.memory_space<vmem>>, %arg11: memref<8x2048xf32, #tpu.memory_space<vmem>>, %arg12: memref<!tpu.dma_semaphore, #tpu.memory_space<semaphore_mem>>, %arg13: memref<!tpu.dma_semaphore, #tpu.memory_space<semaphore_mem>>, %arg14: memref<!tpu.dma_semaphore, #tpu.memory_space<semaphore_mem>>, %arg15: memref<!tpu.dma_semaphore, #tpu.memory_space<semaphore_mem>>, %arg16: memref<!tpu.dma_semaphore, #tpu.memory_space<semaphore_mem>>, %arg17: memref<!tpu.dma_semaphore, #tpu.memory_space<semaphore_mem>>) attributes {dimension_semantics = [#tpu.dimension_semantics<core_parallel>, #tpu.dimension_semantics<subcore_parallel>], iteration_bounds = array<i64: 2, 16>, scalar_prefetch = 0 : i64, scratch_operands = 12 : i64, tpu.core_type = #tpu.core_type<sc_vector_subcore>, window_params = [{transform_indices = #map}, {transform_indices = #map}, {transform_indices = #map1}, {transform_indices = #map}]} {
    %mul3A = arith.constant 2 : i32
    %mul3A_0 = arith.muli %arg1, %mul3A : i32
    %add3A = arith.addi %mul3A_0, %arg0 : i32
    %mul3A_1 = arith.constant 64 : i32
    %mul3A_2 = arith.muli %add3A, %mul3A_1 : i32
    %add3A_3 = arith.constant 0 : i32
    %add3A_4 = arith.addi %mul3A_2, %add3A_3 : i32
    "tpu.region"() ({
      %run_scoped3A = tpu.sem_alloc : memref<!tpu.dma_semaphore, #tpu.memory_space<semaphore_mem>>
      %dma_start3A_230 = tpu.memref_slice %arg4[%add3A_4] : memref<2048xi32, #tpu.memory_space<hbm>> -> memref<8xi32, #tpu.memory_space<hbm>>
      %dma_start3A_231 = tpu.memref_slice %arg4[%add3A_4] : memref<2048xi32, #tpu.memory_space<hbm>> -> memref<8xi32, #tpu.memory_space<hbm>>
      tpu.enqueue_dma source(%dma_start3A_231 : memref<8xi32, #tpu.memory_space<hbm>>) target(%arg6 : memref<8xi32, #tpu.memory_space<vmem>>) target_semaphore(%run_scoped3A : memref<!tpu.dma_semaphore, #tpu.memory_space<semaphore_mem>>)
      %dma_wait3A_232 = tpu.memref_slice %arg4[%add3A_4] : memref<2048xi32, #tpu.memory_space<hbm>> -> memref<8xi32, #tpu.memory_space<hbm>>
      %dma_wait3A_233 = tpu.memref_slice %arg4[%add3A_4] : memref<2048xi32, #tpu.memory_space<hbm>> -> memref<8xi32, #tpu.memory_space<hbm>>
      tpu.wait_dma2 semaphore(%run_scoped3A : memref<!tpu.dma_semaphore, #tpu.memory_space<semaphore_mem>>) src(%dma_wait3A_233 : memref<8xi32, #tpu.memory_space<hbm>>) dst(%arg6 : memref<8xi32, #tpu.memory_space<vmem>>)
      tpu.yield
    }) : () -> ()
    %dma_start3A = arith.constant 0 : i32
    %dma_start3A_5 = arith.constant 0 : i32
    %dma_start3A_6 = tpu.memref_slice %arg2[%dma_start3A, %dma_start3A_5] : memref<8192x2048xf32, #tpu.memory_space<hbm>> -> memref<8192x2048xf32, #tpu.memory_space<hbm>>
    tpu.enqueue_indirect_dma source(%dma_start3A_6 : memref<8192x2048xf32, #tpu.memory_space<hbm>>) target(%arg8 : memref<8x2048xf32, #tpu.memory_space<vmem>>) offsets(%arg6 : memref<8xi32, #tpu.memory_space<vmem>>) semaphore(%arg12 : memref<!tpu.dma_semaphore, #tpu.memory_space<semaphore_mem>>)
    %dma_start3A_7 = arith.constant 0 : i32
    %dma_start3A_8 = tpu.memref_slice %arg3[%add3A_4, %dma_start3A_7] : memref<2048x2048xf32, #tpu.memory_space<hbm>> -> memref<8x2048xf32, #tpu.memory_space<hbm>>
    %dma_start3A_9 = arith.constant 0 : i32
    %dma_start3A_10 = tpu.memref_slice %arg3[%add3A_4, %dma_start3A_9] : memref<2048x2048xf32, #tpu.memory_space<hbm>> -> memref<8x2048xf32, #tpu.memory_space<hbm>>
    tpu.enqueue_dma source(%dma_start3A_10 : memref<8x2048xf32, #tpu.memory_space<hbm>>) target(%arg10 : memref<8x2048xf32, #tpu.memory_space<vmem>>) target_semaphore(%arg14 : memref<!tpu.dma_semaphore, #tpu.memory_space<semaphore_mem>>)
    %mul3A_11 = arith.constant 64 : i32
    %mul3A_12 = arith.muli %add3A, %mul3A_11 : i32
    %add3A_13 = arith.constant 8 : i32
    %add3A_14 = arith.addi %mul3A_12, %add3A_13 : i32
    "tpu.region"() ({
      %run_scoped3A = tpu.sem_alloc : memref<!tpu.dma_semaphore, #tpu.memory_space<semaphore_mem>>
      %dma_start3A_230 = tpu.memref_slice %arg4[%add3A_14] : memref<2048xi32, #tpu.memory_space<hbm>> -> memref<8xi32, #tpu.memory_space<hbm>>
      %dma_start3A_231 = tpu.memref_slice %arg4[%add3A_14] : memref<2048xi32, #tpu.memory_space<hbm>> -> memref<8xi32, #tpu.memory_space<hbm>>
      tpu.enqueue_dma source(%dma_start3A_231 : memref<8xi32, #tpu.memory_space<hbm>>) target(%arg7 : memref<8xi32, #tpu.memory_space<vmem>>) target_semaphore(%run_scoped3A : memref<!tpu.dma_semaphore, #tpu.memory_space<semaphore_mem>>)
      %dma_wait3A_232 = tpu.memref_slice %arg4[%add3A_14] : memref<2048xi32, #tpu.memory_space<hbm>> -> memref<8xi32, #tpu.memory_space<hbm>>
      %dma_wait3A_233 = tpu.memref_slice %arg4[%add3A_14] : memref<2048xi32, #tpu.memory_space<hbm>> -> memref<8xi32, #tpu.memory_space<hbm>>
      tpu.wait_dma2 semaphore(%run_scoped3A : memref<!tpu.dma_semaphore, #tpu.memory_space<semaphore_mem>>) src(%dma_wait3A_233 : memref<8xi32, #tpu.memory_space<hbm>>) dst(%arg7 : memref<8xi32, #tpu.memory_space<vmem>>)
      tpu.yield
    }) : () -> ()
    %dma_start3A_15 = arith.constant 0 : i32
    %dma_start3A_16 = arith.constant 0 : i32
    %dma_start3A_17 = tpu.memref_slice %arg2[%dma_start3A_15, %dma_start3A_16] : memref<8192x2048xf32, #tpu.memory_space<hbm>> -> memref<8192x2048xf32, #tpu.memory_space<hbm>>
    tpu.enqueue_indirect_dma source(%dma_start3A_17 : memref<8192x2048xf32, #tpu.memory_space<hbm>>) target(%arg9 : memref<8x2048xf32, #tpu.memory_space<vmem>>) offsets(%arg7 : memref<8xi32, #tpu.memory_space<vmem>>) semaphore(%arg13 : memref<!tpu.dma_semaphore, #tpu.memory_space<semaphore_mem>>)
    %dma_start3A_18 = arith.constant 0 : i32
    %dma_start3A_19 = tpu.memref_slice %arg3[%add3A_14, %dma_start3A_18] : memref<2048x2048xf32, #tpu.memory_space<hbm>> -> memref<8x2048xf32, #tpu.memory_space<hbm>>
    %dma_start3A_20 = arith.constant 0 : i32
    %dma_start3A_21 = tpu.memref_slice %arg3[%add3A_14, %dma_start3A_20] : memref<2048x2048xf32, #tpu.memory_space<hbm>> -> memref<8x2048xf32, #tpu.memory_space<hbm>>
    tpu.enqueue_dma source(%dma_start3A_21 : memref<8x2048xf32, #tpu.memory_space<hbm>>) target(%arg11 : memref<8x2048xf32, #tpu.memory_space<vmem>>) target_semaphore(%arg15 : memref<!tpu.dma_semaphore, #tpu.memory_space<semaphore_mem>>)
    %dma_wait3A = arith.constant 0 : i32
    %dma_wait3A_22 = arith.constant 0 : i32
    %dma_wait3A_23 = tpu.memref_slice %arg2[%dma_wait3A, %dma_wait3A_22] : memref<8192x2048xf32, #tpu.memory_space<hbm>> -> memref<8192x2048xf32, #tpu.memory_space<hbm>>
    tpu.wait_indirect_dma semaphore(%arg12 : memref<!tpu.dma_semaphore, #tpu.memory_space<semaphore_mem>>) src(%dma_wait3A_23 : memref<8192x2048xf32, #tpu.memory_space<hbm>>) dst(%arg8 : memref<8x2048xf32, #tpu.memory_space<vmem>>)
    %dma_wait3A_24 = arith.constant 0 : i32
    %dma_wait3A_25 = tpu.memref_slice %arg3[%add3A_4, %dma_wait3A_24] : memref<2048x2048xf32, #tpu.memory_space<hbm>> -> memref<8x2048xf32, #tpu.memory_space<hbm>>
    %dma_wait3A_26 = arith.constant 0 : i32
    %dma_wait3A_27 = tpu.memref_slice %arg3[%add3A_4, %dma_wait3A_26] : memref<2048x2048xf32, #tpu.memory_space<hbm>> -> memref<8x2048xf32, #tpu.memory_space<hbm>>
    tpu.wait_dma2 semaphore(%arg14 : memref<!tpu.dma_semaphore, #tpu.memory_space<semaphore_mem>>) src(%dma_wait3A_27 : memref<8x2048xf32, #tpu.memory_space<hbm>>) dst(%arg10 : memref<8x2048xf32, #tpu.memory_space<vmem>>)
    %scan3A = arith.constant 0 : i32
    %scan3A_28 = arith.constant 8 : i32
    %scan3A_29 = arith.addi %scan3A, %scan3A_28 : i32
    %scan3A_30 = arith.constant 1 : i32
    scf.for %scan3A_230 = %scan3A to %scan3A_29 step %scan3A_30  : i32 {
      %mul3A_231 = arith.constant 1 : i32
      %mul3A_232 = arith.muli %scan3A_230, %mul3A_231 : i32
      %add3A_233 = arith.constant 0 : i32
      %add3A_234 = arith.addi %add3A_233, %mul3A_232 : i32
      %scan3A_235 = arith.constant 0 : i32
      %scan3A_236 = arith.constant 128 : i32
      %scan3A_237 = arith.addi %scan3A_235, %scan3A_236 : i32
      %scan3A_238 = arith.constant 8 : i32
      scf.for %scan3A_240 = %scan3A_235 to %scan3A_237 step %scan3A_238  : i32 {
        %mul3A_241 = arith.constant 1 : i32
        %mul3A_242 = arith.muli %scan3A_240, %mul3A_241 : i32
        %add3A_243 = arith.constant 0 : i32
        %add3A_244 = arith.addi %add3A_243, %mul3A_242 : i32
        %mul3A_245 = arith.constant 16 : i32
        %mul3A_246 = arith.muli %add3A_244, %mul3A_245 : i32
        %get3A = arith.index_cast %add3A_234 : i32 to index
        %get3A_247 = arith.index_cast %mul3A_246 : i32 to index
        %get3A_248 = tpu.vector_load %arg8[%get3A, %get3A_247] {strides = array<i32>} : memref<8x2048xf32, #tpu.memory_space<vmem>>, vector<16xf32>,
        %get3A_249 = arith.index_cast %add3A_234 : i32 to index
        %get3A_250 = arith.index_cast %mul3A_246 : i32 to index
        %get3A_251 = tpu.vector_load %arg10[%get3A_249, %get3A_250] {strides = array<i32>} : memref<8x2048xf32, #tpu.memory_space<vmem>>, vector<16xf32>,
        %add3A_252 = arith.addf %get3A_248, %get3A_251 : vector<16xf32>
        %swap3A = arith.index_cast %add3A_234 : i32 to index
        %swap3A_253 = arith.index_cast %mul3A_246 : i32 to index
        %swap3A_254 = tpu.vector_load %arg8[%swap3A, %swap3A_253] {strides = array<i32>} : memref<8x2048xf32, #tpu.memory_space<vmem>>, vector<16xf32>,
        tpu.vector_store %arg8[%swap3A, %swap3A_253], %add3A_252 {strides = array<i32>} : memref<8x2048xf32, #tpu.memory_space<vmem>>, vector<16xf32>,
        %scan3A_255 = arith.constant 1 : i32
        %scan3A_256 = arith.addi %scan3A_240, %scan3A_255 : i32
        %mul3A_257 = arith.constant 1 : i32
        %mul3A_258 = arith.muli %scan3A_256, %mul3A_257 : i32
        %add3A_259 = arith.constant 0 : i32
        %add3A_260 = arith.addi %add3A_259, %mul3A_258 : i32
        %mul3A_261 = arith.constant 16 : i32
        %mul3A_262 = arith.muli %add3A_260, %mul3A_261 : i32
        %get3A_263 = arith.index_cast %add3A_234 : i32 to index
        %get3A_264 = arith.index_cast %mul3A_262 : i32 to index
        %get3A_265 = tpu.vector_load %arg8[%get3A_263, %get3A_264] {strides = array<i32>} : memref<8x2048xf32, #tpu.memory_space<vmem>>, vector<16xf32>,
        %get3A_266 = arith.index_cast %add3A_234 : i32 to index
        %get3A_267 = arith.index_cast %mul3A_262 : i32 to index
        %get3A_268 = tpu.vector_load %arg10[%get3A_266, %get3A_267] {strides = array<i32>} : memref<8x2048xf32, #tpu.memory_space<vmem>>, vector<16xf32>,
        %add3A_269 = arith.addf %get3A_265, %get3A_268 : vector<16xf32>
        %swap3A_270 = arith.index_cast %add3A_234 : i32 to index
        %swap3A_271 = arith.index_cast %mul3A_262 : i32 to index
        %swap3A_272 = tpu.vector_load %arg8[%swap3A_270, %swap3A_271] {strides = array<i32>} : memref<8x2048xf32, #tpu.memory_space<vmem>>, vector<16xf32>,
        tpu.vector_store %arg8[%swap3A_270, %swap3A_271], %add3A_269 {strides = array<i32>} : memref<8x2048xf32, #tpu.memory_space<vmem>>, vector<16xf32>,
        %scan3A_273 = arith.constant 2 : i32
        %scan3A_274 = arith.addi %scan3A_240, %scan3A_273 : i32
        %mul3A_275 = arith.constant 1 : i32
        %mul3A_276 = arith.muli %scan3A_274, %mul3A_275 : i32
        %add3A_277 = arith.constant 0 : i32
        %add3A_278 = arith.addi %add3A_277, %mul3A_276 : i32
        %mul3A_279 = arith.constant 16 : i32
        %mul3A_280 = arith.muli %add3A_278, %mul3A_279 : i32
        %get3A_281 = arith.index_cast %add3A_234 : i32 to index
        %get3A_282 = arith.index_cast %mul3A_280 : i32 to index
        %get3A_283 = tpu.vector_load %arg8[%get3A_281, %get3A_282] {strides = array<i32>} : memref<8x2048xf32, #tpu.memory_space<vmem>>, vector<16xf32>,
        %get3A_284 = arith.index_cast %add3A_234 : i32 to index
        %get3A_285 = arith.index_cast %mul3A_280 : i32 to index
        %get3A_286 = tpu.vector_load %arg10[%get3A_284, %get3A_285] {strides = array<i32>} : memref<8x2048xf32, #tpu.memory_space<vmem>>, vector<16xf32>,
        %add3A_287 = arith.addf %get3A_283, %get3A_286 : vector<16xf32>
        %swap3A_288 = arith.index_cast %add3A_234 : i32 to index
        %swap3A_289 = arith.index_cast %mul3A_280 : i32 to index
        %swap3A_290 = tpu.vector_load %arg8[%swap3A_288, %swap3A_289] {strides = array<i32>} : memref<8x2048xf32, #tpu.memory_space<vmem>>, vector<16xf32>,
        tpu.vector_store %arg8[%swap3A_288, %swap3A_289], %add3A_287 {strides = array<i32>} : memref<8x2048xf32, #tpu.memory_space<vmem>>, vector<16xf32>,
        %scan3A_291 = arith.constant 3 : i32
        %scan3A_292 = arith.addi %scan3A_240, %scan3A_291 : i32
        %mul3A_293 = arith.constant 1 : i32
        %mul3A_294 = arith.muli %scan3A_292, %mul3A_293 : i32
        %add3A_295 = arith.constant 0 : i32
        %add3A_296 = arith.addi %add3A_295, %mul3A_294 : i32
        %mul3A_297 = arith.constant 16 : i32
        %mul3A_298 = arith.muli %add3A_296, %mul3A_297 : i32
        %get3A_299 = arith.index_cast %add3A_234 : i32 to index
        %get3A_300 = arith.index_cast %mul3A_298 : i32 to index
        %get3A_301 = tpu.vector_load %arg8[%get3A_299, %get3A_300] {strides = array<i32>} : memref<8x2048xf32, #tpu.memory_space<vmem>>, vector<16xf32>,
        %get3A_302 = arith.index_cast %add3A_234 : i32 to index
        %get3A_303 = arith.index_cast %mul3A_298 : i32 to index
        %get3A_304 = tpu.vector_load %arg10[%get3A_302, %get3A_303] {strides = array<i32>} : memref<8x2048xf32, #tpu.memory_space<vmem>>, vector<16xf32>,
        %add3A_305 = arith.addf %get3A_301, %get3A_304 : vector<16xf32>
        %swap3A_306 = arith.index_cast %add3A_234 : i32 to index
        %swap3A_307 = arith.index_cast %mul3A_298 : i32 to index
        %swap3A_308 = tpu.vector_load %arg8[%swap3A_306, %swap3A_307] {strides = array<i32>} : memref<8x2048xf32, #tpu.memory_space<vmem>>, vector<16xf32>,
        tpu.vector_store %arg8[%swap3A_306, %swap3A_307], %add3A_305 {strides = array<i32>} : memref<8x2048xf32, #tpu.memory_space<vmem>>, vector<16xf32>,
        %scan3A_309 = arith.constant 4 : i32
        %scan3A_310 = arith.addi %scan3A_240, %scan3A_309 : i32
        %mul3A_311 = arith.constant 1 : i32
        %mul3A_312 = arith.muli %scan3A_310, %mul3A_311 : i32
        %add3A_313 = arith.constant 0 : i32
        %add3A_314 = arith.addi %add3A_313, %mul3A_312 : i32
        %mul3A_315 = arith.constant 16 : i32
        %mul3A_316 = arith.muli %add3A_314, %mul3A_315 : i32
        %get3A_317 = arith.index_cast %add3A_234 : i32 to index
        %get3A_318 = arith.index_cast %mul3A_316 : i32 to index
        %get3A_319 = tpu.vector_load %arg8[%get3A_317, %get3A_318] {strides = array<i32>} : memref<8x2048xf32, #tpu.memory_space<vmem>>, vector<16xf32>,
        %get3A_320 = arith.index_cast %add3A_234 : i32 to index
        %get3A_321 = arith.index_cast %mul3A_316 : i32 to index
        %get3A_322 = tpu.vector_load %arg10[%get3A_320, %get3A_321] {strides = array<i32>} : memref<8x2048xf32, #tpu.memory_space<vmem>>, vector<16xf32>,
        %add3A_323 = arith.addf %get3A_319, %get3A_322 : vector<16xf32>
        %swap3A_324 = arith.index_cast %add3A_234 : i32 to index
        %swap3A_325 = arith.index_cast %mul3A_316 : i32 to index
        %swap3A_326 = tpu.vector_load %arg8[%swap3A_324, %swap3A_325] {strides = array<i32>} : memref<8x2048xf32, #tpu.memory_space<vmem>>, vector<16xf32>,
        tpu.vector_store %arg8[%swap3A_324, %swap3A_325], %add3A_323 {strides = array<i32>} : memref<8x2048xf32, #tpu.memory_space<vmem>>, vector<16xf32>,
        %scan3A_327 = arith.constant 5 : i32
        %scan3A_328 = arith.addi %scan3A_240, %scan3A_327 : i32
        %mul3A_329 = arith.constant 1 : i32
        %mul3A_330 = arith.muli %scan3A_328, %mul3A_329 : i32
        %add3A_331 = arith.constant 0 : i32
        %add3A_332 = arith.addi %add3A_331, %mul3A_330 : i32
        %mul3A_333 = arith.constant 16 : i32
        %mul3A_334 = arith.muli %add3A_332, %mul3A_333 : i32
        %get3A_335 = arith.index_cast %add3A_234 : i32 to index
        %get3A_336 = arith.index_cast %mul3A_334 : i32 to index
        %get3A_337 = tpu.vector_load %arg8[%get3A_335, %get3A_336] {strides = array<i32>} : memref<8x2048xf32, #tpu.memory_space<vmem>>, vector<16xf32>,
        %get3A_338 = arith.index_cast %add3A_234 : i32 to index
        %get3A_339 = arith.index_cast %mul3A_334 : i32 to index
        %get3A_340 = tpu.vector_load %arg10[%get3A_338, %get3A_339] {strides = array<i32>} : memref<8x2048xf32, #tpu.memory_space<vmem>>, vector<16xf32>,
        %add3A_341 = arith.addf %get3A_337, %get3A_340 : vector<16xf32>
        %swap3A_342 = arith.index_cast %add3A_234 : i32 to index
        %swap3A_343 = arith.index_cast %mul3A_334 : i32 to index
        %swap3A_344 = tpu.vector_load %arg8[%swap3A_342, %swap3A_343] {strides = array<i32>} : memref<8x2048xf32, #tpu.memory_space<vmem>>, vector<16xf32>,
        tpu.vector_store %arg8[%swap3A_342, %swap3A_343], %add3A_341 {strides = array<i32>} : memref<8x2048xf32, #tpu.memory_space<vmem>>, vector<16xf32>,
        %scan3A_345 = arith.constant 6 : i32
        %scan3A_346 = arith.addi %scan3A_240, %scan3A_345 : i32
        %mul3A_347 = arith.constant 1 : i32
        %mul3A_348 = arith.muli %scan3A_346, %mul3A_347 : i32
        %add3A_349 = arith.constant 0 : i32
        %add3A_350 = arith.addi %add3A_349, %mul3A_348 : i32
        %mul3A_351 = arith.constant 16 : i32
        %mul3A_352 = arith.muli %add3A_350, %mul3A_351 : i32
        %get3A_353 = arith.index_cast %add3A_234 : i32 to index
        %get3A_354 = arith.index_cast %mul3A_352 : i32 to index
        %get3A_355 = tpu.vector_load %arg8[%get3A_353, %get3A_354] {strides = array<i32>} : memref<8x2048xf32, #tpu.memory_space<vmem>>, vector<16xf32>,
        %get3A_356 = arith.index_cast %add3A_234 : i32 to index
        %get3A_357 = arith.index_cast %mul3A_352 : i32 to index
        %get3A_358 = tpu.vector_load %arg10[%get3A_356, %get3A_357] {strides = array<i32>} : memref<8x2048xf32, #tpu.memory_space<vmem>>, vector<16xf32>,
        %add3A_359 = arith.addf %get3A_355, %get3A_358 : vector<16xf32>
        %swap3A_360 = arith.index_cast %add3A_234 : i32 to index
        %swap3A_361 = arith.index_cast %mul3A_352 : i32 to index
        %swap3A_362 = tpu.vector_load %arg8[%swap3A_360, %swap3A_361] {strides = array<i32>} : memref<8x2048xf32, #tpu.memory_space<vmem>>, vector<16xf32>,
        tpu.vector_store %arg8[%swap3A_360, %swap3A_361], %add3A_359 {strides = array<i32>} : memref<8x2048xf32, #tpu.memory_space<vmem>>, vector<16xf32>,
        %scan3A_363 = arith.constant 7 : i32
        %scan3A_364 = arith.addi %scan3A_240, %scan3A_363 : i32
        %mul3A_365 = arith.constant 1 : i32
        %mul3A_366 = arith.muli %scan3A_364, %mul3A_365 : i32
        %add3A_367 = arith.constant 0 : i32
        %add3A_368 = arith.addi %add3A_367, %mul3A_366 : i32
        %mul3A_369 = arith.constant 16 : i32
        %mul3A_370 = arith.muli %add3A_368, %mul3A_369 : i32
        %get3A_371 = arith.index_cast %add3A_234 : i32 to index
        %get3A_372 = arith.index_cast %mul3A_370 : i32 to index
        %get3A_373 = tpu.vector_load %arg8[%get3A_371, %get3A_372] {strides = array<i32>} : memref<8x2048xf32, #tpu.memory_space<vmem>>, vector<16xf32>,
        %get3A_374 = arith.index_cast %add3A_234 : i32 to index
        %get3A_375 = arith.index_cast %mul3A_370 : i32 to index
        %get3A_376 = tpu.vector_load %arg10[%get3A_374, %get3A_375] {strides = array<i32>} : memref<8x2048xf32, #tpu.memory_space<vmem>>, vector<16xf32>,
        %add3A_377 = arith.addf %get3A_373, %get3A_376 : vector<16xf32>
        %swap3A_378 = arith.index_cast %add3A_234 : i32 to index
        %swap3A_379 = arith.index_cast %mul3A_370 : i32 to index
        %swap3A_380 = tpu.vector_load %arg8[%swap3A_378, %swap3A_379] {strides = array<i32>} : memref<8x2048xf32, #tpu.memory_space<vmem>>, vector<16xf32>,
        tpu.vector_store %arg8[%swap3A_378, %swap3A_379], %add3A_377 {strides = array<i32>} : memref<8x2048xf32, #tpu.memory_space<vmem>>, vector<16xf32>,
      }
      %scan3A_239 = arith.constant 128 : i32
    }
    %scan3A_31 = arith.constant 8 : i32
    %dma_start3A_32 = arith.constant 0 : i32
    %dma_start3A_33 = arith.constant 0 : i32
    %dma_start3A_34 = tpu.memref_slice %arg2[%dma_start3A_32, %dma_start3A_33] : memref<8192x2048xf32, #tpu.memory_space<hbm>> -> memref<8192x2048xf32, #tpu.memory_space<hbm>>
    tpu.enqueue_indirect_dma source(%arg8 : memref<8x2048xf32, #tpu.memory_space<vmem>>) target(%dma_start3A_34 : memref<8192x2048xf32, #tpu.memory_space<hbm>>) offsets(%arg6 : memref<8xi32, #tpu.memory_space<vmem>>) semaphore(%arg16 : memref<!tpu.dma_semaphore, #tpu.memory_space<semaphore_mem>>)
    %dma_wait3A_35 = arith.constant 0 : i32
    %dma_wait3A_36 = arith.constant 0 : i32
    %dma_wait3A_37 = tpu.memref_slice %arg2[%dma_wait3A_35, %dma_wait3A_36] : memref<8192x2048xf32, #tpu.memory_space<hbm>> -> memref<8192x2048xf32, #tpu.memory_space<hbm>>
    tpu.wait_indirect_dma semaphore(%arg16 : memref<!tpu.dma_semaphore, #tpu.memory_space<semaphore_mem>>) src(%arg8 : memref<8x2048xf32, #tpu.memory_space<vmem>>) dst(%dma_wait3A_37 : memref<8192x2048xf32, #tpu.memory_space<hbm>>)
    %mul3A_38 = arith.constant 64 : i32
    %mul3A_39 = arith.muli %add3A, %mul3A_38 : i32
    %add3A_40 = arith.constant 16 : i32
    %add3A_41 = arith.addi %mul3A_39, %add3A_40 : i32
    "tpu.region"() ({
      %run_scoped3A = tpu.sem_alloc : memref<!tpu.dma_semaphore, #tpu.memory_space<semaphore_mem>>
      %dma_start3A_230 = tpu.memref_slice %arg4[%add3A_41] : memref<2048xi32, #tpu.memory_space<hbm>> -> memref<8xi32, #tpu.memory_space<hbm>>
      %dma_start3A_231 = tpu.memref_slice %arg4[%add3A_41] : memref<2048xi32, #tpu.memory_space<hbm>> -> memref<8xi32, #tpu.memory_space<hbm>>
      tpu.enqueue_dma source(%dma_start3A_231 : memref<8xi32, #tpu.memory_space<hbm>>) target(%arg6 : memref<8xi32, #tpu.memory_space<vmem>>) target_semaphore(%run_scoped3A : memref<!tpu.dma_semaphore, #tpu.memory_space<semaphore_mem>>)
      %dma_wait3A_232 = tpu.memref_slice %arg4[%add3A_41] : memref<2048xi32, #tpu.memory_space<hbm>> -> memref<8xi32, #tpu.memory_space<hbm>>
      %dma_wait3A_233 = tpu.memref_slice %arg4[%add3A_41] : memref<2048xi32, #tpu.memory_space<hbm>> -> memref<8xi32, #tpu.memory_space<hbm>>
      tpu.wait_dma2 semaphore(%run_scoped3A : memref<!tpu.dma_semaphore, #tpu.memory_space<semaphore_mem>>) src(%dma_wait3A_233 : memref<8xi32, #tpu.memory_space<hbm>>) dst(%arg6 : memref<8xi32, #tpu.memory_space<vmem>>)
      tpu.yield
    }) : () -> ()
    %dma_start3A_42 = arith.constant 0 : i32
    %dma_start3A_43 = arith.constant 0 : i32
    %dma_start3A_44 = tpu.memref_slice %arg2[%dma_start3A_42, %dma_start3A_43] : memref<8192x2048xf32, #tpu.memory_space<hbm>> -> memref<8192x2048xf32, #tpu.memory_space<hbm>>
    tpu.enqueue_indirect_dma source(%dma_start3A_44 : memref<8192x2048xf32, #tpu.memory_space<hbm>>) target(%arg8 : memref<8x2048xf32, #tpu.memory_space<vmem>>) offsets(%arg6 : memref<8xi32, #tpu.memory_space<vmem>>) semaphore(%arg12 : memref<!tpu.dma_semaphore, #tpu.memory_space<semaphore_mem>>)
    %dma_start3A_45 = arith.constant 0 : i32
    %dma_start3A_46 = tpu.memref_slice %arg3[%add3A_41, %dma_start3A_45] : memref<2048x2048xf32, #tpu.memory_space<hbm>> -> memref<8x2048xf32, #tpu.memory_space<hbm>>
    %dma_start3A_47 = arith.constant 0 : i32
    %dma_start3A_48 = tpu.memref_slice %arg3[%add3A_41, %dma_start3A_47] : memref<2048x2048xf32, #tpu.memory_space<hbm>> -> memref<8x2048xf32, #tpu.memory_space<hbm>>
    tpu.enqueue_dma source(%dma_start3A_48 : memref<8x2048xf32, #tpu.memory_space<hbm>>) target(%arg10 : memref<8x2048xf32, #tpu.memory_space<vmem>>) target_semaphore(%arg14 : memref<!tpu.dma_semaphore, #tpu.memory_space<semaphore_mem>>)
    %dma_wait3A_49 = arith.constant 0 : i32
    %dma_wait3A_50 = arith.constant 0 : i32
    %dma_wait3A_51 = tpu.memref_slice %arg2[%dma_wait3A_49, %dma_wait3A_50] : memref<8192x2048xf32, #tpu.memory_space<hbm>> -> memref<8192x2048xf32, #tpu.memory_space<hbm>>
    tpu.wait_indirect_dma semaphore(%arg13 : memref<!tpu.dma_semaphore, #tpu.memory_space<semaphore_mem>>) src(%dma_wait3A_51 : memref<8192x2048xf32, #tpu.memory_space<hbm>>) dst(%arg9 : memref<8x2048xf32, #tpu.memory_space<vmem>>)
    %dma_wait3A_52 = arith.constant 0 : i32
    %dma_wait3A_53 = tpu.memref_slice %arg3[%add3A_14, %dma_wait3A_52] : memref<2048x2048xf32, #tpu.memory_space<hbm>> -> memref<8x2048xf32, #tpu.memory_space<hbm>>
    %dma_wait3A_54 = arith.constant 0 : i32
    %dma_wait3A_55 = tpu.memref_slice %arg3[%add3A_14, %dma_wait3A_54] : memref<2048x2048xf32, #tpu.memory_space<hbm>> -> memref<8x2048xf32, #tpu.memory_space<hbm>>
    tpu.wait_dma2 semaphore(%arg15 : memref<!tpu.dma_semaphore, #tpu.memory_space<semaphore_mem>>) src(%dma_wait3A_55 : memref<8x2048xf32, #tpu.memory_space<hbm>>) dst(%arg11 : memref<8x2048xf32, #tpu.memory_space<vmem>>)
    %scan3A_56 = arith.constant 0 : i32
    %scan3A_57 = arith.constant 8 : i32
    %scan3A_58 = arith.addi %scan3A_56, %scan3A_57 : i32
    %scan3A_59 = arith.constant 1 : i32
    scf.for %scan3A_230 = %scan3A_56 to %scan3A_58 step %scan3A_59  : i32 {
      %mul3A_231 = arith.constant 1 : i32
      %mul3A_232 = arith.muli %scan3A_230, %mul3A_231 : i32
      %add3A_233 = arith.constant 0 : i32
      %add3A_234 = arith.addi %add3A_233, %mul3A_232 : i32
      %scan3A_235 = arith.constant 0 : i32
      %scan3A_236 = arith.constant 128 : i32
      %scan3A_237 = arith.addi %scan3A_235, %scan3A_236 : i32
      %scan3A_238 = arith.constant 8 : i32
      scf.for %scan3A_240 = %scan3A_235 to %scan3A_237 step %scan3A_238  : i32 {
        %mul3A_241 = arith.constant 1 : i32
        %mul3A_242 = arith.muli %scan3A_240, %mul3A_241 : i32
        %add3A_243 = arith.constant 0 : i32
        %add3A_244 = arith.addi %add3A_243, %mul3A_242 : i32
        %mul3A_245 = arith.constant 16 : i32
        %mul3A_246 = arith.muli %add3A_244, %mul3A_245 : i32
        %get3A = arith.index_cast %add3A_234 : i32 to index
        %get3A_247 = arith.index_cast %mul3A_246 : i32 to index
        %get3A_248 = tpu.vector_load %arg9[%get3A, %get3A_247] {strides = array<i32>} : memref<8x2048xf32, #tpu.memory_space<vmem>>, vector<16xf32>,
        %get3A_249 = arith.index_cast %add3A_234 : i32 to index
        %get3A_250 = arith.index_cast %mul3A_246 : i32 to index
        %get3A_251 = tpu.vector_load %arg11[%get3A_249, %get3A_250] {strides = array<i32>} : memref<8x2048xf32, #tpu.memory_space<vmem>>, vector<16xf32>,
        %add3A_252 = arith.addf %get3A_248, %get3A_251 : vector<16xf32>
        %swap3A = arith.index_cast %add3A_234 : i32 to index
        %swap3A_253 = arith.index_cast %mul3A_246 : i32 to index
        %swap3A_254 = tpu.vector_load %arg9[%swap3A, %swap3A_253] {strides = array<i32>} : memref<8x2048xf32, #tpu.memory_space<vmem>>, vector<16xf32>,
        tpu.vector_store %arg9[%swap3A, %swap3A_253], %add3A_252 {strides = array<i32>} : memref<8x2048xf32, #tpu.memory_space<vmem>>, vector<16xf32>,
        %scan3A_255 = arith.constant 1 : i32
        %scan3A_256 = arith.addi %scan3A_240, %scan3A_255 : i32
        %mul3A_257 = arith.constant 1 : i32
        %mul3A_258 = arith.muli %scan3A_256, %mul3A_257 : i32
        %add3A_259 = arith.constant 0 : i32
        %add3A_260 = arith.addi %add3A_259, %mul3A_258 : i32
        %mul3A_261 = arith.constant 16 : i32
        %mul3A_262 = arith.muli %add3A_260, %mul3A_261 : i32
        %get3A_263 = arith.index_cast %add3A_234 : i32 to index
        %get3A_264 = arith.index_cast %mul3A_262 : i32 to index
        %get3A_265 = tpu.vector_load %arg9[%get3A_263, %get3A_264] {strides = array<i32>} : memref<8x2048xf32, #tpu.memory_space<vmem>>, vector<16xf32>,
        %get3A_266 = arith.index_cast %add3A_234 : i32 to index
        %get3A_267 = arith.index_cast %mul3A_262 : i32 to index
        %get3A_268 = tpu.vector_load %arg11[%get3A_266, %get3A_267] {strides = array<i32>} : memref<8x2048xf32, #tpu.memory_space<vmem>>, vector<16xf32>,
        %add3A_269 = arith.addf %get3A_265, %get3A_268 : vector<16xf32>
        %swap3A_270 = arith.index_cast %add3A_234 : i32 to index
        %swap3A_271 = arith.index_cast %mul3A_262 : i32 to index
        %swap3A_272 = tpu.vector_load %arg9[%swap3A_270, %swap3A_271] {strides = array<i32>} : memref<8x2048xf32, #tpu.memory_space<vmem>>, vector<16xf32>,
        tpu.vector_store %arg9[%swap3A_270, %swap3A_271], %add3A_269 {strides = array<i32>} : memref<8x2048xf32, #tpu.memory_space<vmem>>, vector<16xf32>,
        %scan3A_273 = arith.constant 2 : i32
        %scan3A_274 = arith.addi %scan3A_240, %scan3A_273 : i32
        %mul3A_275 = arith.constant 1 : i32
        %mul3A_276 = arith.muli %scan3A_274, %mul3A_275 : i32
        %add3A_277 = arith.constant 0 : i32
        %add3A_278 = arith.addi %add3A_277, %mul3A_276 : i32
        %mul3A_279 = arith.constant 16 : i32
        %mul3A_280 = arith.muli %add3A_278, %mul3A_279 : i32
        %get3A_281 = arith.index_cast %add3A_234 : i32 to index
        %get3A_282 = arith.index_cast %mul3A_280 : i32 to index
        %get3A_283 = tpu.vector_load %arg9[%get3A_281, %get3A_282] {strides = array<i32>} : memref<8x2048xf32, #tpu.memory_space<vmem>>, vector<16xf32>,
        %get3A_284 = arith.index_cast %add3A_234 : i32 to index
        %get3A_285 = arith.index_cast %mul3A_280 : i32 to index
        %get3A_286 = tpu.vector_load %arg11[%get3A_284, %get3A_285] {strides = array<i32>} : memref<8x2048xf32, #tpu.memory_space<vmem>>, vector<16xf32>,
        %add3A_287 = arith.addf %get3A_283, %get3A_286 : vector<16xf32>
        %swap3A_288 = arith.index_cast %add3A_234 : i32 to index
        %swap3A_289 = arith.index_cast %mul3A_280 : i32 to index
        %swap3A_290 = tpu.vector_load %arg9[%swap3A_288, %swap3A_289] {strides = array<i32>} : memref<8x2048xf32, #tpu.memory_space<vmem>>, vector<16xf32>,
        tpu.vector_store %arg9[%swap3A_288, %swap3A_289], %add3A_287 {strides = array<i32>} : memref<8x2048xf32, #tpu.memory_space<vmem>>, vector<16xf32>,
        %scan3A_291 = arith.constant 3 : i32
        %scan3A_292 = arith.addi %scan3A_240, %scan3A_291 : i32
        %mul3A_293 = arith.constant 1 : i32
        %mul3A_294 = arith.muli %scan3A_292, %mul3A_293 : i32
        %add3A_295 = arith.constant 0 : i32
        %add3A_296 = arith.addi %add3A_295, %mul3A_294 : i32
        %mul3A_297 = arith.constant 16 : i32
        %mul3A_298 = arith.muli %add3A_296, %mul3A_297 : i32
        %get3A_299 = arith.index_cast %add3A_234 : i32 to index
        %get3A_300 = arith.index_cast %mul3A_298 : i32 to index
        %get3A_301 = tpu.vector_load %arg9[%get3A_299, %get3A_300] {strides = array<i32>} : memref<8x2048xf32, #tpu.memory_space<vmem>>, vector<16xf32>,
        %get3A_302 = arith.index_cast %add3A_234 : i32 to index
        %get3A_303 = arith.index_cast %mul3A_298 : i32 to index
        %get3A_304 = tpu.vector_load %arg11[%get3A_302, %get3A_303] {strides = array<i32>} : memref<8x2048xf32, #tpu.memory_space<vmem>>, vector<16xf32>,
        %add3A_305 = arith.addf %get3A_301, %get3A_304 : vector<16xf32>
        %swap3A_306 = arith.index_cast %add3A_234 : i32 to index
        %swap3A_307 = arith.index_cast %mul3A_298 : i32 to index
        %swap3A_308 = tpu.vector_load %arg9[%swap3A_306, %swap3A_307] {strides = array<i32>} : memref<8x2048xf32, #tpu.memory_space<vmem>>, vector<16xf32>,
        tpu.vector_store %arg9[%swap3A_306, %swap3A_307], %add3A_305 {strides = array<i32>} : memref<8x2048xf32, #tpu.memory_space<vmem>>, vector<16xf32>,
        %scan3A_309 = arith.constant 4 : i32
        %scan3A_310 = arith.addi %scan3A_240, %scan3A_309 : i32
        %mul3A_311 = arith.constant 1 : i32
        %mul3A_312 = arith.muli %scan3A_310, %mul3A_311 : i32
        %add3A_313 = arith.constant 0 : i32
        %add3A_314 = arith.addi %add3A_313, %mul3A_312 : i32
        %mul3A_315 = arith.constant 16 : i32
        %mul3A_316 = arith.muli %add3A_314, %mul3A_315 : i32
        %get3A_317 = arith.index_cast %add3A_234 : i32 to index
        %get3A_318 = arith.index_cast %mul3A_316 : i32 to index
        %get3A_319 = tpu.vector_load %arg9[%get3A_317, %get3A_318] {strides = array<i32>} : memref<8x2048xf32, #tpu.memory_space<vmem>>, vector<16xf32>,
        %get3A_320 = arith.index_cast %add3A_234 : i32 to index
        %get3A_321 = arith.index_cast %mul3A_316 : i32 to index
        %get3A_322 = tpu.vector_load %arg11[%get3A_320, %get3A_321] {strides = array<i32>} : memref<8x2048xf32, #tpu.memory_space<vmem>>, vector<16xf32>,
        %add3A_323 = arith.addf %get3A_319, %get3A_322 : vector<16xf32>
        %swap3A_324 = arith.index_cast %add3A_234 : i32 to index
        %swap3A_325 = arith.index_cast %mul3A_316 : i32 to index
        %swap3A_326 = tpu.vector_load %arg9[%swap3A_324, %swap3A_325] {strides = array<i32>} : memref<8x2048xf32, #tpu.memory_space<vmem>>, vector<16xf32>,
        tpu.vector_store %arg9[%swap3A_324, %swap3A_325], %add3A_323 {strides = array<i32>} : memref<8x2048xf32, #tpu.memory_space<vmem>>, vector<16xf32>,
        %scan3A_327 = arith.constant 5 : i32
        %scan3A_328 = arith.addi %scan3A_240, %scan3A_327 : i32
        %mul3A_329 = arith.constant 1 : i32
        %mul3A_330 = arith.muli %scan3A_328, %mul3A_329 : i32
        %add3A_331 = arith.constant 0 : i32
        %add3A_332 = arith.addi %add3A_331, %mul3A_330 : i32
        %mul3A_333 = arith.constant 16 : i32
        %mul3A_334 = arith.muli %add3A_332, %mul3A_333 : i32
        %get3A_335 = arith.index_cast %add3A_234 : i32 to index
        %get3A_336 = arith.index_cast %mul3A_334 : i32 to index
        %get3A_337 = tpu.vector_load %arg9[%get3A_335, %get3A_336] {strides = array<i32>} : memref<8x2048xf32, #tpu.memory_space<vmem>>, vector<16xf32>,
        %get3A_338 = arith.index_cast %add3A_234 : i32 to index
        %get3A_339 = arith.index_cast %mul3A_334 : i32 to index
        %get3A_340 = tpu.vector_load %arg11[%get3A_338, %get3A_339] {strides = array<i32>} : memref<8x2048xf32, #tpu.memory_space<vmem>>, vector<16xf32>,
        %add3A_341 = arith.addf %get3A_337, %get3A_340 : vector<16xf32>
        %swap3A_342 = arith.index_cast %add3A_234 : i32 to index
        %swap3A_343 = arith.index_cast %mul3A_334 : i32 to index
        %swap3A_344 = tpu.vector_load %arg9[%swap3A_342, %swap3A_343] {strides = array<i32>} : memref<8x2048xf32, #tpu.memory_space<vmem>>, vector<16xf32>,
        tpu.vector_store %arg9[%swap3A_342, %swap3A_343], %add3A_341 {strides = array<i32>} : memref<8x2048xf32, #tpu.memory_space<vmem>>, vector<16xf32>,
        %scan3A_345 = arith.constant 6 : i32
        %scan3A_346 = arith.addi %scan3A_240, %scan3A_345 : i32
        %mul3A_347 = arith.constant 1 : i32
        %mul3A_348 = arith.muli %scan3A_346, %mul3A_347 : i32
        %add3A_349 = arith.constant 0 : i32
        %add3A_350 = arith.addi %add3A_349, %mul3A_348 : i32
        %mul3A_351 = arith.constant 16 : i32
        %mul3A_352 = arith.muli %add3A_350, %mul3A_351 : i32
        %get3A_353 = arith.index_cast %add3A_234 : i32 to index
        %get3A_354 = arith.index_cast %mul3A_352 : i32 to index
        %get3A_355 = tpu.vector_load %arg9[%get3A_353, %get3A_354] {strides = array<i32>} : memref<8x2048xf32, #tpu.memory_space<vmem>>, vector<16xf32>,
        %get3A_356 = arith.index_cast %add3A_234 : i32 to index
        %get3A_357 = arith.index_cast %mul3A_352 : i32 to index
        %get3A_358 = tpu.vector_load %arg11[%get3A_356, %get3A_357] {strides = array<i32>} : memref<8x2048xf32, #tpu.memory_space<vmem>>, vector<16xf32>,
        %add3A_359 = arith.addf %get3A_355, %get3A_358 : vector<16xf32>
        %swap3A_360 = arith.index_cast %add3A_234 : i32 to index
        %swap3A_361 = arith.index_cast %mul3A_352 : i32 to index
        %swap3A_362 = tpu.vector_load %arg9[%swap3A_360, %swap3A_361] {strides = array<i32>} : memref<8x2048xf32, #tpu.memory_space<vmem>>, vector<16xf32>,
        tpu.vector_store %arg9[%swap3A_360, %swap3A_361], %add3A_359 {strides = array<i32>} : memref<8x2048xf32, #tpu.memory_space<vmem>>, vector<16xf32>,
        %scan3A_363 = arith.constant 7 : i32
        %scan3A_364 = arith.addi %scan3A_240, %scan3A_363 : i32
        %mul3A_365 = arith.constant 1 : i32
        %mul3A_366 = arith.muli %scan3A_364, %mul3A_365 : i32
        %add3A_367 = arith.constant 0 : i32
        %add3A_368 = arith.addi %add3A_367, %mul3A_366 : i32
        %mul3A_369 = arith.constant 16 : i32
        %mul3A_370 = arith.muli %add3A_368, %mul3A_369 : i32
        %get3A_371 = arith.index_cast %add3A_234 : i32 to index
        %get3A_372 = arith.index_cast %mul3A_370 : i32 to index
        %get3A_373 = tpu.vector_load %arg9[%get3A_371, %get3A_372] {strides = array<i32>} : memref<8x2048xf32, #tpu.memory_space<vmem>>, vector<16xf32>,
        %get3A_374 = arith.index_cast %add3A_234 : i32 to index
        %get3A_375 = arith.index_cast %mul3A_370 : i32 to index
        %get3A_376 = tpu.vector_load %arg11[%get3A_374, %get3A_375] {strides = array<i32>} : memref<8x2048xf32, #tpu.memory_space<vmem>>, vector<16xf32>,
        %add3A_377 = arith.addf %get3A_373, %get3A_376 : vector<16xf32>
        %swap3A_378 = arith.index_cast %add3A_234 : i32 to index
        %swap3A_379 = arith.index_cast %mul3A_370 : i32 to index
        %swap3A_380 = tpu.vector_load %arg9[%swap3A_378, %swap3A_379] {strides = array<i32>} : memref<8x2048xf32, #tpu.memory_space<vmem>>, vector<16xf32>,
        tpu.vector_store %arg9[%swap3A_378, %swap3A_379], %add3A_377 {strides = array<i32>} : memref<8x2048xf32, #tpu.memory_space<vmem>>, vector<16xf32>,
      }
      %scan3A_239 = arith.constant 128 : i32
    }
    %scan3A_60 = arith.constant 8 : i32
    %dma_start3A_61 = arith.constant 0 : i32
    %dma_start3A_62 = arith.constant 0 : i32
    %dma_start3A_63 = tpu.memref_slice %arg2[%dma_start3A_61, %dma_start3A_62] : memref<8192x2048xf32, #tpu.memory_space<hbm>> -> memref<8192x2048xf32, #tpu.memory_space<hbm>>
    tpu.enqueue_indirect_dma source(%arg9 : memref<8x2048xf32, #tpu.memory_space<vmem>>) target(%dma_start3A_63 : memref<8192x2048xf32, #tpu.memory_space<hbm>>) offsets(%arg7 : memref<8xi32, #tpu.memory_space<vmem>>) semaphore(%arg17 : memref<!tpu.dma_semaphore, #tpu.memory_space<semaphore_mem>>)
    %dma_wait3A_64 = arith.constant 0 : i32
    %dma_wait3A_65 = arith.constant 0 : i32
    %dma_wait3A_66 = tpu.memref_slice %arg2[%dma_wait3A_64, %dma_wait3A_65] : memref<8192x2048xf32, #tpu.memory_space<hbm>> -> memref<8192x2048xf32, #tpu.memory_space<hbm>>
    tpu.wait_indirect_dma semaphore(%arg17 : memref<!tpu.dma_semaphore, #tpu.memory_space<semaphore_mem>>) src(%arg9 : memref<8x2048xf32, #tpu.memory_space<vmem>>) dst(%dma_wait3A_66 : memref<8192x2048xf32, #tpu.memory_space<hbm>>)
    %mul3A_67 = arith.constant 64 : i32
    %mul3A_68 = arith.muli %add3A, %mul3A_67 : i32
    %add3A_69 = arith.constant 24 : i32
    %add3A_70 = arith.addi %mul3A_68, %add3A_69 : i32
    "tpu.region"() ({
      %run_scoped3A = tpu.sem_alloc : memref<!tpu.dma_semaphore, #tpu.memory_space<semaphore_mem>>
      %dma_start3A_230 = tpu.memref_slice %arg4[%add3A_70] : memref<2048xi32, #tpu.memory_space<hbm>> -> memref<8xi32, #tpu.memory_space<hbm>>
      %dma_start3A_231 = tpu.memref_slice %arg4[%add3A_70] : memref<2048xi32, #tpu.memory_space<hbm>> -> memref<8xi32, #tpu.memory_space<hbm>>
      tpu.enqueue_dma source(%dma_start3A_231 : memref<8xi32, #tpu.memory_space<hbm>>) target(%arg7 : memref<8xi32, #tpu.memory_space<vmem>>) target_semaphore(%run_scoped3A : memref<!tpu.dma_semaphore, #tpu.memory_space<semaphore_mem>>)
      %dma_wait3A_232 = tpu.memref_slice %arg4[%add3A_70] : memref<2048xi32, #tpu.memory_space<hbm>> -> memref<8xi32, #tpu.memory_space<hbm>>
      %dma_wait3A_233 = tpu.memref_slice %arg4[%add3A_70] : memref<2048xi32, #tpu.memory_space<hbm>> -> memref<8xi32, #tpu.memory_space<hbm>>
      tpu.wait_dma2 semaphore(%run_scoped3A : memref<!tpu.dma_semaphore, #tpu.memory_space<semaphore_mem>>) src(%dma_wait3A_233 : memref<8xi32, #tpu.memory_space<hbm>>) dst(%arg7 : memref<8xi32, #tpu.memory_space<vmem>>)
      tpu.yield
    }) : () -> ()
    %dma_start3A_71 = arith.constant 0 : i32
    %dma_start3A_72 = arith.constant 0 : i32
    %dma_start3A_73 = tpu.memref_slice %arg2[%dma_start3A_71, %dma_start3A_72] : memref<8192x2048xf32, #tpu.memory_space<hbm>> -> memref<8192x2048xf32, #tpu.memory_space<hbm>>
    tpu.enqueue_indirect_dma source(%dma_start3A_73 : memref<8192x2048xf32, #tpu.memory_space<hbm>>) target(%arg9 : memref<8x2048xf32, #tpu.memory_space<vmem>>) offsets(%arg7 : memref<8xi32, #tpu.memory_space<vmem>>) semaphore(%arg13 : memref<!tpu.dma_semaphore, #tpu.memory_space<semaphore_mem>>)
    %dma_start3A_74 = arith.constant 0 : i32
    %dma_start3A_75 = tpu.memref_slice %arg3[%add3A_70, %dma_start3A_74] : memref<2048x2048xf32, #tpu.memory_space<hbm>> -> memref<8x2048xf32, #tpu.memory_space<hbm>>
    %dma_start3A_76 = arith.constant 0 : i32
    %dma_start3A_77 = tpu.memref_slice %arg3[%add3A_70, %dma_start3A_76] : memref<2048x2048xf32, #tpu.memory_space<hbm>> -> memref<8x2048xf32, #tpu.memory_space<hbm>>
    tpu.enqueue_dma source(%dma_start3A_77 : memref<8x2048xf32, #tpu.memory_space<hbm>>) target(%arg11 : memref<8x2048xf32, #tpu.memory_space<vmem>>) target_semaphore(%arg15 : memref<!tpu.dma_semaphore, #tpu.memory_space<semaphore_mem>>)
    %dma_wait3A_78 = arith.constant 0 : i32
    %dma_wait3A_79 = arith.constant 0 : i32
    %dma_wait3A_80 = tpu.memref_slice %arg2[%dma_wait3A_78, %dma_wait3A_79] : memref<8192x2048xf32, #tpu.memory_space<hbm>> -> memref<8192x2048xf32, #tpu.memory_space<hbm>>
    tpu.wait_indirect_dma semaphore(%arg12 : memref<!tpu.dma_semaphore, #tpu.memory_space<semaphore_mem>>) src(%dma_wait3A_80 : memref<8192x2048xf32, #tpu.memory_space<hbm>>) dst(%arg8 : memref<8x2048xf32, #tpu.memory_space<vmem>>)
    %dma_wait3A_81 = arith.constant 0 : i32
    %dma_wait3A_82 = tpu.memref_slice %arg3[%add3A_41, %dma_wait3A_81] : memref<2048x2048xf32, #tpu.memory_space<hbm>> -> memref<8x2048xf32, #tpu.memory_space<hbm>>
    %dma_wait3A_83 = arith.constant 0 : i32
    %dma_wait3A_84 = tpu.memref_slice %arg3[%add3A_41, %dma_wait3A_83] : memref<2048x2048xf32, #tpu.memory_space<hbm>> -> memref<8x2048xf32, #tpu.memory_space<hbm>>
    tpu.wait_dma2 semaphore(%arg14 : memref<!tpu.dma_semaphore, #tpu.memory_space<semaphore_mem>>) src(%dma_wait3A_84 : memref<8x2048xf32, #tpu.memory_space<hbm>>) dst(%arg10 : memref<8x2048xf32, #tpu.memory_space<vmem>>)
    %scan3A_85 = arith.constant 0 : i32
    %scan3A_86 = arith.constant 8 : i32
    %scan3A_87 = arith.addi %scan3A_85, %scan3A_86 : i32
    %scan3A_88 = arith.constant 1 : i32
    scf.for %scan3A_230 = %scan3A_85 to %scan3A_87 step %scan3A_88  : i32 {
      %mul3A_231 = arith.constant 1 : i32
      %mul3A_232 = arith.muli %scan3A_230, %mul3A_231 : i32
      %add3A_233 = arith.constant 0 : i32
      %add3A_234 = arith.addi %add3A_233, %mul3A_232 : i32
      %scan3A_235 = arith.constant 0 : i32
      %scan3A_236 = arith.constant 128 : i32
      %scan3A_237 = arith.addi %scan3A_235, %scan3A_236 : i32
      %scan3A_238 = arith.constant 8 : i32
      scf.for %scan3A_240 = %scan3A_235 to %scan3A_237 step %scan3A_238  : i32 {
        %mul3A_241 = arith.constant 1 : i32
        %mul3A_242 = arith.muli %scan3A_240, %mul3A_241 : i32
        %add3A_243 = arith.constant 0 : i32
        %add3A_244 = arith.addi %add3A_243, %mul3A_242 : i32
        %mul3A_245 = arith.constant 16 : i32
        %mul3A_246 = arith.muli %add3A_244, %mul3A_245 : i32
        %get3A = arith.index_cast %add3A_234 : i32 to index
        %get3A_247 = arith.index_cast %mul3A_246 : i32 to index
        %get3A_248 = tpu.vector_load %arg8[%get3A, %get3A_247] {strides = array<i32>} : memref<8x2048xf32, #tpu.memory_space<vmem>>, vector<16xf32>,
        %get3A_249 = arith.index_cast %add3A_234 : i32 to index
        %get3A_250 = arith.index_cast %mul3A_246 : i32 to index
        %get3A_251 = tpu.vector_load %arg10[%get3A_249, %get3A_250] {strides = array<i32>} : memref<8x2048xf32, #tpu.memory_space<vmem>>, vector<16xf32>,
        %add3A_252 = arith.addf %get3A_248, %get3A_251 : vector<16xf32>
        %swap3A = arith.index_cast %add3A_234 : i32 to index
        %swap3A_253 = arith.index_cast %mul3A_246 : i32 to index
        %swap3A_254 = tpu.vector_load %arg8[%swap3A, %swap3A_253] {strides = array<i32>} : memref<8x2048xf32, #tpu.memory_space<vmem>>, vector<16xf32>,
        tpu.vector_store %arg8[%swap3A, %swap3A_253], %add3A_252 {strides = array<i32>} : memref<8x2048xf32, #tpu.memory_space<vmem>>, vector<16xf32>,
        %scan3A_255 = arith.constant 1 : i32
        %scan3A_256 = arith.addi %scan3A_240, %scan3A_255 : i32
        %mul3A_257 = arith.constant 1 : i32
        %mul3A_258 = arith.muli %scan3A_256, %mul3A_257 : i32
        %add3A_259 = arith.constant 0 : i32
        %add3A_260 = arith.addi %add3A_259, %mul3A_258 : i32
        %mul3A_261 = arith.constant 16 : i32
        %mul3A_262 = arith.muli %add3A_260, %mul3A_261 : i32
        %get3A_263 = arith.index_cast %add3A_234 : i32 to index
        %get3A_264 = arith.index_cast %mul3A_262 : i32 to index
        %get3A_265 = tpu.vector_load %arg8[%get3A_263, %get3A_264] {strides = array<i32>} : memref<8x2048xf32, #tpu.memory_space<vmem>>, vector<16xf32>,
        %get3A_266 = arith.index_cast %add3A_234 : i32 to index
        %get3A_267 = arith.index_cast %mul3A_262 : i32 to index
        %get3A_268 = tpu.vector_load %arg10[%get3A_266, %get3A_267] {strides = array<i32>} : memref<8x2048xf32, #tpu.memory_space<vmem>>, vector<16xf32>,
        %add3A_269 = arith.addf %get3A_265, %get3A_268 : vector<16xf32>
        %swap3A_270 = arith.index_cast %add3A_234 : i32 to index
        %swap3A_271 = arith.index_cast %mul3A_262 : i32 to index
        %swap3A_272 = tpu.vector_load %arg8[%swap3A_270, %swap3A_271] {strides = array<i32>} : memref<8x2048xf32, #tpu.memory_space<vmem>>, vector<16xf32>,
        tpu.vector_store %arg8[%swap3A_270, %swap3A_271], %add3A_269 {strides = array<i32>} : memref<8x2048xf32, #tpu.memory_space<vmem>>, vector<16xf32>,
        %scan3A_273 = arith.constant 2 : i32
        %scan3A_274 = arith.addi %scan3A_240, %scan3A_273 : i32
        %mul3A_275 = arith.constant 1 : i32
        %mul3A_276 = arith.muli %scan3A_274, %mul3A_275 : i32
        %add3A_277 = arith.constant 0 : i32
        %add3A_278 = arith.addi %add3A_277, %mul3A_276 : i32
        %mul3A_279 = arith.constant 16 : i32
        %mul3A_280 = arith.muli %add3A_278, %mul3A_279 : i32
        %get3A_281 = arith.index_cast %add3A_234 : i32 to index
        %get3A_282 = arith.index_cast %mul3A_280 : i32 to index
        %get3A_283 = tpu.vector_load %arg8[%get3A_281, %get3A_282] {strides = array<i32>} : memref<8x2048xf32, #tpu.memory_space<vmem>>, vector<16xf32>,
        %get3A_284 = arith.index_cast %add3A_234 : i32 to index
        %get3A_285 = arith.index_cast %mul3A_280 : i32 to index
        %get3A_286 = tpu.vector_load %arg10[%get3A_284, %get3A_285] {strides = array<i32>} : memref<8x2048xf32, #tpu.memory_space<vmem>>, vector<16xf32>,
        %add3A_287 = arith.addf %get3A_283, %get3A_286 : vector<16xf32>
        %swap3A_288 = arith.index_cast %add3A_234 : i32 to index
        %swap3A_289 = arith.index_cast %mul3A_280 : i32 to index
        %swap3A_290 = tpu.vector_load %arg8[%swap3A_288, %swap3A_289] {strides = array<i32>} : memref<8x2048xf32, #tpu.memory_space<vmem>>, vector<16xf32>,
        tpu.vector_store %arg8[%swap3A_288, %swap3A_289], %add3A_287 {strides = array<i32>} : memref<8x2048xf32, #tpu.memory_space<vmem>>, vector<16xf32>,
        %scan3A_291 = arith.constant 3 : i32
        %scan3A_292 = arith.addi %scan3A_240, %scan3A_291 : i32
        %mul3A_293 = arith.constant 1 : i32
        %mul3A_294 = arith.muli %scan3A_292, %mul3A_293 : i32
        %add3A_295 = arith.constant 0 : i32
        %add3A_296 = arith.addi %add3A_295, %mul3A_294 : i32
        %mul3A_297 = arith.constant 16 : i32
        %mul3A_298 = arith.muli %add3A_296, %mul3A_297 : i32
        %get3A_299 = arith.index_cast %add3A_234 : i32 to index
        %get3A_300 = arith.index_cast %mul3A_298 : i32 to index
        %get3A_301 = tpu.vector_load %arg8[%get3A_299, %get3A_300] {strides = array<i32>} : memref<8x2048xf32, #tpu.memory_space<vmem>>, vector<16xf32>,
        %get3A_302 = arith.index_cast %add3A_234 : i32 to index
        %get3A_303 = arith.index_cast %mul3A_298 : i32 to index
        %get3A_304 = tpu.vector_load %arg10[%get3A_302, %get3A_303] {strides = array<i32>} : memref<8x2048xf32, #tpu.memory_space<vmem>>, vector<16xf32>,
        %add3A_305 = arith.addf %get3A_301, %get3A_304 : vector<16xf32>
        %swap3A_306 = arith.index_cast %add3A_234 : i32 to index
        %swap3A_307 = arith.index_cast %mul3A_298 : i32 to index
        %swap3A_308 = tpu.vector_load %arg8[%swap3A_306, %swap3A_307] {strides = array<i32>} : memref<8x2048xf32, #tpu.memory_space<vmem>>, vector<16xf32>,
        tpu.vector_store %arg8[%swap3A_306, %swap3A_307], %add3A_305 {strides = array<i32>} : memref<8x2048xf32, #tpu.memory_space<vmem>>, vector<16xf32>,
        %scan3A_309 = arith.constant 4 : i32
        %scan3A_310 = arith.addi %scan3A_240, %scan3A_309 : i32
        %mul3A_311 = arith.constant 1 : i32
        %mul3A_312 = arith.muli %scan3A_310, %mul3A_311 : i32
        %add3A_313 = arith.constant 0 : i32
        %add3A_314 = arith.addi %add3A_313, %mul3A_312 : i32
        %mul3A_315 = arith.constant 16 : i32
        %mul3A_316 = arith.muli %add3A_314, %mul3A_315 : i32
        %get3A_317 = arith.index_cast %add3A_234 : i32 to index
        %get3A_318 = arith.index_cast %mul3A_316 : i32 to index
        %get3A_319 = tpu.vector_load %arg8[%get3A_317, %get3A_318] {strides = array<i32>} : memref<8x2048xf32, #tpu.memory_space<vmem>>, vector<16xf32>,
        %get3A_320 = arith.index_cast %add3A_234 : i32 to index
        %get3A_321 = arith.index_cast %mul3A_316 : i32 to index
        %get3A_322 = tpu.vector_load %arg10[%get3A_320, %get3A_321] {strides = array<i32>} : memref<8x2048xf32, #tpu.memory_space<vmem>>, vector<16xf32>,
        %add3A_323 = arith.addf %get3A_319, %get3A_322 : vector<16xf32>
        %swap3A_324 = arith.index_cast %add3A_234 : i32 to index
        %swap3A_325 = arith.index_cast %mul3A_316 : i32 to index
        %swap3A_326 = tpu.vector_load %arg8[%swap3A_324, %swap3A_325] {strides = array<i32>} : memref<8x2048xf32, #tpu.memory_space<vmem>>, vector<16xf32>,
        tpu.vector_store %arg8[%swap3A_324, %swap3A_325], %add3A_323 {strides = array<i32>} : memref<8x2048xf32, #tpu.memory_space<vmem>>, vector<16xf32>,
        %scan3A_327 = arith.constant 5 : i32
        %scan3A_328 = arith.addi %scan3A_240, %scan3A_327 : i32
        %mul3A_329 = arith.constant 1 : i32
        %mul3A_330 = arith.muli %scan3A_328, %mul3A_329 : i32
        %add3A_331 = arith.constant 0 : i32
        %add3A_332 = arith.addi %add3A_331, %mul3A_330 : i32
        %mul3A_333 = arith.constant 16 : i32
        %mul3A_334 = arith.muli %add3A_332, %mul3A_333 : i32
        %get3A_335 = arith.index_cast %add3A_234 : i32 to index
        %get3A_336 = arith.index_cast %mul3A_334 : i32 to index
        %get3A_337 = tpu.vector_load %arg8[%get3A_335, %get3A_336] {strides = array<i32>} : memref<8x2048xf32, #tpu.memory_space<vmem>>, vector<16xf32>,
        %get3A_338 = arith.index_cast %add3A_234 : i32 to index
        %get3A_339 = arith.index_cast %mul3A_334 : i32 to index
        %get3A_340 = tpu.vector_load %arg10[%get3A_338, %get3A_339] {strides = array<i32>} : memref<8x2048xf32, #tpu.memory_space<vmem>>, vector<16xf32>,
        %add3A_341 = arith.addf %get3A_337, %get3A_340 : vector<16xf32>
        %swap3A_342 = arith.index_cast %add3A_234 : i32 to index
        %swap3A_343 = arith.index_cast %mul3A_334 : i32 to index
        %swap3A_344 = tpu.vector_load %arg8[%swap3A_342, %swap3A_343] {strides = array<i32>} : memref<8x2048xf32, #tpu.memory_space<vmem>>, vector<16xf32>,
        tpu.vector_store %arg8[%swap3A_342, %swap3A_343], %add3A_341 {strides = array<i32>} : memref<8x2048xf32, #tpu.memory_space<vmem>>, vector<16xf32>,
        %scan3A_345 = arith.constant 6 : i32
        %scan3A_346 = arith.addi %scan3A_240, %scan3A_345 : i32
        %mul3A_347 = arith.constant 1 : i32
        %mul3A_348 = arith.muli %scan3A_346, %mul3A_347 : i32
        %add3A_349 = arith.constant 0 : i32
        %add3A_350 = arith.addi %add3A_349, %mul3A_348 : i32
        %mul3A_351 = arith.constant 16 : i32
        %mul3A_352 = arith.muli %add3A_350, %mul3A_351 : i32
        %get3A_353 = arith.index_cast %add3A_234 : i32 to index
        %get3A_354 = arith.index_cast %mul3A_352 : i32 to index
        %get3A_355 = tpu.vector_load %arg8[%get3A_353, %get3A_354] {strides = array<i32>} : memref<8x2048xf32, #tpu.memory_space<vmem>>, vector<16xf32>,
        %get3A_356 = arith.index_cast %add3A_234 : i32 to index
        %get3A_357 = arith.index_cast %mul3A_352 : i32 to index
        %get3A_358 = tpu.vector_load %arg10[%get3A_356, %get3A_357] {strides = array<i32>} : memref<8x2048xf32, #tpu.memory_space<vmem>>, vector<16xf32>,
        %add3A_359 = arith.addf %get3A_355, %get3A_358 : vector<16xf32>
        %swap3A_360 = arith.index_cast %add3A_234 : i32 to index
        %swap3A_361 = arith.index_cast %mul3A_352 : i32 to index
        %swap3A_362 = tpu.vector_load %arg8[%swap3A_360, %swap3A_361] {strides = array<i32>} : memref<8x2048xf32, #tpu.memory_space<vmem>>, vector<16xf32>,
        tpu.vector_store %arg8[%swap3A_360, %swap3A_361], %add3A_359 {strides = array<i32>} : memref<8x2048xf32, #tpu.memory_space<vmem>>, vector<16xf32>,
        %scan3A_363 = arith.constant 7 : i32
        %scan3A_364 = arith.addi %scan3A_240, %scan3A_363 : i32
        %mul3A_365 = arith.constant 1 : i32
        %mul3A_366 = arith.muli %scan3A_364, %mul3A_365 : i32
        %add3A_367 = arith.constant 0 : i32
        %add3A_368 = arith.addi %add3A_367, %mul3A_366 : i32
        %mul3A_369 = arith.constant 16 : i32
        %mul3A_370 = arith.muli %add3A_368, %mul3A_369 : i32
        %get3A_371 = arith.index_cast %add3A_234 : i32 to index
        %get3A_372 = arith.index_cast %mul3A_370 : i32 to index
        %get3A_373 = tpu.vector_load %arg8[%get3A_371, %get3A_372] {strides = array<i32>} : memref<8x2048xf32, #tpu.memory_space<vmem>>, vector<16xf32>,
        %get3A_374 = arith.index_cast %add3A_234 : i32 to index
        %get3A_375 = arith.index_cast %mul3A_370 : i32 to index
        %get3A_376 = tpu.vector_load %arg10[%get3A_374, %get3A_375] {strides = array<i32>} : memref<8x2048xf32, #tpu.memory_space<vmem>>, vector<16xf32>,
        %add3A_377 = arith.addf %get3A_373, %get3A_376 : vector<16xf32>
        %swap3A_378 = arith.index_cast %add3A_234 : i32 to index
        %swap3A_379 = arith.index_cast %mul3A_370 : i32 to index
        %swap3A_380 = tpu.vector_load %arg8[%swap3A_378, %swap3A_379] {strides = array<i32>} : memref<8x2048xf32, #tpu.memory_space<vmem>>, vector<16xf32>,
        tpu.vector_store %arg8[%swap3A_378, %swap3A_379], %add3A_377 {strides = array<i32>} : memref<8x2048xf32, #tpu.memory_space<vmem>>, vector<16xf32>,
      }
      %scan3A_239 = arith.constant 128 : i32
    }
    %scan3A_89 = arith.constant 8 : i32
    %dma_start3A_90 = arith.constant 0 : i32
    %dma_start3A_91 = arith.constant 0 : i32
    %dma_start3A_92 = tpu.memref_slice %arg2[%dma_start3A_90, %dma_start3A_91] : memref<8192x2048xf32, #tpu.memory_space<hbm>> -> memref<8192x2048xf32, #tpu.memory_space<hbm>>
    tpu.enqueue_indirect_dma source(%arg8 : memref<8x2048xf32, #tpu.memory_space<vmem>>) target(%dma_start3A_92 : memref<8192x2048xf32, #tpu.memory_space<hbm>>) offsets(%arg6 : memref<8xi32, #tpu.memory_space<vmem>>) semaphore(%arg16 : memref<!tpu.dma_semaphore, #tpu.memory_space<semaphore_mem>>)
    %dma_wait3A_93 = arith.constant 0 : i32
    %dma_wait3A_94 = arith.constant 0 : i32
    %dma_wait3A_95 = tpu.memref_slice %arg2[%dma_wait3A_93, %dma_wait3A_94] : memref<8192x2048xf32, #tpu.memory_space<hbm>> -> memref<8192x2048xf32, #tpu.memory_space<hbm>>
    tpu.wait_indirect_dma semaphore(%arg16 : memref<!tpu.dma_semaphore, #tpu.memory_space<semaphore_mem>>) src(%arg8 : memref<8x2048xf32, #tpu.memory_space<vmem>>) dst(%dma_wait3A_95 : memref<8192x2048xf32, #tpu.memory_space<hbm>>)
    %mul3A_96 = arith.constant 64 : i32
    %mul3A_97 = arith.muli %add3A, %mul3A_96 : i32
    %add3A_98 = arith.constant 32 : i32
    %add3A_99 = arith.addi %mul3A_97, %add3A_98 : i32
    "tpu.region"() ({
      %run_scoped3A = tpu.sem_alloc : memref<!tpu.dma_semaphore, #tpu.memory_space<semaphore_mem>>
      %dma_start3A_230 = tpu.memref_slice %arg4[%add3A_99] : memref<2048xi32, #tpu.memory_space<hbm>> -> memref<8xi32, #tpu.memory_space<hbm>>
      %dma_start3A_231 = tpu.memref_slice %arg4[%add3A_99] : memref<2048xi32, #tpu.memory_space<hbm>> -> memref<8xi32, #tpu.memory_space<hbm>>
      tpu.enqueue_dma source(%dma_start3A_231 : memref<8xi32, #tpu.memory_space<hbm>>) target(%arg6 : memref<8xi32, #tpu.memory_space<vmem>>) target_semaphore(%run_scoped3A : memref<!tpu.dma_semaphore, #tpu.memory_space<semaphore_mem>>)
      %dma_wait3A_232 = tpu.memref_slice %arg4[%add3A_99] : memref<2048xi32, #tpu.memory_space<hbm>> -> memref<8xi32, #tpu.memory_space<hbm>>
      %dma_wait3A_233 = tpu.memref_slice %arg4[%add3A_99] : memref<2048xi32, #tpu.memory_space<hbm>> -> memref<8xi32, #tpu.memory_space<hbm>>
      tpu.wait_dma2 semaphore(%run_scoped3A : memref<!tpu.dma_semaphore, #tpu.memory_space<semaphore_mem>>) src(%dma_wait3A_233 : memref<8xi32, #tpu.memory_space<hbm>>) dst(%arg6 : memref<8xi32, #tpu.memory_space<vmem>>)
      tpu.yield
    }) : () -> ()
    %dma_start3A_100 = arith.constant 0 : i32
    %dma_start3A_101 = arith.constant 0 : i32
    %dma_start3A_102 = tpu.memref_slice %arg2[%dma_start3A_100, %dma_start3A_101] : memref<8192x2048xf32, #tpu.memory_space<hbm>> -> memref<8192x2048xf32, #tpu.memory_space<hbm>>
    tpu.enqueue_indirect_dma source(%dma_start3A_102 : memref<8192x2048xf32, #tpu.memory_space<hbm>>) target(%arg8 : memref<8x2048xf32, #tpu.memory_space<vmem>>) offsets(%arg6 : memref<8xi32, #tpu.memory_space<vmem>>) semaphore(%arg12 : memref<!tpu.dma_semaphore, #tpu.memory_space<semaphore_mem>>)
    %dma_start3A_103 = arith.constant 0 : i32
    %dma_start3A_104 = tpu.memref_slice %arg3[%add3A_99, %dma_start3A_103] : memref<2048x2048xf32, #tpu.memory_space<hbm>> -> memref<8x2048xf32, #tpu.memory_space<hbm>>
    %dma_start3A_105 = arith.constant 0 : i32
    %dma_start3A_106 = tpu.memref_slice %arg3[%add3A_99, %dma_start3A_105] : memref<2048x2048xf32, #tpu.memory_space<hbm>> -> memref<8x2048xf32, #tpu.memory_space<hbm>>
    tpu.enqueue_dma source(%dma_start3A_106 : memref<8x2048xf32, #tpu.memory_space<hbm>>) target(%arg10 : memref<8x2048xf32, #tpu.memory_space<vmem>>) target_semaphore(%arg14 : memref<!tpu.dma_semaphore, #tpu.memory_space<semaphore_mem>>)
    %dma_wait3A_107 = arith.constant 0 : i32
    %dma_wait3A_108 = arith.constant 0 : i32
    %dma_wait3A_109 = tpu.memref_slice %arg2[%dma_wait3A_107, %dma_wait3A_108] : memref<8192x2048xf32, #tpu.memory_space<hbm>> -> memref<8192x2048xf32, #tpu.memory_space<hbm>>
    tpu.wait_indirect_dma semaphore(%arg13 : memref<!tpu.dma_semaphore, #tpu.memory_space<semaphore_mem>>) src(%dma_wait3A_109 : memref<8192x2048xf32, #tpu.memory_space<hbm>>) dst(%arg9 : memref<8x2048xf32, #tpu.memory_space<vmem>>)
    %dma_wait3A_110 = arith.constant 0 : i32
    %dma_wait3A_111 = tpu.memref_slice %arg3[%add3A_70, %dma_wait3A_110] : memref<2048x2048xf32, #tpu.memory_space<hbm>> -> memref<8x2048xf32, #tpu.memory_space<hbm>>
    %dma_wait3A_112 = arith.constant 0 : i32
    %dma_wait3A_113 = tpu.memref_slice %arg3[%add3A_70, %dma_wait3A_112] : memref<2048x2048xf32, #tpu.memory_space<hbm>> -> memref<8x2048xf32, #tpu.memory_space<hbm>>
    tpu.wait_dma2 semaphore(%arg15 : memref<!tpu.dma_semaphore, #tpu.memory_space<semaphore_mem>>) src(%dma_wait3A_113 : memref<8x2048xf32, #tpu.memory_space<hbm>>) dst(%arg11 : memref<8x2048xf32, #tpu.memory_space<vmem>>)
    %scan3A_114 = arith.constant 0 : i32
    %scan3A_115 = arith.constant 8 : i32
    %scan3A_116 = arith.addi %scan3A_114, %scan3A_115 : i32
    %scan3A_117 = arith.constant 1 : i32
    scf.for %scan3A_230 = %scan3A_114 to %scan3A_116 step %scan3A_117  : i32 {
      %mul3A_231 = arith.constant 1 : i32
      %mul3A_232 = arith.muli %scan3A_230, %mul3A_231 : i32
      %add3A_233 = arith.constant 0 : i32
      %add3A_234 = arith.addi %add3A_233, %mul3A_232 : i32
      %scan3A_235 = arith.constant 0 : i32
      %scan3A_236 = arith.constant 128 : i32
      %scan3A_237 = arith.addi %scan3A_235, %scan3A_236 : i32
      %scan3A_238 = arith.constant 8 : i32
      scf.for %scan3A_240 = %scan3A_235 to %scan3A_237 step %scan3A_238  : i32 {
        %mul3A_241 = arith.constant 1 : i32
        %mul3A_242 = arith.muli %scan3A_240, %mul3A_241 : i32
        %add3A_243 = arith.constant 0 : i32
        %add3A_244 = arith.addi %add3A_243, %mul3A_242 : i32
        %mul3A_245 = arith.constant 16 : i32
        %mul3A_246 = arith.muli %add3A_244, %mul3A_245 : i32
        %get3A = arith.index_cast %add3A_234 : i32 to index
        %get3A_247 = arith.index_cast %mul3A_246 : i32 to index
        %get3A_248 = tpu.vector_load %arg9[%get3A, %get3A_247] {strides = array<i32>} : memref<8x2048xf32, #tpu.memory_space<vmem>>, vector<16xf32>,
        %get3A_249 = arith.index_cast %add3A_234 : i32 to index
        %get3A_250 = arith.index_cast %mul3A_246 : i32 to index
        %get3A_251 = tpu.vector_load %arg11[%get3A_249, %get3A_250] {strides = array<i32>} : memref<8x2048xf32, #tpu.memory_space<vmem>>, vector<16xf32>,
        %add3A_252 = arith.addf %get3A_248, %get3A_251 : vector<16xf32>
        %swap3A = arith.index_cast %add3A_234 : i32 to index
        %swap3A_253 = arith.index_cast %mul3A_246 : i32 to index
        %swap3A_254 = tpu.vector_load %arg9[%swap3A, %swap3A_253] {strides = array<i32>} : memref<8x2048xf32, #tpu.memory_space<vmem>>, vector<16xf32>,
        tpu.vector_store %arg9[%swap3A, %swap3A_253], %add3A_252 {strides = array<i32>} : memref<8x2048xf32, #tpu.memory_space<vmem>>, vector<16xf32>,
        %scan3A_255 = arith.constant 1 : i32
        %scan3A_256 = arith.addi %scan3A_240, %scan3A_255 : i32
        %mul3A_257 = arith.constant 1 : i32
        %mul3A_258 = arith.muli %scan3A_256, %mul3A_257 : i32
        %add3A_259 = arith.constant 0 : i32
        %add3A_260 = arith.addi %add3A_259, %mul3A_258 : i32
        %mul3A_261 = arith.constant 16 : i32
        %mul3A_262 = arith.muli %add3A_260, %mul3A_261 : i32
        %get3A_263 = arith.index_cast %add3A_234 : i32 to index
        %get3A_264 = arith.index_cast %mul3A_262 : i32 to index
        %get3A_265 = tpu.vector_load %arg9[%get3A_263, %get3A_264] {strides = array<i32>} : memref<8x2048xf32, #tpu.memory_space<vmem>>, vector<16xf32>,
        %get3A_266 = arith.index_cast %add3A_234 : i32 to index
        %get3A_267 = arith.index_cast %mul3A_262 : i32 to index
        %get3A_268 = tpu.vector_load %arg11[%get3A_266, %get3A_267] {strides = array<i32>} : memref<8x2048xf32, #tpu.memory_space<vmem>>, vector<16xf32>,
        %add3A_269 = arith.addf %get3A_265, %get3A_268 : vector<16xf32>
        %swap3A_270 = arith.index_cast %add3A_234 : i32 to index
        %swap3A_271 = arith.index_cast %mul3A_262 : i32 to index
        %swap3A_272 = tpu.vector_load %arg9[%swap3A_270, %swap3A_271] {strides = array<i32>} : memref<8x2048xf32, #tpu.memory_space<vmem>>, vector<16xf32>,
        tpu.vector_store %arg9[%swap3A_270, %swap3A_271], %add3A_269 {strides = array<i32>} : memref<8x2048xf32, #tpu.memory_space<vmem>>, vector<16xf32>,
        %scan3A_273 = arith.constant 2 : i32
        %scan3A_274 = arith.addi %scan3A_240, %scan3A_273 : i32
        %mul3A_275 = arith.constant 1 : i32
        %mul3A_276 = arith.muli %scan3A_274, %mul3A_275 : i32
        %add3A_277 = arith.constant 0 : i32
        %add3A_278 = arith.addi %add3A_277, %mul3A_276 : i32
        %mul3A_279 = arith.constant 16 : i32
        %mul3A_280 = arith.muli %add3A_278, %mul3A_279 : i32
        %get3A_281 = arith.index_cast %add3A_234 : i32 to index
        %get3A_282 = arith.index_cast %mul3A_280 : i32 to index
        %get3A_283 = tpu.vector_load %arg9[%get3A_281, %get3A_282] {strides = array<i32>} : memref<8x2048xf32, #tpu.memory_space<vmem>>, vector<16xf32>,
        %get3A_284 = arith.index_cast %add3A_234 : i32 to index
        %get3A_285 = arith.index_cast %mul3A_280 : i32 to index
        %get3A_286 = tpu.vector_load %arg11[%get3A_284, %get3A_285] {strides = array<i32>} : memref<8x2048xf32, #tpu.memory_space<vmem>>, vector<16xf32>,
        %add3A_287 = arith.addf %get3A_283, %get3A_286 : vector<16xf32>
        %swap3A_288 = arith.index_cast %add3A_234 : i32 to index
        %swap3A_289 = arith.index_cast %mul3A_280 : i32 to index
        %swap3A_290 = tpu.vector_load %arg9[%swap3A_288, %swap3A_289] {strides = array<i32>} : memref<8x2048xf32, #tpu.memory_space<vmem>>, vector<16xf32>,
        tpu.vector_store %arg9[%swap3A_288, %swap3A_289], %add3A_287 {strides = array<i32>} : memref<8x2048xf32, #tpu.memory_space<vmem>>, vector<16xf32>,
        %scan3A_291 = arith.constant 3 : i32
        %scan3A_292 = arith.addi %scan3A_240, %scan3A_291 : i32
        %mul3A_293 = arith.constant 1 : i32
        %mul3A_294 = arith.muli %scan3A_292, %mul3A_293 : i32
        %add3A_295 = arith.constant 0 : i32
        %add3A_296 = arith.addi %add3A_295, %mul3A_294 : i32
        %mul3A_297 = arith.constant 16 : i32
        %mul3A_298 = arith.muli %add3A_296, %mul3A_297 : i32
        %get3A_299 = arith.index_cast %add3A_234 : i32 to index
        %get3A_300 = arith.index_cast %mul3A_298 : i32 to index
        %get3A_301 = tpu.vector_load %arg9[%get3A_299, %get3A_300] {strides = array<i32>} : memref<8x2048xf32, #tpu.memory_space<vmem>>, vector<16xf32>,
        %get3A_302 = arith.index_cast %add3A_234 : i32 to index
        %get3A_303 = arith.index_cast %mul3A_298 : i32 to index
        %get3A_304 = tpu.vector_load %arg11[%get3A_302, %get3A_303] {strides = array<i32>} : memref<8x2048xf32, #tpu.memory_space<vmem>>, vector<16xf32>,
        %add3A_305 = arith.addf %get3A_301, %get3A_304 : vector<16xf32>
        %swap3A_306 = arith.index_cast %add3A_234 : i32 to index
        %swap3A_307 = arith.index_cast %mul3A_298 : i32 to index
        %swap3A_308 = tpu.vector_load %arg9[%swap3A_306, %swap3A_307] {strides = array<i32>} : memref<8x2048xf32, #tpu.memory_space<vmem>>, vector<16xf32>,
        tpu.vector_store %arg9[%swap3A_306, %swap3A_307], %add3A_305 {strides = array<i32>} : memref<8x2048xf32, #tpu.memory_space<vmem>>, vector<16xf32>,
        %scan3A_309 = arith.constant 4 : i32
        %scan3A_310 = arith.addi %scan3A_240, %scan3A_309 : i32
        %mul3A_311 = arith.constant 1 : i32
        %mul3A_312 = arith.muli %scan3A_310, %mul3A_311 : i32
        %add3A_313 = arith.constant 0 : i32
        %add3A_314 = arith.addi %add3A_313, %mul3A_312 : i32
        %mul3A_315 = arith.constant 16 : i32
        %mul3A_316 = arith.muli %add3A_314, %mul3A_315 : i32
        %get3A_317 = arith.index_cast %add3A_234 : i32 to index
        %get3A_318 = arith.index_cast %mul3A_316 : i32 to index
        %get3A_319 = tpu.vector_load %arg9[%get3A_317, %get3A_318] {strides = array<i32>} : memref<8x2048xf32, #tpu.memory_space<vmem>>, vector<16xf32>,
        %get3A_320 = arith.index_cast %add3A_234 : i32 to index
        %get3A_321 = arith.index_cast %mul3A_316 : i32 to index
        %get3A_322 = tpu.vector_load %arg11[%get3A_320, %get3A_321] {strides = array<i32>} : memref<8x2048xf32, #tpu.memory_space<vmem>>, vector<16xf32>,
        %add3A_323 = arith.addf %get3A_319, %get3A_322 : vector<16xf32>
        %swap3A_324 = arith.index_cast %add3A_234 : i32 to index
        %swap3A_325 = arith.index_cast %mul3A_316 : i32 to index
        %swap3A_326 = tpu.vector_load %arg9[%swap3A_324, %swap3A_325] {strides = array<i32>} : memref<8x2048xf32, #tpu.memory_space<vmem>>, vector<16xf32>,
        tpu.vector_store %arg9[%swap3A_324, %swap3A_325], %add3A_323 {strides = array<i32>} : memref<8x2048xf32, #tpu.memory_space<vmem>>, vector<16xf32>,
        %scan3A_327 = arith.constant 5 : i32
        %scan3A_328 = arith.addi %scan3A_240, %scan3A_327 : i32
        %mul3A_329 = arith.constant 1 : i32
        %mul3A_330 = arith.muli %scan3A_328, %mul3A_329 : i32
        %add3A_331 = arith.constant 0 : i32
        %add3A_332 = arith.addi %add3A_331, %mul3A_330 : i32
        %mul3A_333 = arith.constant 16 : i32
        %mul3A_334 = arith.muli %add3A_332, %mul3A_333 : i32
        %get3A_335 = arith.index_cast %add3A_234 : i32 to index
        %get3A_336 = arith.index_cast %mul3A_334 : i32 to index
        %get3A_337 = tpu.vector_load %arg9[%get3A_335, %get3A_336] {strides = array<i32>} : memref<8x2048xf32, #tpu.memory_space<vmem>>, vector<16xf32>,
        %get3A_338 = arith.index_cast %add3A_234 : i32 to index
        %get3A_339 = arith.index_cast %mul3A_334 : i32 to index
        %get3A_340 = tpu.vector_load %arg11[%get3A_338, %get3A_339] {strides = array<i32>} : memref<8x2048xf32, #tpu.memory_space<vmem>>, vector<16xf32>,
        %add3A_341 = arith.addf %get3A_337, %get3A_340 : vector<16xf32>
        %swap3A_342 = arith.index_cast %add3A_234 : i32 to index
        %swap3A_343 = arith.index_cast %mul3A_334 : i32 to index
        %swap3A_344 = tpu.vector_load %arg9[%swap3A_342, %swap3A_343] {strides = array<i32>} : memref<8x2048xf32, #tpu.memory_space<vmem>>, vector<16xf32>,
        tpu.vector_store %arg9[%swap3A_342, %swap3A_343], %add3A_341 {strides = array<i32>} : memref<8x2048xf32, #tpu.memory_space<vmem>>, vector<16xf32>,
        %scan3A_345 = arith.constant 6 : i32
        %scan3A_346 = arith.addi %scan3A_240, %scan3A_345 : i32
        %mul3A_347 = arith.constant 1 : i32
        %mul3A_348 = arith.muli %scan3A_346, %mul3A_347 : i32
        %add3A_349 = arith.constant 0 : i32
        %add3A_350 = arith.addi %add3A_349, %mul3A_348 : i32
        %mul3A_351 = arith.constant 16 : i32
        %mul3A_352 = arith.muli %add3A_350, %mul3A_351 : i32
        %get3A_353 = arith.index_cast %add3A_234 : i32 to index
        %get3A_354 = arith.index_cast %mul3A_352 : i32 to index
        %get3A_355 = tpu.vector_load %arg9[%get3A_353, %get3A_354] {strides = array<i32>} : memref<8x2048xf32, #tpu.memory_space<vmem>>, vector<16xf32>,
        %get3A_356 = arith.index_cast %add3A_234 : i32 to index
        %get3A_357 = arith.index_cast %mul3A_352 : i32 to index
        %get3A_358 = tpu.vector_load %arg11[%get3A_356, %get3A_357] {strides = array<i32>} : memref<8x2048xf32, #tpu.memory_space<vmem>>, vector<16xf32>,
        %add3A_359 = arith.addf %get3A_355, %get3A_358 : vector<16xf32>
        %swap3A_360 = arith.index_cast %add3A_234 : i32 to index
        %swap3A_361 = arith.index_cast %mul3A_352 : i32 to index
        %swap3A_362 = tpu.vector_load %arg9[%swap3A_360, %swap3A_361] {strides = array<i32>} : memref<8x2048xf32, #tpu.memory_space<vmem>>, vector<16xf32>,
        tpu.vector_store %arg9[%swap3A_360, %swap3A_361], %add3A_359 {strides = array<i32>} : memref<8x2048xf32, #tpu.memory_space<vmem>>, vector<16xf32>,
        %scan3A_363 = arith.constant 7 : i32
        %scan3A_364 = arith.addi %scan3A_240, %scan3A_363 : i32
        %mul3A_365 = arith.constant 1 : i32
        %mul3A_366 = arith.muli %scan3A_364, %mul3A_365 : i32
        %add3A_367 = arith.constant 0 : i32
        %add3A_368 = arith.addi %add3A_367, %mul3A_366 : i32
        %mul3A_369 = arith.constant 16 : i32
        %mul3A_370 = arith.muli %add3A_368, %mul3A_369 : i32
        %get3A_371 = arith.index_cast %add3A_234 : i32 to index
        %get3A_372 = arith.index_cast %mul3A_370 : i32 to index
        %get3A_373 = tpu.vector_load %arg9[%get3A_371, %get3A_372] {strides = array<i32>} : memref<8x2048xf32, #tpu.memory_space<vmem>>, vector<16xf32>,
        %get3A_374 = arith.index_cast %add3A_234 : i32 to index
        %get3A_375 = arith.index_cast %mul3A_370 : i32 to index
        %get3A_376 = tpu.vector_load %arg11[%get3A_374, %get3A_375] {strides = array<i32>} : memref<8x2048xf32, #tpu.memory_space<vmem>>, vector<16xf32>,
        %add3A_377 = arith.addf %get3A_373, %get3A_376 : vector<16xf32>
        %swap3A_378 = arith.index_cast %add3A_234 : i32 to index
        %swap3A_379 = arith.index_cast %mul3A_370 : i32 to index
        %swap3A_380 = tpu.vector_load %arg9[%swap3A_378, %swap3A_379] {strides = array<i32>} : memref<8x2048xf32, #tpu.memory_space<vmem>>, vector<16xf32>,
        tpu.vector_store %arg9[%swap3A_378, %swap3A_379], %add3A_377 {strides = array<i32>} : memref<8x2048xf32, #tpu.memory_space<vmem>>, vector<16xf32>,
      }
      %scan3A_239 = arith.constant 128 : i32
    }
    %scan3A_118 = arith.constant 8 : i32
    %dma_start3A_119 = arith.constant 0 : i32
    %dma_start3A_120 = arith.constant 0 : i32
    %dma_start3A_121 = tpu.memref_slice %arg2[%dma_start3A_119, %dma_start3A_120] : memref<8192x2048xf32, #tpu.memory_space<hbm>> -> memref<8192x2048xf32, #tpu.memory_space<hbm>>
    tpu.enqueue_indirect_dma source(%arg9 : memref<8x2048xf32, #tpu.memory_space<vmem>>) target(%dma_start3A_121 : memref<8192x2048xf32, #tpu.memory_space<hbm>>) offsets(%arg7 : memref<8xi32, #tpu.memory_space<vmem>>) semaphore(%arg17 : memref<!tpu.dma_semaphore, #tpu.memory_space<semaphore_mem>>)
    %dma_wait3A_122 = arith.constant 0 : i32
    %dma_wait3A_123 = arith.constant 0 : i32
    %dma_wait3A_124 = tpu.memref_slice %arg2[%dma_wait3A_122, %dma_wait3A_123] : memref<8192x2048xf32, #tpu.memory_space<hbm>> -> memref<8192x2048xf32, #tpu.memory_space<hbm>>
    tpu.wait_indirect_dma semaphore(%arg17 : memref<!tpu.dma_semaphore, #tpu.memory_space<semaphore_mem>>) src(%arg9 : memref<8x2048xf32, #tpu.memory_space<vmem>>) dst(%dma_wait3A_124 : memref<8192x2048xf32, #tpu.memory_space<hbm>>)
    %mul3A_125 = arith.constant 64 : i32
    %mul3A_126 = arith.muli %add3A, %mul3A_125 : i32
    %add3A_127 = arith.constant 40 : i32
    %add3A_128 = arith.addi %mul3A_126, %add3A_127 : i32
    "tpu.region"() ({
      %run_scoped3A = tpu.sem_alloc : memref<!tpu.dma_semaphore, #tpu.memory_space<semaphore_mem>>
      %dma_start3A_230 = tpu.memref_slice %arg4[%add3A_128] : memref<2048xi32, #tpu.memory_space<hbm>> -> memref<8xi32, #tpu.memory_space<hbm>>
      %dma_start3A_231 = tpu.memref_slice %arg4[%add3A_128] : memref<2048xi32, #tpu.memory_space<hbm>> -> memref<8xi32, #tpu.memory_space<hbm>>
      tpu.enqueue_dma source(%dma_start3A_231 : memref<8xi32, #tpu.memory_space<hbm>>) target(%arg7 : memref<8xi32, #tpu.memory_space<vmem>>) target_semaphore(%run_scoped3A : memref<!tpu.dma_semaphore, #tpu.memory_space<semaphore_mem>>)
      %dma_wait3A_232 = tpu.memref_slice %arg4[%add3A_128] : memref<2048xi32, #tpu.memory_space<hbm>> -> memref<8xi32, #tpu.memory_space<hbm>>
      %dma_wait3A_233 = tpu.memref_slice %arg4[%add3A_128] : memref<2048xi32, #tpu.memory_space<hbm>> -> memref<8xi32, #tpu.memory_space<hbm>>
      tpu.wait_dma2 semaphore(%run_scoped3A : memref<!tpu.dma_semaphore, #tpu.memory_space<semaphore_mem>>) src(%dma_wait3A_233 : memref<8xi32, #tpu.memory_space<hbm>>) dst(%arg7 : memref<8xi32, #tpu.memory_space<vmem>>)
      tpu.yield
    }) : () -> ()
    %dma_start3A_129 = arith.constant 0 : i32
    %dma_start3A_130 = arith.constant 0 : i32
    %dma_start3A_131 = tpu.memref_slice %arg2[%dma_start3A_129, %dma_start3A_130] : memref<8192x2048xf32, #tpu.memory_space<hbm>> -> memref<8192x2048xf32, #tpu.memory_space<hbm>>
    tpu.enqueue_indirect_dma source(%dma_start3A_131 : memref<8192x2048xf32, #tpu.memory_space<hbm>>) target(%arg9 : memref<8x2048xf32, #tpu.memory_space<vmem>>) offsets(%arg7 : memref<8xi32, #tpu.memory_space<vmem>>) semaphore(%arg13 : memref<!tpu.dma_semaphore, #tpu.memory_space<semaphore_mem>>)
    %dma_start3A_132 = arith.constant 0 : i32
    %dma_start3A_133 = tpu.memref_slice %arg3[%add3A_128, %dma_start3A_132] : memref<2048x2048xf32, #tpu.memory_space<hbm>> -> memref<8x2048xf32, #tpu.memory_space<hbm>>
    %dma_start3A_134 = arith.constant 0 : i32
    %dma_start3A_135 = tpu.memref_slice %arg3[%add3A_128, %dma_start3A_134] : memref<2048x2048xf32, #tpu.memory_space<hbm>> -> memref<8x2048xf32, #tpu.memory_space<hbm>>
    tpu.enqueue_dma source(%dma_start3A_135 : memref<8x2048xf32, #tpu.memory_space<hbm>>) target(%arg11 : memref<8x2048xf32, #tpu.memory_space<vmem>>) target_semaphore(%arg15 : memref<!tpu.dma_semaphore, #tpu.memory_space<semaphore_mem>>)
    %dma_wait3A_136 = arith.constant 0 : i32
    %dma_wait3A_137 = arith.constant 0 : i32
    %dma_wait3A_138 = tpu.memref_slice %arg2[%dma_wait3A_136, %dma_wait3A_137] : memref<8192x2048xf32, #tpu.memory_space<hbm>> -> memref<8192x2048xf32, #tpu.memory_space<hbm>>
    tpu.wait_indirect_dma semaphore(%arg12 : memref<!tpu.dma_semaphore, #tpu.memory_space<semaphore_mem>>) src(%dma_wait3A_138 : memref<8192x2048xf32, #tpu.memory_space<hbm>>) dst(%arg8 : memref<8x2048xf32, #tpu.memory_space<vmem>>)
    %dma_wait3A_139 = arith.constant 0 : i32
    %dma_wait3A_140 = tpu.memref_slice %arg3[%add3A_99, %dma_wait3A_139] : memref<2048x2048xf32, #tpu.memory_space<hbm>> -> memref<8x2048xf32, #tpu.memory_space<hbm>>
    %dma_wait3A_141 = arith.constant 0 : i32
    %dma_wait3A_142 = tpu.memref_slice %arg3[%add3A_99, %dma_wait3A_141] : memref<2048x2048xf32, #tpu.memory_space<hbm>> -> memref<8x2048xf32, #tpu.memory_space<hbm>>
    tpu.wait_dma2 semaphore(%arg14 : memref<!tpu.dma_semaphore, #tpu.memory_space<semaphore_mem>>) src(%dma_wait3A_142 : memref<8x2048xf32, #tpu.memory_space<hbm>>) dst(%arg10 : memref<8x2048xf32, #tpu.memory_space<vmem>>)
    %scan3A_143 = arith.constant 0 : i32
    %scan3A_144 = arith.constant 8 : i32
    %scan3A_145 = arith.addi %scan3A_143, %scan3A_144 : i32
    %scan3A_146 = arith.constant 1 : i32
    scf.for %scan3A_230 = %scan3A_143 to %scan3A_145 step %scan3A_146  : i32 {
      %mul3A_231 = arith.constant 1 : i32
      %mul3A_232 = arith.muli %scan3A_230, %mul3A_231 : i32
      %add3A_233 = arith.constant 0 : i32
      %add3A_234 = arith.addi %add3A_233, %mul3A_232 : i32
      %scan3A_235 = arith.constant 0 : i32
      %scan3A_236 = arith.constant 128 : i32
      %scan3A_237 = arith.addi %scan3A_235, %scan3A_236 : i32
      %scan3A_238 = arith.constant 8 : i32
      scf.for %scan3A_240 = %scan3A_235 to %scan3A_237 step %scan3A_238  : i32 {
        %mul3A_241 = arith.constant 1 : i32
        %mul3A_242 = arith.muli %scan3A_240, %mul3A_241 : i32
        %add3A_243 = arith.constant 0 : i32
        %add3A_244 = arith.addi %add3A_243, %mul3A_242 : i32
        %mul3A_245 = arith.constant 16 : i32
        %mul3A_246 = arith.muli %add3A_244, %mul3A_245 : i32
        %get3A = arith.index_cast %add3A_234 : i32 to index
        %get3A_247 = arith.index_cast %mul3A_246 : i32 to index
        %get3A_248 = tpu.vector_load %arg8[%get3A, %get3A_247] {strides = array<i32>} : memref<8x2048xf32, #tpu.memory_space<vmem>>, vector<16xf32>,
        %get3A_249 = arith.index_cast %add3A_234 : i32 to index
        %get3A_250 = arith.index_cast %mul3A_246 : i32 to index
        %get3A_251 = tpu.vector_load %arg10[%get3A_249, %get3A_250] {strides = array<i32>} : memref<8x2048xf32, #tpu.memory_space<vmem>>, vector<16xf32>,
        %add3A_252 = arith.addf %get3A_248, %get3A_251 : vector<16xf32>
        %swap3A = arith.index_cast %add3A_234 : i32 to index
        %swap3A_253 = arith.index_cast %mul3A_246 : i32 to index
        %swap3A_254 = tpu.vector_load %arg8[%swap3A, %swap3A_253] {strides = array<i32>} : memref<8x2048xf32, #tpu.memory_space<vmem>>, vector<16xf32>,
        tpu.vector_store %arg8[%swap3A, %swap3A_253], %add3A_252 {strides = array<i32>} : memref<8x2048xf32, #tpu.memory_space<vmem>>, vector<16xf32>,
        %scan3A_255 = arith.constant 1 : i32
        %scan3A_256 = arith.addi %scan3A_240, %scan3A_255 : i32
        %mul3A_257 = arith.constant 1 : i32
        %mul3A_258 = arith.muli %scan3A_256, %mul3A_257 : i32
        %add3A_259 = arith.constant 0 : i32
        %add3A_260 = arith.addi %add3A_259, %mul3A_258 : i32
        %mul3A_261 = arith.constant 16 : i32
        %mul3A_262 = arith.muli %add3A_260, %mul3A_261 : i32
        %get3A_263 = arith.index_cast %add3A_234 : i32 to index
        %get3A_264 = arith.index_cast %mul3A_262 : i32 to index
        %get3A_265 = tpu.vector_load %arg8[%get3A_263, %get3A_264] {strides = array<i32>} : memref<8x2048xf32, #tpu.memory_space<vmem>>, vector<16xf32>,
        %get3A_266 = arith.index_cast %add3A_234 : i32 to index
        %get3A_267 = arith.index_cast %mul3A_262 : i32 to index
        %get3A_268 = tpu.vector_load %arg10[%get3A_266, %get3A_267] {strides = array<i32>} : memref<8x2048xf32, #tpu.memory_space<vmem>>, vector<16xf32>,
        %add3A_269 = arith.addf %get3A_265, %get3A_268 : vector<16xf32>
        %swap3A_270 = arith.index_cast %add3A_234 : i32 to index
        %swap3A_271 = arith.index_cast %mul3A_262 : i32 to index
        %swap3A_272 = tpu.vector_load %arg8[%swap3A_270, %swap3A_271] {strides = array<i32>} : memref<8x2048xf32, #tpu.memory_space<vmem>>, vector<16xf32>,
        tpu.vector_store %arg8[%swap3A_270, %swap3A_271], %add3A_269 {strides = array<i32>} : memref<8x2048xf32, #tpu.memory_space<vmem>>, vector<16xf32>,
        %scan3A_273 = arith.constant 2 : i32
        %scan3A_274 = arith.addi %scan3A_240, %scan3A_273 : i32
        %mul3A_275 = arith.constant 1 : i32
        %mul3A_276 = arith.muli %scan3A_274, %mul3A_275 : i32
        %add3A_277 = arith.constant 0 : i32
        %add3A_278 = arith.addi %add3A_277, %mul3A_276 : i32
        %mul3A_279 = arith.constant 16 : i32
        %mul3A_280 = arith.muli %add3A_278, %mul3A_279 : i32
        %get3A_281 = arith.index_cast %add3A_234 : i32 to index
        %get3A_282 = arith.index_cast %mul3A_280 : i32 to index
        %get3A_283 = tpu.vector_load %arg8[%get3A_281, %get3A_282] {strides = array<i32>} : memref<8x2048xf32, #tpu.memory_space<vmem>>, vector<16xf32>,
        %get3A_284 = arith.index_cast %add3A_234 : i32 to index
        %get3A_285 = arith.index_cast %mul3A_280 : i32 to index
        %get3A_286 = tpu.vector_load %arg10[%get3A_284, %get3A_285] {strides = array<i32>} : memref<8x2048xf32, #tpu.memory_space<vmem>>, vector<16xf32>,
        %add3A_287 = arith.addf %get3A_283, %get3A_286 : vector<16xf32>
        %swap3A_288 = arith.index_cast %add3A_234 : i32 to index
        %swap3A_289 = arith.index_cast %mul3A_280 : i32 to index
        %swap3A_290 = tpu.vector_load %arg8[%swap3A_288, %swap3A_289] {strides = array<i32>} : memref<8x2048xf32, #tpu.memory_space<vmem>>, vector<16xf32>,
        tpu.vector_store %arg8[%swap3A_288, %swap3A_289], %add3A_287 {strides = array<i32>} : memref<8x2048xf32, #tpu.memory_space<vmem>>, vector<16xf32>,
        %scan3A_291 = arith.constant 3 : i32
        %scan3A_292 = arith.addi %scan3A_240, %scan3A_291 : i32
        %mul3A_293 = arith.constant 1 : i32
        %mul3A_294 = arith.muli %scan3A_292, %mul3A_293 : i32
        %add3A_295 = arith.constant 0 : i32
        %add3A_296 = arith.addi %add3A_295, %mul3A_294 : i32
        %mul3A_297 = arith.constant 16 : i32
        %mul3A_298 = arith.muli %add3A_296, %mul3A_297 : i32
        %get3A_299 = arith.index_cast %add3A_234 : i32 to index
        %get3A_300 = arith.index_cast %mul3A_298 : i32 to index
        %get3A_301 = tpu.vector_load %arg8[%get3A_299, %get3A_300] {strides = array<i32>} : memref<8x2048xf32, #tpu.memory_space<vmem>>, vector<16xf32>,
        %get3A_302 = arith.index_cast %add3A_234 : i32 to index
        %get3A_303 = arith.index_cast %mul3A_298 : i32 to index
        %get3A_304 = tpu.vector_load %arg10[%get3A_302, %get3A_303] {strides = array<i32>} : memref<8x2048xf32, #tpu.memory_space<vmem>>, vector<16xf32>,
        %add3A_305 = arith.addf %get3A_301, %get3A_304 : vector<16xf32>
        %swap3A_306 = arith.index_cast %add3A_234 : i32 to index
        %swap3A_307 = arith.index_cast %mul3A_298 : i32 to index
        %swap3A_308 = tpu.vector_load %arg8[%swap3A_306, %swap3A_307] {strides = array<i32>} : memref<8x2048xf32, #tpu.memory_space<vmem>>, vector<16xf32>,
        tpu.vector_store %arg8[%swap3A_306, %swap3A_307], %add3A_305 {strides = array<i32>} : memref<8x2048xf32, #tpu.memory_space<vmem>>, vector<16xf32>,
        %scan3A_309 = arith.constant 4 : i32
        %scan3A_310 = arith.addi %scan3A_240, %scan3A_309 : i32
        %mul3A_311 = arith.constant 1 : i32
        %mul3A_312 = arith.muli %scan3A_310, %mul3A_311 : i32
        %add3A_313 = arith.constant 0 : i32
        %add3A_314 = arith.addi %add3A_313, %mul3A_312 : i32
        %mul3A_315 = arith.constant 16 : i32
        %mul3A_316 = arith.muli %add3A_314, %mul3A_315 : i32
        %get3A_317 = arith.index_cast %add3A_234 : i32 to index
        %get3A_318 = arith.index_cast %mul3A_316 : i32 to index
        %get3A_319 = tpu.vector_load %arg8[%get3A_317, %get3A_318] {strides = array<i32>} : memref<8x2048xf32, #tpu.memory_space<vmem>>, vector<16xf32>,
        %get3A_320 = arith.index_cast %add3A_234 : i32 to index
        %get3A_321 = arith.index_cast %mul3A_316 : i32 to index
        %get3A_322 = tpu.vector_load %arg10[%get3A_320, %get3A_321] {strides = array<i32>} : memref<8x2048xf32, #tpu.memory_space<vmem>>, vector<16xf32>,
        %add3A_323 = arith.addf %get3A_319, %get3A_322 : vector<16xf32>
        %swap3A_324 = arith.index_cast %add3A_234 : i32 to index
        %swap3A_325 = arith.index_cast %mul3A_316 : i32 to index
        %swap3A_326 = tpu.vector_load %arg8[%swap3A_324, %swap3A_325] {strides = array<i32>} : memref<8x2048xf32, #tpu.memory_space<vmem>>, vector<16xf32>,
        tpu.vector_store %arg8[%swap3A_324, %swap3A_325], %add3A_323 {strides = array<i32>} : memref<8x2048xf32, #tpu.memory_space<vmem>>, vector<16xf32>,
        %scan3A_327 = arith.constant 5 : i32
        %scan3A_328 = arith.addi %scan3A_240, %scan3A_327 : i32
        %mul3A_329 = arith.constant 1 : i32
        %mul3A_330 = arith.muli %scan3A_328, %mul3A_329 : i32
        %add3A_331 = arith.constant 0 : i32
        %add3A_332 = arith.addi %add3A_331, %mul3A_330 : i32
        %mul3A_333 = arith.constant 16 : i32
        %mul3A_334 = arith.muli %add3A_332, %mul3A_333 : i32
        %get3A_335 = arith.index_cast %add3A_234 : i32 to index
        %get3A_336 = arith.index_cast %mul3A_334 : i32 to index
        %get3A_337 = tpu.vector_load %arg8[%get3A_335, %get3A_336] {strides = array<i32>} : memref<8x2048xf32, #tpu.memory_space<vmem>>, vector<16xf32>,
        %get3A_338 = arith.index_cast %add3A_234 : i32 to index
        %get3A_339 = arith.index_cast %mul3A_334 : i32 to index
        %get3A_340 = tpu.vector_load %arg10[%get3A_338, %get3A_339] {strides = array<i32>} : memref<8x2048xf32, #tpu.memory_space<vmem>>, vector<16xf32>,
        %add3A_341 = arith.addf %get3A_337, %get3A_340 : vector<16xf32>
        %swap3A_342 = arith.index_cast %add3A_234 : i32 to index
        %swap3A_343 = arith.index_cast %mul3A_334 : i32 to index
        %swap3A_344 = tpu.vector_load %arg8[%swap3A_342, %swap3A_343] {strides = array<i32>} : memref<8x2048xf32, #tpu.memory_space<vmem>>, vector<16xf32>,
        tpu.vector_store %arg8[%swap3A_342, %swap3A_343], %add3A_341 {strides = array<i32>} : memref<8x2048xf32, #tpu.memory_space<vmem>>, vector<16xf32>,
        %scan3A_345 = arith.constant 6 : i32
        %scan3A_346 = arith.addi %scan3A_240, %scan3A_345 : i32
        %mul3A_347 = arith.constant 1 : i32
        %mul3A_348 = arith.muli %scan3A_346, %mul3A_347 : i32
        %add3A_349 = arith.constant 0 : i32
        %add3A_350 = arith.addi %add3A_349, %mul3A_348 : i32
        %mul3A_351 = arith.constant 16 : i32
        %mul3A_352 = arith.muli %add3A_350, %mul3A_351 : i32
        %get3A_353 = arith.index_cast %add3A_234 : i32 to index
        %get3A_354 = arith.index_cast %mul3A_352 : i32 to index
        %get3A_355 = tpu.vector_load %arg8[%get3A_353, %get3A_354] {strides = array<i32>} : memref<8x2048xf32, #tpu.memory_space<vmem>>, vector<16xf32>,
        %get3A_356 = arith.index_cast %add3A_234 : i32 to index
        %get3A_357 = arith.index_cast %mul3A_352 : i32 to index
        %get3A_358 = tpu.vector_load %arg10[%get3A_356, %get3A_357] {strides = array<i32>} : memref<8x2048xf32, #tpu.memory_space<vmem>>, vector<16xf32>,
        %add3A_359 = arith.addf %get3A_355, %get3A_358 : vector<16xf32>
        %swap3A_360 = arith.index_cast %add3A_234 : i32 to index
        %swap3A_361 = arith.index_cast %mul3A_352 : i32 to index
        %swap3A_362 = tpu.vector_load %arg8[%swap3A_360, %swap3A_361] {strides = array<i32>} : memref<8x2048xf32, #tpu.memory_space<vmem>>, vector<16xf32>,
        tpu.vector_store %arg8[%swap3A_360, %swap3A_361], %add3A_359 {strides = array<i32>} : memref<8x2048xf32, #tpu.memory_space<vmem>>, vector<16xf32>,
        %scan3A_363 = arith.constant 7 : i32
        %scan3A_364 = arith.addi %scan3A_240, %scan3A_363 : i32
        %mul3A_365 = arith.constant 1 : i32
        %mul3A_366 = arith.muli %scan3A_364, %mul3A_365 : i32
        %add3A_367 = arith.constant 0 : i32
        %add3A_368 = arith.addi %add3A_367, %mul3A_366 : i32
        %mul3A_369 = arith.constant 16 : i32
        %mul3A_370 = arith.muli %add3A_368, %mul3A_369 : i32
        %get3A_371 = arith.index_cast %add3A_234 : i32 to index
        %get3A_372 = arith.index_cast %mul3A_370 : i32 to index
        %get3A_373 = tpu.vector_load %arg8[%get3A_371, %get3A_372] {strides = array<i32>} : memref<8x2048xf32, #tpu.memory_space<vmem>>, vector<16xf32>,
        %get3A_374 = arith.index_cast %add3A_234 : i32 to index
        %get3A_375 = arith.index_cast %mul3A_370 : i32 to index
        %get3A_376 = tpu.vector_load %arg10[%get3A_374, %get3A_375] {strides = array<i32>} : memref<8x2048xf32, #tpu.memory_space<vmem>>, vector<16xf32>,
        %add3A_377 = arith.addf %get3A_373, %get3A_376 : vector<16xf32>
        %swap3A_378 = arith.index_cast %add3A_234 : i32 to index
        %swap3A_379 = arith.index_cast %mul3A_370 : i32 to index
        %swap3A_380 = tpu.vector_load %arg8[%swap3A_378, %swap3A_379] {strides = array<i32>} : memref<8x2048xf32, #tpu.memory_space<vmem>>, vector<16xf32>,
        tpu.vector_store %arg8[%swap3A_378, %swap3A_379], %add3A_377 {strides = array<i32>} : memref<8x2048xf32, #tpu.memory_space<vmem>>, vector<16xf32>,
      }
      %scan3A_239 = arith.constant 128 : i32
    }
    %scan3A_147 = arith.constant 8 : i32
    %dma_start3A_148 = arith.constant 0 : i32
    %dma_start3A_149 = arith.constant 0 : i32
    %dma_start3A_150 = tpu.memref_slice %arg2[%dma_start3A_148, %dma_start3A_149] : memref<8192x2048xf32, #tpu.memory_space<hbm>> -> memref<8192x2048xf32, #tpu.memory_space<hbm>>
    tpu.enqueue_indirect_dma source(%arg8 : memref<8x2048xf32, #tpu.memory_space<vmem>>) target(%dma_start3A_150 : memref<8192x2048xf32, #tpu.memory_space<hbm>>) offsets(%arg6 : memref<8xi32, #tpu.memory_space<vmem>>) semaphore(%arg16 : memref<!tpu.dma_semaphore, #tpu.memory_space<semaphore_mem>>)
    %dma_wait3A_151 = arith.constant 0 : i32
    %dma_wait3A_152 = arith.constant 0 : i32
    %dma_wait3A_153 = tpu.memref_slice %arg2[%dma_wait3A_151, %dma_wait3A_152] : memref<8192x2048xf32, #tpu.memory_space<hbm>> -> memref<8192x2048xf32, #tpu.memory_space<hbm>>
    tpu.wait_indirect_dma semaphore(%arg16 : memref<!tpu.dma_semaphore, #tpu.memory_space<semaphore_mem>>) src(%arg8 : memref<8x2048xf32, #tpu.memory_space<vmem>>) dst(%dma_wait3A_153 : memref<8192x2048xf32, #tpu.memory_space<hbm>>)
    %mul3A_154 = arith.constant 64 : i32
    %mul3A_155 = arith.muli %add3A, %mul3A_154 : i32
    %add3A_156 = arith.constant 48 : i32
    %add3A_157 = arith.addi %mul3A_155, %add3A_156 : i32
    "tpu.region"() ({
      %run_scoped3A = tpu.sem_alloc : memref<!tpu.dma_semaphore, #tpu.memory_space<semaphore_mem>>
      %dma_start3A_230 = tpu.memref_slice %arg4[%add3A_157] : memref<2048xi32, #tpu.memory_space<hbm>> -> memref<8xi32, #tpu.memory_space<hbm>>
      %dma_start3A_231 = tpu.memref_slice %arg4[%add3A_157] : memref<2048xi32, #tpu.memory_space<hbm>> -> memref<8xi32, #tpu.memory_space<hbm>>
      tpu.enqueue_dma source(%dma_start3A_231 : memref<8xi32, #tpu.memory_space<hbm>>) target(%arg6 : memref<8xi32, #tpu.memory_space<vmem>>) target_semaphore(%run_scoped3A : memref<!tpu.dma_semaphore, #tpu.memory_space<semaphore_mem>>)
      %dma_wait3A_232 = tpu.memref_slice %arg4[%add3A_157] : memref<2048xi32, #tpu.memory_space<hbm>> -> memref<8xi32, #tpu.memory_space<hbm>>
      %dma_wait3A_233 = tpu.memref_slice %arg4[%add3A_157] : memref<2048xi32, #tpu.memory_space<hbm>> -> memref<8xi32, #tpu.memory_space<hbm>>
      tpu.wait_dma2 semaphore(%run_scoped3A : memref<!tpu.dma_semaphore, #tpu.memory_space<semaphore_mem>>) src(%dma_wait3A_233 : memref<8xi32, #tpu.memory_space<hbm>>) dst(%arg6 : memref<8xi32, #tpu.memory_space<vmem>>)
      tpu.yield
    }) : () -> ()
    %dma_start3A_158 = arith.constant 0 : i32
    %dma_start3A_159 = arith.constant 0 : i32
    %dma_start3A_160 = tpu.memref_slice %arg2[%dma_start3A_158, %dma_start3A_159] : memref<8192x2048xf32, #tpu.memory_space<hbm>> -> memref<8192x2048xf32, #tpu.memory_space<hbm>>
    tpu.enqueue_indirect_dma source(%dma_start3A_160 : memref<8192x2048xf32, #tpu.memory_space<hbm>>) target(%arg8 : memref<8x2048xf32, #tpu.memory_space<vmem>>) offsets(%arg6 : memref<8xi32, #tpu.memory_space<vmem>>) semaphore(%arg12 : memref<!tpu.dma_semaphore, #tpu.memory_space<semaphore_mem>>)
    %dma_start3A_161 = arith.constant 0 : i32
    %dma_start3A_162 = tpu.memref_slice %arg3[%add3A_157, %dma_start3A_161] : memref<2048x2048xf32, #tpu.memory_space<hbm>> -> memref<8x2048xf32, #tpu.memory_space<hbm>>
    %dma_start3A_163 = arith.constant 0 : i32
    %dma_start3A_164 = tpu.memref_slice %arg3[%add3A_157, %dma_start3A_163] : memref<2048x2048xf32, #tpu.memory_space<hbm>> -> memref<8x2048xf32, #tpu.memory_space<hbm>>
    tpu.enqueue_dma source(%dma_start3A_164 : memref<8x2048xf32, #tpu.memory_space<hbm>>) target(%arg10 : memref<8x2048xf32, #tpu.memory_space<vmem>>) target_semaphore(%arg14 : memref<!tpu.dma_semaphore, #tpu.memory_space<semaphore_mem>>)
    %dma_wait3A_165 = arith.constant 0 : i32
    %dma_wait3A_166 = arith.constant 0 : i32
    %dma_wait3A_167 = tpu.memref_slice %arg2[%dma_wait3A_165, %dma_wait3A_166] : memref<8192x2048xf32, #tpu.memory_space<hbm>> -> memref<8192x2048xf32, #tpu.memory_space<hbm>>
    tpu.wait_indirect_dma semaphore(%arg13 : memref<!tpu.dma_semaphore, #tpu.memory_space<semaphore_mem>>) src(%dma_wait3A_167 : memref<8192x2048xf32, #tpu.memory_space<hbm>>) dst(%arg9 : memref<8x2048xf32, #tpu.memory_space<vmem>>)
    %dma_wait3A_168 = arith.constant 0 : i32
    %dma_wait3A_169 = tpu.memref_slice %arg3[%add3A_128, %dma_wait3A_168] : memref<2048x2048xf32, #tpu.memory_space<hbm>> -> memref<8x2048xf32, #tpu.memory_space<hbm>>
    %dma_wait3A_170 = arith.constant 0 : i32
    %dma_wait3A_171 = tpu.memref_slice %arg3[%add3A_128, %dma_wait3A_170] : memref<2048x2048xf32, #tpu.memory_space<hbm>> -> memref<8x2048xf32, #tpu.memory_space<hbm>>
    tpu.wait_dma2 semaphore(%arg15 : memref<!tpu.dma_semaphore, #tpu.memory_space<semaphore_mem>>) src(%dma_wait3A_171 : memref<8x2048xf32, #tpu.memory_space<hbm>>) dst(%arg11 : memref<8x2048xf32, #tpu.memory_space<vmem>>)
    %scan3A_172 = arith.constant 0 : i32
    %scan3A_173 = arith.constant 8 : i32
    %scan3A_174 = arith.addi %scan3A_172, %scan3A_173 : i32
    %scan3A_175 = arith.constant 1 : i32
    scf.for %scan3A_230 = %scan3A_172 to %scan3A_174 step %scan3A_175  : i32 {
      %mul3A_231 = arith.constant 1 : i32
      %mul3A_232 = arith.muli %scan3A_230, %mul3A_231 : i32
      %add3A_233 = arith.constant 0 : i32
      %add3A_234 = arith.addi %add3A_233, %mul3A_232 : i32
      %scan3A_235 = arith.constant 0 : i32
      %scan3A_236 = arith.constant 128 : i32
      %scan3A_237 = arith.addi %scan3A_235, %scan3A_236 : i32
      %scan3A_238 = arith.constant 8 : i32
      scf.for %scan3A_240 = %scan3A_235 to %scan3A_237 step %scan3A_238  : i32 {
        %mul3A_241 = arith.constant 1 : i32
        %mul3A_242 = arith.muli %scan3A_240, %mul3A_241 : i32
        %add3A_243 = arith.constant 0 : i32
        %add3A_244 = arith.addi %add3A_243, %mul3A_242 : i32
        %mul3A_245 = arith.constant 16 : i32
        %mul3A_246 = arith.muli %add3A_244, %mul3A_245 : i32
        %get3A = arith.index_cast %add3A_234 : i32 to index
        %get3A_247 = arith.index_cast %mul3A_246 : i32 to index
        %get3A_248 = tpu.vector_load %arg9[%get3A, %get3A_247] {strides = array<i32>} : memref<8x2048xf32, #tpu.memory_space<vmem>>, vector<16xf32>,
        %get3A_249 = arith.index_cast %add3A_234 : i32 to index
        %get3A_250 = arith.index_cast %mul3A_246 : i32 to index
        %get3A_251 = tpu.vector_load %arg11[%get3A_249, %get3A_250] {strides = array<i32>} : memref<8x2048xf32, #tpu.memory_space<vmem>>, vector<16xf32>,
        %add3A_252 = arith.addf %get3A_248, %get3A_251 : vector<16xf32>
        %swap3A = arith.index_cast %add3A_234 : i32 to index
        %swap3A_253 = arith.index_cast %mul3A_246 : i32 to index
        %swap3A_254 = tpu.vector_load %arg9[%swap3A, %swap3A_253] {strides = array<i32>} : memref<8x2048xf32, #tpu.memory_space<vmem>>, vector<16xf32>,
        tpu.vector_store %arg9[%swap3A, %swap3A_253], %add3A_252 {strides = array<i32>} : memref<8x2048xf32, #tpu.memory_space<vmem>>, vector<16xf32>,
        %scan3A_255 = arith.constant 1 : i32
        %scan3A_256 = arith.addi %scan3A_240, %scan3A_255 : i32
        %mul3A_257 = arith.constant 1 : i32
        %mul3A_258 = arith.muli %scan3A_256, %mul3A_257 : i32
        %add3A_259 = arith.constant 0 : i32
        %add3A_260 = arith.addi %add3A_259, %mul3A_258 : i32
        %mul3A_261 = arith.constant 16 : i32
        %mul3A_262 = arith.muli %add3A_260, %mul3A_261 : i32
        %get3A_263 = arith.index_cast %add3A_234 : i32 to index
        %get3A_264 = arith.index_cast %mul3A_262 : i32 to index
        %get3A_265 = tpu.vector_load %arg9[%get3A_263, %get3A_264] {strides = array<i32>} : memref<8x2048xf32, #tpu.memory_space<vmem>>, vector<16xf32>,
        %get3A_266 = arith.index_cast %add3A_234 : i32 to index
        %get3A_267 = arith.index_cast %mul3A_262 : i32 to index
        %get3A_268 = tpu.vector_load %arg11[%get3A_266, %get3A_267] {strides = array<i32>} : memref<8x2048xf32, #tpu.memory_space<vmem>>, vector<16xf32>,
        %add3A_269 = arith.addf %get3A_265, %get3A_268 : vector<16xf32>
        %swap3A_270 = arith.index_cast %add3A_234 : i32 to index
        %swap3A_271 = arith.index_cast %mul3A_262 : i32 to index
        %swap3A_272 = tpu.vector_load %arg9[%swap3A_270, %swap3A_271] {strides = array<i32>} : memref<8x2048xf32, #tpu.memory_space<vmem>>, vector<16xf32>,
        tpu.vector_store %arg9[%swap3A_270, %swap3A_271], %add3A_269 {strides = array<i32>} : memref<8x2048xf32, #tpu.memory_space<vmem>>, vector<16xf32>,
        %scan3A_273 = arith.constant 2 : i32
        %scan3A_274 = arith.addi %scan3A_240, %scan3A_273 : i32
        %mul3A_275 = arith.constant 1 : i32
        %mul3A_276 = arith.muli %scan3A_274, %mul3A_275 : i32
        %add3A_277 = arith.constant 0 : i32
        %add3A_278 = arith.addi %add3A_277, %mul3A_276 : i32
        %mul3A_279 = arith.constant 16 : i32
        %mul3A_280 = arith.muli %add3A_278, %mul3A_279 : i32
        %get3A_281 = arith.index_cast %add3A_234 : i32 to index
        %get3A_282 = arith.index_cast %mul3A_280 : i32 to index
        %get3A_283 = tpu.vector_load %arg9[%get3A_281, %get3A_282] {strides = array<i32>} : memref<8x2048xf32, #tpu.memory_space<vmem>>, vector<16xf32>,
        %get3A_284 = arith.index_cast %add3A_234 : i32 to index
        %get3A_285 = arith.index_cast %mul3A_280 : i32 to index
        %get3A_286 = tpu.vector_load %arg11[%get3A_284, %get3A_285] {strides = array<i32>} : memref<8x2048xf32, #tpu.memory_space<vmem>>, vector<16xf32>,
        %add3A_287 = arith.addf %get3A_283, %get3A_286 : vector<16xf32>
        %swap3A_288 = arith.index_cast %add3A_234 : i32 to index
        %swap3A_289 = arith.index_cast %mul3A_280 : i32 to index
        %swap3A_290 = tpu.vector_load %arg9[%swap3A_288, %swap3A_289] {strides = array<i32>} : memref<8x2048xf32, #tpu.memory_space<vmem>>, vector<16xf32>,
        tpu.vector_store %arg9[%swap3A_288, %swap3A_289], %add3A_287 {strides = array<i32>} : memref<8x2048xf32, #tpu.memory_space<vmem>>, vector<16xf32>,
        %scan3A_291 = arith.constant 3 : i32
        %scan3A_292 = arith.addi %scan3A_240, %scan3A_291 : i32
        %mul3A_293 = arith.constant 1 : i32
        %mul3A_294 = arith.muli %scan3A_292, %mul3A_293 : i32
        %add3A_295 = arith.constant 0 : i32
        %add3A_296 = arith.addi %add3A_295, %mul3A_294 : i32
        %mul3A_297 = arith.constant 16 : i32
        %mul3A_298 = arith.muli %add3A_296, %mul3A_297 : i32
        %get3A_299 = arith.index_cast %add3A_234 : i32 to index
        %get3A_300 = arith.index_cast %mul3A_298 : i32 to index
        %get3A_301 = tpu.vector_load %arg9[%get3A_299, %get3A_300] {strides = array<i32>} : memref<8x2048xf32, #tpu.memory_space<vmem>>, vector<16xf32>,
        %get3A_302 = arith.index_cast %add3A_234 : i32 to index
        %get3A_303 = arith.index_cast %mul3A_298 : i32 to index
        %get3A_304 = tpu.vector_load %arg11[%get3A_302, %get3A_303] {strides = array<i32>} : memref<8x2048xf32, #tpu.memory_space<vmem>>, vector<16xf32>,
        %add3A_305 = arith.addf %get3A_301, %get3A_304 : vector<16xf32>
        %swap3A_306 = arith.index_cast %add3A_234 : i32 to index
        %swap3A_307 = arith.index_cast %mul3A_298 : i32 to index
        %swap3A_308 = tpu.vector_load %arg9[%swap3A_306, %swap3A_307] {strides = array<i32>} : memref<8x2048xf32, #tpu.memory_space<vmem>>, vector<16xf32>,
        tpu.vector_store %arg9[%swap3A_306, %swap3A_307], %add3A_305 {strides = array<i32>} : memref<8x2048xf32, #tpu.memory_space<vmem>>, vector<16xf32>,
        %scan3A_309 = arith.constant 4 : i32
        %scan3A_310 = arith.addi %scan3A_240, %scan3A_309 : i32
        %mul3A_311 = arith.constant 1 : i32
        %mul3A_312 = arith.muli %scan3A_310, %mul3A_311 : i32
        %add3A_313 = arith.constant 0 : i32
        %add3A_314 = arith.addi %add3A_313, %mul3A_312 : i32
        %mul3A_315 = arith.constant 16 : i32
        %mul3A_316 = arith.muli %add3A_314, %mul3A_315 : i32
        %get3A_317 = arith.index_cast %add3A_234 : i32 to index
        %get3A_318 = arith.index_cast %mul3A_316 : i32 to index
        %get3A_319 = tpu.vector_load %arg9[%get3A_317, %get3A_318] {strides = array<i32>} : memref<8x2048xf32, #tpu.memory_space<vmem>>, vector<16xf32>,
        %get3A_320 = arith.index_cast %add3A_234 : i32 to index
        %get3A_321 = arith.index_cast %mul3A_316 : i32 to index
        %get3A_322 = tpu.vector_load %arg11[%get3A_320, %get3A_321] {strides = array<i32>} : memref<8x2048xf32, #tpu.memory_space<vmem>>, vector<16xf32>,
        %add3A_323 = arith.addf %get3A_319, %get3A_322 : vector<16xf32>
        %swap3A_324 = arith.index_cast %add3A_234 : i32 to index
        %swap3A_325 = arith.index_cast %mul3A_316 : i32 to index
        %swap3A_326 = tpu.vector_load %arg9[%swap3A_324, %swap3A_325] {strides = array<i32>} : memref<8x2048xf32, #tpu.memory_space<vmem>>, vector<16xf32>,
        tpu.vector_store %arg9[%swap3A_324, %swap3A_325], %add3A_323 {strides = array<i32>} : memref<8x2048xf32, #tpu.memory_space<vmem>>, vector<16xf32>,
        %scan3A_327 = arith.constant 5 : i32
        %scan3A_328 = arith.addi %scan3A_240, %scan3A_327 : i32
        %mul3A_329 = arith.constant 1 : i32
        %mul3A_330 = arith.muli %scan3A_328, %mul3A_329 : i32
        %add3A_331 = arith.constant 0 : i32
        %add3A_332 = arith.addi %add3A_331, %mul3A_330 : i32
        %mul3A_333 = arith.constant 16 : i32
        %mul3A_334 = arith.muli %add3A_332, %mul3A_333 : i32
        %get3A_335 = arith.index_cast %add3A_234 : i32 to index
        %get3A_336 = arith.index_cast %mul3A_334 : i32 to index
        %get3A_337 = tpu.vector_load %arg9[%get3A_335, %get3A_336] {strides = array<i32>} : memref<8x2048xf32, #tpu.memory_space<vmem>>, vector<16xf32>,
        %get3A_338 = arith.index_cast %add3A_234 : i32 to index
        %get3A_339 = arith.index_cast %mul3A_334 : i32 to index
        %get3A_340 = tpu.vector_load %arg11[%get3A_338, %get3A_339] {strides = array<i32>} : memref<8x2048xf32, #tpu.memory_space<vmem>>, vector<16xf32>,
        %add3A_341 = arith.addf %get3A_337, %get3A_340 : vector<16xf32>
        %swap3A_342 = arith.index_cast %add3A_234 : i32 to index
        %swap3A_343 = arith.index_cast %mul3A_334 : i32 to index
        %swap3A_344 = tpu.vector_load %arg9[%swap3A_342, %swap3A_343] {strides = array<i32>} : memref<8x2048xf32, #tpu.memory_space<vmem>>, vector<16xf32>,
        tpu.vector_store %arg9[%swap3A_342, %swap3A_343], %add3A_341 {strides = array<i32>} : memref<8x2048xf32, #tpu.memory_space<vmem>>, vector<16xf32>,
        %scan3A_345 = arith.constant 6 : i32
        %scan3A_346 = arith.addi %scan3A_240, %scan3A_345 : i32
        %mul3A_347 = arith.constant 1 : i32
        %mul3A_348 = arith.muli %scan3A_346, %mul3A_347 : i32
        %add3A_349 = arith.constant 0 : i32
        %add3A_350 = arith.addi %add3A_349, %mul3A_348 : i32
        %mul3A_351 = arith.constant 16 : i32
        %mul3A_352 = arith.muli %add3A_350, %mul3A_351 : i32
        %get3A_353 = arith.index_cast %add3A_234 : i32 to index
        %get3A_354 = arith.index_cast %mul3A_352 : i32 to index
        %get3A_355 = tpu.vector_load %arg9[%get3A_353, %get3A_354] {strides = array<i32>} : memref<8x2048xf32, #tpu.memory_space<vmem>>, vector<16xf32>,
        %get3A_356 = arith.index_cast %add3A_234 : i32 to index
        %get3A_357 = arith.index_cast %mul3A_352 : i32 to index
        %get3A_358 = tpu.vector_load %arg11[%get3A_356, %get3A_357] {strides = array<i32>} : memref<8x2048xf32, #tpu.memory_space<vmem>>, vector<16xf32>,
        %add3A_359 = arith.addf %get3A_355, %get3A_358 : vector<16xf32>
        %swap3A_360 = arith.index_cast %add3A_234 : i32 to index
        %swap3A_361 = arith.index_cast %mul3A_352 : i32 to index
        %swap3A_362 = tpu.vector_load %arg9[%swap3A_360, %swap3A_361] {strides = array<i32>} : memref<8x2048xf32, #tpu.memory_space<vmem>>, vector<16xf32>,
        tpu.vector_store %arg9[%swap3A_360, %swap3A_361], %add3A_359 {strides = array<i32>} : memref<8x2048xf32, #tpu.memory_space<vmem>>, vector<16xf32>,
        %scan3A_363 = arith.constant 7 : i32
        %scan3A_364 = arith.addi %scan3A_240, %scan3A_363 : i32
        %mul3A_365 = arith.constant 1 : i32
        %mul3A_366 = arith.muli %scan3A_364, %mul3A_365 : i32
        %add3A_367 = arith.constant 0 : i32
        %add3A_368 = arith.addi %add3A_367, %mul3A_366 : i32
        %mul3A_369 = arith.constant 16 : i32
        %mul3A_370 = arith.muli %add3A_368, %mul3A_369 : i32
        %get3A_371 = arith.index_cast %add3A_234 : i32 to index
        %get3A_372 = arith.index_cast %mul3A_370 : i32 to index
        %get3A_373 = tpu.vector_load %arg9[%get3A_371, %get3A_372] {strides = array<i32>} : memref<8x2048xf32, #tpu.memory_space<vmem>>, vector<16xf32>,
        %get3A_374 = arith.index_cast %add3A_234 : i32 to index
        %get3A_375 = arith.index_cast %mul3A_370 : i32 to index
        %get3A_376 = tpu.vector_load %arg11[%get3A_374, %get3A_375] {strides = array<i32>} : memref<8x2048xf32, #tpu.memory_space<vmem>>, vector<16xf32>,
        %add3A_377 = arith.addf %get3A_373, %get3A_376 : vector<16xf32>
        %swap3A_378 = arith.index_cast %add3A_234 : i32 to index
        %swap3A_379 = arith.index_cast %mul3A_370 : i32 to index
        %swap3A_380 = tpu.vector_load %arg9[%swap3A_378, %swap3A_379] {strides = array<i32>} : memref<8x2048xf32, #tpu.memory_space<vmem>>, vector<16xf32>,
        tpu.vector_store %arg9[%swap3A_378, %swap3A_379], %add3A_377 {strides = array<i32>} : memref<8x2048xf32, #tpu.memory_space<vmem>>, vector<16xf32>,
      }
      %scan3A_239 = arith.constant 128 : i32
    }
    %scan3A_176 = arith.constant 8 : i32
    %dma_start3A_177 = arith.constant 0 : i32
    %dma_start3A_178 = arith.constant 0 : i32
    %dma_start3A_179 = tpu.memref_slice %arg2[%dma_start3A_177, %dma_start3A_178] : memref<8192x2048xf32, #tpu.memory_space<hbm>> -> memref<8192x2048xf32, #tpu.memory_space<hbm>>
    tpu.enqueue_indirect_dma source(%arg9 : memref<8x2048xf32, #tpu.memory_space<vmem>>) target(%dma_start3A_179 : memref<8192x2048xf32, #tpu.memory_space<hbm>>) offsets(%arg7 : memref<8xi32, #tpu.memory_space<vmem>>) semaphore(%arg17 : memref<!tpu.dma_semaphore, #tpu.memory_space<semaphore_mem>>)
    %dma_wait3A_180 = arith.constant 0 : i32
    %dma_wait3A_181 = arith.constant 0 : i32
    %dma_wait3A_182 = tpu.memref_slice %arg2[%dma_wait3A_180, %dma_wait3A_181] : memref<8192x2048xf32, #tpu.memory_space<hbm>> -> memref<8192x2048xf32, #tpu.memory_space<hbm>>
    tpu.wait_indirect_dma semaphore(%arg17 : memref<!tpu.dma_semaphore, #tpu.memory_space<semaphore_mem>>) src(%arg9 : memref<8x2048xf32, #tpu.memory_space<vmem>>) dst(%dma_wait3A_182 : memref<8192x2048xf32, #tpu.memory_space<hbm>>)
    %mul3A_183 = arith.constant 64 : i32
    %mul3A_184 = arith.muli %add3A, %mul3A_183 : i32
    %add3A_185 = arith.constant 56 : i32
    %add3A_186 = arith.addi %mul3A_184, %add3A_185 : i32
    "tpu.region"() ({
      %run_scoped3A = tpu.sem_alloc : memref<!tpu.dma_semaphore, #tpu.memory_space<semaphore_mem>>
      %dma_start3A_230 = tpu.memref_slice %arg4[%add3A_186] : memref<2048xi32, #tpu.memory_space<hbm>> -> memref<8xi32, #tpu.memory_space<hbm>>
      %dma_start3A_231 = tpu.memref_slice %arg4[%add3A_186] : memref<2048xi32, #tpu.memory_space<hbm>> -> memref<8xi32, #tpu.memory_space<hbm>>
      tpu.enqueue_dma source(%dma_start3A_231 : memref<8xi32, #tpu.memory_space<hbm>>) target(%arg7 : memref<8xi32, #tpu.memory_space<vmem>>) target_semaphore(%run_scoped3A : memref<!tpu.dma_semaphore, #tpu.memory_space<semaphore_mem>>)
      %dma_wait3A_232 = tpu.memref_slice %arg4[%add3A_186] : memref<2048xi32, #tpu.memory_space<hbm>> -> memref<8xi32, #tpu.memory_space<hbm>>
      %dma_wait3A_233 = tpu.memref_slice %arg4[%add3A_186] : memref<2048xi32, #tpu.memory_space<hbm>> -> memref<8xi32, #tpu.memory_space<hbm>>
      tpu.wait_dma2 semaphore(%run_scoped3A : memref<!tpu.dma_semaphore, #tpu.memory_space<semaphore_mem>>) src(%dma_wait3A_233 : memref<8xi32, #tpu.memory_space<hbm>>) dst(%arg7 : memref<8xi32, #tpu.memory_space<vmem>>)
      tpu.yield
    }) : () -> ()
    %dma_start3A_187 = arith.constant 0 : i32
    %dma_start3A_188 = arith.constant 0 : i32
    %dma_start3A_189 = tpu.memref_slice %arg2[%dma_start3A_187, %dma_start3A_188] : memref<8192x2048xf32, #tpu.memory_space<hbm>> -> memref<8192x2048xf32, #tpu.memory_space<hbm>>
    tpu.enqueue_indirect_dma source(%dma_start3A_189 : memref<8192x2048xf32, #tpu.memory_space<hbm>>) target(%arg9 : memref<8x2048xf32, #tpu.memory_space<vmem>>) offsets(%arg7 : memref<8xi32, #tpu.memory_space<vmem>>) semaphore(%arg13 : memref<!tpu.dma_semaphore, #tpu.memory_space<semaphore_mem>>)
    %dma_start3A_190 = arith.constant 0 : i32
    %dma_start3A_191 = tpu.memref_slice %arg3[%add3A_186, %dma_start3A_190] : memref<2048x2048xf32, #tpu.memory_space<hbm>> -> memref<8x2048xf32, #tpu.memory_space<hbm>>
    %dma_start3A_192 = arith.constant 0 : i32
    %dma_start3A_193 = tpu.memref_slice %arg3[%add3A_186, %dma_start3A_192] : memref<2048x2048xf32, #tpu.memory_space<hbm>> -> memref<8x2048xf32, #tpu.memory_space<hbm>>
    tpu.enqueue_dma source(%dma_start3A_193 : memref<8x2048xf32, #tpu.memory_space<hbm>>) target(%arg11 : memref<8x2048xf32, #tpu.memory_space<vmem>>) target_semaphore(%arg15 : memref<!tpu.dma_semaphore, #tpu.memory_space<semaphore_mem>>)
    %dma_wait3A_194 = arith.constant 0 : i32
    %dma_wait3A_195 = arith.constant 0 : i32
    %dma_wait3A_196 = tpu.memref_slice %arg2[%dma_wait3A_194, %dma_wait3A_195] : memref<8192x2048xf32, #tpu.memory_space<hbm>> -> memref<8192x2048xf32, #tpu.memory_space<hbm>>
    tpu.wait_indirect_dma semaphore(%arg12 : memref<!tpu.dma_semaphore, #tpu.memory_space<semaphore_mem>>) src(%dma_wait3A_196 : memref<8192x2048xf32, #tpu.memory_space<hbm>>) dst(%arg8 : memref<8x2048xf32, #tpu.memory_space<vmem>>)
    %dma_wait3A_197 = arith.constant 0 : i32
    %dma_wait3A_198 = tpu.memref_slice %arg3[%add3A_157, %dma_wait3A_197] : memref<2048x2048xf32, #tpu.memory_space<hbm>> -> memref<8x2048xf32, #tpu.memory_space<hbm>>
    %dma_wait3A_199 = arith.constant 0 : i32
    %dma_wait3A_200 = tpu.memref_slice %arg3[%add3A_157, %dma_wait3A_199] : memref<2048x2048xf32, #tpu.memory_space<hbm>> -> memref<8x2048xf32, #tpu.memory_space<hbm>>
    tpu.wait_dma2 semaphore(%arg14 : memref<!tpu.dma_semaphore, #tpu.memory_space<semaphore_mem>>) src(%dma_wait3A_200 : memref<8x2048xf32, #tpu.memory_space<hbm>>) dst(%arg10 : memref<8x2048xf32, #tpu.memory_space<vmem>>)
    %scan3A_201 = arith.constant 0 : i32
    %scan3A_202 = arith.constant 8 : i32
    %scan3A_203 = arith.addi %scan3A_201, %scan3A_202 : i32
    %scan3A_204 = arith.constant 1 : i32
    scf.for %scan3A_230 = %scan3A_201 to %scan3A_203 step %scan3A_204  : i32 {
      %mul3A_231 = arith.constant 1 : i32
      %mul3A_232 = arith.muli %scan3A_230, %mul3A_231 : i32
      %add3A_233 = arith.constant 0 : i32
      %add3A_234 = arith.addi %add3A_233, %mul3A_232 : i32
      %scan3A_235 = arith.constant 0 : i32
      %scan3A_236 = arith.constant 128 : i32
      %scan3A_237 = arith.addi %scan3A_235, %scan3A_236 : i32
      %scan3A_238 = arith.constant 8 : i32
      scf.for %scan3A_240 = %scan3A_235 to %scan3A_237 step %scan3A_238  : i32 {
        %mul3A_241 = arith.constant 1 : i32
        %mul3A_242 = arith.muli %scan3A_240, %mul3A_241 : i32
        %add3A_243 = arith.constant 0 : i32
        %add3A_244 = arith.addi %add3A_243, %mul3A_242 : i32
        %mul3A_245 = arith.constant 16 : i32
        %mul3A_246 = arith.muli %add3A_244, %mul3A_245 : i32
        %get3A = arith.index_cast %add3A_234 : i32 to index
        %get3A_247 = arith.index_cast %mul3A_246 : i32 to index
        %get3A_248 = tpu.vector_load %arg8[%get3A, %get3A_247] {strides = array<i32>} : memref<8x2048xf32, #tpu.memory_space<vmem>>, vector<16xf32>,
        %get3A_249 = arith.index_cast %add3A_234 : i32 to index
        %get3A_250 = arith.index_cast %mul3A_246 : i32 to index
        %get3A_251 = tpu.vector_load %arg10[%get3A_249, %get3A_250] {strides = array<i32>} : memref<8x2048xf32, #tpu.memory_space<vmem>>, vector<16xf32>,
        %add3A_252 = arith.addf %get3A_248, %get3A_251 : vector<16xf32>
        %swap3A = arith.index_cast %add3A_234 : i32 to index
        %swap3A_253 = arith.index_cast %mul3A_246 : i32 to index
        %swap3A_254 = tpu.vector_load %arg8[%swap3A, %swap3A_253] {strides = array<i32>} : memref<8x2048xf32, #tpu.memory_space<vmem>>, vector<16xf32>,
        tpu.vector_store %arg8[%swap3A, %swap3A_253], %add3A_252 {strides = array<i32>} : memref<8x2048xf32, #tpu.memory_space<vmem>>, vector<16xf32>,
        %scan3A_255 = arith.constant 1 : i32
        %scan3A_256 = arith.addi %scan3A_240, %scan3A_255 : i32
        %mul3A_257 = arith.constant 1 : i32
        %mul3A_258 = arith.muli %scan3A_256, %mul3A_257 : i32
        %add3A_259 = arith.constant 0 : i32
        %add3A_260 = arith.addi %add3A_259, %mul3A_258 : i32
        %mul3A_261 = arith.constant 16 : i32
        %mul3A_262 = arith.muli %add3A_260, %mul3A_261 : i32
        %get3A_263 = arith.index_cast %add3A_234 : i32 to index
        %get3A_264 = arith.index_cast %mul3A_262 : i32 to index
        %get3A_265 = tpu.vector_load %arg8[%get3A_263, %get3A_264] {strides = array<i32>} : memref<8x2048xf32, #tpu.memory_space<vmem>>, vector<16xf32>,
        %get3A_266 = arith.index_cast %add3A_234 : i32 to index
        %get3A_267 = arith.index_cast %mul3A_262 : i32 to index
        %get3A_268 = tpu.vector_load %arg10[%get3A_266, %get3A_267] {strides = array<i32>} : memref<8x2048xf32, #tpu.memory_space<vmem>>, vector<16xf32>,
        %add3A_269 = arith.addf %get3A_265, %get3A_268 : vector<16xf32>
        %swap3A_270 = arith.index_cast %add3A_234 : i32 to index
        %swap3A_271 = arith.index_cast %mul3A_262 : i32 to index
        %swap3A_272 = tpu.vector_load %arg8[%swap3A_270, %swap3A_271] {strides = array<i32>} : memref<8x2048xf32, #tpu.memory_space<vmem>>, vector<16xf32>,
        tpu.vector_store %arg8[%swap3A_270, %swap3A_271], %add3A_269 {strides = array<i32>} : memref<8x2048xf32, #tpu.memory_space<vmem>>, vector<16xf32>,
        %scan3A_273 = arith.constant 2 : i32
        %scan3A_274 = arith.addi %scan3A_240, %scan3A_273 : i32
        %mul3A_275 = arith.constant 1 : i32
        %mul3A_276 = arith.muli %scan3A_274, %mul3A_275 : i32
        %add3A_277 = arith.constant 0 : i32
        %add3A_278 = arith.addi %add3A_277, %mul3A_276 : i32
        %mul3A_279 = arith.constant 16 : i32
        %mul3A_280 = arith.muli %add3A_278, %mul3A_279 : i32
        %get3A_281 = arith.index_cast %add3A_234 : i32 to index
        %get3A_282 = arith.index_cast %mul3A_280 : i32 to index
        %get3A_283 = tpu.vector_load %arg8[%get3A_281, %get3A_282] {strides = array<i32>} : memref<8x2048xf32, #tpu.memory_space<vmem>>, vector<16xf32>,
        %get3A_284 = arith.index_cast %add3A_234 : i32 to index
        %get3A_285 = arith.index_cast %mul3A_280 : i32 to index
        %get3A_286 = tpu.vector_load %arg10[%get3A_284, %get3A_285] {strides = array<i32>} : memref<8x2048xf32, #tpu.memory_space<vmem>>, vector<16xf32>,
        %add3A_287 = arith.addf %get3A_283, %get3A_286 : vector<16xf32>
        %swap3A_288 = arith.index_cast %add3A_234 : i32 to index
        %swap3A_289 = arith.index_cast %mul3A_280 : i32 to index
        %swap3A_290 = tpu.vector_load %arg8[%swap3A_288, %swap3A_289] {strides = array<i32>} : memref<8x2048xf32, #tpu.memory_space<vmem>>, vector<16xf32>,
        tpu.vector_store %arg8[%swap3A_288, %swap3A_289], %add3A_287 {strides = array<i32>} : memref<8x2048xf32, #tpu.memory_space<vmem>>, vector<16xf32>,
        %scan3A_291 = arith.constant 3 : i32
        %scan3A_292 = arith.addi %scan3A_240, %scan3A_291 : i32
        %mul3A_293 = arith.constant 1 : i32
        %mul3A_294 = arith.muli %scan3A_292, %mul3A_293 : i32
        %add3A_295 = arith.constant 0 : i32
        %add3A_296 = arith.addi %add3A_295, %mul3A_294 : i32
        %mul3A_297 = arith.constant 16 : i32
        %mul3A_298 = arith.muli %add3A_296, %mul3A_297 : i32
        %get3A_299 = arith.index_cast %add3A_234 : i32 to index
        %get3A_300 = arith.index_cast %mul3A_298 : i32 to index
        %get3A_301 = tpu.vector_load %arg8[%get3A_299, %get3A_300] {strides = array<i32>} : memref<8x2048xf32, #tpu.memory_space<vmem>>, vector<16xf32>,
        %get3A_302 = arith.index_cast %add3A_234 : i32 to index
        %get3A_303 = arith.index_cast %mul3A_298 : i32 to index
        %get3A_304 = tpu.vector_load %arg10[%get3A_302, %get3A_303] {strides = array<i32>} : memref<8x2048xf32, #tpu.memory_space<vmem>>, vector<16xf32>,
        %add3A_305 = arith.addf %get3A_301, %get3A_304 : vector<16xf32>
        %swap3A_306 = arith.index_cast %add3A_234 : i32 to index
        %swap3A_307 = arith.index_cast %mul3A_298 : i32 to index
        %swap3A_308 = tpu.vector_load %arg8[%swap3A_306, %swap3A_307] {strides = array<i32>} : memref<8x2048xf32, #tpu.memory_space<vmem>>, vector<16xf32>,
        tpu.vector_store %arg8[%swap3A_306, %swap3A_307], %add3A_305 {strides = array<i32>} : memref<8x2048xf32, #tpu.memory_space<vmem>>, vector<16xf32>,
        %scan3A_309 = arith.constant 4 : i32
        %scan3A_310 = arith.addi %scan3A_240, %scan3A_309 : i32
        %mul3A_311 = arith.constant 1 : i32
        %mul3A_312 = arith.muli %scan3A_310, %mul3A_311 : i32
        %add3A_313 = arith.constant 0 : i32
        %add3A_314 = arith.addi %add3A_313, %mul3A_312 : i32
        %mul3A_315 = arith.constant 16 : i32
        %mul3A_316 = arith.muli %add3A_314, %mul3A_315 : i32
        %get3A_317 = arith.index_cast %add3A_234 : i32 to index
        %get3A_318 = arith.index_cast %mul3A_316 : i32 to index
        %get3A_319 = tpu.vector_load %arg8[%get3A_317, %get3A_318] {strides = array<i32>} : memref<8x2048xf32, #tpu.memory_space<vmem>>, vector<16xf32>,
        %get3A_320 = arith.index_cast %add3A_234 : i32 to index
        %get3A_321 = arith.index_cast %mul3A_316 : i32 to index
        %get3A_322 = tpu.vector_load %arg10[%get3A_320, %get3A_321] {strides = array<i32>} : memref<8x2048xf32, #tpu.memory_space<vmem>>, vector<16xf32>,
        %add3A_323 = arith.addf %get3A_319, %get3A_322 : vector<16xf32>
        %swap3A_324 = arith.index_cast %add3A_234 : i32 to index
        %swap3A_325 = arith.index_cast %mul3A_316 : i32 to index
        %swap3A_326 = tpu.vector_load %arg8[%swap3A_324, %swap3A_325] {strides = array<i32>} : memref<8x2048xf32, #tpu.memory_space<vmem>>, vector<16xf32>,
        tpu.vector_store %arg8[%swap3A_324, %swap3A_325], %add3A_323 {strides = array<i32>} : memref<8x2048xf32, #tpu.memory_space<vmem>>, vector<16xf32>,
        %scan3A_327 = arith.constant 5 : i32
        %scan3A_328 = arith.addi %scan3A_240, %scan3A_327 : i32
        %mul3A_329 = arith.constant 1 : i32
        %mul3A_330 = arith.muli %scan3A_328, %mul3A_329 : i32
        %add3A_331 = arith.constant 0 : i32
        %add3A_332 = arith.addi %add3A_331, %mul3A_330 : i32
        %mul3A_333 = arith.constant 16 : i32
        %mul3A_334 = arith.muli %add3A_332, %mul3A_333 : i32
        %get3A_335 = arith.index_cast %add3A_234 : i32 to index
        %get3A_336 = arith.index_cast %mul3A_334 : i32 to index
        %get3A_337 = tpu.vector_load %arg8[%get3A_335, %get3A_336] {strides = array<i32>} : memref<8x2048xf32, #tpu.memory_space<vmem>>, vector<16xf32>,
        %get3A_338 = arith.index_cast %add3A_234 : i32 to index
        %get3A_339 = arith.index_cast %mul3A_334 : i32 to index
        %get3A_340 = tpu.vector_load %arg10[%get3A_338, %get3A_339] {strides = array<i32>} : memref<8x2048xf32, #tpu.memory_space<vmem>>, vector<16xf32>,
        %add3A_341 = arith.addf %get3A_337, %get3A_340 : vector<16xf32>
        %swap3A_342 = arith.index_cast %add3A_234 : i32 to index
        %swap3A_343 = arith.index_cast %mul3A_334 : i32 to index
        %swap3A_344 = tpu.vector_load %arg8[%swap3A_342, %swap3A_343] {strides = array<i32>} : memref<8x2048xf32, #tpu.memory_space<vmem>>, vector<16xf32>,
        tpu.vector_store %arg8[%swap3A_342, %swap3A_343], %add3A_341 {strides = array<i32>} : memref<8x2048xf32, #tpu.memory_space<vmem>>, vector<16xf32>,
        %scan3A_345 = arith.constant 6 : i32
        %scan3A_346 = arith.addi %scan3A_240, %scan3A_345 : i32
        %mul3A_347 = arith.constant 1 : i32
        %mul3A_348 = arith.muli %scan3A_346, %mul3A_347 : i32
        %add3A_349 = arith.constant 0 : i32
        %add3A_350 = arith.addi %add3A_349, %mul3A_348 : i32
        %mul3A_351 = arith.constant 16 : i32
        %mul3A_352 = arith.muli %add3A_350, %mul3A_351 : i32
        %get3A_353 = arith.index_cast %add3A_234 : i32 to index
        %get3A_354 = arith.index_cast %mul3A_352 : i32 to index
        %get3A_355 = tpu.vector_load %arg8[%get3A_353, %get3A_354] {strides = array<i32>} : memref<8x2048xf32, #tpu.memory_space<vmem>>, vector<16xf32>,
        %get3A_356 = arith.index_cast %add3A_234 : i32 to index
        %get3A_357 = arith.index_cast %mul3A_352 : i32 to index
        %get3A_358 = tpu.vector_load %arg10[%get3A_356, %get3A_357] {strides = array<i32>} : memref<8x2048xf32, #tpu.memory_space<vmem>>, vector<16xf32>,
        %add3A_359 = arith.addf %get3A_355, %get3A_358 : vector<16xf32>
        %swap3A_360 = arith.index_cast %add3A_234 : i32 to index
        %swap3A_361 = arith.index_cast %mul3A_352 : i32 to index
        %swap3A_362 = tpu.vector_load %arg8[%swap3A_360, %swap3A_361] {strides = array<i32>} : memref<8x2048xf32, #tpu.memory_space<vmem>>, vector<16xf32>,
        tpu.vector_store %arg8[%swap3A_360, %swap3A_361], %add3A_359 {strides = array<i32>} : memref<8x2048xf32, #tpu.memory_space<vmem>>, vector<16xf32>,
        %scan3A_363 = arith.constant 7 : i32
        %scan3A_364 = arith.addi %scan3A_240, %scan3A_363 : i32
        %mul3A_365 = arith.constant 1 : i32
        %mul3A_366 = arith.muli %scan3A_364, %mul3A_365 : i32
        %add3A_367 = arith.constant 0 : i32
        %add3A_368 = arith.addi %add3A_367, %mul3A_366 : i32
        %mul3A_369 = arith.constant 16 : i32
        %mul3A_370 = arith.muli %add3A_368, %mul3A_369 : i32
        %get3A_371 = arith.index_cast %add3A_234 : i32 to index
        %get3A_372 = arith.index_cast %mul3A_370 : i32 to index
        %get3A_373 = tpu.vector_load %arg8[%get3A_371, %get3A_372] {strides = array<i32>} : memref<8x2048xf32, #tpu.memory_space<vmem>>, vector<16xf32>,
        %get3A_374 = arith.index_cast %add3A_234 : i32 to index
        %get3A_375 = arith.index_cast %mul3A_370 : i32 to index
        %get3A_376 = tpu.vector_load %arg10[%get3A_374, %get3A_375] {strides = array<i32>} : memref<8x2048xf32, #tpu.memory_space<vmem>>, vector<16xf32>,
        %add3A_377 = arith.addf %get3A_373, %get3A_376 : vector<16xf32>
        %swap3A_378 = arith.index_cast %add3A_234 : i32 to index
        %swap3A_379 = arith.index_cast %mul3A_370 : i32 to index
        %swap3A_380 = tpu.vector_load %arg8[%swap3A_378, %swap3A_379] {strides = array<i32>} : memref<8x2048xf32, #tpu.memory_space<vmem>>, vector<16xf32>,
        tpu.vector_store %arg8[%swap3A_378, %swap3A_379], %add3A_377 {strides = array<i32>} : memref<8x2048xf32, #tpu.memory_space<vmem>>, vector<16xf32>,
      }
      %scan3A_239 = arith.constant 128 : i32
    }
    %scan3A_205 = arith.constant 8 : i32
    %dma_start3A_206 = arith.constant 0 : i32
    %dma_start3A_207 = arith.constant 0 : i32
    %dma_start3A_208 = tpu.memref_slice %arg2[%dma_start3A_206, %dma_start3A_207] : memref<8192x2048xf32, #tpu.memory_space<hbm>> -> memref<8192x2048xf32, #tpu.memory_space<hbm>>
    tpu.enqueue_indirect_dma source(%arg8 : memref<8x2048xf32, #tpu.memory_space<vmem>>) target(%dma_start3A_208 : memref<8192x2048xf32, #tpu.memory_space<hbm>>) offsets(%arg6 : memref<8xi32, #tpu.memory_space<vmem>>) semaphore(%arg16 : memref<!tpu.dma_semaphore, #tpu.memory_space<semaphore_mem>>)
    %dma_wait3A_209 = arith.constant 0 : i32
    %dma_wait3A_210 = arith.constant 0 : i32
    %dma_wait3A_211 = tpu.memref_slice %arg2[%dma_wait3A_209, %dma_wait3A_210] : memref<8192x2048xf32, #tpu.memory_space<hbm>> -> memref<8192x2048xf32, #tpu.memory_space<hbm>>
    tpu.wait_indirect_dma semaphore(%arg13 : memref<!tpu.dma_semaphore, #tpu.memory_space<semaphore_mem>>) src(%dma_wait3A_211 : memref<8192x2048xf32, #tpu.memory_space<hbm>>) dst(%arg9 : memref<8x2048xf32, #tpu.memory_space<vmem>>)
    %dma_wait3A_212 = arith.constant 0 : i32
    %dma_wait3A_213 = tpu.memref_slice %arg3[%add3A_186, %dma_wait3A_212] : memref<2048x2048xf32, #tpu.memory_space<hbm>> -> memref<8x2048xf32, #tpu.memory_space<hbm>>
    %dma_wait3A_214 = arith.constant 0 : i32
    %dma_wait3A_215 = tpu.memref_slice %arg3[%add3A_186, %dma_wait3A_214] : memref<2048x2048xf32, #tpu.memory_space<hbm>> -> memref<8x2048xf32, #tpu.memory_space<hbm>>
    tpu.wait_dma2 semaphore(%arg15 : memref<!tpu.dma_semaphore, #tpu.memory_space<semaphore_mem>>) src(%dma_wait3A_215 : memref<8x2048xf32, #tpu.memory_space<hbm>>) dst(%arg11 : memref<8x2048xf32, #tpu.memory_space<vmem>>)
    %scan3A_216 = arith.constant 0 : i32
    %scan3A_217 = arith.constant 8 : i32
    %scan3A_218 = arith.addi %scan3A_216, %scan3A_217 : i32
    %scan3A_219 = arith.constant 1 : i32
    scf.for %scan3A_230 = %scan3A_216 to %scan3A_218 step %scan3A_219  : i32 {
      %mul3A_231 = arith.constant 1 : i32
      %mul3A_232 = arith.muli %scan3A_230, %mul3A_231 : i32
      %add3A_233 = arith.constant 0 : i32
      %add3A_234 = arith.addi %add3A_233, %mul3A_232 : i32
      %scan3A_235 = arith.constant 0 : i32
      %scan3A_236 = arith.constant 128 : i32
      %scan3A_237 = arith.addi %scan3A_235, %scan3A_236 : i32
      %scan3A_238 = arith.constant 8 : i32
      scf.for %scan3A_240 = %scan3A_235 to %scan3A_237 step %scan3A_238  : i32 {
        %mul3A_241 = arith.constant 1 : i32
        %mul3A_242 = arith.muli %scan3A_240, %mul3A_241 : i32
        %add3A_243 = arith.constant 0 : i32
        %add3A_244 = arith.addi %add3A_243, %mul3A_242 : i32
        %mul3A_245 = arith.constant 16 : i32
        %mul3A_246 = arith.muli %add3A_244, %mul3A_245 : i32
        %get3A = arith.index_cast %add3A_234 : i32 to index
        %get3A_247 = arith.index_cast %mul3A_246 : i32 to index
        %get3A_248 = tpu.vector_load %arg9[%get3A, %get3A_247] {strides = array<i32>} : memref<8x2048xf32, #tpu.memory_space<vmem>>, vector<16xf32>,
        %get3A_249 = arith.index_cast %add3A_234 : i32 to index
        %get3A_250 = arith.index_cast %mul3A_246 : i32 to index
        %get3A_251 = tpu.vector_load %arg11[%get3A_249, %get3A_250] {strides = array<i32>} : memref<8x2048xf32, #tpu.memory_space<vmem>>, vector<16xf32>,
        %add3A_252 = arith.addf %get3A_248, %get3A_251 : vector<16xf32>
        %swap3A = arith.index_cast %add3A_234 : i32 to index
        %swap3A_253 = arith.index_cast %mul3A_246 : i32 to index
        %swap3A_254 = tpu.vector_load %arg9[%swap3A, %swap3A_253] {strides = array<i32>} : memref<8x2048xf32, #tpu.memory_space<vmem>>, vector<16xf32>,
        tpu.vector_store %arg9[%swap3A, %swap3A_253], %add3A_252 {strides = array<i32>} : memref<8x2048xf32, #tpu.memory_space<vmem>>, vector<16xf32>,
        %scan3A_255 = arith.constant 1 : i32
        %scan3A_256 = arith.addi %scan3A_240, %scan3A_255 : i32
        %mul3A_257 = arith.constant 1 : i32
        %mul3A_258 = arith.muli %scan3A_256, %mul3A_257 : i32
        %add3A_259 = arith.constant 0 : i32
        %add3A_260 = arith.addi %add3A_259, %mul3A_258 : i32
        %mul3A_261 = arith.constant 16 : i32
        %mul3A_262 = arith.muli %add3A_260, %mul3A_261 : i32
        %get3A_263 = arith.index_cast %add3A_234 : i32 to index
        %get3A_264 = arith.index_cast %mul3A_262 : i32 to index
        %get3A_265 = tpu.vector_load %arg9[%get3A_263, %get3A_264] {strides = array<i32>} : memref<8x2048xf32, #tpu.memory_space<vmem>>, vector<16xf32>,
        %get3A_266 = arith.index_cast %add3A_234 : i32 to index
        %get3A_267 = arith.index_cast %mul3A_262 : i32 to index
        %get3A_268 = tpu.vector_load %arg11[%get3A_266, %get3A_267] {strides = array<i32>} : memref<8x2048xf32, #tpu.memory_space<vmem>>, vector<16xf32>,
        %add3A_269 = arith.addf %get3A_265, %get3A_268 : vector<16xf32>
        %swap3A_270 = arith.index_cast %add3A_234 : i32 to index
        %swap3A_271 = arith.index_cast %mul3A_262 : i32 to index
        %swap3A_272 = tpu.vector_load %arg9[%swap3A_270, %swap3A_271] {strides = array<i32>} : memref<8x2048xf32, #tpu.memory_space<vmem>>, vector<16xf32>,
        tpu.vector_store %arg9[%swap3A_270, %swap3A_271], %add3A_269 {strides = array<i32>} : memref<8x2048xf32, #tpu.memory_space<vmem>>, vector<16xf32>,
        %scan3A_273 = arith.constant 2 : i32
        %scan3A_274 = arith.addi %scan3A_240, %scan3A_273 : i32
        %mul3A_275 = arith.constant 1 : i32
        %mul3A_276 = arith.muli %scan3A_274, %mul3A_275 : i32
        %add3A_277 = arith.constant 0 : i32
        %add3A_278 = arith.addi %add3A_277, %mul3A_276 : i32
        %mul3A_279 = arith.constant 16 : i32
        %mul3A_280 = arith.muli %add3A_278, %mul3A_279 : i32
        %get3A_281 = arith.index_cast %add3A_234 : i32 to index
        %get3A_282 = arith.index_cast %mul3A_280 : i32 to index
        %get3A_283 = tpu.vector_load %arg9[%get3A_281, %get3A_282] {strides = array<i32>} : memref<8x2048xf32, #tpu.memory_space<vmem>>, vector<16xf32>,
        %get3A_284 = arith.index_cast %add3A_234 : i32 to index
        %get3A_285 = arith.index_cast %mul3A_280 : i32 to index
        %get3A_286 = tpu.vector_load %arg11[%get3A_284, %get3A_285] {strides = array<i32>} : memref<8x2048xf32, #tpu.memory_space<vmem>>, vector<16xf32>,
        %add3A_287 = arith.addf %get3A_283, %get3A_286 : vector<16xf32>
        %swap3A_288 = arith.index_cast %add3A_234 : i32 to index
        %swap3A_289 = arith.index_cast %mul3A_280 : i32 to index
        %swap3A_290 = tpu.vector_load %arg9[%swap3A_288, %swap3A_289] {strides = array<i32>} : memref<8x2048xf32, #tpu.memory_space<vmem>>, vector<16xf32>,
        tpu.vector_store %arg9[%swap3A_288, %swap3A_289], %add3A_287 {strides = array<i32>} : memref<8x2048xf32, #tpu.memory_space<vmem>>, vector<16xf32>,
        %scan3A_291 = arith.constant 3 : i32
        %scan3A_292 = arith.addi %scan3A_240, %scan3A_291 : i32
        %mul3A_293 = arith.constant 1 : i32
        %mul3A_294 = arith.muli %scan3A_292, %mul3A_293 : i32
        %add3A_295 = arith.constant 0 : i32
        %add3A_296 = arith.addi %add3A_295, %mul3A_294 : i32
        %mul3A_297 = arith.constant 16 : i32
        %mul3A_298 = arith.muli %add3A_296, %mul3A_297 : i32
        %get3A_299 = arith.index_cast %add3A_234 : i32 to index
        %get3A_300 = arith.index_cast %mul3A_298 : i32 to index
        %get3A_301 = tpu.vector_load %arg9[%get3A_299, %get3A_300] {strides = array<i32>} : memref<8x2048xf32, #tpu.memory_space<vmem>>, vector<16xf32>,
        %get3A_302 = arith.index_cast %add3A_234 : i32 to index
        %get3A_303 = arith.index_cast %mul3A_298 : i32 to index
        %get3A_304 = tpu.vector_load %arg11[%get3A_302, %get3A_303] {strides = array<i32>} : memref<8x2048xf32, #tpu.memory_space<vmem>>, vector<16xf32>,
        %add3A_305 = arith.addf %get3A_301, %get3A_304 : vector<16xf32>
        %swap3A_306 = arith.index_cast %add3A_234 : i32 to index
        %swap3A_307 = arith.index_cast %mul3A_298 : i32 to index
        %swap3A_308 = tpu.vector_load %arg9[%swap3A_306, %swap3A_307] {strides = array<i32>} : memref<8x2048xf32, #tpu.memory_space<vmem>>, vector<16xf32>,
        tpu.vector_store %arg9[%swap3A_306, %swap3A_307], %add3A_305 {strides = array<i32>} : memref<8x2048xf32, #tpu.memory_space<vmem>>, vector<16xf32>,
        %scan3A_309 = arith.constant 4 : i32
        %scan3A_310 = arith.addi %scan3A_240, %scan3A_309 : i32
        %mul3A_311 = arith.constant 1 : i32
        %mul3A_312 = arith.muli %scan3A_310, %mul3A_311 : i32
        %add3A_313 = arith.constant 0 : i32
        %add3A_314 = arith.addi %add3A_313, %mul3A_312 : i32
        %mul3A_315 = arith.constant 16 : i32
        %mul3A_316 = arith.muli %add3A_314, %mul3A_315 : i32
        %get3A_317 = arith.index_cast %add3A_234 : i32 to index
        %get3A_318 = arith.index_cast %mul3A_316 : i32 to index
        %get3A_319 = tpu.vector_load %arg9[%get3A_317, %get3A_318] {strides = array<i32>} : memref<8x2048xf32, #tpu.memory_space<vmem>>, vector<16xf32>,
        %get3A_320 = arith.index_cast %add3A_234 : i32 to index
        %get3A_321 = arith.index_cast %mul3A_316 : i32 to index
        %get3A_322 = tpu.vector_load %arg11[%get3A_320, %get3A_321] {strides = array<i32>} : memref<8x2048xf32, #tpu.memory_space<vmem>>, vector<16xf32>,
        %add3A_323 = arith.addf %get3A_319, %get3A_322 : vector<16xf32>
        %swap3A_324 = arith.index_cast %add3A_234 : i32 to index
        %swap3A_325 = arith.index_cast %mul3A_316 : i32 to index
        %swap3A_326 = tpu.vector_load %arg9[%swap3A_324, %swap3A_325] {strides = array<i32>} : memref<8x2048xf32, #tpu.memory_space<vmem>>, vector<16xf32>,
        tpu.vector_store %arg9[%swap3A_324, %swap3A_325], %add3A_323 {strides = array<i32>} : memref<8x2048xf32, #tpu.memory_space<vmem>>, vector<16xf32>,
        %scan3A_327 = arith.constant 5 : i32
        %scan3A_328 = arith.addi %scan3A_240, %scan3A_327 : i32
        %mul3A_329 = arith.constant 1 : i32
        %mul3A_330 = arith.muli %scan3A_328, %mul3A_329 : i32
        %add3A_331 = arith.constant 0 : i32
        %add3A_332 = arith.addi %add3A_331, %mul3A_330 : i32
        %mul3A_333 = arith.constant 16 : i32
        %mul3A_334 = arith.muli %add3A_332, %mul3A_333 : i32
        %get3A_335 = arith.index_cast %add3A_234 : i32 to index
        %get3A_336 = arith.index_cast %mul3A_334 : i32 to index
        %get3A_337 = tpu.vector_load %arg9[%get3A_335, %get3A_336] {strides = array<i32>} : memref<8x2048xf32, #tpu.memory_space<vmem>>, vector<16xf32>,
        %get3A_338 = arith.index_cast %add3A_234 : i32 to index
        %get3A_339 = arith.index_cast %mul3A_334 : i32 to index
        %get3A_340 = tpu.vector_load %arg11[%get3A_338, %get3A_339] {strides = array<i32>} : memref<8x2048xf32, #tpu.memory_space<vmem>>, vector<16xf32>,
        %add3A_341 = arith.addf %get3A_337, %get3A_340 : vector<16xf32>
        %swap3A_342 = arith.index_cast %add3A_234 : i32 to index
        %swap3A_343 = arith.index_cast %mul3A_334 : i32 to index
        %swap3A_344 = tpu.vector_load %arg9[%swap3A_342, %swap3A_343] {strides = array<i32>} : memref<8x2048xf32, #tpu.memory_space<vmem>>, vector<16xf32>,
        tpu.vector_store %arg9[%swap3A_342, %swap3A_343], %add3A_341 {strides = array<i32>} : memref<8x2048xf32, #tpu.memory_space<vmem>>, vector<16xf32>,
        %scan3A_345 = arith.constant 6 : i32
        %scan3A_346 = arith.addi %scan3A_240, %scan3A_345 : i32
        %mul3A_347 = arith.constant 1 : i32
        %mul3A_348 = arith.muli %scan3A_346, %mul3A_347 : i32
        %add3A_349 = arith.constant 0 : i32
        %add3A_350 = arith.addi %add3A_349, %mul3A_348 : i32
        %mul3A_351 = arith.constant 16 : i32
        %mul3A_352 = arith.muli %add3A_350, %mul3A_351 : i32
        %get3A_353 = arith.index_cast %add3A_234 : i32 to index
        %get3A_354 = arith.index_cast %mul3A_352 : i32 to index
        %get3A_355 = tpu.vector_load %arg9[%get3A_353, %get3A_354] {strides = array<i32>} : memref<8x2048xf32, #tpu.memory_space<vmem>>, vector<16xf32>,
        %get3A_356 = arith.index_cast %add3A_234 : i32 to index
        %get3A_357 = arith.index_cast %mul3A_352 : i32 to index
        %get3A_358 = tpu.vector_load %arg11[%get3A_356, %get3A_357] {strides = array<i32>} : memref<8x2048xf32, #tpu.memory_space<vmem>>, vector<16xf32>,
        %add3A_359 = arith.addf %get3A_355, %get3A_358 : vector<16xf32>
        %swap3A_360 = arith.index_cast %add3A_234 : i32 to index
        %swap3A_361 = arith.index_cast %mul3A_352 : i32 to index
        %swap3A_362 = tpu.vector_load %arg9[%swap3A_360, %swap3A_361] {strides = array<i32>} : memref<8x2048xf32, #tpu.memory_space<vmem>>, vector<16xf32>,
        tpu.vector_store %arg9[%swap3A_360, %swap3A_361], %add3A_359 {strides = array<i32>} : memref<8x2048xf32, #tpu.memory_space<vmem>>, vector<16xf32>,
        %scan3A_363 = arith.constant 7 : i32
        %scan3A_364 = arith.addi %scan3A_240, %scan3A_363 : i32
        %mul3A_365 = arith.constant 1 : i32
        %mul3A_366 = arith.muli %scan3A_364, %mul3A_365 : i32
        %add3A_367 = arith.constant 0 : i32
        %add3A_368 = arith.addi %add3A_367, %mul3A_366 : i32
        %mul3A_369 = arith.constant 16 : i32
        %mul3A_370 = arith.muli %add3A_368, %mul3A_369 : i32
        %get3A_371 = arith.index_cast %add3A_234 : i32 to index
        %get3A_372 = arith.index_cast %mul3A_370 : i32 to index
        %get3A_373 = tpu.vector_load %arg9[%get3A_371, %get3A_372] {strides = array<i32>} : memref<8x2048xf32, #tpu.memory_space<vmem>>, vector<16xf32>,
        %get3A_374 = arith.index_cast %add3A_234 : i32 to index
        %get3A_375 = arith.index_cast %mul3A_370 : i32 to index
        %get3A_376 = tpu.vector_load %arg11[%get3A_374, %get3A_375] {strides = array<i32>} : memref<8x2048xf32, #tpu.memory_space<vmem>>, vector<16xf32>,
        %add3A_377 = arith.addf %get3A_373, %get3A_376 : vector<16xf32>
        %swap3A_378 = arith.index_cast %add3A_234 : i32 to index
        %swap3A_379 = arith.index_cast %mul3A_370 : i32 to index
        %swap3A_380 = tpu.vector_load %arg9[%swap3A_378, %swap3A_379] {strides = array<i32>} : memref<8x2048xf32, #tpu.memory_space<vmem>>, vector<16xf32>,
        tpu.vector_store %arg9[%swap3A_378, %swap3A_379], %add3A_377 {strides = array<i32>} : memref<8x2048xf32, #tpu.memory_space<vmem>>, vector<16xf32>,
      }
      %scan3A_239 = arith.constant 128 : i32
    }
    %scan3A_220 = arith.constant 8 : i32
    %dma_start3A_221 = arith.constant 0 : i32
    %dma_start3A_222 = arith.constant 0 : i32
    %dma_start3A_223 = tpu.memref_slice %arg2[%dma_start3A_221, %dma_start3A_222] : memref<8192x2048xf32, #tpu.memory_space<hbm>> -> memref<8192x2048xf32, #tpu.memory_space<hbm>>
    tpu.enqueue_indirect_dma source(%arg9 : memref<8x2048xf32, #tpu.memory_space<vmem>>) target(%dma_start3A_223 : memref<8192x2048xf32, #tpu.memory_space<hbm>>) offsets(%arg7 : memref<8xi32, #tpu.memory_space<vmem>>) semaphore(%arg17 : memref<!tpu.dma_semaphore, #tpu.memory_space<semaphore_mem>>)
    %dma_wait3A_224 = arith.constant 0 : i32
    %dma_wait3A_225 = arith.constant 0 : i32
    %dma_wait3A_226 = tpu.memref_slice %arg2[%dma_wait3A_224, %dma_wait3A_225] : memref<8192x2048xf32, #tpu.memory_space<hbm>> -> memref<8192x2048xf32, #tpu.memory_space<hbm>>
    tpu.wait_indirect_dma semaphore(%arg16 : memref<!tpu.dma_semaphore, #tpu.memory_space<semaphore_mem>>) src(%arg8 : memref<8x2048xf32, #tpu.memory_space<vmem>>) dst(%dma_wait3A_226 : memref<8192x2048xf32, #tpu.memory_space<hbm>>)
    %dma_wait3A_227 = arith.constant 0 : i32
    %dma_wait3A_228 = arith.constant 0 : i32
    %dma_wait3A_229 = tpu.memref_slice %arg2[%dma_wait3A_227, %dma_wait3A_228] : memref<8192x2048xf32, #tpu.memory_space<hbm>> -> memref<8192x2048xf32, #tpu.memory_space<hbm>>
    tpu.wait_indirect_dma semaphore(%arg17 : memref<!tpu.dma_semaphore, #tpu.memory_space<semaphore_mem>>) src(%arg9 : memref<8x2048xf32, #tpu.memory_space<vmem>>) dst(%dma_wait3A_229 : memref<8192x2048xf32, #tpu.memory_space<hbm>>)
    return
  }
}

module attributes {stable_mosaic.version = 14 : i64} {
  func.func @_route_kernel(%arg0: memref<4x4096xf32, #tpu.memory_space<vmem>>, %arg1: memref<4x4096xi32, #tpu.memory_space<vmem>>, %arg2: memref<4x128xi32, #tpu.memory_space<vmem>>, %arg3: memref<4x256xi32, #tpu.memory_space<vmem>>, %arg4: memref<4x256xi32, #tpu.memory_space<vmem>>) attributes {dimension_semantics = [], scalar_prefetch = 0 : i64, scratch_operands = 0 : i64, tpu.core_type = #tpu.core_type<tc>} {
    %get3A = arith.constant 0 : index
    %get3A_0 = arith.constant 0 : index
    %get3A_1 = vector.load %arg0[%get3A, %get3A_0] : memref<4x4096xf32, #tpu.memory_space<vmem>>, vector<4x4096xf32>
    %broadcast_in_dim3A = arith.constant 0.000000e+00 : f32
    %broadcast_in_dim3A_2 = vector.broadcast %broadcast_in_dim3A : f32 to vector<4x1xf32>
    %neg3A = arith.constant 0.000000e+00 : f32
    %neg3A_3 = vector.broadcast %neg3A : f32 to vector<4x4096xf32>
    %neg3A_4 = arith.subf %neg3A_3, %get3A_1 : vector<4x4096xf32>
    %scan3A = arith.constant 0 : i32
    %scan3A_5 = arith.constant 50 : i32
    %scan3A_6 = arith.addi %scan3A, %scan3A_5 : i32
    %scan3A_7 = arith.constant 1 : i32
    %scan3A_8:2 = scf.for %scan3A_107 = %scan3A to %scan3A_6 step %scan3A_7 iter_args(%scan3A_108 = %broadcast_in_dim3A_2, %scan3A_109 = %neg3A_4) -> (vector<4x1xf32>, vector<4x4096xf32>)  : i32 {
      %add3A_110 = arith.addf %get3A_1, %scan3A_109 : vector<4x4096xf32>
      %reduce_max3A = arith.constant dense<0xFF800000> : vector<4xf32>
      %reduce_max3A_111 = vector.multi_reduction <maximumf>, %add3A_110, %reduce_max3A [1] : vector<4x4096xf32> to vector<4xf32>
      %broadcast_in_dim3A_112 = vector.shape_cast %reduce_max3A_111 : vector<4xf32> to vector<4x1xf32>
      %sub3A_113 = vector.broadcast %broadcast_in_dim3A_112 : vector<4x1xf32> to vector<4x4096xf32>
      %sub3A_114 = arith.subf %add3A_110, %sub3A_113 : vector<4x4096xf32>
      %exp3A_115 = math.exp %sub3A_114 : vector<4x4096xf32>
      %reduce_sum3A_116 = arith.constant dense<0.000000e+00> : vector<4xf32>
      %reduce_sum3A_117 = vector.multi_reduction <add>, %exp3A_115, %reduce_sum3A_116 [1] : vector<4x4096xf32> to vector<4xf32>
      %broadcast_in_dim3A_118 = vector.shape_cast %reduce_sum3A_117 : vector<4xf32> to vector<4x1xf32>
      %log3A = math.log %broadcast_in_dim3A_118 : vector<4x1xf32>
      %add3A_119 = arith.addf %log3A, %broadcast_in_dim3A_112 : vector<4x1xf32>
      %sub3A_120 = arith.constant 7.04925489 : f32
      %sub3A_121 = vector.broadcast %sub3A_120 : f32 to vector<4x1xf32>
      %sub3A_122 = arith.subf %sub3A_121, %add3A_119 : vector<4x1xf32>
      %add3A_123 = vector.broadcast %sub3A_122 : vector<4x1xf32> to vector<4x4096xf32>
      %add3A_124 = arith.addf %get3A_1, %add3A_123 : vector<4x4096xf32>
      %max3A = arith.constant 0.000000e+00 : f32
      %max3A_125 = vector.broadcast %max3A : f32 to vector<4x4096xf32>
      %max3A_126 = arith.maximumf %add3A_124, %max3A_125 : vector<4x4096xf32>
      %neg3A_127 = arith.constant 0.000000e+00 : f32
      %neg3A_128 = vector.broadcast %neg3A_127 : f32 to vector<4x4096xf32>
      %neg3A_129 = arith.subf %neg3A_128, %max3A_126 : vector<4x4096xf32>
      scf.yield %sub3A_122, %neg3A_129 : vector<4x1xf32>, vector<4x4096xf32>
    }
    %add3A = vector.broadcast %scan3A_8#0 : vector<4x1xf32> to vector<4x4096xf32>
    %add3A_9 = arith.addf %get3A_1, %add3A : vector<4x4096xf32>
    %add3A_10 = arith.addf %add3A_9, %scan3A_8#1 : vector<4x4096xf32>
    %exp3A = math.exp %add3A_10 : vector<4x4096xf32>
    %bitcast_convert_type3A = tpu.bitcast %exp3A : vector<4x4096xf32> -> vector<4x4096xi32>
    %broadcast_in_dim3A_11 = arith.constant 0 : i32
    %broadcast_in_dim3A_12 = vector.broadcast %broadcast_in_dim3A_11 : i32 to vector<4x1xi32>
    %scan3A_13 = arith.constant 0 : i32
    %scan3A_14 = arith.constant 31 : i32
    %scan3A_15 = arith.addi %scan3A_13, %scan3A_14 : i32
    %scan3A_16 = arith.constant 1 : i32
    %scan3A_17 = scf.for %scan3A_107 = %scan3A_13 to %scan3A_15 step %scan3A_16 iter_args(%scan3A_108 = %broadcast_in_dim3A_12) -> (vector<4x1xi32>)  : i32 {
      %sub3A_109 = arith.constant 30 : i32
      %sub3A_110 = arith.subi %sub3A_109, %scan3A_107 : i32
      %shift_left3A = arith.constant 1 : i32
      %shift_left3A_111 = arith.shli %shift_left3A, %sub3A_110 : i32
      %or3A = vector.broadcast %shift_left3A_111 : i32 to vector<4x1xi32>
      %or3A_112 = arith.ori %scan3A_108, %or3A : vector<4x1xi32>
      %ge3A = vector.broadcast %or3A_112 : vector<4x1xi32> to vector<4x4096xi32>
      %ge3A_113 = arith.cmpi sge, %bitcast_convert_type3A, %ge3A : vector<4x4096xi32>
      %convert_element_type3A_114 = arith.extui %ge3A_113 : vector<4x4096xi1> to vector<4x4096xi32>
      %reduce_sum3A_115 = arith.constant dense<0> : vector<4xi32>
      %reduce_sum3A_116 = vector.multi_reduction <add>, %convert_element_type3A_114, %reduce_sum3A_115 [1] : vector<4x4096xi32> to vector<4xi32>
      %broadcast_in_dim3A_117 = vector.shape_cast %reduce_sum3A_116 : vector<4xi32> to vector<4x1xi32>
      %ge3A_118 = arith.constant 1024 : i32
      %ge3A_119 = vector.broadcast %ge3A_118 : i32 to vector<4x1xi32>
      %ge3A_120 = arith.cmpi sge, %broadcast_in_dim3A_117, %ge3A_119 : vector<4x1xi32>
      %select_n3A_121 = arith.select %ge3A_120, %or3A_112, %scan3A_108 : vector<4x1xi1>, vector<4x1xi32>
      scf.yield %select_n3A_121 : vector<4x1xi32>
    }
    %scan3A_18 = arith.constant 31 : i32
    %gt3A = vector.broadcast %scan3A_17 : vector<4x1xi32> to vector<4x4096xi32>
    %gt3A_19 = arith.cmpi sgt, %bitcast_convert_type3A, %gt3A : vector<4x4096xi32>
    %convert_element_type3A = arith.extui %gt3A_19 : vector<4x4096xi1> to vector<4x4096xi32>
    %reduce_sum3A = arith.constant dense<0> : vector<4xi32>
    %reduce_sum3A_20 = vector.multi_reduction <add>, %convert_element_type3A, %reduce_sum3A [1] : vector<4x4096xi32> to vector<4xi32>
    %broadcast_in_dim3A_21 = vector.shape_cast %reduce_sum3A_20 : vector<4xi32> to vector<4x1xi32>
    %sub3A = arith.constant 1024 : i32
    %sub3A_22 = vector.broadcast %sub3A : i32 to vector<4x1xi32>
    %sub3A_23 = arith.subi %sub3A_22, %broadcast_in_dim3A_21 : vector<4x1xi32>
    %iota3A = tpu.iota {dimensions = array<i32: 1>} : vector<4x128xi32>
    %swap3A = arith.constant 0 : index
    %swap3A_24 = arith.constant 0 : index
    %swap3A_25 = vector.load %arg1[%swap3A, %swap3A_24] : memref<4x4096xi32, #tpu.memory_space<vmem>>, vector<4x4096xi32>
    tpu.vector_store %arg1[%swap3A, %swap3A_24], %bitcast_convert_type3A {strides = array<i32>} : memref<4x4096xi32, #tpu.memory_space<vmem>>, vector<4x4096xi32>,
    %eq3A = arith.constant 0 : i32
    %eq3A_26 = vector.broadcast %eq3A : i32 to vector<4x128xi32>
    %eq3A_27 = arith.cmpi eq, %iota3A, %eq3A_26 : vector<4x128xi32>
    %jit3A = arith.constant 0 : i32
    %broadcast_in_dim3A_28 = vector.shape_cast %scan3A_17 : vector<4x1xi32> to vector<4x1xi32>
    %broadcast_in_dim3A_29 = vector.broadcast %broadcast_in_dim3A_28 : vector<4x1xi32> to vector<4x128xi32>
    %broadcast_in_dim3A_30 = vector.broadcast %jit3A : i32 to vector<4x128xi32>
    %select_n3A = arith.select %eq3A_27, %broadcast_in_dim3A_29, %broadcast_in_dim3A_30 : vector<4x128xi1>, vector<4x128xi32>
    %eq3A_31 = arith.constant 1 : i32
    %eq3A_32 = vector.broadcast %eq3A_31 : i32 to vector<4x128xi32>
    %eq3A_33 = arith.cmpi eq, %iota3A, %eq3A_32 : vector<4x128xi32>
    %jit3A_34 = arith.constant 0 : i32
    %broadcast_in_dim3A_35 = vector.shape_cast %sub3A_23 : vector<4x1xi32> to vector<4x1xi32>
    %broadcast_in_dim3A_36 = vector.broadcast %broadcast_in_dim3A_35 : vector<4x1xi32> to vector<4x128xi32>
    %broadcast_in_dim3A_37 = vector.broadcast %jit3A_34 : i32 to vector<4x128xi32>
    %select_n3A_38 = arith.select %eq3A_33, %broadcast_in_dim3A_36, %broadcast_in_dim3A_37 : vector<4x128xi1>, vector<4x128xi32>
    %add3A_39 = arith.addi %select_n3A, %select_n3A_38 : vector<4x128xi32>
    %swap3A_40 = arith.constant 0 : index
    %swap3A_41 = arith.constant 0 : index
    %swap3A_42 = vector.load %arg2[%swap3A_40, %swap3A_41] : memref<4x128xi32, #tpu.memory_space<vmem>>, vector<4x128xi32>
    tpu.vector_store %arg2[%swap3A_40, %swap3A_41], %add3A_39 {strides = array<i32>} : memref<4x128xi32, #tpu.memory_space<vmem>>, vector<4x128xi32>,
    %gt3A_43 = vector.broadcast %scan3A_17 : vector<4x1xi32> to vector<4x4096xi32>
    %gt3A_44 = arith.cmpi sgt, %bitcast_convert_type3A, %gt3A_43 : vector<4x4096xi32>
    %convert_element_type3A_45 = arith.extui %gt3A_44 : vector<4x4096xi1> to vector<4x4096xi32>
    %convert_element_type3A_46 = arith.sitofp %convert_element_type3A_45 : vector<4x4096xi32> to vector<4x4096xf32>
    %eq3A_47 = vector.broadcast %scan3A_17 : vector<4x1xi32> to vector<4x4096xi32>
    %eq3A_48 = arith.cmpi eq, %bitcast_convert_type3A, %eq3A_47 : vector<4x4096xi32>
    %convert_element_type3A_49 = arith.extui %eq3A_48 : vector<4x4096xi1> to vector<4x4096xi32>
    %convert_element_type3A_50 = arith.sitofp %convert_element_type3A_49 : vector<4x4096xi32> to vector<4x4096xf32>
    %iota3A_51 = tpu.iota {dimensions = array<i32: 0>} : vector<4096x256xi32>
    %iota3A_52 = tpu.iota {dimensions = array<i32: 1>} : vector<4096x256xi32>
    %jit3A_53 = arith.constant 16 : i32
    %div3A = vector.broadcast %jit3A_53 : i32 to vector<4096x256xi32>
    %div3A_54 = arith.divsi %iota3A_51, %div3A : vector<4096x256xi32>
    %sign3A = arith.constant 0 : i32
    %sign3A_55 = vector.broadcast %sign3A : i32 to vector<4096x256xi32>
    %sign3A_56 = arith.cmpi sgt, %iota3A_51, %sign3A_55 : vector<4096x256xi32>
    %sign3A_57 = arith.extui %sign3A_56 : vector<4096x256xi1> to vector<4096x256xi32>
    %sign3A_58 = arith.constant 0 : i32
    %sign3A_59 = vector.broadcast %sign3A_58 : i32 to vector<4096x256xi32>
    %sign3A_60 = arith.cmpi slt, %iota3A_51, %sign3A_59 : vector<4096x256xi32>
    %sign3A_61 = arith.extui %sign3A_60 : vector<4096x256xi1> to vector<4096x256xi32>
    %sign3A_62 = arith.subi %sign3A_57, %sign3A_61 : vector<4096x256xi32>
    %sign3A_63 = arith.constant 0 : i32
    %sign3A_64 = arith.cmpi sgt, %jit3A_53, %sign3A_63 : i32
    %sign3A_65 = arith.extui %sign3A_64 : i1 to i32
    %sign3A_66 = arith.constant 0 : i32
    %sign3A_67 = arith.cmpi slt, %jit3A_53, %sign3A_66 : i32
    %sign3A_68 = arith.extui %sign3A_67 : i1 to i32
    %sign3A_69 = arith.subi %sign3A_65, %sign3A_68 : i32
    %ne3A = vector.broadcast %sign3A_69 : i32 to vector<4096x256xi32>
    %ne3A_70 = arith.cmpi ne, %sign3A_62, %ne3A : vector<4096x256xi32>
    %rem3A = vector.broadcast %jit3A_53 : i32 to vector<4096x256xi32>
    %rem3A_71 = arith.remsi %iota3A_51, %rem3A : vector<4096x256xi32>
    %ne3A_72 = arith.constant 0 : i32
    %ne3A_73 = vector.broadcast %ne3A_72 : i32 to vector<4096x256xi32>
    %ne3A_74 = arith.cmpi ne, %rem3A_71, %ne3A_73 : vector<4096x256xi32>
    %and3A = arith.andi %ne3A_70, %ne3A_74 : vector<4096x256xi1>
    %sub3A_75 = arith.constant 1 : i32
    %sub3A_76 = vector.broadcast %sub3A_75 : i32 to vector<4096x256xi32>
    %sub3A_77 = arith.subi %div3A_54, %sub3A_76 : vector<4096x256xi32>
    %select_n3A_78 = arith.select %and3A, %sub3A_77, %div3A_54 : vector<4096x256xi1>, vector<4096x256xi32>
    %eq3A_79 = arith.cmpi eq, %select_n3A_78, %iota3A_52 : vector<4096x256xi32>
    %jit3A_80 = arith.constant 1.000000e+00 : f32
    %jit3A_81 = arith.constant 0.000000e+00 : f32
    %broadcast_in_dim3A_82 = vector.broadcast %jit3A_80 : f32 to vector<4096x256xf32>
    %broadcast_in_dim3A_83 = vector.broadcast %jit3A_81 : f32 to vector<4096x256xf32>
    %select_n3A_84 = arith.select %eq3A_79, %broadcast_in_dim3A_82, %broadcast_in_dim3A_83 : vector<4096x256xi1>, vector<4096x256xf32>
    %dot_general3A = arith.constant dense<0.000000e+00> : vector<4x256xf32>
    %dot_general3A_85 = tpu.matmul %convert_element_type3A_46, %select_n3A_84, %dot_general3A {dimension_numbers = #tpu.dot_dimension_numbers<[1], [0], [0], [1], [0, 0, 1, 1], [], []>, transpose_lhs_hint = false} : vector<4x4096xf32>, vector<4096x256xf32>, vector<4x256xf32> -> vector<4x256xf32>
    %dot_general3A_86 = arith.constant dense<0.000000e+00> : vector<4x256xf32>
    %dot_general3A_87 = tpu.matmul %convert_element_type3A_50, %select_n3A_84, %dot_general3A_86 {dimension_numbers = #tpu.dot_dimension_numbers<[1], [0], [0], [1], [0, 0, 1, 1], [], []>, transpose_lhs_hint = false} : vector<4x4096xf32>, vector<4096x256xf32>, vector<4x256xf32> -> vector<4x256xf32>
    %iota3A_88 = tpu.iota {dimensions = array<i32: 0>} : vector<256x256xi32>
    %iota3A_89 = tpu.iota {dimensions = array<i32: 1>} : vector<256x256xi32>
    %lt3A = arith.cmpi slt, %iota3A_88, %iota3A_89 : vector<256x256xi32>
    %jit3A_90 = arith.constant 1.000000e+00 : f32
    %jit3A_91 = arith.constant 0.000000e+00 : f32
    %broadcast_in_dim3A_92 = vector.broadcast %jit3A_90 : f32 to vector<256x256xf32>
    %broadcast_in_dim3A_93 = vector.broadcast %jit3A_91 : f32 to vector<256x256xf32>
    %select_n3A_94 = arith.select %lt3A, %broadcast_in_dim3A_92, %broadcast_in_dim3A_93 : vector<256x256xi1>, vector<256x256xf32>
    %dot_general3A_95 = arith.constant dense<0.000000e+00> : vector<4x256xf32>
    %dot_general3A_96 = tpu.matmul %dot_general3A_85, %select_n3A_94, %dot_general3A_95 {dimension_numbers = #tpu.dot_dimension_numbers<[1], [0], [0], [1], [0, 0, 1, 1], [], []>, transpose_lhs_hint = false} : vector<4x256xf32>, vector<256x256xf32>, vector<4x256xf32> -> vector<4x256xf32>
    %convert_element_type3A_97 = arith.fptosi %dot_general3A_96 : vector<4x256xf32> to vector<4x256xi32>
    %swap3A_98 = arith.constant 0 : index
    %swap3A_99 = arith.constant 0 : index
    %swap3A_100 = vector.load %arg3[%swap3A_98, %swap3A_99] : memref<4x256xi32, #tpu.memory_space<vmem>>, vector<4x256xi32>
    tpu.vector_store %arg3[%swap3A_98, %swap3A_99], %convert_element_type3A_97 {strides = array<i32>} : memref<4x256xi32, #tpu.memory_space<vmem>>, vector<4x256xi32>,
    %dot_general3A_101 = arith.constant dense<0.000000e+00> : vector<4x256xf32>
    %dot_general3A_102 = tpu.matmul %dot_general3A_87, %select_n3A_94, %dot_general3A_101 {dimension_numbers = #tpu.dot_dimension_numbers<[1], [0], [0], [1], [0, 0, 1, 1], [], []>, transpose_lhs_hint = false} : vector<4x256xf32>, vector<256x256xf32>, vector<4x256xf32> -> vector<4x256xf32>
    %convert_element_type3A_103 = arith.fptosi %dot_general3A_102 : vector<4x256xf32> to vector<4x256xi32>
    %swap3A_104 = arith.constant 0 : index
    %swap3A_105 = arith.constant 0 : index
    %swap3A_106 = vector.load %arg4[%swap3A_104, %swap3A_105] : memref<4x256xi32, #tpu.memory_space<vmem>>, vector<4x256xi32>
    tpu.vector_store %arg4[%swap3A_104, %swap3A_105], %convert_element_type3A_103 {strides = array<i32>} : memref<4x256xi32, #tpu.memory_space<vmem>>, vector<4x256xi32>,
    return
  }
}

module attributes {stable_mosaic.version = 14 : i64} {
  func.func @_ln_qkv_kernel(%arg0: i32, %arg1: memref<512x2048xf32, #tpu.memory_space<vmem>>, %arg2: memref<1x2048xf32, #tpu.memory_space<vmem>>, %arg3: memref<1x2048xf32, #tpu.memory_space<vmem>>, %arg4: memref<2048x1536xf32, #tpu.memory_space<vmem>>, %arg5: memref<512x1536xf32, #tpu.memory_space<vmem>>) attributes {dimension_semantics = [#tpu.dimension_semantics<arbitrary>], iteration_bounds = array<i64: 16>, scalar_prefetch = 0 : i64, scratch_operands = 0 : i64, tpu.core_type = #tpu.core_type<tc>, window_params = [{transform_indices = @transform_0, window_bounds = array<i64: 512, 2048>}, {pipeline_mode = #tpu.pipeline_mode<synchronous>, transform_indices = @transform_1, window_bounds = array<i64: 1, 2048>}, {pipeline_mode = #tpu.pipeline_mode<synchronous>, transform_indices = @transform_2, window_bounds = array<i64: 1, 2048>}, {pipeline_mode = #tpu.pipeline_mode<synchronous>, transform_indices = @transform_3, window_bounds = array<i64: 2048, 1536>}, {transform_indices = @transform_4, window_bounds = array<i64: 512, 1536>}]} {
    %get3A = arith.constant 0 : index
    %get3A_0 = arith.constant 0 : index
    %get3A_1 = vector.load %arg1[%get3A, %get3A_0] : memref<512x2048xf32, #tpu.memory_space<vmem>>, vector<512x2048xf32>
    %reduce_sum3A = arith.constant dense<0.000000e+00> : vector<512xf32>
    %reduce_sum3A_2 = vector.multi_reduction <add>, %get3A_1, %reduce_sum3A [1] : vector<512x2048xf32> to vector<512xf32>
    %broadcast_in_dim3A = vector.shape_cast %reduce_sum3A_2 : vector<512xf32> to vector<512x1xf32>
    %div3A = arith.constant 2.048000e+03 : f32
    %div3A_3 = vector.broadcast %div3A : f32 to vector<512x1xf32>
    %div3A_4 = arith.divf %broadcast_in_dim3A, %div3A_3 : vector<512x1xf32>
    %sub3A = vector.broadcast %div3A_4 : vector<512x1xf32> to vector<512x2048xf32>
    %sub3A_5 = arith.subf %get3A_1, %sub3A : vector<512x2048xf32>
    %mul3A = arith.mulf %sub3A_5, %sub3A_5 : vector<512x2048xf32>
    %reduce_sum3A_6 = arith.constant dense<0.000000e+00> : vector<512xf32>
    %reduce_sum3A_7 = vector.multi_reduction <add>, %mul3A, %reduce_sum3A_6 [1] : vector<512x2048xf32> to vector<512xf32>
    %broadcast_in_dim3A_8 = vector.shape_cast %reduce_sum3A_7 : vector<512xf32> to vector<512x1xf32>
    %div3A_9 = arith.constant 2.048000e+03 : f32
    %div3A_10 = vector.broadcast %div3A_9 : f32 to vector<512x1xf32>
    %div3A_11 = arith.divf %broadcast_in_dim3A_8, %div3A_10 : vector<512x1xf32>
    %add3A = arith.constant 9.99999974E-6 : f32
    %add3A_12 = vector.broadcast %add3A : f32 to vector<512x1xf32>
    %add3A_13 = arith.addf %div3A_11, %add3A_12 : vector<512x1xf32>
    %sqrt3A = math.sqrt %add3A_13 : vector<512x1xf32>
    %div3A_14 = vector.broadcast %sqrt3A : vector<512x1xf32> to vector<512x2048xf32>
    %div3A_15 = arith.divf %sub3A_5, %div3A_14 : vector<512x2048xf32>
    %get3A_16 = arith.constant 0 : index
    %get3A_17 = arith.constant 0 : index
    %get3A_18 = vector.load %arg2[%get3A_16, %get3A_17] : memref<1x2048xf32, #tpu.memory_space<vmem>>, vector<1x2048xf32>
    %mul3A_19 = vector.broadcast %get3A_18 : vector<1x2048xf32> to vector<512x2048xf32>
    %mul3A_20 = arith.mulf %div3A_15, %mul3A_19 : vector<512x2048xf32>
    %get3A_21 = arith.constant 0 : index
    %get3A_22 = arith.constant 0 : index
    %get3A_23 = vector.load %arg3[%get3A_21, %get3A_22] : memref<1x2048xf32, #tpu.memory_space<vmem>>, vector<1x2048xf32>
    %add3A_24 = vector.broadcast %get3A_23 : vector<1x2048xf32> to vector<512x2048xf32>
    %add3A_25 = arith.addf %mul3A_20, %add3A_24 : vector<512x2048xf32>
    %get3A_26 = arith.constant 0 : index
    %get3A_27 = arith.constant 0 : index
    %get3A_28 = vector.load %arg4[%get3A_26, %get3A_27] : memref<2048x1536xf32, #tpu.memory_space<vmem>>, vector<2048x1536xf32>
    %dot_general3A = arith.constant dense<0.000000e+00> : vector<512x1536xf32>
    %dot_general3A_29 = tpu.matmul %add3A_25, %get3A_28, %dot_general3A {dimension_numbers = #tpu.dot_dimension_numbers<[1], [0], [0], [1], [0, 0, 1, 1], [], []>, transpose_lhs_hint = false} : vector<512x2048xf32>, vector<2048x1536xf32>, vector<512x1536xf32> -> vector<512x1536xf32>
    %swap3A = arith.constant 0 : index
    %swap3A_30 = arith.constant 0 : index
    %swap3A_31 = vector.load %arg5[%swap3A, %swap3A_30] : memref<512x1536xf32, #tpu.memory_space<vmem>>, vector<512x1536xf32>
    tpu.vector_store %arg5[%swap3A, %swap3A_30], %dot_general3A_29 {strides = array<i32>} : memref<512x1536xf32, #tpu.memory_space<vmem>>, vector<512x1536xf32>,
    return
  }
  func.func @transform_0(%arg0: i32) -> (i32, i32) {
    %c0_i32 = arith.constant 0 : i32
    %c0_i32_0 = arith.constant 0 : i32
    return %arg0, %c0_i32 : i32, i32
  }
  func.func @transform_1(%arg0: i32) -> (i32, i32) {
    %c0_i32 = arith.constant 0 : i32
    %c0_i32_0 = arith.constant 0 : i32
    %c0_i32_1 = arith.constant 0 : i32
    return %c0_i32, %c0_i32_0 : i32, i32
  }
  func.func @transform_2(%arg0: i32) -> (i32, i32) {
    %c0_i32 = arith.constant 0 : i32
    %c0_i32_0 = arith.constant 0 : i32
    %c0_i32_1 = arith.constant 0 : i32
    return %c0_i32, %c0_i32_0 : i32, i32
  }
  func.func @transform_3(%arg0: i32) -> (i32, i32) {
    %c0_i32 = arith.constant 0 : i32
    %c0_i32_0 = arith.constant 0 : i32
    %c0_i32_1 = arith.constant 0 : i32
    return %c0_i32, %c0_i32_0 : i32, i32
  }
  func.func @transform_4(%arg0: i32) -> (i32, i32) {
    %c0_i32 = arith.constant 0 : i32
    %c0_i32_0 = arith.constant 0 : i32
    return %arg0, %c0_i32 : i32, i32
  }
}

module attributes {stable_mosaic.version = 14 : i64} {
  func.func @_light_attn_kernel(%arg0: i32, %arg1: memref<512x1536xf32, #tpu.memory_space<vmem>>, %arg2: memref<512x1536xf32, #tpu.memory_space<vmem>>, %arg3: memref<512x1536xf32, #tpu.memory_space<vmem>>, %arg4: memref<512x2048xf32, #tpu.memory_space<vmem>>, %arg5: memref<512x2048xf32, #tpu.memory_space<vmem>>) attributes {dimension_semantics = [#tpu.dimension_semantics<arbitrary>], iteration_bounds = array<i64: 16>, scalar_prefetch = 0 : i64, scratch_operands = 0 : i64, tpu.core_type = #tpu.core_type<tc>, window_params = [{transform_indices = @transform_0, window_bounds = array<i64: 512, 1536>}, {transform_indices = @transform_1, window_bounds = array<i64: 512, 1536>}, {transform_indices = @transform_2, window_bounds = array<i64: 512, 1536>}, {pipeline_mode = #tpu.pipeline_mode<synchronous>, transform_indices = @transform_3, window_bounds = array<i64: 512, 2048>}, {transform_indices = @transform_4, window_bounds = array<i64: 512, 2048>}]} {
    %jit3A = arith.constant 8 : i32
    %eq3A = arith.constant 0 : i32
    %eq3A_0 = arith.cmpi eq, %jit3A, %eq3A : i32
    %jit3A_1 = arith.constant 1 : i32
    %select_n3A = arith.select %eq3A_0, %jit3A_1, %jit3A : i32
    %rem3A = arith.remsi %arg0, %select_n3A : i32
    %ne3A = arith.constant 0 : i32
    %ne3A_2 = arith.cmpi ne, %rem3A, %ne3A : i32
    %lt3A = arith.constant 0 : i32
    %lt3A_3 = arith.cmpi slt, %rem3A, %lt3A : i32
    %lt3A_4 = arith.constant 0 : i32
    %lt3A_5 = arith.cmpi slt, %select_n3A, %lt3A_4 : i32
    %ne3A_6 = arith.xori %lt3A_3, %lt3A_5 : i1
    %and3A = arith.andi %ne3A_6, %ne3A_2 : i1
    %add3A = arith.addi %rem3A, %select_n3A : i32
    %select_n3A_7 = arith.select %and3A, %add3A, %rem3A : i32
    %mul3A = arith.constant 512 : i32
    %mul3A_8 = arith.muli %select_n3A_7, %mul3A : i32
    %get3A = arith.constant 0 : index
    %get3A_9 = arith.constant 0 : index
    %get3A_10 = vector.load %arg1[%get3A, %get3A_9] : memref<512x1536xf32, #tpu.memory_space<vmem>>, vector<512x1536xf32>
    %get3A_11 = arith.constant 0 : index
    %get3A_12 = arith.constant 0 : index
    %get3A_13 = vector.load %arg2[%get3A_11, %get3A_12] : memref<512x1536xf32, #tpu.memory_space<vmem>>, vector<512x1536xf32>
    %get3A_14 = arith.constant 0 : index
    %get3A_15 = arith.constant 0 : index
    %get3A_16 = vector.load %arg3[%get3A_14, %get3A_15] : memref<512x1536xf32, #tpu.memory_space<vmem>>, vector<512x1536xf32>
    %iota3A = tpu.iota {dimensions = array<i32: 0>} : vector<512x640xi32>
    %iota3A_17 = tpu.iota {dimensions = array<i32: 1>} : vector<512x640xi32>
    %jit3A_18 = arith.constant 64 : i32
    %div3A = vector.broadcast %jit3A_18 : i32 to vector<512x640xi32>
    %div3A_19 = arith.divsi %iota3A, %div3A : vector<512x640xi32>
    %sign3A = arith.constant 0 : i32
    %sign3A_20 = vector.broadcast %sign3A : i32 to vector<512x640xi32>
    %sign3A_21 = arith.cmpi sgt, %iota3A, %sign3A_20 : vector<512x640xi32>
    %sign3A_22 = arith.extui %sign3A_21 : vector<512x640xi1> to vector<512x640xi32>
    %sign3A_23 = arith.constant 0 : i32
    %sign3A_24 = vector.broadcast %sign3A_23 : i32 to vector<512x640xi32>
    %sign3A_25 = arith.cmpi slt, %iota3A, %sign3A_24 : vector<512x640xi32>
    %sign3A_26 = arith.extui %sign3A_25 : vector<512x640xi1> to vector<512x640xi32>
    %sign3A_27 = arith.subi %sign3A_22, %sign3A_26 : vector<512x640xi32>
    %sign3A_28 = arith.constant 0 : i32
    %sign3A_29 = arith.cmpi sgt, %jit3A_18, %sign3A_28 : i32
    %sign3A_30 = arith.extui %sign3A_29 : i1 to i32
    %sign3A_31 = arith.constant 0 : i32
    %sign3A_32 = arith.cmpi slt, %jit3A_18, %sign3A_31 : i32
    %sign3A_33 = arith.extui %sign3A_32 : i1 to i32
    %sign3A_34 = arith.subi %sign3A_30, %sign3A_33 : i32
    %ne3A_35 = vector.broadcast %sign3A_34 : i32 to vector<512x640xi32>
    %ne3A_36 = arith.cmpi ne, %sign3A_27, %ne3A_35 : vector<512x640xi32>
    %rem3A_37 = vector.broadcast %jit3A_18 : i32 to vector<512x640xi32>
    %rem3A_38 = arith.remsi %iota3A, %rem3A_37 : vector<512x640xi32>
    %ne3A_39 = arith.constant 0 : i32
    %ne3A_40 = vector.broadcast %ne3A_39 : i32 to vector<512x640xi32>
    %ne3A_41 = arith.cmpi ne, %rem3A_38, %ne3A_40 : vector<512x640xi32>
    %and3A_42 = arith.andi %ne3A_36, %ne3A_41 : vector<512x640xi1>
    %sub3A = arith.constant 1 : i32
    %sub3A_43 = vector.broadcast %sub3A : i32 to vector<512x640xi32>
    %sub3A_44 = arith.subi %div3A_19, %sub3A_43 : vector<512x640xi32>
    %select_n3A_45 = arith.select %and3A_42, %sub3A_44, %div3A_19 : vector<512x640xi1>, vector<512x640xi32>
    %mul3A_46 = arith.constant 64 : i32
    %mul3A_47 = vector.broadcast %mul3A_46 : i32 to vector<512x640xi32>
    %mul3A_48 = arith.muli %select_n3A_45, %mul3A_47 : vector<512x640xi32>
    %sub3A_49 = arith.subi %iota3A_17, %mul3A_48 : vector<512x640xi32>
    %sub3A_50 = arith.constant 64 : i32
    %sub3A_51 = arith.subi %mul3A_8, %sub3A_50 : i32
    %add3A_52 = vector.broadcast %sub3A_51 : i32 to vector<512x640xi32>
    %add3A_53 = arith.addi %add3A_52, %iota3A_17 : vector<512x640xi32>
    %ge3A = arith.constant 0 : i32
    %ge3A_54 = vector.broadcast %ge3A : i32 to vector<512x640xi32>
    %ge3A_55 = arith.cmpi sge, %sub3A_49, %ge3A_54 : vector<512x640xi32>
    %lt3A_56 = arith.constant 192 : i32
    %lt3A_57 = vector.broadcast %lt3A_56 : i32 to vector<512x640xi32>
    %lt3A_58 = arith.cmpi slt, %sub3A_49, %lt3A_57 : vector<512x640xi32>
    %and3A_59 = arith.andi %ge3A_55, %lt3A_58 : vector<512x640xi1>
    %ge3A_60 = arith.constant 0 : i32
    %ge3A_61 = vector.broadcast %ge3A_60 : i32 to vector<512x640xi32>
    %ge3A_62 = arith.cmpi sge, %add3A_53, %ge3A_61 : vector<512x640xi32>
    %and3A_63 = arith.andi %and3A_59, %ge3A_62 : vector<512x640xi1>
    %lt3A_64 = arith.constant 4096 : i32
    %lt3A_65 = vector.broadcast %lt3A_64 : i32 to vector<512x640xi32>
    %lt3A_66 = arith.cmpi slt, %add3A_53, %lt3A_65 : vector<512x640xi32>
    %and3A_67 = arith.andi %and3A_63, %lt3A_66 : vector<512x640xi1>
    %slice3A = vector.extract_strided_slice %get3A_13 {offsets = [0, 0], sizes = [512, 64], strides = [1, 1]} : vector<512x1536xf32> to vector<512x64xf32>
    %mul3A_68 = arith.constant 1.250000e-01 : f32
    %mul3A_69 = vector.broadcast %mul3A_68 : f32 to vector<512x64xf32>
    %mul3A_70 = arith.mulf %slice3A, %mul3A_69 : vector<512x64xf32>
    %slice3A_71 = vector.extract_strided_slice %get3A_10 {offsets = [448, 512], sizes = [64, 64], strides = [1, 1]} : vector<512x1536xf32> to vector<64x64xf32>
    %slice3A_72 = vector.extract_strided_slice %get3A_13 {offsets = [0, 512], sizes = [512, 64], strides = [1, 1]} : vector<512x1536xf32> to vector<512x64xf32>
    %slice3A_73 = vector.extract_strided_slice %get3A_16 {offsets = [0, 512], sizes = [64, 64], strides = [1, 1]} : vector<512x1536xf32> to vector<64x64xf32>
    %concatenate3A = tpu.concatenate %slice3A_71, %slice3A_72, %slice3A_73 in 0 : vector<64x64xf32>, vector<512x64xf32>, vector<64x64xf32> -> vector<640x64xf32>
    %slice3A_74 = vector.extract_strided_slice %get3A_10 {offsets = [448, 1024], sizes = [64, 64], strides = [1, 1]} : vector<512x1536xf32> to vector<64x64xf32>
    %slice3A_75 = vector.extract_strided_slice %get3A_13 {offsets = [0, 1024], sizes = [512, 64], strides = [1, 1]} : vector<512x1536xf32> to vector<512x64xf32>
    %slice3A_76 = vector.extract_strided_slice %get3A_16 {offsets = [0, 1024], sizes = [64, 64], strides = [1, 1]} : vector<512x1536xf32> to vector<64x64xf32>
    %concatenate3A_77 = tpu.concatenate %slice3A_74, %slice3A_75, %slice3A_76 in 0 : vector<64x64xf32>, vector<512x64xf32>, vector<64x64xf32> -> vector<640x64xf32>
    %dot_general3A = arith.constant dense<0.000000e+00> : vector<512x640xf32>
    %dot_general3A_78 = tpu.matmul %mul3A_70, %concatenate3A, %dot_general3A {dimension_numbers = #tpu.dot_dimension_numbers<[1], [1], [0], [0], [0, 0, 1, 0], [], []>, transpose_lhs_hint = false} : vector<512x64xf32>, vector<640x64xf32>, vector<512x640xf32> -> vector<512x640xf32>
    %jit3A_79 = arith.constant -3.40282347E+38 : f32
    %broadcast_in_dim3A = vector.broadcast %jit3A_79 : f32 to vector<512x640xf32>
    %select_n3A_80 = arith.select %and3A_67, %dot_general3A_78, %broadcast_in_dim3A : vector<512x640xi1>, vector<512x640xf32>
    %reduce_max3A = arith.constant dense<0xFF800000> : vector<512xf32>
    %reduce_max3A_81 = vector.multi_reduction <maximumf>, %select_n3A_80, %reduce_max3A [1] : vector<512x640xf32> to vector<512xf32>
    %broadcast_in_dim3A_82 = vector.shape_cast %reduce_max3A_81 : vector<512xf32> to vector<512x1xf32>
    %sub3A_83 = vector.broadcast %broadcast_in_dim3A_82 : vector<512x1xf32> to vector<512x640xf32>
    %sub3A_84 = arith.subf %select_n3A_80, %sub3A_83 : vector<512x640xf32>
    %exp3A = math.exp %sub3A_84 : vector<512x640xf32>
    %reduce_sum3A = arith.constant dense<0.000000e+00> : vector<512xf32>
    %reduce_sum3A_85 = vector.multi_reduction <add>, %exp3A, %reduce_sum3A [1] : vector<512x640xf32> to vector<512xf32>
    %broadcast_in_dim3A_86 = vector.shape_cast %reduce_sum3A_85 : vector<512xf32> to vector<512x1xf32>
    %div3A_87 = vector.broadcast %broadcast_in_dim3A_86 : vector<512x1xf32> to vector<512x640xf32>
    %div3A_88 = arith.divf %exp3A, %div3A_87 : vector<512x640xf32>
    %dot_general3A_89 = arith.constant dense<0.000000e+00> : vector<512x64xf32>
    %dot_general3A_90 = tpu.matmul %div3A_88, %concatenate3A_77, %dot_general3A_89 {dimension_numbers = #tpu.dot_dimension_numbers<[1], [0], [0], [1], [0, 0, 1, 1], [], []>, transpose_lhs_hint = false} : vector<512x640xf32>, vector<640x64xf32>, vector<512x64xf32> -> vector<512x64xf32>
    %slice3A_91 = vector.extract_strided_slice %get3A_13 {offsets = [0, 64], sizes = [512, 64], strides = [1, 1]} : vector<512x1536xf32> to vector<512x64xf32>
    %mul3A_92 = arith.constant 1.250000e-01 : f32
    %mul3A_93 = vector.broadcast %mul3A_92 : f32 to vector<512x64xf32>
    %mul3A_94 = arith.mulf %slice3A_91, %mul3A_93 : vector<512x64xf32>
    %slice3A_95 = vector.extract_strided_slice %get3A_10 {offsets = [448, 576], sizes = [64, 64], strides = [1, 1]} : vector<512x1536xf32> to vector<64x64xf32>
    %slice3A_96 = vector.extract_strided_slice %get3A_13 {offsets = [0, 576], sizes = [512, 64], strides = [1, 1]} : vector<512x1536xf32> to vector<512x64xf32>
    %slice3A_97 = vector.extract_strided_slice %get3A_16 {offsets = [0, 576], sizes = [64, 64], strides = [1, 1]} : vector<512x1536xf32> to vector<64x64xf32>
    %concatenate3A_98 = tpu.concatenate %slice3A_95, %slice3A_96, %slice3A_97 in 0 : vector<64x64xf32>, vector<512x64xf32>, vector<64x64xf32> -> vector<640x64xf32>
    %slice3A_99 = vector.extract_strided_slice %get3A_10 {offsets = [448, 1088], sizes = [64, 64], strides = [1, 1]} : vector<512x1536xf32> to vector<64x64xf32>
    %slice3A_100 = vector.extract_strided_slice %get3A_13 {offsets = [0, 1088], sizes = [512, 64], strides = [1, 1]} : vector<512x1536xf32> to vector<512x64xf32>
    %slice3A_101 = vector.extract_strided_slice %get3A_16 {offsets = [0, 1088], sizes = [64, 64], strides = [1, 1]} : vector<512x1536xf32> to vector<64x64xf32>
    %concatenate3A_102 = tpu.concatenate %slice3A_99, %slice3A_100, %slice3A_101 in 0 : vector<64x64xf32>, vector<512x64xf32>, vector<64x64xf32> -> vector<640x64xf32>
    %dot_general3A_103 = arith.constant dense<0.000000e+00> : vector<512x640xf32>
    %dot_general3A_104 = tpu.matmul %mul3A_94, %concatenate3A_98, %dot_general3A_103 {dimension_numbers = #tpu.dot_dimension_numbers<[1], [1], [0], [0], [0, 0, 1, 0], [], []>, transpose_lhs_hint = false} : vector<512x64xf32>, vector<640x64xf32>, vector<512x640xf32> -> vector<512x640xf32>
    %jit3A_105 = arith.constant -3.40282347E+38 : f32
    %broadcast_in_dim3A_106 = vector.broadcast %jit3A_105 : f32 to vector<512x640xf32>
    %select_n3A_107 = arith.select %and3A_67, %dot_general3A_104, %broadcast_in_dim3A_106 : vector<512x640xi1>, vector<512x640xf32>
    %reduce_max3A_108 = arith.constant dense<0xFF800000> : vector<512xf32>
    %reduce_max3A_109 = vector.multi_reduction <maximumf>, %select_n3A_107, %reduce_max3A_108 [1] : vector<512x640xf32> to vector<512xf32>
    %broadcast_in_dim3A_110 = vector.shape_cast %reduce_max3A_109 : vector<512xf32> to vector<512x1xf32>
    %sub3A_111 = vector.broadcast %broadcast_in_dim3A_110 : vector<512x1xf32> to vector<512x640xf32>
    %sub3A_112 = arith.subf %select_n3A_107, %sub3A_111 : vector<512x640xf32>
    %exp3A_113 = math.exp %sub3A_112 : vector<512x640xf32>
    %reduce_sum3A_114 = arith.constant dense<0.000000e+00> : vector<512xf32>
    %reduce_sum3A_115 = vector.multi_reduction <add>, %exp3A_113, %reduce_sum3A_114 [1] : vector<512x640xf32> to vector<512xf32>
    %broadcast_in_dim3A_116 = vector.shape_cast %reduce_sum3A_115 : vector<512xf32> to vector<512x1xf32>
    %div3A_117 = vector.broadcast %broadcast_in_dim3A_116 : vector<512x1xf32> to vector<512x640xf32>
    %div3A_118 = arith.divf %exp3A_113, %div3A_117 : vector<512x640xf32>
    %dot_general3A_119 = arith.constant dense<0.000000e+00> : vector<512x64xf32>
    %dot_general3A_120 = tpu.matmul %div3A_118, %concatenate3A_102, %dot_general3A_119 {dimension_numbers = #tpu.dot_dimension_numbers<[1], [0], [0], [1], [0, 0, 1, 1], [], []>, transpose_lhs_hint = false} : vector<512x640xf32>, vector<640x64xf32>, vector<512x64xf32> -> vector<512x64xf32>
    %slice3A_121 = vector.extract_strided_slice %get3A_13 {offsets = [0, 128], sizes = [512, 64], strides = [1, 1]} : vector<512x1536xf32> to vector<512x64xf32>
    %mul3A_122 = arith.constant 1.250000e-01 : f32
    %mul3A_123 = vector.broadcast %mul3A_122 : f32 to vector<512x64xf32>
    %mul3A_124 = arith.mulf %slice3A_121, %mul3A_123 : vector<512x64xf32>
    %slice3A_125 = vector.extract_strided_slice %get3A_10 {offsets = [448, 640], sizes = [64, 64], strides = [1, 1]} : vector<512x1536xf32> to vector<64x64xf32>
    %slice3A_126 = vector.extract_strided_slice %get3A_13 {offsets = [0, 640], sizes = [512, 64], strides = [1, 1]} : vector<512x1536xf32> to vector<512x64xf32>
    %slice3A_127 = vector.extract_strided_slice %get3A_16 {offsets = [0, 640], sizes = [64, 64], strides = [1, 1]} : vector<512x1536xf32> to vector<64x64xf32>
    %concatenate3A_128 = tpu.concatenate %slice3A_125, %slice3A_126, %slice3A_127 in 0 : vector<64x64xf32>, vector<512x64xf32>, vector<64x64xf32> -> vector<640x64xf32>
    %slice3A_129 = vector.extract_strided_slice %get3A_10 {offsets = [448, 1152], sizes = [64, 64], strides = [1, 1]} : vector<512x1536xf32> to vector<64x64xf32>
    %slice3A_130 = vector.extract_strided_slice %get3A_13 {offsets = [0, 1152], sizes = [512, 64], strides = [1, 1]} : vector<512x1536xf32> to vector<512x64xf32>
    %slice3A_131 = vector.extract_strided_slice %get3A_16 {offsets = [0, 1152], sizes = [64, 64], strides = [1, 1]} : vector<512x1536xf32> to vector<64x64xf32>
    %concatenate3A_132 = tpu.concatenate %slice3A_129, %slice3A_130, %slice3A_131 in 0 : vector<64x64xf32>, vector<512x64xf32>, vector<64x64xf32> -> vector<640x64xf32>
    %dot_general3A_133 = arith.constant dense<0.000000e+00> : vector<512x640xf32>
    %dot_general3A_134 = tpu.matmul %mul3A_124, %concatenate3A_128, %dot_general3A_133 {dimension_numbers = #tpu.dot_dimension_numbers<[1], [1], [0], [0], [0, 0, 1, 0], [], []>, transpose_lhs_hint = false} : vector<512x64xf32>, vector<640x64xf32>, vector<512x640xf32> -> vector<512x640xf32>
    %jit3A_135 = arith.constant -3.40282347E+38 : f32
    %broadcast_in_dim3A_136 = vector.broadcast %jit3A_135 : f32 to vector<512x640xf32>
    %select_n3A_137 = arith.select %and3A_67, %dot_general3A_134, %broadcast_in_dim3A_136 : vector<512x640xi1>, vector<512x640xf32>
    %reduce_max3A_138 = arith.constant dense<0xFF800000> : vector<512xf32>
    %reduce_max3A_139 = vector.multi_reduction <maximumf>, %select_n3A_137, %reduce_max3A_138 [1] : vector<512x640xf32> to vector<512xf32>
    %broadcast_in_dim3A_140 = vector.shape_cast %reduce_max3A_139 : vector<512xf32> to vector<512x1xf32>
    %sub3A_141 = vector.broadcast %broadcast_in_dim3A_140 : vector<512x1xf32> to vector<512x640xf32>
    %sub3A_142 = arith.subf %select_n3A_137, %sub3A_141 : vector<512x640xf32>
    %exp3A_143 = math.exp %sub3A_142 : vector<512x640xf32>
    %reduce_sum3A_144 = arith.constant dense<0.000000e+00> : vector<512xf32>
    %reduce_sum3A_145 = vector.multi_reduction <add>, %exp3A_143, %reduce_sum3A_144 [1] : vector<512x640xf32> to vector<512xf32>
    %broadcast_in_dim3A_146 = vector.shape_cast %reduce_sum3A_145 : vector<512xf32> to vector<512x1xf32>
    %div3A_147 = vector.broadcast %broadcast_in_dim3A_146 : vector<512x1xf32> to vector<512x640xf32>
    %div3A_148 = arith.divf %exp3A_143, %div3A_147 : vector<512x640xf32>
    %dot_general3A_149 = arith.constant dense<0.000000e+00> : vector<512x64xf32>
    %dot_general3A_150 = tpu.matmul %div3A_148, %concatenate3A_132, %dot_general3A_149 {dimension_numbers = #tpu.dot_dimension_numbers<[1], [0], [0], [1], [0, 0, 1, 1], [], []>, transpose_lhs_hint = false} : vector<512x640xf32>, vector<640x64xf32>, vector<512x64xf32> -> vector<512x64xf32>
    %slice3A_151 = vector.extract_strided_slice %get3A_13 {offsets = [0, 192], sizes = [512, 64], strides = [1, 1]} : vector<512x1536xf32> to vector<512x64xf32>
    %mul3A_152 = arith.constant 1.250000e-01 : f32
    %mul3A_153 = vector.broadcast %mul3A_152 : f32 to vector<512x64xf32>
    %mul3A_154 = arith.mulf %slice3A_151, %mul3A_153 : vector<512x64xf32>
    %slice3A_155 = vector.extract_strided_slice %get3A_10 {offsets = [448, 704], sizes = [64, 64], strides = [1, 1]} : vector<512x1536xf32> to vector<64x64xf32>
    %slice3A_156 = vector.extract_strided_slice %get3A_13 {offsets = [0, 704], sizes = [512, 64], strides = [1, 1]} : vector<512x1536xf32> to vector<512x64xf32>
    %slice3A_157 = vector.extract_strided_slice %get3A_16 {offsets = [0, 704], sizes = [64, 64], strides = [1, 1]} : vector<512x1536xf32> to vector<64x64xf32>
    %concatenate3A_158 = tpu.concatenate %slice3A_155, %slice3A_156, %slice3A_157 in 0 : vector<64x64xf32>, vector<512x64xf32>, vector<64x64xf32> -> vector<640x64xf32>
    %slice3A_159 = vector.extract_strided_slice %get3A_10 {offsets = [448, 1216], sizes = [64, 64], strides = [1, 1]} : vector<512x1536xf32> to vector<64x64xf32>
    %slice3A_160 = vector.extract_strided_slice %get3A_13 {offsets = [0, 1216], sizes = [512, 64], strides = [1, 1]} : vector<512x1536xf32> to vector<512x64xf32>
    %slice3A_161 = vector.extract_strided_slice %get3A_16 {offsets = [0, 1216], sizes = [64, 64], strides = [1, 1]} : vector<512x1536xf32> to vector<64x64xf32>
    %concatenate3A_162 = tpu.concatenate %slice3A_159, %slice3A_160, %slice3A_161 in 0 : vector<64x64xf32>, vector<512x64xf32>, vector<64x64xf32> -> vector<640x64xf32>
    %dot_general3A_163 = arith.constant dense<0.000000e+00> : vector<512x640xf32>
    %dot_general3A_164 = tpu.matmul %mul3A_154, %concatenate3A_158, %dot_general3A_163 {dimension_numbers = #tpu.dot_dimension_numbers<[1], [1], [0], [0], [0, 0, 1, 0], [], []>, transpose_lhs_hint = false} : vector<512x64xf32>, vector<640x64xf32>, vector<512x640xf32> -> vector<512x640xf32>
    %jit3A_165 = arith.constant -3.40282347E+38 : f32
    %broadcast_in_dim3A_166 = vector.broadcast %jit3A_165 : f32 to vector<512x640xf32>
    %select_n3A_167 = arith.select %and3A_67, %dot_general3A_164, %broadcast_in_dim3A_166 : vector<512x640xi1>, vector<512x640xf32>
    %reduce_max3A_168 = arith.constant dense<0xFF800000> : vector<512xf32>
    %reduce_max3A_169 = vector.multi_reduction <maximumf>, %select_n3A_167, %reduce_max3A_168 [1] : vector<512x640xf32> to vector<512xf32>
    %broadcast_in_dim3A_170 = vector.shape_cast %reduce_max3A_169 : vector<512xf32> to vector<512x1xf32>
    %sub3A_171 = vector.broadcast %broadcast_in_dim3A_170 : vector<512x1xf32> to vector<512x640xf32>
    %sub3A_172 = arith.subf %select_n3A_167, %sub3A_171 : vector<512x640xf32>
    %exp3A_173 = math.exp %sub3A_172 : vector<512x640xf32>
    %reduce_sum3A_174 = arith.constant dense<0.000000e+00> : vector<512xf32>
    %reduce_sum3A_175 = vector.multi_reduction <add>, %exp3A_173, %reduce_sum3A_174 [1] : vector<512x640xf32> to vector<512xf32>
    %broadcast_in_dim3A_176 = vector.shape_cast %reduce_sum3A_175 : vector<512xf32> to vector<512x1xf32>
    %div3A_177 = vector.broadcast %broadcast_in_dim3A_176 : vector<512x1xf32> to vector<512x640xf32>
    %div3A_178 = arith.divf %exp3A_173, %div3A_177 : vector<512x640xf32>
    %dot_general3A_179 = arith.constant dense<0.000000e+00> : vector<512x64xf32>
    %dot_general3A_180 = tpu.matmul %div3A_178, %concatenate3A_162, %dot_general3A_179 {dimension_numbers = #tpu.dot_dimension_numbers<[1], [0], [0], [1], [0, 0, 1, 1], [], []>, transpose_lhs_hint = false} : vector<512x640xf32>, vector<640x64xf32>, vector<512x64xf32> -> vector<512x64xf32>
    %slice3A_181 = vector.extract_strided_slice %get3A_13 {offsets = [0, 256], sizes = [512, 64], strides = [1, 1]} : vector<512x1536xf32> to vector<512x64xf32>
    %mul3A_182 = arith.constant 1.250000e-01 : f32
    %mul3A_183 = vector.broadcast %mul3A_182 : f32 to vector<512x64xf32>
    %mul3A_184 = arith.mulf %slice3A_181, %mul3A_183 : vector<512x64xf32>
    %slice3A_185 = vector.extract_strided_slice %get3A_10 {offsets = [448, 768], sizes = [64, 64], strides = [1, 1]} : vector<512x1536xf32> to vector<64x64xf32>
    %slice3A_186 = vector.extract_strided_slice %get3A_13 {offsets = [0, 768], sizes = [512, 64], strides = [1, 1]} : vector<512x1536xf32> to vector<512x64xf32>
    %slice3A_187 = vector.extract_strided_slice %get3A_16 {offsets = [0, 768], sizes = [64, 64], strides = [1, 1]} : vector<512x1536xf32> to vector<64x64xf32>
    %concatenate3A_188 = tpu.concatenate %slice3A_185, %slice3A_186, %slice3A_187 in 0 : vector<64x64xf32>, vector<512x64xf32>, vector<64x64xf32> -> vector<640x64xf32>
    %slice3A_189 = vector.extract_strided_slice %get3A_10 {offsets = [448, 1280], sizes = [64, 64], strides = [1, 1]} : vector<512x1536xf32> to vector<64x64xf32>
    %slice3A_190 = vector.extract_strided_slice %get3A_13 {offsets = [0, 1280], sizes = [512, 64], strides = [1, 1]} : vector<512x1536xf32> to vector<512x64xf32>
    %slice3A_191 = vector.extract_strided_slice %get3A_16 {offsets = [0, 1280], sizes = [64, 64], strides = [1, 1]} : vector<512x1536xf32> to vector<64x64xf32>
    %concatenate3A_192 = tpu.concatenate %slice3A_189, %slice3A_190, %slice3A_191 in 0 : vector<64x64xf32>, vector<512x64xf32>, vector<64x64xf32> -> vector<640x64xf32>
    %dot_general3A_193 = arith.constant dense<0.000000e+00> : vector<512x640xf32>
    %dot_general3A_194 = tpu.matmul %mul3A_184, %concatenate3A_188, %dot_general3A_193 {dimension_numbers = #tpu.dot_dimension_numbers<[1], [1], [0], [0], [0, 0, 1, 0], [], []>, transpose_lhs_hint = false} : vector<512x64xf32>, vector<640x64xf32>, vector<512x640xf32> -> vector<512x640xf32>
    %jit3A_195 = arith.constant -3.40282347E+38 : f32
    %broadcast_in_dim3A_196 = vector.broadcast %jit3A_195 : f32 to vector<512x640xf32>
    %select_n3A_197 = arith.select %and3A_67, %dot_general3A_194, %broadcast_in_dim3A_196 : vector<512x640xi1>, vector<512x640xf32>
    %reduce_max3A_198 = arith.constant dense<0xFF800000> : vector<512xf32>
    %reduce_max3A_199 = vector.multi_reduction <maximumf>, %select_n3A_197, %reduce_max3A_198 [1] : vector<512x640xf32> to vector<512xf32>
    %broadcast_in_dim3A_200 = vector.shape_cast %reduce_max3A_199 : vector<512xf32> to vector<512x1xf32>
    %sub3A_201 = vector.broadcast %broadcast_in_dim3A_200 : vector<512x1xf32> to vector<512x640xf32>
    %sub3A_202 = arith.subf %select_n3A_197, %sub3A_201 : vector<512x640xf32>
    %exp3A_203 = math.exp %sub3A_202 : vector<512x640xf32>
    %reduce_sum3A_204 = arith.constant dense<0.000000e+00> : vector<512xf32>
    %reduce_sum3A_205 = vector.multi_reduction <add>, %exp3A_203, %reduce_sum3A_204 [1] : vector<512x640xf32> to vector<512xf32>
    %broadcast_in_dim3A_206 = vector.shape_cast %reduce_sum3A_205 : vector<512xf32> to vector<512x1xf32>
    %div3A_207 = vector.broadcast %broadcast_in_dim3A_206 : vector<512x1xf32> to vector<512x640xf32>
    %div3A_208 = arith.divf %exp3A_203, %div3A_207 : vector<512x640xf32>
    %dot_general3A_209 = arith.constant dense<0.000000e+00> : vector<512x64xf32>
    %dot_general3A_210 = tpu.matmul %div3A_208, %concatenate3A_192, %dot_general3A_209 {dimension_numbers = #tpu.dot_dimension_numbers<[1], [0], [0], [1], [0, 0, 1, 1], [], []>, transpose_lhs_hint = false} : vector<512x640xf32>, vector<640x64xf32>, vector<512x64xf32> -> vector<512x64xf32>
    %slice3A_211 = vector.extract_strided_slice %get3A_13 {offsets = [0, 320], sizes = [512, 64], strides = [1, 1]} : vector<512x1536xf32> to vector<512x64xf32>
    %mul3A_212 = arith.constant 1.250000e-01 : f32
    %mul3A_213 = vector.broadcast %mul3A_212 : f32 to vector<512x64xf32>
    %mul3A_214 = arith.mulf %slice3A_211, %mul3A_213 : vector<512x64xf32>
    %slice3A_215 = vector.extract_strided_slice %get3A_10 {offsets = [448, 832], sizes = [64, 64], strides = [1, 1]} : vector<512x1536xf32> to vector<64x64xf32>
    %slice3A_216 = vector.extract_strided_slice %get3A_13 {offsets = [0, 832], sizes = [512, 64], strides = [1, 1]} : vector<512x1536xf32> to vector<512x64xf32>
    %slice3A_217 = vector.extract_strided_slice %get3A_16 {offsets = [0, 832], sizes = [64, 64], strides = [1, 1]} : vector<512x1536xf32> to vector<64x64xf32>
    %concatenate3A_218 = tpu.concatenate %slice3A_215, %slice3A_216, %slice3A_217 in 0 : vector<64x64xf32>, vector<512x64xf32>, vector<64x64xf32> -> vector<640x64xf32>
    %slice3A_219 = vector.extract_strided_slice %get3A_10 {offsets = [448, 1344], sizes = [64, 64], strides = [1, 1]} : vector<512x1536xf32> to vector<64x64xf32>
    %slice3A_220 = vector.extract_strided_slice %get3A_13 {offsets = [0, 1344], sizes = [512, 64], strides = [1, 1]} : vector<512x1536xf32> to vector<512x64xf32>
    %slice3A_221 = vector.extract_strided_slice %get3A_16 {offsets = [0, 1344], sizes = [64, 64], strides = [1, 1]} : vector<512x1536xf32> to vector<64x64xf32>
    %concatenate3A_222 = tpu.concatenate %slice3A_219, %slice3A_220, %slice3A_221 in 0 : vector<64x64xf32>, vector<512x64xf32>, vector<64x64xf32> -> vector<640x64xf32>
    %dot_general3A_223 = arith.constant dense<0.000000e+00> : vector<512x640xf32>
    %dot_general3A_224 = tpu.matmul %mul3A_214, %concatenate3A_218, %dot_general3A_223 {dimension_numbers = #tpu.dot_dimension_numbers<[1], [1], [0], [0], [0, 0, 1, 0], [], []>, transpose_lhs_hint = false} : vector<512x64xf32>, vector<640x64xf32>, vector<512x640xf32> -> vector<512x640xf32>
    %jit3A_225 = arith.constant -3.40282347E+38 : f32
    %broadcast_in_dim3A_226 = vector.broadcast %jit3A_225 : f32 to vector<512x640xf32>
    %select_n3A_227 = arith.select %and3A_67, %dot_general3A_224, %broadcast_in_dim3A_226 : vector<512x640xi1>, vector<512x640xf32>
    %reduce_max3A_228 = arith.constant dense<0xFF800000> : vector<512xf32>
    %reduce_max3A_229 = vector.multi_reduction <maximumf>, %select_n3A_227, %reduce_max3A_228 [1] : vector<512x640xf32> to vector<512xf32>
    %broadcast_in_dim3A_230 = vector.shape_cast %reduce_max3A_229 : vector<512xf32> to vector<512x1xf32>
    %sub3A_231 = vector.broadcast %broadcast_in_dim3A_230 : vector<512x1xf32> to vector<512x640xf32>
    %sub3A_232 = arith.subf %select_n3A_227, %sub3A_231 : vector<512x640xf32>
    %exp3A_233 = math.exp %sub3A_232 : vector<512x640xf32>
    %reduce_sum3A_234 = arith.constant dense<0.000000e+00> : vector<512xf32>
    %reduce_sum3A_235 = vector.multi_reduction <add>, %exp3A_233, %reduce_sum3A_234 [1] : vector<512x640xf32> to vector<512xf32>
    %broadcast_in_dim3A_236 = vector.shape_cast %reduce_sum3A_235 : vector<512xf32> to vector<512x1xf32>
    %div3A_237 = vector.broadcast %broadcast_in_dim3A_236 : vector<512x1xf32> to vector<512x640xf32>
    %div3A_238 = arith.divf %exp3A_233, %div3A_237 : vector<512x640xf32>
    %dot_general3A_239 = arith.constant dense<0.000000e+00> : vector<512x64xf32>
    %dot_general3A_240 = tpu.matmul %div3A_238, %concatenate3A_222, %dot_general3A_239 {dimension_numbers = #tpu.dot_dimension_numbers<[1], [0], [0], [1], [0, 0, 1, 1], [], []>, transpose_lhs_hint = false} : vector<512x640xf32>, vector<640x64xf32>, vector<512x64xf32> -> vector<512x64xf32>
    %slice3A_241 = vector.extract_strided_slice %get3A_13 {offsets = [0, 384], sizes = [512, 64], strides = [1, 1]} : vector<512x1536xf32> to vector<512x64xf32>
    %mul3A_242 = arith.constant 1.250000e-01 : f32
    %mul3A_243 = vector.broadcast %mul3A_242 : f32 to vector<512x64xf32>
    %mul3A_244 = arith.mulf %slice3A_241, %mul3A_243 : vector<512x64xf32>
    %slice3A_245 = vector.extract_strided_slice %get3A_10 {offsets = [448, 896], sizes = [64, 64], strides = [1, 1]} : vector<512x1536xf32> to vector<64x64xf32>
    %slice3A_246 = vector.extract_strided_slice %get3A_13 {offsets = [0, 896], sizes = [512, 64], strides = [1, 1]} : vector<512x1536xf32> to vector<512x64xf32>
    %slice3A_247 = vector.extract_strided_slice %get3A_16 {offsets = [0, 896], sizes = [64, 64], strides = [1, 1]} : vector<512x1536xf32> to vector<64x64xf32>
    %concatenate3A_248 = tpu.concatenate %slice3A_245, %slice3A_246, %slice3A_247 in 0 : vector<64x64xf32>, vector<512x64xf32>, vector<64x64xf32> -> vector<640x64xf32>
    %slice3A_249 = vector.extract_strided_slice %get3A_10 {offsets = [448, 1408], sizes = [64, 64], strides = [1, 1]} : vector<512x1536xf32> to vector<64x64xf32>
    %slice3A_250 = vector.extract_strided_slice %get3A_13 {offsets = [0, 1408], sizes = [512, 64], strides = [1, 1]} : vector<512x1536xf32> to vector<512x64xf32>
    %slice3A_251 = vector.extract_strided_slice %get3A_16 {offsets = [0, 1408], sizes = [64, 64], strides = [1, 1]} : vector<512x1536xf32> to vector<64x64xf32>
    %concatenate3A_252 = tpu.concatenate %slice3A_249, %slice3A_250, %slice3A_251 in 0 : vector<64x64xf32>, vector<512x64xf32>, vector<64x64xf32> -> vector<640x64xf32>
    %dot_general3A_253 = arith.constant dense<0.000000e+00> : vector<512x640xf32>
    %dot_general3A_254 = tpu.matmul %mul3A_244, %concatenate3A_248, %dot_general3A_253 {dimension_numbers = #tpu.dot_dimension_numbers<[1], [1], [0], [0], [0, 0, 1, 0], [], []>, transpose_lhs_hint = false} : vector<512x64xf32>, vector<640x64xf32>, vector<512x640xf32> -> vector<512x640xf32>
    %jit3A_255 = arith.constant -3.40282347E+38 : f32
    %broadcast_in_dim3A_256 = vector.broadcast %jit3A_255 : f32 to vector<512x640xf32>
    %select_n3A_257 = arith.select %and3A_67, %dot_general3A_254, %broadcast_in_dim3A_256 : vector<512x640xi1>, vector<512x640xf32>
    %reduce_max3A_258 = arith.constant dense<0xFF800000> : vector<512xf32>
    %reduce_max3A_259 = vector.multi_reduction <maximumf>, %select_n3A_257, %reduce_max3A_258 [1] : vector<512x640xf32> to vector<512xf32>
    %broadcast_in_dim3A_260 = vector.shape_cast %reduce_max3A_259 : vector<512xf32> to vector<512x1xf32>
    %sub3A_261 = vector.broadcast %broadcast_in_dim3A_260 : vector<512x1xf32> to vector<512x640xf32>
    %sub3A_262 = arith.subf %select_n3A_257, %sub3A_261 : vector<512x640xf32>
    %exp3A_263 = math.exp %sub3A_262 : vector<512x640xf32>
    %reduce_sum3A_264 = arith.constant dense<0.000000e+00> : vector<512xf32>
    %reduce_sum3A_265 = vector.multi_reduction <add>, %exp3A_263, %reduce_sum3A_264 [1] : vector<512x640xf32> to vector<512xf32>
    %broadcast_in_dim3A_266 = vector.shape_cast %reduce_sum3A_265 : vector<512xf32> to vector<512x1xf32>
    %div3A_267 = vector.broadcast %broadcast_in_dim3A_266 : vector<512x1xf32> to vector<512x640xf32>
    %div3A_268 = arith.divf %exp3A_263, %div3A_267 : vector<512x640xf32>
    %dot_general3A_269 = arith.constant dense<0.000000e+00> : vector<512x64xf32>
    %dot_general3A_270 = tpu.matmul %div3A_268, %concatenate3A_252, %dot_general3A_269 {dimension_numbers = #tpu.dot_dimension_numbers<[1], [0], [0], [1], [0, 0, 1, 1], [], []>, transpose_lhs_hint = false} : vector<512x640xf32>, vector<640x64xf32>, vector<512x64xf32> -> vector<512x64xf32>
    %slice3A_271 = vector.extract_strided_slice %get3A_13 {offsets = [0, 448], sizes = [512, 64], strides = [1, 1]} : vector<512x1536xf32> to vector<512x64xf32>
    %mul3A_272 = arith.constant 1.250000e-01 : f32
    %mul3A_273 = vector.broadcast %mul3A_272 : f32 to vector<512x64xf32>
    %mul3A_274 = arith.mulf %slice3A_271, %mul3A_273 : vector<512x64xf32>
    %slice3A_275 = vector.extract_strided_slice %get3A_10 {offsets = [448, 960], sizes = [64, 64], strides = [1, 1]} : vector<512x1536xf32> to vector<64x64xf32>
    %slice3A_276 = vector.extract_strided_slice %get3A_13 {offsets = [0, 960], sizes = [512, 64], strides = [1, 1]} : vector<512x1536xf32> to vector<512x64xf32>
    %slice3A_277 = vector.extract_strided_slice %get3A_16 {offsets = [0, 960], sizes = [64, 64], strides = [1, 1]} : vector<512x1536xf32> to vector<64x64xf32>
    %concatenate3A_278 = tpu.concatenate %slice3A_275, %slice3A_276, %slice3A_277 in 0 : vector<64x64xf32>, vector<512x64xf32>, vector<64x64xf32> -> vector<640x64xf32>
    %slice3A_279 = vector.extract_strided_slice %get3A_10 {offsets = [448, 1472], sizes = [64, 64], strides = [1, 1]} : vector<512x1536xf32> to vector<64x64xf32>
    %slice3A_280 = vector.extract_strided_slice %get3A_13 {offsets = [0, 1472], sizes = [512, 64], strides = [1, 1]} : vector<512x1536xf32> to vector<512x64xf32>
    %slice3A_281 = vector.extract_strided_slice %get3A_16 {offsets = [0, 1472], sizes = [64, 64], strides = [1, 1]} : vector<512x1536xf32> to vector<64x64xf32>
    %concatenate3A_282 = tpu.concatenate %slice3A_279, %slice3A_280, %slice3A_281 in 0 : vector<64x64xf32>, vector<512x64xf32>, vector<64x64xf32> -> vector<640x64xf32>
    %dot_general3A_283 = arith.constant dense<0.000000e+00> : vector<512x640xf32>
    %dot_general3A_284 = tpu.matmul %mul3A_274, %concatenate3A_278, %dot_general3A_283 {dimension_numbers = #tpu.dot_dimension_numbers<[1], [1], [0], [0], [0, 0, 1, 0], [], []>, transpose_lhs_hint = false} : vector<512x64xf32>, vector<640x64xf32>, vector<512x640xf32> -> vector<512x640xf32>
    %jit3A_285 = arith.constant -3.40282347E+38 : f32
    %broadcast_in_dim3A_286 = vector.broadcast %jit3A_285 : f32 to vector<512x640xf32>
    %select_n3A_287 = arith.select %and3A_67, %dot_general3A_284, %broadcast_in_dim3A_286 : vector<512x640xi1>, vector<512x640xf32>
    %reduce_max3A_288 = arith.constant dense<0xFF800000> : vector<512xf32>
    %reduce_max3A_289 = vector.multi_reduction <maximumf>, %select_n3A_287, %reduce_max3A_288 [1] : vector<512x640xf32> to vector<512xf32>
    %broadcast_in_dim3A_290 = vector.shape_cast %reduce_max3A_289 : vector<512xf32> to vector<512x1xf32>
    %sub3A_291 = vector.broadcast %broadcast_in_dim3A_290 : vector<512x1xf32> to vector<512x640xf32>
    %sub3A_292 = arith.subf %select_n3A_287, %sub3A_291 : vector<512x640xf32>
    %exp3A_293 = math.exp %sub3A_292 : vector<512x640xf32>
    %reduce_sum3A_294 = arith.constant dense<0.000000e+00> : vector<512xf32>
    %reduce_sum3A_295 = vector.multi_reduction <add>, %exp3A_293, %reduce_sum3A_294 [1] : vector<512x640xf32> to vector<512xf32>
    %broadcast_in_dim3A_296 = vector.shape_cast %reduce_sum3A_295 : vector<512xf32> to vector<512x1xf32>
    %div3A_297 = vector.broadcast %broadcast_in_dim3A_296 : vector<512x1xf32> to vector<512x640xf32>
    %div3A_298 = arith.divf %exp3A_293, %div3A_297 : vector<512x640xf32>
    %dot_general3A_299 = arith.constant dense<0.000000e+00> : vector<512x64xf32>
    %dot_general3A_300 = tpu.matmul %div3A_298, %concatenate3A_282, %dot_general3A_299 {dimension_numbers = #tpu.dot_dimension_numbers<[1], [0], [0], [1], [0, 0, 1, 1], [], []>, transpose_lhs_hint = false} : vector<512x640xf32>, vector<640x64xf32>, vector<512x64xf32> -> vector<512x64xf32>
    %concatenate3A_301 = tpu.concatenate %dot_general3A_90, %dot_general3A_120, %dot_general3A_150, %dot_general3A_180, %dot_general3A_210, %dot_general3A_240, %dot_general3A_270, %dot_general3A_300 in 1 : vector<512x64xf32>, vector<512x64xf32>, vector<512x64xf32>, vector<512x64xf32>, vector<512x64xf32>, vector<512x64xf32>, vector<512x64xf32>, vector<512x64xf32> -> vector<512x512xf32>
    %get3A_302 = arith.constant 0 : index
    %get3A_303 = arith.constant 0 : index
    %get3A_304 = vector.load %arg4[%get3A_302, %get3A_303] : memref<512x2048xf32, #tpu.memory_space<vmem>>, vector<512x2048xf32>
    %dot_general3A_305 = arith.constant dense<0.000000e+00> : vector<512x2048xf32>
    %dot_general3A_306 = tpu.matmul %concatenate3A_301, %get3A_304, %dot_general3A_305 {dimension_numbers = #tpu.dot_dimension_numbers<[1], [0], [0], [1], [0, 0, 1, 1], [], []>, transpose_lhs_hint = false} : vector<512x512xf32>, vector<512x2048xf32>, vector<512x2048xf32> -> vector<512x2048xf32>
    %swap3A = arith.constant 0 : index
    %swap3A_307 = arith.constant 0 : index
    %swap3A_308 = vector.load %arg5[%swap3A, %swap3A_307] : memref<512x2048xf32, #tpu.memory_space<vmem>>, vector<512x2048xf32>
    tpu.vector_store %arg5[%swap3A, %swap3A_307], %dot_general3A_306 {strides = array<i32>} : memref<512x2048xf32, #tpu.memory_space<vmem>>, vector<512x2048xf32>,
    return
  }
  func.func @transform_0(%arg0: i32) -> (i32, i32) {
    %sub3A = arith.constant 1 : i32
    %sub3A_0 = arith.subi %arg0, %sub3A : i32
    %max3A = arith.constant 0 : i32
    %max3A_1 = arith.maxsi %sub3A_0, %max3A : i32
    %c0_i32 = arith.constant 0 : i32
    %c0_i32_2 = arith.constant 0 : i32
    return %max3A_1, %c0_i32 : i32, i32
  }
  func.func @transform_1(%arg0: i32) -> (i32, i32) {
    %c0_i32 = arith.constant 0 : i32
    %c0_i32_0 = arith.constant 0 : i32
    return %arg0, %c0_i32 : i32, i32
  }
  func.func @transform_2(%arg0: i32) -> (i32, i32) {
    %add3A = arith.constant 1 : i32
    %add3A_0 = arith.addi %arg0, %add3A : i32
    %min3A = arith.constant 15 : i32
    %min3A_1 = arith.minsi %add3A_0, %min3A : i32
    %c0_i32 = arith.constant 0 : i32
    %c0_i32_2 = arith.constant 0 : i32
    return %min3A_1, %c0_i32 : i32, i32
  }
  func.func @transform_3(%arg0: i32) -> (i32, i32) {
    %c0_i32 = arith.constant 0 : i32
    %c0_i32_0 = arith.constant 0 : i32
    %c0_i32_1 = arith.constant 0 : i32
    return %c0_i32, %c0_i32_0 : i32, i32
  }
  func.func @transform_4(%arg0: i32) -> (i32, i32) {
    %c0_i32 = arith.constant 0 : i32
    %c0_i32_0 = arith.constant 0 : i32
    return %arg0, %c0_i32 : i32, i32
  }
}

module attributes {stable_mosaic.version = 14 : i64} {
  func.func @_heavy_proj_kernel(%arg0: i32, %arg1: i32, %arg2: memref<1x1024x2048xf32, #tpu.memory_space<vmem>>, %arg3: memref<2048x512xf32, #tpu.memory_space<vmem>>, %arg4: memref<1x2048xf32, #tpu.memory_space<vmem>>, %arg5: memref<1x1024x512xf32, #tpu.memory_space<vmem>>) attributes {dimension_semantics = [#tpu.dimension_semantics<arbitrary>, #tpu.dimension_semantics<arbitrary>], iteration_bounds = array<i64: 2, 3>, scalar_prefetch = 0 : i64, scratch_operands = 0 : i64, tpu.core_type = #tpu.core_type<tc>, window_params = [{transform_indices = @transform_0, window_bounds = array<i64: 1, 1024, 2048>}, {transform_indices = @transform_1, window_bounds = array<i64: 2048, 512>}, {pipeline_mode = #tpu.pipeline_mode<synchronous>, transform_indices = @transform_2, window_bounds = array<i64: 1, 2048>}, {transform_indices = @transform_3, window_bounds = array<i64: 1, 1024, 512>}]} {
    %get3A = arith.constant 0 : index
    %get3A_0 = arith.constant 0 : index
    %get3A_1 = arith.constant 0 : index
    %get3A_2 = vector.load %arg2[%get3A, %get3A_0, %get3A_1] : memref<1x1024x2048xf32, #tpu.memory_space<vmem>>, vector<1x1024x2048xf32>
    %get3A_3 = vector.shape_cast %get3A_2 : vector<1x1024x2048xf32> to vector<1024x2048xf32>
    %mul3A = arith.mulf %get3A_3, %get3A_3 : vector<1024x2048xf32>
    %reduce_sum3A = arith.constant dense<0.000000e+00> : vector<1024xf32>
    %reduce_sum3A_4 = vector.multi_reduction <add>, %mul3A, %reduce_sum3A [1] : vector<1024x2048xf32> to vector<1024xf32>
    %broadcast_in_dim3A = vector.shape_cast %reduce_sum3A_4 : vector<1024xf32> to vector<1024x1xf32>
    %sqrt3A = math.sqrt %broadcast_in_dim3A : vector<1024x1xf32>
    %max3A = arith.constant 9.99999996E-13 : f32
    %max3A_5 = vector.broadcast %max3A : f32 to vector<1024x1xf32>
    %max3A_6 = arith.maximumf %sqrt3A, %max3A_5 : vector<1024x1xf32>
    %div3A = vector.broadcast %max3A_6 : vector<1024x1xf32> to vector<1024x2048xf32>
    %div3A_7 = arith.divf %get3A_3, %div3A : vector<1024x2048xf32>
    %mul3A_8 = arith.constant 45.2548332 : f32
    %mul3A_9 = vector.broadcast %mul3A_8 : f32 to vector<1024x2048xf32>
    %mul3A_10 = arith.mulf %div3A_7, %mul3A_9 : vector<1024x2048xf32>
    %get3A_11 = arith.constant 0 : index
    %get3A_12 = arith.constant 0 : index
    %get3A_13 = vector.load %arg4[%get3A_11, %get3A_12] : memref<1x2048xf32, #tpu.memory_space<vmem>>, vector<1x2048xf32>
    %mul3A_14 = vector.broadcast %get3A_13 : vector<1x2048xf32> to vector<1024x2048xf32>
    %mul3A_15 = arith.mulf %mul3A_10, %mul3A_14 : vector<1024x2048xf32>
    %get3A_16 = arith.constant 0 : index
    %get3A_17 = arith.constant 0 : index
    %get3A_18 = vector.load %arg3[%get3A_16, %get3A_17] : memref<2048x512xf32, #tpu.memory_space<vmem>>, vector<2048x512xf32>
    %dot_general3A = arith.constant dense<0.000000e+00> : vector<1024x512xf32>
    %dot_general3A_19 = tpu.matmul %mul3A_15, %get3A_18, %dot_general3A {dimension_numbers = #tpu.dot_dimension_numbers<[1], [0], [0], [1], [0, 0, 1, 1], [], []>, transpose_lhs_hint = false} : vector<1024x2048xf32>, vector<2048x512xf32>, vector<1024x512xf32> -> vector<1024x512xf32>
    %swap3A = arith.constant 0 : index
    %swap3A_20 = arith.constant 0 : index
    %swap3A_21 = arith.constant 0 : index
    %swap3A_22 = vector.load %arg5[%swap3A, %swap3A_20, %swap3A_21] : memref<1x1024x512xf32, #tpu.memory_space<vmem>>, vector<1x1024x512xf32>
    %swap3A_23 = vector.shape_cast %swap3A_22 : vector<1x1024x512xf32> to vector<1024x512xf32>
    %swap3A_24 = vector.shape_cast %dot_general3A_19 : vector<1024x512xf32> to vector<1x1024x512xf32>
    tpu.vector_store %arg5[%swap3A, %swap3A_20, %swap3A_21], %swap3A_24 {strides = array<i32>} : memref<1x1024x512xf32, #tpu.memory_space<vmem>>, vector<1x1024x512xf32>,
    return
  }
  func.func @transform_0(%arg0: i32, %arg1: i32) -> (i32, i32, i32) {
    %min3A = arith.constant 1 : i32
    %min3A_0 = arith.minsi %arg1, %min3A : i32
    %mul3A = arith.constant 2 : i32
    %mul3A_1 = arith.muli %mul3A, %min3A_0 : i32
    %add3A = arith.addi %arg0, %mul3A_1 : i32
    %c0_i32 = arith.constant 0 : i32
    %c0_i32_2 = arith.constant 0 : i32
    %c0_i32_3 = arith.constant 0 : i32
    return %add3A, %c0_i32, %c0_i32_2 : i32, i32, i32
  }
  func.func @transform_1(%arg0: i32, %arg1: i32) -> (i32, i32) {
    %c0_i32 = arith.constant 0 : i32
    %c0_i32_0 = arith.constant 0 : i32
    return %c0_i32, %arg1 : i32, i32
  }
  func.func @transform_2(%arg0: i32, %arg1: i32) -> (i32, i32) {
    %c0_i32 = arith.constant 0 : i32
    %c0_i32_0 = arith.constant 0 : i32
    %c0_i32_1 = arith.constant 0 : i32
    return %c0_i32, %c0_i32_0 : i32, i32
  }
  func.func @transform_3(%arg0: i32, %arg1: i32) -> (i32, i32, i32) {
    %c0_i32 = arith.constant 0 : i32
    %c0_i32_0 = arith.constant 0 : i32
    return %arg0, %c0_i32, %arg1 : i32, i32, i32
  }
}

module attributes {stable_mosaic.version = 14 : i64} {
  func.func @_heavy_attn_kernel(%arg0: i32, %arg1: memref<1x1024x1536xf32, #tpu.memory_space<vmem>>, %arg2: memref<512x2048xf32, #tpu.memory_space<vmem>>, %arg3: memref<1x1024x2048xf32, #tpu.memory_space<vmem>>) attributes {dimension_semantics = [#tpu.dimension_semantics<arbitrary>], iteration_bounds = array<i64: 2>, scalar_prefetch = 0 : i64, scratch_operands = 0 : i64, tpu.core_type = #tpu.core_type<tc>, window_params = [{transform_indices = @transform_0, window_bounds = array<i64: 1, 1024, 1536>}, {pipeline_mode = #tpu.pipeline_mode<synchronous>, transform_indices = @transform_1, window_bounds = array<i64: 512, 2048>}, {transform_indices = @transform_2, window_bounds = array<i64: 1, 1024, 2048>}]} {
    %get3A = arith.constant 0 : index
    %get3A_0 = arith.constant 0 : index
    %get3A_1 = arith.constant 0 : index
    %get3A_2 = vector.load %arg1[%get3A, %get3A_0, %get3A_1] : memref<1x1024x1536xf32, #tpu.memory_space<vmem>>, vector<1x1024x1536xf32>
    %get3A_3 = vector.shape_cast %get3A_2 : vector<1x1024x1536xf32> to vector<1024x1536xf32>
    %slice3A = vector.extract_strided_slice %get3A_3 {offsets = [0, 0], sizes = [1024, 64], strides = [1, 1]} : vector<1024x1536xf32> to vector<1024x64xf32>
    %mul3A = arith.constant 1.250000e-01 : f32
    %mul3A_4 = vector.broadcast %mul3A : f32 to vector<1024x64xf32>
    %mul3A_5 = arith.mulf %slice3A, %mul3A_4 : vector<1024x64xf32>
    %slice3A_6 = vector.extract_strided_slice %get3A_3 {offsets = [0, 512], sizes = [1024, 64], strides = [1, 1]} : vector<1024x1536xf32> to vector<1024x64xf32>
    %slice3A_7 = vector.extract_strided_slice %get3A_3 {offsets = [0, 576], sizes = [1024, 64], strides = [1, 1]} : vector<1024x1536xf32> to vector<1024x64xf32>
    %dot_general3A = arith.constant dense<0.000000e+00> : vector<1024x1024xf32>
    %dot_general3A_8 = tpu.matmul %mul3A_5, %slice3A_6, %dot_general3A {dimension_numbers = #tpu.dot_dimension_numbers<[1], [1], [0], [0], [0, 0, 1, 0], [], []>, transpose_lhs_hint = false} : vector<1024x64xf32>, vector<1024x64xf32>, vector<1024x1024xf32> -> vector<1024x1024xf32>
    %reduce_max3A = arith.constant dense<0xFF800000> : vector<1024xf32>
    %reduce_max3A_9 = vector.multi_reduction <maximumf>, %dot_general3A_8, %reduce_max3A [1] : vector<1024x1024xf32> to vector<1024xf32>
    %broadcast_in_dim3A = vector.shape_cast %reduce_max3A_9 : vector<1024xf32> to vector<1024x1xf32>
    %sub3A = vector.broadcast %broadcast_in_dim3A : vector<1024x1xf32> to vector<1024x1024xf32>
    %sub3A_10 = arith.subf %dot_general3A_8, %sub3A : vector<1024x1024xf32>
    %exp3A = math.exp %sub3A_10 : vector<1024x1024xf32>
    %reduce_sum3A = arith.constant dense<0.000000e+00> : vector<1024xf32>
    %reduce_sum3A_11 = vector.multi_reduction <add>, %exp3A, %reduce_sum3A [1] : vector<1024x1024xf32> to vector<1024xf32>
    %broadcast_in_dim3A_12 = vector.shape_cast %reduce_sum3A_11 : vector<1024xf32> to vector<1024x1xf32>
    %div3A = vector.broadcast %broadcast_in_dim3A_12 : vector<1024x1xf32> to vector<1024x1024xf32>
    %div3A_13 = arith.divf %exp3A, %div3A : vector<1024x1024xf32>
    %dot_general3A_14 = arith.constant dense<0.000000e+00> : vector<1024x64xf32>
    %dot_general3A_15 = tpu.matmul %div3A_13, %slice3A_7, %dot_general3A_14 {dimension_numbers = #tpu.dot_dimension_numbers<[1], [0], [0], [1], [0, 0, 1, 1], [], []>, transpose_lhs_hint = false} : vector<1024x1024xf32>, vector<1024x64xf32>, vector<1024x64xf32> -> vector<1024x64xf32>
    %slice3A_16 = vector.extract_strided_slice %get3A_3 {offsets = [0, 64], sizes = [1024, 64], strides = [1, 1]} : vector<1024x1536xf32> to vector<1024x64xf32>
    %mul3A_17 = arith.constant 1.250000e-01 : f32
    %mul3A_18 = vector.broadcast %mul3A_17 : f32 to vector<1024x64xf32>
    %mul3A_19 = arith.mulf %slice3A_16, %mul3A_18 : vector<1024x64xf32>
    %slice3A_20 = vector.extract_strided_slice %get3A_3 {offsets = [0, 640], sizes = [1024, 64], strides = [1, 1]} : vector<1024x1536xf32> to vector<1024x64xf32>
    %slice3A_21 = vector.extract_strided_slice %get3A_3 {offsets = [0, 704], sizes = [1024, 64], strides = [1, 1]} : vector<1024x1536xf32> to vector<1024x64xf32>
    %dot_general3A_22 = arith.constant dense<0.000000e+00> : vector<1024x1024xf32>
    %dot_general3A_23 = tpu.matmul %mul3A_19, %slice3A_20, %dot_general3A_22 {dimension_numbers = #tpu.dot_dimension_numbers<[1], [1], [0], [0], [0, 0, 1, 0], [], []>, transpose_lhs_hint = false} : vector<1024x64xf32>, vector<1024x64xf32>, vector<1024x1024xf32> -> vector<1024x1024xf32>
    %reduce_max3A_24 = arith.constant dense<0xFF800000> : vector<1024xf32>
    %reduce_max3A_25 = vector.multi_reduction <maximumf>, %dot_general3A_23, %reduce_max3A_24 [1] : vector<1024x1024xf32> to vector<1024xf32>
    %broadcast_in_dim3A_26 = vector.shape_cast %reduce_max3A_25 : vector<1024xf32> to vector<1024x1xf32>
    %sub3A_27 = vector.broadcast %broadcast_in_dim3A_26 : vector<1024x1xf32> to vector<1024x1024xf32>
    %sub3A_28 = arith.subf %dot_general3A_23, %sub3A_27 : vector<1024x1024xf32>
    %exp3A_29 = math.exp %sub3A_28 : vector<1024x1024xf32>
    %reduce_sum3A_30 = arith.constant dense<0.000000e+00> : vector<1024xf32>
    %reduce_sum3A_31 = vector.multi_reduction <add>, %exp3A_29, %reduce_sum3A_30 [1] : vector<1024x1024xf32> to vector<1024xf32>
    %broadcast_in_dim3A_32 = vector.shape_cast %reduce_sum3A_31 : vector<1024xf32> to vector<1024x1xf32>
    %div3A_33 = vector.broadcast %broadcast_in_dim3A_32 : vector<1024x1xf32> to vector<1024x1024xf32>
    %div3A_34 = arith.divf %exp3A_29, %div3A_33 : vector<1024x1024xf32>
    %dot_general3A_35 = arith.constant dense<0.000000e+00> : vector<1024x64xf32>
    %dot_general3A_36 = tpu.matmul %div3A_34, %slice3A_21, %dot_general3A_35 {dimension_numbers = #tpu.dot_dimension_numbers<[1], [0], [0], [1], [0, 0, 1, 1], [], []>, transpose_lhs_hint = false} : vector<1024x1024xf32>, vector<1024x64xf32>, vector<1024x64xf32> -> vector<1024x64xf32>
    %slice3A_37 = vector.extract_strided_slice %get3A_3 {offsets = [0, 128], sizes = [1024, 64], strides = [1, 1]} : vector<1024x1536xf32> to vector<1024x64xf32>
    %mul3A_38 = arith.constant 1.250000e-01 : f32
    %mul3A_39 = vector.broadcast %mul3A_38 : f32 to vector<1024x64xf32>
    %mul3A_40 = arith.mulf %slice3A_37, %mul3A_39 : vector<1024x64xf32>
    %slice3A_41 = vector.extract_strided_slice %get3A_3 {offsets = [0, 768], sizes = [1024, 64], strides = [1, 1]} : vector<1024x1536xf32> to vector<1024x64xf32>
    %slice3A_42 = vector.extract_strided_slice %get3A_3 {offsets = [0, 832], sizes = [1024, 64], strides = [1, 1]} : vector<1024x1536xf32> to vector<1024x64xf32>
    %dot_general3A_43 = arith.constant dense<0.000000e+00> : vector<1024x1024xf32>
    %dot_general3A_44 = tpu.matmul %mul3A_40, %slice3A_41, %dot_general3A_43 {dimension_numbers = #tpu.dot_dimension_numbers<[1], [1], [0], [0], [0, 0, 1, 0], [], []>, transpose_lhs_hint = false} : vector<1024x64xf32>, vector<1024x64xf32>, vector<1024x1024xf32> -> vector<1024x1024xf32>
    %reduce_max3A_45 = arith.constant dense<0xFF800000> : vector<1024xf32>
    %reduce_max3A_46 = vector.multi_reduction <maximumf>, %dot_general3A_44, %reduce_max3A_45 [1] : vector<1024x1024xf32> to vector<1024xf32>
    %broadcast_in_dim3A_47 = vector.shape_cast %reduce_max3A_46 : vector<1024xf32> to vector<1024x1xf32>
    %sub3A_48 = vector.broadcast %broadcast_in_dim3A_47 : vector<1024x1xf32> to vector<1024x1024xf32>
    %sub3A_49 = arith.subf %dot_general3A_44, %sub3A_48 : vector<1024x1024xf32>
    %exp3A_50 = math.exp %sub3A_49 : vector<1024x1024xf32>
    %reduce_sum3A_51 = arith.constant dense<0.000000e+00> : vector<1024xf32>
    %reduce_sum3A_52 = vector.multi_reduction <add>, %exp3A_50, %reduce_sum3A_51 [1] : vector<1024x1024xf32> to vector<1024xf32>
    %broadcast_in_dim3A_53 = vector.shape_cast %reduce_sum3A_52 : vector<1024xf32> to vector<1024x1xf32>
    %div3A_54 = vector.broadcast %broadcast_in_dim3A_53 : vector<1024x1xf32> to vector<1024x1024xf32>
    %div3A_55 = arith.divf %exp3A_50, %div3A_54 : vector<1024x1024xf32>
    %dot_general3A_56 = arith.constant dense<0.000000e+00> : vector<1024x64xf32>
    %dot_general3A_57 = tpu.matmul %div3A_55, %slice3A_42, %dot_general3A_56 {dimension_numbers = #tpu.dot_dimension_numbers<[1], [0], [0], [1], [0, 0, 1, 1], [], []>, transpose_lhs_hint = false} : vector<1024x1024xf32>, vector<1024x64xf32>, vector<1024x64xf32> -> vector<1024x64xf32>
    %slice3A_58 = vector.extract_strided_slice %get3A_3 {offsets = [0, 192], sizes = [1024, 64], strides = [1, 1]} : vector<1024x1536xf32> to vector<1024x64xf32>
    %mul3A_59 = arith.constant 1.250000e-01 : f32
    %mul3A_60 = vector.broadcast %mul3A_59 : f32 to vector<1024x64xf32>
    %mul3A_61 = arith.mulf %slice3A_58, %mul3A_60 : vector<1024x64xf32>
    %slice3A_62 = vector.extract_strided_slice %get3A_3 {offsets = [0, 896], sizes = [1024, 64], strides = [1, 1]} : vector<1024x1536xf32> to vector<1024x64xf32>
    %slice3A_63 = vector.extract_strided_slice %get3A_3 {offsets = [0, 960], sizes = [1024, 64], strides = [1, 1]} : vector<1024x1536xf32> to vector<1024x64xf32>
    %dot_general3A_64 = arith.constant dense<0.000000e+00> : vector<1024x1024xf32>
    %dot_general3A_65 = tpu.matmul %mul3A_61, %slice3A_62, %dot_general3A_64 {dimension_numbers = #tpu.dot_dimension_numbers<[1], [1], [0], [0], [0, 0, 1, 0], [], []>, transpose_lhs_hint = false} : vector<1024x64xf32>, vector<1024x64xf32>, vector<1024x1024xf32> -> vector<1024x1024xf32>
    %reduce_max3A_66 = arith.constant dense<0xFF800000> : vector<1024xf32>
    %reduce_max3A_67 = vector.multi_reduction <maximumf>, %dot_general3A_65, %reduce_max3A_66 [1] : vector<1024x1024xf32> to vector<1024xf32>
    %broadcast_in_dim3A_68 = vector.shape_cast %reduce_max3A_67 : vector<1024xf32> to vector<1024x1xf32>
    %sub3A_69 = vector.broadcast %broadcast_in_dim3A_68 : vector<1024x1xf32> to vector<1024x1024xf32>
    %sub3A_70 = arith.subf %dot_general3A_65, %sub3A_69 : vector<1024x1024xf32>
    %exp3A_71 = math.exp %sub3A_70 : vector<1024x1024xf32>
    %reduce_sum3A_72 = arith.constant dense<0.000000e+00> : vector<1024xf32>
    %reduce_sum3A_73 = vector.multi_reduction <add>, %exp3A_71, %reduce_sum3A_72 [1] : vector<1024x1024xf32> to vector<1024xf32>
    %broadcast_in_dim3A_74 = vector.shape_cast %reduce_sum3A_73 : vector<1024xf32> to vector<1024x1xf32>
    %div3A_75 = vector.broadcast %broadcast_in_dim3A_74 : vector<1024x1xf32> to vector<1024x1024xf32>
    %div3A_76 = arith.divf %exp3A_71, %div3A_75 : vector<1024x1024xf32>
    %dot_general3A_77 = arith.constant dense<0.000000e+00> : vector<1024x64xf32>
    %dot_general3A_78 = tpu.matmul %div3A_76, %slice3A_63, %dot_general3A_77 {dimension_numbers = #tpu.dot_dimension_numbers<[1], [0], [0], [1], [0, 0, 1, 1], [], []>, transpose_lhs_hint = false} : vector<1024x1024xf32>, vector<1024x64xf32>, vector<1024x64xf32> -> vector<1024x64xf32>
    %slice3A_79 = vector.extract_strided_slice %get3A_3 {offsets = [0, 256], sizes = [1024, 64], strides = [1, 1]} : vector<1024x1536xf32> to vector<1024x64xf32>
    %mul3A_80 = arith.constant 1.250000e-01 : f32
    %mul3A_81 = vector.broadcast %mul3A_80 : f32 to vector<1024x64xf32>
    %mul3A_82 = arith.mulf %slice3A_79, %mul3A_81 : vector<1024x64xf32>
    %slice3A_83 = vector.extract_strided_slice %get3A_3 {offsets = [0, 1024], sizes = [1024, 64], strides = [1, 1]} : vector<1024x1536xf32> to vector<1024x64xf32>
    %slice3A_84 = vector.extract_strided_slice %get3A_3 {offsets = [0, 1088], sizes = [1024, 64], strides = [1, 1]} : vector<1024x1536xf32> to vector<1024x64xf32>
    %dot_general3A_85 = arith.constant dense<0.000000e+00> : vector<1024x1024xf32>
    %dot_general3A_86 = tpu.matmul %mul3A_82, %slice3A_83, %dot_general3A_85 {dimension_numbers = #tpu.dot_dimension_numbers<[1], [1], [0], [0], [0, 0, 1, 0], [], []>, transpose_lhs_hint = false} : vector<1024x64xf32>, vector<1024x64xf32>, vector<1024x1024xf32> -> vector<1024x1024xf32>
    %reduce_max3A_87 = arith.constant dense<0xFF800000> : vector<1024xf32>
    %reduce_max3A_88 = vector.multi_reduction <maximumf>, %dot_general3A_86, %reduce_max3A_87 [1] : vector<1024x1024xf32> to vector<1024xf32>
    %broadcast_in_dim3A_89 = vector.shape_cast %reduce_max3A_88 : vector<1024xf32> to vector<1024x1xf32>
    %sub3A_90 = vector.broadcast %broadcast_in_dim3A_89 : vector<1024x1xf32> to vector<1024x1024xf32>
    %sub3A_91 = arith.subf %dot_general3A_86, %sub3A_90 : vector<1024x1024xf32>
    %exp3A_92 = math.exp %sub3A_91 : vector<1024x1024xf32>
    %reduce_sum3A_93 = arith.constant dense<0.000000e+00> : vector<1024xf32>
    %reduce_sum3A_94 = vector.multi_reduction <add>, %exp3A_92, %reduce_sum3A_93 [1] : vector<1024x1024xf32> to vector<1024xf32>
    %broadcast_in_dim3A_95 = vector.shape_cast %reduce_sum3A_94 : vector<1024xf32> to vector<1024x1xf32>
    %div3A_96 = vector.broadcast %broadcast_in_dim3A_95 : vector<1024x1xf32> to vector<1024x1024xf32>
    %div3A_97 = arith.divf %exp3A_92, %div3A_96 : vector<1024x1024xf32>
    %dot_general3A_98 = arith.constant dense<0.000000e+00> : vector<1024x64xf32>
    %dot_general3A_99 = tpu.matmul %div3A_97, %slice3A_84, %dot_general3A_98 {dimension_numbers = #tpu.dot_dimension_numbers<[1], [0], [0], [1], [0, 0, 1, 1], [], []>, transpose_lhs_hint = false} : vector<1024x1024xf32>, vector<1024x64xf32>, vector<1024x64xf32> -> vector<1024x64xf32>
    %slice3A_100 = vector.extract_strided_slice %get3A_3 {offsets = [0, 320], sizes = [1024, 64], strides = [1, 1]} : vector<1024x1536xf32> to vector<1024x64xf32>
    %mul3A_101 = arith.constant 1.250000e-01 : f32
    %mul3A_102 = vector.broadcast %mul3A_101 : f32 to vector<1024x64xf32>
    %mul3A_103 = arith.mulf %slice3A_100, %mul3A_102 : vector<1024x64xf32>
    %slice3A_104 = vector.extract_strided_slice %get3A_3 {offsets = [0, 1152], sizes = [1024, 64], strides = [1, 1]} : vector<1024x1536xf32> to vector<1024x64xf32>
    %slice3A_105 = vector.extract_strided_slice %get3A_3 {offsets = [0, 1216], sizes = [1024, 64], strides = [1, 1]} : vector<1024x1536xf32> to vector<1024x64xf32>
    %dot_general3A_106 = arith.constant dense<0.000000e+00> : vector<1024x1024xf32>
    %dot_general3A_107 = tpu.matmul %mul3A_103, %slice3A_104, %dot_general3A_106 {dimension_numbers = #tpu.dot_dimension_numbers<[1], [1], [0], [0], [0, 0, 1, 0], [], []>, transpose_lhs_hint = false} : vector<1024x64xf32>, vector<1024x64xf32>, vector<1024x1024xf32> -> vector<1024x1024xf32>
    %reduce_max3A_108 = arith.constant dense<0xFF800000> : vector<1024xf32>
    %reduce_max3A_109 = vector.multi_reduction <maximumf>, %dot_general3A_107, %reduce_max3A_108 [1] : vector<1024x1024xf32> to vector<1024xf32>
    %broadcast_in_dim3A_110 = vector.shape_cast %reduce_max3A_109 : vector<1024xf32> to vector<1024x1xf32>
    %sub3A_111 = vector.broadcast %broadcast_in_dim3A_110 : vector<1024x1xf32> to vector<1024x1024xf32>
    %sub3A_112 = arith.subf %dot_general3A_107, %sub3A_111 : vector<1024x1024xf32>
    %exp3A_113 = math.exp %sub3A_112 : vector<1024x1024xf32>
    %reduce_sum3A_114 = arith.constant dense<0.000000e+00> : vector<1024xf32>
    %reduce_sum3A_115 = vector.multi_reduction <add>, %exp3A_113, %reduce_sum3A_114 [1] : vector<1024x1024xf32> to vector<1024xf32>
    %broadcast_in_dim3A_116 = vector.shape_cast %reduce_sum3A_115 : vector<1024xf32> to vector<1024x1xf32>
    %div3A_117 = vector.broadcast %broadcast_in_dim3A_116 : vector<1024x1xf32> to vector<1024x1024xf32>
    %div3A_118 = arith.divf %exp3A_113, %div3A_117 : vector<1024x1024xf32>
    %dot_general3A_119 = arith.constant dense<0.000000e+00> : vector<1024x64xf32>
    %dot_general3A_120 = tpu.matmul %div3A_118, %slice3A_105, %dot_general3A_119 {dimension_numbers = #tpu.dot_dimension_numbers<[1], [0], [0], [1], [0, 0, 1, 1], [], []>, transpose_lhs_hint = false} : vector<1024x1024xf32>, vector<1024x64xf32>, vector<1024x64xf32> -> vector<1024x64xf32>
    %slice3A_121 = vector.extract_strided_slice %get3A_3 {offsets = [0, 384], sizes = [1024, 64], strides = [1, 1]} : vector<1024x1536xf32> to vector<1024x64xf32>
    %mul3A_122 = arith.constant 1.250000e-01 : f32
    %mul3A_123 = vector.broadcast %mul3A_122 : f32 to vector<1024x64xf32>
    %mul3A_124 = arith.mulf %slice3A_121, %mul3A_123 : vector<1024x64xf32>
    %slice3A_125 = vector.extract_strided_slice %get3A_3 {offsets = [0, 1280], sizes = [1024, 64], strides = [1, 1]} : vector<1024x1536xf32> to vector<1024x64xf32>
    %slice3A_126 = vector.extract_strided_slice %get3A_3 {offsets = [0, 1344], sizes = [1024, 64], strides = [1, 1]} : vector<1024x1536xf32> to vector<1024x64xf32>
    %dot_general3A_127 = arith.constant dense<0.000000e+00> : vector<1024x1024xf32>
    %dot_general3A_128 = tpu.matmul %mul3A_124, %slice3A_125, %dot_general3A_127 {dimension_numbers = #tpu.dot_dimension_numbers<[1], [1], [0], [0], [0, 0, 1, 0], [], []>, transpose_lhs_hint = false} : vector<1024x64xf32>, vector<1024x64xf32>, vector<1024x1024xf32> -> vector<1024x1024xf32>
    %reduce_max3A_129 = arith.constant dense<0xFF800000> : vector<1024xf32>
    %reduce_max3A_130 = vector.multi_reduction <maximumf>, %dot_general3A_128, %reduce_max3A_129 [1] : vector<1024x1024xf32> to vector<1024xf32>
    %broadcast_in_dim3A_131 = vector.shape_cast %reduce_max3A_130 : vector<1024xf32> to vector<1024x1xf32>
    %sub3A_132 = vector.broadcast %broadcast_in_dim3A_131 : vector<1024x1xf32> to vector<1024x1024xf32>
    %sub3A_133 = arith.subf %dot_general3A_128, %sub3A_132 : vector<1024x1024xf32>
    %exp3A_134 = math.exp %sub3A_133 : vector<1024x1024xf32>
    %reduce_sum3A_135 = arith.constant dense<0.000000e+00> : vector<1024xf32>
    %reduce_sum3A_136 = vector.multi_reduction <add>, %exp3A_134, %reduce_sum3A_135 [1] : vector<1024x1024xf32> to vector<1024xf32>
    %broadcast_in_dim3A_137 = vector.shape_cast %reduce_sum3A_136 : vector<1024xf32> to vector<1024x1xf32>
    %div3A_138 = vector.broadcast %broadcast_in_dim3A_137 : vector<1024x1xf32> to vector<1024x1024xf32>
    %div3A_139 = arith.divf %exp3A_134, %div3A_138 : vector<1024x1024xf32>
    %dot_general3A_140 = arith.constant dense<0.000000e+00> : vector<1024x64xf32>
    %dot_general3A_141 = tpu.matmul %div3A_139, %slice3A_126, %dot_general3A_140 {dimension_numbers = #tpu.dot_dimension_numbers<[1], [0], [0], [1], [0, 0, 1, 1], [], []>, transpose_lhs_hint = false} : vector<1024x1024xf32>, vector<1024x64xf32>, vector<1024x64xf32> -> vector<1024x64xf32>
    %slice3A_142 = vector.extract_strided_slice %get3A_3 {offsets = [0, 448], sizes = [1024, 64], strides = [1, 1]} : vector<1024x1536xf32> to vector<1024x64xf32>
    %mul3A_143 = arith.constant 1.250000e-01 : f32
    %mul3A_144 = vector.broadcast %mul3A_143 : f32 to vector<1024x64xf32>
    %mul3A_145 = arith.mulf %slice3A_142, %mul3A_144 : vector<1024x64xf32>
    %slice3A_146 = vector.extract_strided_slice %get3A_3 {offsets = [0, 1408], sizes = [1024, 64], strides = [1, 1]} : vector<1024x1536xf32> to vector<1024x64xf32>
    %slice3A_147 = vector.extract_strided_slice %get3A_3 {offsets = [0, 1472], sizes = [1024, 64], strides = [1, 1]} : vector<1024x1536xf32> to vector<1024x64xf32>
    %dot_general3A_148 = arith.constant dense<0.000000e+00> : vector<1024x1024xf32>
    %dot_general3A_149 = tpu.matmul %mul3A_145, %slice3A_146, %dot_general3A_148 {dimension_numbers = #tpu.dot_dimension_numbers<[1], [1], [0], [0], [0, 0, 1, 0], [], []>, transpose_lhs_hint = false} : vector<1024x64xf32>, vector<1024x64xf32>, vector<1024x1024xf32> -> vector<1024x1024xf32>
    %reduce_max3A_150 = arith.constant dense<0xFF800000> : vector<1024xf32>
    %reduce_max3A_151 = vector.multi_reduction <maximumf>, %dot_general3A_149, %reduce_max3A_150 [1] : vector<1024x1024xf32> to vector<1024xf32>
    %broadcast_in_dim3A_152 = vector.shape_cast %reduce_max3A_151 : vector<1024xf32> to vector<1024x1xf32>
    %sub3A_153 = vector.broadcast %broadcast_in_dim3A_152 : vector<1024x1xf32> to vector<1024x1024xf32>
    %sub3A_154 = arith.subf %dot_general3A_149, %sub3A_153 : vector<1024x1024xf32>
    %exp3A_155 = math.exp %sub3A_154 : vector<1024x1024xf32>
    %reduce_sum3A_156 = arith.constant dense<0.000000e+00> : vector<1024xf32>
    %reduce_sum3A_157 = vector.multi_reduction <add>, %exp3A_155, %reduce_sum3A_156 [1] : vector<1024x1024xf32> to vector<1024xf32>
    %broadcast_in_dim3A_158 = vector.shape_cast %reduce_sum3A_157 : vector<1024xf32> to vector<1024x1xf32>
    %div3A_159 = vector.broadcast %broadcast_in_dim3A_158 : vector<1024x1xf32> to vector<1024x1024xf32>
    %div3A_160 = arith.divf %exp3A_155, %div3A_159 : vector<1024x1024xf32>
    %dot_general3A_161 = arith.constant dense<0.000000e+00> : vector<1024x64xf32>
    %dot_general3A_162 = tpu.matmul %div3A_160, %slice3A_147, %dot_general3A_161 {dimension_numbers = #tpu.dot_dimension_numbers<[1], [0], [0], [1], [0, 0, 1, 1], [], []>, transpose_lhs_hint = false} : vector<1024x1024xf32>, vector<1024x64xf32>, vector<1024x64xf32> -> vector<1024x64xf32>
    %concatenate3A = tpu.concatenate %dot_general3A_15, %dot_general3A_36, %dot_general3A_57, %dot_general3A_78, %dot_general3A_99, %dot_general3A_120, %dot_general3A_141, %dot_general3A_162 in 1 : vector<1024x64xf32>, vector<1024x64xf32>, vector<1024x64xf32>, vector<1024x64xf32>, vector<1024x64xf32>, vector<1024x64xf32>, vector<1024x64xf32>, vector<1024x64xf32> -> vector<1024x512xf32>
    %get3A_163 = arith.constant 0 : index
    %get3A_164 = arith.constant 0 : index
    %get3A_165 = vector.load %arg2[%get3A_163, %get3A_164] : memref<512x2048xf32, #tpu.memory_space<vmem>>, vector<512x2048xf32>
    %dot_general3A_166 = arith.constant dense<0.000000e+00> : vector<1024x2048xf32>
    %dot_general3A_167 = tpu.matmul %concatenate3A, %get3A_165, %dot_general3A_166 {dimension_numbers = #tpu.dot_dimension_numbers<[1], [0], [0], [1], [0, 0, 1, 1], [], []>, transpose_lhs_hint = false} : vector<1024x512xf32>, vector<512x2048xf32>, vector<1024x2048xf32> -> vector<1024x2048xf32>
    %swap3A = arith.constant 0 : index
    %swap3A_168 = arith.constant 0 : index
    %swap3A_169 = arith.constant 0 : index
    %swap3A_170 = vector.load %arg3[%swap3A, %swap3A_168, %swap3A_169] : memref<1x1024x2048xf32, #tpu.memory_space<vmem>>, vector<1x1024x2048xf32>
    %swap3A_171 = vector.shape_cast %swap3A_170 : vector<1x1024x2048xf32> to vector<1024x2048xf32>
    %swap3A_172 = vector.shape_cast %dot_general3A_167 : vector<1024x2048xf32> to vector<1x1024x2048xf32>
    tpu.vector_store %arg3[%swap3A, %swap3A_168, %swap3A_169], %swap3A_172 {strides = array<i32>} : memref<1x1024x2048xf32, #tpu.memory_space<vmem>>, vector<1x1024x2048xf32>,
    return
  }
  func.func @transform_0(%arg0: i32) -> (i32, i32, i32) {
    %c0_i32 = arith.constant 0 : i32
    %c0_i32_0 = arith.constant 0 : i32
    %c0_i32_1 = arith.constant 0 : i32
    return %arg0, %c0_i32, %c0_i32_0 : i32, i32, i32
  }
  func.func @transform_1(%arg0: i32) -> (i32, i32) {
    %c0_i32 = arith.constant 0 : i32
    %c0_i32_0 = arith.constant 0 : i32
    %c0_i32_1 = arith.constant 0 : i32
    return %c0_i32, %c0_i32_0 : i32, i32
  }
  func.func @transform_2(%arg0: i32) -> (i32, i32, i32) {
    %c0_i32 = arith.constant 0 : i32
    %c0_i32_0 = arith.constant 0 : i32
    %c0_i32_1 = arith.constant 0 : i32
    return %arg0, %c0_i32, %c0_i32_0 : i32, i32, i32
  }
}

</mosaic_0001>

<sc_bundles>
// kernel: kernel.10.cloned.1.call-start
scs
__scs_entry_jumppad:
0x0: {  	(pc) =	sbr.rel $0x88, $3  }
0x1: {  	(tag) =	ssettag $0x0;
	lr =	simm.s32 $0x1  }
0x2: {  	[smem:$0x3F96] =	sst lr;
	_ =	strace $0xD0000000  }
0x3: {  	_ = 	snop  }
0x4: {  	_ = 	snop  }
0x5: {  	_ = 	snop  }
0x6: {  	_ = 	snop  }
0x7: {  	_ = 	snop  }
__scs_overlays_trampoline_lowered:
0x8: {  	[smem:$0x3FA5] =	sst s0  }
0x9: {  	[smem:$0x3FA6] =	sst s1  }
0xa: {  	[smem:$0x3FA7] =	sst s2  }
0xb: {  	[smem:$0x3FA8] =	sst s3  }
0xc: {  	[smem:$0x3FA9] =	sst s4  }
0xd: {  	[smem:$0x3FAA] =	sst s5  }
0xe: {  	[smem:$0x3FAB] =	sst s6  }
0xf: {  	[smem:$0x3FAC] =	sst s7  }
0x10: {  	[smem:$0x3FAD] =	sst s8  }
0x11: {  	[smem:$0x3FAE] =	sst s9;
	s0 =	simm.s32 @!p0 $0x0  }
0x12: {  	s1 =	sld [smem:$0x3F94];
	s0 =	simm.s32 @p0 $0x1  }
0x13: {  	[smem:$0x3FAF] =	sst s0;
	s0 =	simm.s32 @!p1 $0x0  }
0x14: {  	s2 =	sld [smem:$0x3F93];
	s0 =	simm.s32 @p1 $0x1  }
0x15: {  	[smem:$0x3FB0] =	sst s0;
	s0 =	simm.s32 @!p2 $0x0  }
0x16: {  	s3 =	sld [smem:$0x3FDB];
	s0 =	simm.s32 @p2 $0x1  }
0x17: {  	s4 =	simm.s32 $0x1BF5;
	[smem:$0x3FB2] =	sst s0  }
0x18: {  	s0 =	sld [smem:$0x3F95];
	_ =	swait.ge [sflag:s4], $0x0  }
0x19: {  	s7 =	sld [smem:$0x3F96]  }
0x1a: {  	s8 =	sadd.s32 $0xFFFFE003, lr  }
0x1b: {  	s9 =	sadd.s32 $0xFFFFFEF7, lr;
	s5 =	simm.s32 $0xFFFFFFFF;
	p2 =	slt.u32 s8, $0xFFFFF086  }
0x1c: {  	p1 =	slt.u32 s9, $0xF7A;
	s5 =	simm.s32 @!p2 $0x0  }
0x1d: {  	s5 =	simm.s32 @p1 $0x1;
	p0 =	seq.s32 s7, s2  }
0x1e: {  	s7 =	smul.u32 @!p0 $0xF7A, s2;
	p2 =	seq.s32 @!p0 s5, $0x0  }
0x1f: {  	s9 =	smul.u32 $0xF7A, s1;
	s8 =	simm.s32 @!p0 $0x1BF5;
	p2 =	por !p2, p0  }
0x20: {  	[sflag:s8] =	ssyncset.s32 @!p0 $0xFFFFF086;
	s6 =	sadd.s32 @!p0 s3, s7;
	s7 =	simm.s32 @!p0 $0x108  }
0x21: {  	s3 =	sadd.s32 s3, s9;
	s6 =	sadd.s32 @!p0 $0x88, s6;
	s7 =	simm.s32 @p2 $0x1082  }
0x22: {  	[simem:s7], [sflag:s8] =	dma.local @!p0 [hbm:s6], $0xF7A  }
0x23: {  	s9 =	sor.u32 $0xD0000000, s2;
	s6 =	simm.s32 $0x108;
	_ =	swait.ge @!p0 [sflag:s8], $0x0  }
0x24: {  	s3 =	sadd.s32 $0x88, s3;
	s6 =	simm.s32 @!p1 $0x1082;
	[sflag:s4] =	ssyncset.s32 $0xFFFFF086  }
0x25: {  	[simem:s6], [sflag:s4] =	dma.local [hbm:s3], $0xF7A  }
0x26: {  	[smem:$0x3F96] =	sst s1;
	(tag) =	ssettag s2;
	_ =	strace s9  }
0x27: {  	s1 =	sld [smem:$0x3FA6]  }
0x28: {  	s2 =	sld [smem:$0x3FA7]  }
0x29: {  	s4 =	sld [smem:$0x3FA9]  }
0x2a: {  	p0 =	seq.s32 s5, $0x0;
	s5 =	sld [smem:$0x3FAA]  }
0x2b: {  	s6 =	sld [smem:$0x3FAB]  }
0x2c: {  	s7 =	sld [smem:$0x3FAC]  }
0x2d: {  	s3 =	simm.s32 $0x108;
	s8 =	sld [smem:$0x3FAD]  }
0x2e: {  	s3 =	simm.s32 @!p0 $0x1082;
	s9 =	sld [smem:$0x3FAE]  }
0x2f: {  	lr =	sadd.s32 s0, s3;
	s0 =	sld [smem:$0x3FA5]  }
0x30: {  	s3 =	sld [smem:$0x3FA8]  }
0x31: {  	[smem:$0x3FB1] =	sst s10  }
0x32: {  	s10 =	sld [smem:$0x3FAF];
	_ =	sdelay $0x3  }
0x33: {  	p0 =	seq.s32 s10, $0x1;
	s10 =	sld [smem:$0x3FB1];
	_ =	sdelay $0x3  }
0x34: {  	[smem:$0x3FB1] =	sst s10  }
0x35: {  	s10 =	sld [smem:$0x3FB0];
	_ =	sdelay $0x3  }
0x36: {  	p1 =	seq.s32 s10, $0x1;
	s10 =	sld [smem:$0x3FB1];
	_ =	sdelay $0x3  }
0x37: {  	[smem:$0x3FB1] =	sst s10  }
0x38: {  	s10 =	sld [smem:$0x3FB2]  }
0x39: {  	_ = 	snop;
	(pc) =	sbr.ind lr, $3  }
0x3a: {  	_ = 	snop  }
0x3b: {  	_ = 	snop  }
0x3c: {  	p2 =	seq.s32 s10, $0x1;
	s10 =	sld [smem:$0x3FB1]  }
0x3d: {  	_ =	shalt  }
0x3e: {  	_ =	shalt  }
0x3f: {  	_ =	shalt  }
0x40: {  	_ =	shalt  }
0x41: {  	_ =	shalt  }
0x42: {  	_ =	shalt  }
0x43: {  	_ =	shalt  }
0x44: {  	_ =	shalt  }
0x45: {  	_ =	shalt  }
0x46: {  	_ =	shalt  }
0x47: {  	_ =	shalt  }
0x48: {  	_ =	shalt  }
0x49: {  	_ =	shalt  }
0x4a: {  	_ =	shalt  }
0x4b: {  	_ =	shalt  }
0x4c: {  	_ =	shalt  }
0x4d: {  	_ =	shalt  }
0x4e: {  	_ =	shalt  }
0x4f: {  	_ =	shalt  }
0x50: {  	_ =	shalt  }
0x51: {  	_ =	shalt  }
0x52: {  	_ =	shalt  }
0x53: {  	_ =	shalt  }
0x54: {  	_ =	shalt  }
0x55: {  	_ =	shalt  }
0x56: {  	_ =	shalt  }
0x57: {  	_ =	shalt  }
0x58: {  	_ =	shalt  }
0x59: {  	_ =	shalt  }
0x5a: {  	_ =	shalt  }
0x5b: {  	_ =	shalt  }
0x5c: {  	_ =	shalt  }
0x5d: {  	_ =	shalt  }
0x5e: {  	_ =	shalt  }
0x5f: {  	_ =	shalt  }
0x60: {  	_ =	shalt  }
0x61: {  	_ =	shalt  }
0x62: {  	_ =	shalt  }
0x63: {  	_ =	shalt  }
0x64: {  	_ =	shalt  }
0x65: {  	_ =	shalt  }
0x66: {  	_ =	shalt  }
0x67: {  	_ =	shalt  }
0x68: {  	_ =	shalt  }
0x69: {  	_ =	shalt  }
0x6a: {  	_ =	shalt  }
0x6b: {  	_ =	shalt  }
0x6c: {  	_ =	shalt  }
0x6d: {  	_ =	shalt  }
0x6e: {  	_ =	shalt  }
0x6f: {  	_ =	shalt  }
0x70: {  	_ =	shalt  }
0x71: {  	_ =	shalt  }
0x72: {  	_ =	shalt  }
0x73: {  	_ =	shalt  }
0x74: {  	_ =	shalt  }
0x75: {  	_ =	shalt  }
0x76: {  	_ =	shalt  }
0x77: {  	_ =	shalt  }
0x78: {  	_ =	shalt  }
0x79: {  	_ =	shalt  }
0x7a: {  	_ =	shalt  }
0x7b: {  	_ =	shalt  }
0x7c: {  	_ =	shalt  }
0x7d: {  	_ =	shalt  }
0x7e: {  	_ =	shalt  }
0x7f: {  	_ =	shalt  }
0x80: {  	_ =	shalt  }
0x81: {  	_ =	shalt  }
0x82: {  	_ =	shalt  }
0x83: {  	_ =	shalt  }
0x84: {  	_ =	shalt  }
0x85: {  	_ =	shalt  }
0x86: {  	_ =	shalt  }
0x87: {  	_ =	shalt  }
.Lfunc_end0:
.L_simem_size_0:
called_computation_lowered:
.L_overlay_start_0:
0x88: {  	s2 =	sld [smem:$0x3FD9]  }
0x89: {  	s3 =	sld [smem:$0x3FFE];
	_ =	sdelay $0x1  }
0x8a: {  	s1 =	srdreg.scid  }
0x8b: {  	s0 =	sand.u32 $0x1, s1  }
0x8c: {  	s17 =	sshll.u32 s0, $0xA;
	s2 =	sadd.s32 s3, s2  }
0x8d: {  	s2 =	sadd.s32 s2, s17  }
0x8e: {  	[smem:$0x3FBD] =	sst s2  }
0x8f: {  	_ = 	snop  }
0x90: {  	s2 =	sld [smem:$0x3FD0];
	(tm) =	ssettm $0x1  }
0x91: {  	s18 =	sld [smem:$0x3FFB];
	_ =	sdelay $0x3  }
0x92: {  	_ =	strace s18  }
0x93: {  	s3 =	sld [smem:$0x3FFC];
	_ =	sdelay $0x3  }
0x94: {  	_ =	strace s3  }
0x95: {  	s3 =	sld [smem:$0x3FFD];
	_ =	sdelay $0x3  }
0x96: {  	_ =	strace s3  }
0x97: {  	_ =	strace $0x8FFFFFFF  }
0x98: {  	s19 =	sld [smem:$0x3FDB];
	_ =	sdelay $0x1  }
0x99: {  	s4 =	simm.s32 $_scs_section_size  }
0x9a: {  	s5 =	simm.s32 $_size__tile_overlayer_lowered;
	s6 =	simm.s32 $_tile_overlayer_lowered  }
0x9b: {  	s22 =	simm.s32 $0x1BFF;
	s21 =	sshll.u32 s6, $0x1;
	s3 =	sadd.s32 s4, s19  }
0x9c: {  	s7 =	simm.s32 $0x0;
	s20 =	sshll.u32 s5, $0x1;
	s5 =	sadd.s32 s21, s3  }
0x9d: {  	[timem:s7], [sflag:s22] =	dma.local [hbm:s5], s20  }
0x9e: {  	_ =	swait.ge [sflag:s22], s20  }
0x9f: {  	s4 =	ssub.s32 $0x0, s20;
	[sflag:s22] =	ssyncset.done $0x0  }
0xa0: {  	[sflag:s22] =	ssyncadd.s32 s4;
	_ =	sdelay $0x1  }
0xa1: {  	s23 =	simm.s32 $0x1B8B  }
0xa2: {  	_ =	swait.ge [sflag:s23], $0x1  }
0xa3: {  	[sflag:s23] =	ssyncset.done $0x0  }
0xa4: {  	s25 =	simm.s32 $0x1B8E;
	s24 =	sld [smem:$0x3FFE];
	[sflag:s23] =	ssyncadd.s32 $0xFFFFFFFF  }
0xa5: {  	s26 =	simm.s32 $execute0_lowered;
	[smem:$0x3FD2] =	sst s25  }
0xa6: {  	s5 =	sshll.u32 s26, $0x1;
	_ =	strace $0x80000046;
	[dreg:$0x1] =	wrdreg $0xFFFFFFFF  }
0xa7: {  	s28 =	simm.s32 $_size_execute0_lowered;
	s3 =	sadd.s32 s3, s5;
	[dreg:$0x0] =	wrdreg $0x0  }
0xa8: {  	s5 =	sshll.u32 s28, $0x1;
	[dreg:$0x2] =	wrdreg s3  }
0xa9: {  	[dreg:$0x3] =	wrdreg s5  }
0xaa: {  	[dreg:$0x4] =	wrdreg $0xC0  }
0xab: {  	_ =	task [dreg:s7], $0x5FFFF  }
0xac: {  	[dreg:$0x1] =	wrdreg $0xFFFFFFFF  }
0xad: {  	[dreg:$0x0] =	wrdreg $0x60  }
0xae: {  	[dreg:$0x2] =	wrdreg s2  }
0xaf: {  	[dreg:$0x3] =	wrdreg s24  }
0xb0: {  	[dreg:$0x4] =	wrdreg $0x9  }
0xb1: {  	_ =	task.clear_ibuf [dreg:s7], $0x5FFFF;
	_ =	strace $0x90000046  }
0xb2: {  	s29 =	simm.s32 $0x9;
	_ =	strace $0x80000048  }
0xb3: {  	_ =	swait.ge [sflag:s29], $0x1  }
0xb4: {  	[sflag:s29] =	ssyncadd.s32 $0xFFFFFFFF  }
0xb5: {  	_ =	strace $0x90000048  }
0xb6: {  	_ =	sfence  }
0xb7: {  	s30 =	sld [smem:$0x0];
	_ =	sdelay $0x2  }
0xb8: {  	s31 =	sshll.u32 s1, $0xD;
	s1 =	sshrl.u32 s1, $0x2  }
0xb9: {  	s3 =	sand.u32 $0x4000, s31;
	s1 =	sadd.s32 s1, s30  }
0xba: {  	s0 =	sor.u32 s3, s0;
	s1 =	sshll.u32 s1, $0x11  }
0xbb: {  	s0 =	sor.u32 s1, s0  }
0xbc: {  	s0 =	sadd.s32 $0x8F2B, s0  }
0xbd: {  	[sflag:s0] =	ssyncadd.remote.s32 $0x1  }
0xbe: {  	_ =	sfence.sel $0xFFFF  }
0xbf: {  	[dreg:$0x0] =	wrdreg $0xFFFFFFFF;
	(pc) =	sbr.abs _section_cstart, $3  }
0xc0: {  	[dreg:$0x1] =	wrdreg $0xFFFFFFFF  }
0xc1: {  	_ =	task.clear_ibuf [dreg:s7], $0x2FFFF;
	_ =	strace $0x9FFFFFFF  }
0xc2: {  	(tm) =	ssettm $0x7FFFFFFF  }
0xc3: {  	_ =	shalt  }
tec
execute0_lowered:
.L_overlay_start_1:
0x0: {  	(tag) =	ssettag $0x1  }
0x1: {  	s1 =	stileid.u32  }
0x2: {  	p0 =	sgt.u32 s1, $0x1  }
.Ltmp0:
0x3: {  	_ = 	snop;
	(pc) =	sbr.rel @p0 .LBB2_8-.Ltmp0, $4  }
0x4: {  	s7 =	rddreg [dreg:$0x0]  }
0x5: {  	s3 =	rddreg [dreg:$0x1];
	s2 =	simm.s32 $0x0  }
0x6: {  	[smem:$0x7FF] =	sst s2  }
0x7: {  	s0 =	rddreg [dreg:$0x2];
	_ =	strace $0x80000047  }
0x8: {  	s4 =	srdreg.scid;
	s31 =	sshll.u32 s1, $0x5  }
0x9: {  	s13 =	simm.s32 $0x1000;
	s14 =	simm.s32 $0x0;
	s6 =	sand.u32 $0x1, s4  }
0xa: {  	s5 =	sshll.u32 s6, $0x4;
	s10 =	ssub.s32 $0x2, s6;
	s12 =	sshll.u32 s6, $0xC  }
.Ltmp1:
0xb: {  	s8 =	sor.u32 s5, s31;
	s11 =	sshrl.u32 s10, $0x1;
	(pc) =	sbr.rel .LBB2_2-.Ltmp1, $4  }
0xc: {  	v0 =	vmov s12;
	s12 =	simm.s32 $0x80;
	s9 =	sadd.s32 s8, s3;
	s10 =	ssub.s32 s10, s11  }
0xd: {  	s7 =	sadd.s32 s7, s8;
	s11 =	simm.s32 $0x2500;
	s3 =	sadd.s32 $0x4400, s9  }
0xe: {  	s4 =	sadd.s32 $0x4200, s9;
	s5 =	sadd.s32 $0x4000, s9;
	s6 =	sadd.s32 $0x4600, s9  }
0xf: {  	v1 =	vlaneseq.u32;
	s8 =	smax.u32 s10, $0x1;
	s9 =	simm.s32 $0x200;
	s10 =	simm.s32 $0x1  }
.LBB2_7:
0x10: {  	s14 =	sadd.s32 $0x1, s14  }
0x11: {  	p0 =	sne.s32 s14, s8  }
.Ltmp2:
0x12: {  	_ = 	snop;
	(pc) =	sbr.rel @!p0 .LBB2_8-.Ltmp2, $4  }
0x13: {  	[hbm4b:s6+s12] =	stream.strided.scatter [tilespmem:s13], [sflag:$0x1], $0x400, s9, s12, $0x38;
	[tilespmem:$0x2780] =	vst v63  }
0x14: {  	_ =	swait.ge [sflag:s10], $0x400  }
0x15: {  	[sflag:s10] =	ssyncset.done $0x0  }
0x16: {  	[sflag:s10] =	ssyncadd.s32 $0xFFFFFC00  }
.LBB2_2:
0x17: {  	[tilespmem:s2], [sflag:$0x1] =	stream.strided.gather [hbm4b:s7+s12], $0x1000, s9, s12, $0x38;
	[tilespmem:$0x2780] =	vst v63  }
0x18: {  	_ =	swait.ge [sflag:s10], $0x1000  }
0x19: {  	[sflag:s10] =	ssyncset.done $0x0  }
0x1a: {  	[sflag:s10] =	ssyncadd.s32 $0xFFFFF000  }
0x1b: {  	[tilespmem:s11], [sflag:$0x1] =	stream.linear.gather [hbm4b:s3+s2], $0x80, $0x38;
	[tilespmem:$0x2780] =	vst v63  }
0x1c: {  	_ =	swait.ge [sflag:s10], $0x80  }
0x1d: {  	[sflag:s10] =	ssyncset.done $0x0  }
0x1e: {  	s15 =	simm.s32 $0x2580;
	[sflag:s10] =	ssyncadd.s32 $0xFFFFFF80  }
0x1f: {  	[tilespmem:s15], [sflag:$0x1] =	stream.strided.gather [hbm4b:s4+s12], $0x100, s9, s12, $0x38;
	[tilespmem:$0x2780] =	vst v63  }
0x20: {  	_ =	swait.ge [sflag:s10], $0x100  }
0x21: {  	[sflag:s10] =	ssyncset.done $0x0  }
0x22: {  	s16 =	simm.s32 $0x2680;
	[sflag:s10] =	ssyncadd.s32 $0xFFFFFF00  }
0x23: {  	[tilespmem:s16], [sflag:$0x1] =	stream.strided.gather [hbm4b:s5+s12], $0x100, s9, s12, $0x38;
	[tilespmem:$0x2780] =	vst v63  }
0x24: {  	_ =	swait.ge [sflag:s10], $0x100  }
0x25: {  	[sflag:s10] =	ssyncset.done $0x0  }
0x26: {  	[sflag:s10] =	ssyncadd.s32 $0xFFFFFF00  }
0x27: {  	v2 =	vld [tilespmem:$0x2500];
	_ =	sdelay $0x4  }
0x28: {  	s17 =	simm.s32 $0xF0;
	s18 =	simm.s32 $0x80;
	v3 =	vbroadcast v2, $0x0  }
.LBB2_3:
0x29: {  	v4 =	vld [tilespmem:s15+$0x0]  }
0x2a: {  	v5 =	vld [tilespmem:s18+$0xFFFFFF80]  }
0x2b: {  	v6 =	vld [tilespmem:s16+$0x0];
	_ =	sdelay $0x1  }
0x2c: {  	s19 =	sadd.s32 $0xFFFFFF10, s17  }
0x2d: {  	v7 =	vor.u32 s19, v1;
	v4 =	vadd.s32 $0x1000, v4  }
0x2e: {  	vm0 =	vgt.s32 v5, v3;
	vm1 =	veq.s32 v5, v3;
	(v2sf) =	vpush v4, $0x1  }
0x2f: {  	v5 =	vadd.s32 $0x1480, v6;
	v8 =	vnsel vm0, $0x40000000, v7;
	(v2sf) =	vpush v4, $0x0  }
0x30: {  	v35 =	vnsel vm1, $0x40000000, v7;
	(xrf1) =	vsort.ascd.msk.u32 $0xffff, v8, v8;
	(v2sf) =	vpush v5, $0x1  }
0x31: {  	(xrf1) =	vsort.ascd.msk.u32 $0xffff, v35, v35;
	(v2sf) =	vpush v5, $0x0;
	_ =	sdelay $0xb  }
0x32: {  	s29 =	spop (v2sf)  }
0x33: {  	v36, _, _ =	vpop (xrf1);
	s20 =	spop (v2sf)  }
0x34: {  	v37, _, _ =	vpop (xrf1);
	v6 =	vadd.s32 v0, v36;
	s21 =	spop (v2sf)  }
0x35: {  	[tilespmem:s20+$0x0] =	vst v6;
	v38 =	vadd.s32 v0, v37;
	s30 =	spop (v2sf)  }
0x36: {  	[tilespmem:s30+$0x0] =	vst v38  }
0x37: {  	v6 =	vld [tilespmem:s18+$0xFFFFFF90];
	_ =	sdelay $0x3  }
0x38: {  	s31 =	sadd.s32 $0xFFFFFF20, s17  }
0x39: {  	v39 =	vor.u32 s31, v1;
	vm10 =	vgt.s32 v6, v3  }
0x3a: {  	vm11 =	veq.s32 v6, v3;
	v40 =	vnsel vm10, $0x40000000, v39  }
0x3b: {  	v41 =	vnsel vm11, $0x40000000, v39;
	(xrf1) =	vsort.ascd.msk.u32 $0xffff, v40, v40  }
0x3c: {  	(xrf1) =	vsort.ascd.msk.u32 $0xffff, v41, v41;
	_ =	sdelay $0xc  }
0x3d: {  	v42, _, _ =	vpop (xrf1)  }
0x3e: {  	v43, _, _ =	vpop (xrf1);
	v6 =	vadd.s32 v0, v42  }
0x3f: {  	[tilespmem:s29+$0x0] =	vst v6;
	v44 =	vadd.s32 v0, v43  }
0x40: {  	[tilespmem:s21+$0x0] =	vst v44  }
0x41: {  	v6 =	vld [tilespmem:s18+$0xFFFFFFA0];
	_ =	sdelay $0x3  }
0x42: {  	s20 =	sadd.s32 $0xFFFFFF30, s17  }
0x43: {  	(v2sf) =	vpush v4, $0x3;
	v45 =	vor.u32 s20, v1;
	vm12 =	vgt.s32 v6, v3  }
0x44: {  	(v2sf) =	vpush v4, $0x2;
	vm13 =	veq.s32 v6, v3;
	v46 =	vnsel vm12, $0x40000000, v45  }
0x45: {  	(v2sf) =	vpush v5, $0x3;
	v47 =	vnsel vm13, $0x40000000, v45;
	(xrf1) =	vsort.ascd.msk.u32 $0xffff, v46, v46  }
0x46: {  	(v2sf) =	vpush v5, $0x2;
	(xrf1) =	vsort.ascd.msk.u32 $0xffff, v47, v47;
	_ =	sdelay $0xb  }
0x47: {  	s21 =	spop (v2sf)  }
0x48: {  	s22 =	spop (v2sf);
	v48, _, _ =	vpop (xrf1)  }
0x49: {  	s23 =	spop (v2sf);
	v49, _, _ =	vpop (xrf1);
	v6 =	vadd.s32 v0, v48  }
0x4a: {  	s24 =	spop (v2sf);
	[tilespmem:s22+$0x0] =	vst v6;
	v50 =	vadd.s32 v0, v49  }
0x4b: {  	[tilespmem:s24+$0x0] =	vst v50  }
0x4c: {  	v6 =	vld [tilespmem:s18+$0xFFFFFFB0];
	_ =	sdelay $0x3  }
0x4d: {  	s25 =	sadd.s32 $0xFFFFFF40, s17  }
0x4e: {  	v51 =	vor.u32 s25, v1;
	vm14 =	vgt.s32 v6, v3  }
0x4f: {  	vm15 =	veq.s32 v6, v3;
	v52 =	vnsel vm14, $0x40000000, v51  }
0x50: {  	v53 =	vnsel vm15, $0x40000000, v51;
	(xrf1) =	vsort.ascd.msk.u32 $0xffff, v52, v52  }
0x51: {  	(xrf1) =	vsort.ascd.msk.u32 $0xffff, v53, v53;
	_ =	sdelay $0xc  }
0x52: {  	v54, _, _ =	vpop (xrf1)  }
0x53: {  	v55, _, _ =	vpop (xrf1);
	v6 =	vadd.s32 v0, v54  }
0x54: {  	[tilespmem:s21+$0x0] =	vst v6;
	v56 =	vadd.s32 v0, v55  }
0x55: {  	[tilespmem:s23+$0x0] =	vst v56  }
0x56: {  	v6 =	vld [tilespmem:s18+$0xFFFFFFC0];
	_ =	sdelay $0x3  }
0x57: {  	s26 =	sadd.s32 $0xFFFFFF50, s17  }
0x58: {  	v57 =	vor.u32 s26, v1;
	(v2sf) =	vpush v4, $0x5;
	vm4 =	vgt.s32 v6, v3  }
0x59: {  	(v2sf) =	vpush v4, $0x4;
	vm5 =	veq.s32 v6, v3;
	v58 =	vnsel vm4, $0x40000000, v57  }
0x5a: {  	(v2sf) =	vpush v5, $0x5;
	v59 =	vnsel vm5, $0x40000000, v57;
	(xrf1) =	vsort.ascd.msk.u32 $0xffff, v58, v58  }
0x5b: {  	(v2sf) =	vpush v5, $0x4;
	(xrf1) =	vsort.ascd.msk.u32 $0xffff, v59, v59;
	_ =	sdelay $0xb  }
0x5c: {  	s28 =	spop (v2sf)  }
0x5d: {  	s29 =	spop (v2sf);
	v60, _, _ =	vpop (xrf1)  }
0x5e: {  	s30 =	spop (v2sf);
	v61, _, _ =	vpop (xrf1);
	v6 =	vadd.s32 v0, v60  }
0x5f: {  	s31 =	spop (v2sf);
	[tilespmem:s29+$0x0] =	vst v6;
	v62 =	vadd.s32 v0, v61  }
0x60: {  	[tilespmem:s31+$0x0] =	vst v62  }
0x61: {  	v6 =	vld [tilespmem:s18+$0xFFFFFFD0];
	_ =	sdelay $0x3  }
0x62: {  	s22 =	sadd.s32 $0xFFFFFF60, s17  }
0x63: {  	v63 =	vor.u32 s22, v1;
	vm6 =	vgt.s32 v6, v3  }
0x64: {  	vm7 =	veq.s32 v6, v3;
	v9 =	vnsel vm6, $0x40000000, v63  }
0x65: {  	v10 =	vnsel vm7, $0x40000000, v63;
	(xrf1) =	vsort.ascd.msk.u32 $0xffff, v9, v9  }
0x66: {  	(xrf1) =	vsort.ascd.msk.u32 $0xffff, v10, v10;
	_ =	sdelay $0xc  }
0x67: {  	v11, _, _ =	vpop (xrf1)  }
0x68: {  	v12, _, _ =	vpop (xrf1);
	v6 =	vadd.s32 v0, v11  }
0x69: {  	[tilespmem:s28+$0x0] =	vst v6;
	v13 =	vadd.s32 v0, v12  }
0x6a: {  	[tilespmem:s30+$0x0] =	vst v13  }
0x6b: {  	v6 =	vld [tilespmem:s18+$0xFFFFFFE0];
	_ =	sdelay $0x3  }
0x6c: {  	s23 =	sadd.s32 $0xFFFFFF70, s17  }
0x6d: {  	(v2sf) =	vpush v4, $0x7;
	v14 =	vor.u32 s23, v1;
	vm8 =	vgt.s32 v6, v3  }
0x6e: {  	(v2sf) =	vpush v4, $0x6;
	vm9 =	veq.s32 v6, v3;
	v15 =	vnsel vm8, $0x40000000, v14  }
0x6f: {  	(v2sf) =	vpush v5, $0x7;
	v16 =	vnsel vm9, $0x40000000, v14;
	(xrf1) =	vsort.ascd.msk.u32 $0xffff, v15, v15  }
0x70: {  	(v2sf) =	vpush v5, $0x6;
	(xrf1) =	vsort.ascd.msk.u32 $0xffff, v16, v16;
	_ =	sdelay $0xb  }
0x71: {  	s24 =	spop (v2sf)  }
0x72: {  	s25 =	spop (v2sf);
	v17, _, _ =	vpop (xrf1)  }
0x73: {  	s26 =	spop (v2sf);
	v18, _, _ =	vpop (xrf1);
	v6 =	vadd.s32 v0, v17  }
0x74: {  	s28 =	spop (v2sf);
	[tilespmem:s25+$0x0] =	vst v6;
	v19 =	vadd.s32 v0, v18  }
0x75: {  	[tilespmem:s28+$0x0] =	vst v19  }
0x76: {  	v6 =	vld [tilespmem:s18+$0xFFFFFFF0];
	_ =	sdelay $0x3  }
0x77: {  	s29 =	sadd.s32 $0xFFFFFF80, s17  }
0x78: {  	v20 =	vor.u32 s29, v1;
	vm10 =	vgt.s32 v6, v3  }
0x79: {  	vm11 =	veq.s32 v6, v3;
	v21 =	vnsel vm10, $0x40000000, v20  }
0x7a: {  	v22 =	vnsel vm11, $0x40000000, v20;
	(xrf1) =	vsort.ascd.msk.u32 $0xffff, v21, v21  }
0x7b: {  	(xrf1) =	vsort.ascd.msk.u32 $0xffff, v22, v22;
	_ =	sdelay $0xc  }
0x7c: {  	v23, _, _ =	vpop (xrf1)  }
0x7d: {  	v24, _, _ =	vpop (xrf1);
	v6 =	vadd.s32 v0, v23  }
0x7e: {  	[tilespmem:s24+$0x0] =	vst v6;
	v25 =	vadd.s32 v0, v24  }
0x7f: {  	[tilespmem:s26+$0x0] =	vst v25  }
0x80: {  	v6 =	vld [tilespmem:s18+$0x0];
	_ =	sdelay $0x3  }
0x81: {  	s30 =	sadd.s32 $0xFFFFFF90, s17  }
0x82: {  	(v2sf) =	vpush v4, $0x9;
	v26 =	vor.u32 s30, v1;
	vm12 =	vgt.s32 v6, v3  }
0x83: {  	(v2sf) =	vpush v4, $0x8;
	vm13 =	veq.s32 v6, v3;
	v27 =	vnsel vm12, $0x40000000, v26  }
0x84: {  	(v2sf) =	vpush v5, $0x9;
	v28 =	vnsel vm13, $0x40000000, v26;
	(xrf1) =	vsort.ascd.msk.u32 $0xffff, v27, v27  }
0x85: {  	(v2sf) =	vpush v5, $0x8;
	(xrf1) =	vsort.ascd.msk.u32 $0xffff, v28, v28;
	_ =	sdelay $0xb  }
0x86: {  	s31 =	spop (v2sf)  }
0x87: {  	s21 =	spop (v2sf);
	v29, _, _ =	vpop (xrf1)  }
0x88: {  	s22 =	spop (v2sf);
	v30, _, _ =	vpop (xrf1);
	v6 =	vadd.s32 v0, v29  }
0x89: {  	s23 =	spop (v2sf);
	[tilespmem:s21+$0x0] =	vst v6;
	v31 =	vadd.s32 v0, v30  }
0x8a: {  	[tilespmem:s23+$0x0] =	vst v31  }
0x8b: {  	v6 =	vld [tilespmem:s18+$0x10];
	_ =	sdelay $0x3  }
0x8c: {  	s24 =	sadd.s32 $0xFFFFFFA0, s17  }
0x8d: {  	v32 =	vor.u32 s24, v1;
	vm14 =	vgt.s32 v6, v3  }
0x8e: {  	vm15 =	veq.s32 v6, v3;
	v33 =	vnsel vm14, $0x40000000, v32  }
0x8f: {  	v34 =	vnsel vm15, $0x40000000, v32;
	(xrf1) =	vsort.ascd.msk.u32 $0xffff, v33, v33  }
0x90: {  	(xrf1) =	vsort.ascd.msk.u32 $0xffff, v34, v34;
	_ =	sdelay $0xc  }
0x91: {  	v35, _, _ =	vpop (xrf1)  }
0x92: {  	v36, _, _ =	vpop (xrf1);
	v6 =	vadd.s32 v0, v35  }
0x93: {  	[tilespmem:s31+$0x0] =	vst v6;
	v37 =	vadd.s32 v0, v36  }
0x94: {  	[tilespmem:s22+$0x0] =	vst v37  }
0x95: {  	v6 =	vld [tilespmem:s18+$0x20];
	_ =	sdelay $0x3  }
0x96: {  	s25 =	sadd.s32 $0xFFFFFFB0, s17  }
0x97: {  	(v2sf) =	vpush v4, $0xB;
	v38 =	vor.u32 s25, v1;
	vm4 =	vgt.s32 v6, v3  }
0x98: {  	(v2sf) =	vpush v4, $0xA;
	vm5 =	veq.s32 v6, v3;
	v39 =	vnsel vm4, $0x40000000, v38  }
0x99: {  	(v2sf) =	vpush v5, $0xB;
	v40 =	vnsel vm5, $0x40000000, v38;
	(xrf1) =	vsort.ascd.msk.u32 $0xffff, v39, v39  }
0x9a: {  	(v2sf) =	vpush v5, $0xA;
	(xrf1) =	vsort.ascd.msk.u32 $0xffff, v40, v40;
	_ =	sdelay $0xb  }
0x9b: {  	s26 =	spop (v2sf)  }
0x9c: {  	s28 =	spop (v2sf);
	v41, _, _ =	vpop (xrf1)  }
0x9d: {  	s29 =	spop (v2sf);
	v42, _, _ =	vpop (xrf1);
	v6 =	vadd.s32 v0, v41  }
0x9e: {  	s30 =	spop (v2sf);
	[tilespmem:s28+$0x0] =	vst v6;
	v43 =	vadd.s32 v0, v42  }
0x9f: {  	[tilespmem:s30+$0x0] =	vst v43  }
0xa0: {  	v6 =	vld [tilespmem:s18+$0x30];
	_ =	sdelay $0x3  }
0xa1: {  	s31 =	sadd.s32 $0xFFFFFFC0, s17  }
0xa2: {  	v44 =	vor.u32 s31, v1;
	vm6 =	vgt.s32 v6, v3  }
0xa3: {  	vm7 =	veq.s32 v6, v3;
	v45 =	vnsel vm6, $0x40000000, v44  }
0xa4: {  	v46 =	vnsel vm7, $0x40000000, v44;
	(xrf1) =	vsort.ascd.msk.u32 $0xffff, v45, v45  }
0xa5: {  	(xrf1) =	vsort.ascd.msk.u32 $0xffff, v46, v46;
	_ =	sdelay $0xc  }
0xa6: {  	v47, _, _ =	vpop (xrf1)  }
0xa7: {  	v48, _, _ =	vpop (xrf1);
	v6 =	vadd.s32 v0, v47  }
0xa8: {  	[tilespmem:s26+$0x0] =	vst v6;
	v49 =	vadd.s32 v0, v48  }
0xa9: {  	[tilespmem:s29+$0x0] =	vst v49  }
0xaa: {  	v6 =	vld [tilespmem:s18+$0x40];
	_ =	sdelay $0x3  }
0xab: {  	s20 =	sadd.s32 $0xFFFFFFD0, s17  }
0xac: {  	v50 =	vor.u32 s20, v1;
	(v2sf) =	vpush v4, $0xD;
	vm8 =	vgt.s32 v6, v3  }
0xad: {  	(v2sf) =	vpush v4, $0xC;
	vm9 =	veq.s32 v6, v3;
	v51 =	vnsel vm8, $0x40000000, v50  }
0xae: {  	(v2sf) =	vpush v5, $0xD;
	v52 =	vnsel vm9, $0x40000000, v50;
	(xrf1) =	vsort.ascd.msk.u32 $0xffff, v51, v51  }
0xaf: {  	(v2sf) =	vpush v5, $0xC;
	(xrf1) =	vsort.ascd.msk.u32 $0xffff, v52, v52;
	_ =	sdelay $0xb  }
0xb0: {  	s21 =	spop (v2sf)  }
0xb1: {  	s22 =	spop (v2sf);
	v53, _, _ =	vpop (xrf1)  }
0xb2: {  	s23 =	spop (v2sf);
	v54, _, _ =	vpop (xrf1);
	v6 =	vadd.s32 v0, v53  }
0xb3: {  	s24 =	spop (v2sf);
	[tilespmem:s22+$0x0] =	vst v6;
	v55 =	vadd.s32 v0, v54  }
0xb4: {  	[tilespmem:s24+$0x0] =	vst v55  }
0xb5: {  	v6 =	vld [tilespmem:s18+$0x50];
	_ =	sdelay $0x3  }
0xb6: {  	s25 =	sadd.s32 $0xFFFFFFE0, s17  }
0xb7: {  	v56 =	vor.u32 s25, v1;
	vm10 =	vgt.s32 v6, v3  }
0xb8: {  	vm11 =	veq.s32 v6, v3;
	v57 =	vnsel vm10, $0x40000000, v56  }
0xb9: {  	v58 =	vnsel vm11, $0x40000000, v56;
	(xrf1) =	vsort.ascd.msk.u32 $0xffff, v57, v57  }
0xba: {  	(xrf1) =	vsort.ascd.msk.u32 $0xffff, v58, v58;
	_ =	sdelay $0xc  }
0xbb: {  	v59, _, _ =	vpop (xrf1)  }
0xbc: {  	v60, _, _ =	vpop (xrf1);
	v6 =	vadd.s32 v0, v59  }
0xbd: {  	[tilespmem:s21+$0x0] =	vst v6;
	v61 =	vadd.s32 v0, v60  }
0xbe: {  	[tilespmem:s23+$0x0] =	vst v61  }
0xbf: {  	v6 =	vld [tilespmem:s18+$0x60];
	_ =	sdelay $0x3  }
0xc0: {  	s26 =	sadd.s32 $0xFFFFFFF0, s17  }
0xc1: {  	(v2sf) =	vpush v4, $0xF;
	v62 =	vor.u32 s26, v1;
	vm12 =	vgt.s32 v6, v3  }
0xc2: {  	(v2sf) =	vpush v4, $0xE;
	vm13 =	veq.s32 v6, v3;
	v63 =	vnsel vm12, $0x40000000, v62  }
0xc3: {  	(v2sf) =	vpush v5, $0xF;
	v4 =	vnsel vm13, $0x40000000, v62;
	(xrf1) =	vsort.ascd.msk.u32 $0xffff, v63, v63  }
0xc4: {  	(v2sf) =	vpush v5, $0xE;
	(xrf1) =	vsort.ascd.msk.u32 $0xffff, v4, v4;
	_ =	sdelay $0xb  }
0xc5: {  	s28 =	spop (v2sf)  }
0xc6: {  	s29 =	spop (v2sf);
	v4, _, _ =	vpop (xrf1)  }
0xc7: {  	s30 =	spop (v2sf);
	v5, _, _ =	vpop (xrf1);
	v4 =	vadd.s32 v0, v4  }
0xc8: {  	s31 =	spop (v2sf);
	[tilespmem:s29+$0x0] =	vst v4;
	v4 =	vadd.s32 v0, v5  }
0xc9: {  	[tilespmem:s31+$0x0] =	vst v4  }
0xca: {  	v4 =	vld [tilespmem:s18+$0x70];
	_ =	sdelay $0x4  }
0xcb: {  	v5 =	vor.u32 s17, v1;
	vm14 =	vgt.s32 v4, v3  }
0xcc: {  	vm15 =	veq.s32 v4, v3;
	v4 =	vnsel vm14, $0x40000000, v5  }
0xcd: {  	(xrf1) =	vsort.ascd.msk.u32 $0xffff, v4, v4;
	v4 =	vnsel vm15, $0x40000000, v5  }
0xce: {  	(xrf1) =	vsort.ascd.msk.u32 $0xffff, v4, v4;
	_ =	sdelay $0xa  }
0xcf: {  	p0 =	sne.s32 s17, $0xFF0  }
.Ltmp3:
0xd0: {  	_ = 	snop;
	(pc) =	sbr.rel @p0 .LBB2_3-.Ltmp3, $4  }
0xd1: {  	v4, _, _ =	vpop (xrf1)  }
0xd2: {  	v5, _, _ =	vpop (xrf1);
	v4 =	vadd.s32 v0, v4  }
0xd3: {  	s16 =	sadd.s32 $0x10, s16;
	[tilespmem:s28+$0x0] =	vst v4;
	v4 =	vadd.s32 v0, v5  }
0xd4: {  	s15 =	sadd.s32 $0x10, s15;
	s17 =	sadd.s32 $0x100, s17;
	s18 =	sadd.s32 $0x100, s18;
	[tilespmem:s30+$0x0] =	vst v4  }
0xd5: {  	(v2sf) =	vpush v2, $0x1;
	_ =	sdelay $0xe  }
0xd6: {  	s15 =	spop (v2sf)  }
0xd7: {  	s16 =	sadd.s32 $0xF, s15  }
0xd8: {  	s17 =	sand.u32 $0xF, s16  }
0xd9: {  	s31 =	sshra.s32 s16, $0x1F;
	p1 =	slt.s32 s16, $0x1;
	p0 =	sne.s32 s17, $0x0  }
0xda: {  	s17 =	sshrl.u32 s31, $0x1C;
	p0 =	por !p1, !p0  }
0xdb: {  	s16 =	sadd.s32 s17, s16;
	s17 =	simm.s32 $0x1;
	p0 =	por !p0, !p0  }
0xdc: {  	s16 =	sshra.s32 s16, $0x4;
	s17 =	simm.s32 @!p0 $0x0  }
0xdd: {  	s16 =	ssub.s32 s16, s17  }
0xde: {  	p0 =	slt.s32 s16, $0x1  }
.Ltmp4:
0xdf: {  	_ = 	snop;
	(pc) =	sbr.rel @p0 .LBB2_7-.Ltmp4, $1  }
0xe0: {  	_ =	sdelay $0x3  }
0xe1: {  	s17 =	simm.s32 $0x1480  }
0xe2: {  	p0 =	sne.s32 s16, $0x1;
	v2 =	vld [tilespmem:s17+$0x0]  }
.Ltmp5:
0xe3: {  	_ = 	snop;
	(pc) =	sbr.rel @!p0 .LBB2_7-.Ltmp5, $3  }
0xe4: {  	_ =	sdelay $0x1  }
0xe5: {  	s15 =	ssub.s32 $0x0, s15  }
0xe6: {  	s16 =	sadd.s32 $0xFFFFFFFF, s16;
	s17 =	simm.s32 $0x1490;
	[tilespmem:s15+$0x1400] =	vst v2  }
.LBB2_6:
0xe7: {  	v2 =	vld [tilespmem:s17+$0x0];
	p0 =	sne.s32 s16, $0x1;
	s16 =	sadd.s32 $0xFFFFFFFF, s16  }
.Ltmp6:
0xe8: {  	(pc) =	sbr.rel @p0 .LBB2_6-.Ltmp6, $3  }
0xe9: {  	_ =	sdelay $0x1  }
0xea: {  	s15 =	sadd.s32 $0x10, s15  }
0xeb: {  	s17 =	sadd.s32 $0x10, s17;
	[tilespmem:s15+$0x1400] =	vst v2  }
.Ltmp7:
0xec: {  	_ = 	snop;
	(pc) =	sbr.rel .LBB2_7-.Ltmp7, $1  }
0xed: {  	_ =	sdelay $0x3  }
.LBB2_8:
0xee: {  	_ =	sfence.sel $0x180000  }
0xef: {  	[bflag:$0x0] =	sbarrier.arrive $0xFFFF  }
0xf0: {  	p0 =	sne.s32 s1, $0x0;
	_ =	strace $0x90000047  }
0xf1: {  	s0 =	sadd.s32 @!p0 $0x100000, s0;
	[bflag:$0x2] =	sbarrier.arrive $0xFFFF  }
0xf2: {  	[sflag:s0] =	ssyncadd.tile.s32 @!p0 $0x1;
	_ =	shalt  }
.Lfunc_end2:
_tile_overlayer_lowered:
.L_overlay_start_2:
0xf3: {  	(tag) =	ssettag $0x2  }
0xf4: {  	s0 =	rddreg [dreg:$0x0];
	s2 =	stileid.u32  }
0xf5: {  	s1 =	rddreg [dreg:$0x1];
	p0 =	sne.s32 s2, $0x0  }
0xf6: {  	s3 =	rddreg [dreg:$0x2];
	[bflag:$0x3] =	sbarrier.arrive $0xFFFF;
	s2 =	simm.s32 @!p0 $0x1C01  }
0xf7: {  	[timem:s3], [sflag:s2] =	dma.local @!p0 [hbm:s0], s1  }
0xf8: {  	s0 =	simm.s32 @!p0 $0x1  }
0xf9: {  	_ =	swait.ge @!p0 [sflag:s0], s1  }
0xfa: {  	s1 =	ssub.s32 @!p0 $0x0, s1;
	[sflag:s0] =	ssyncset.done @!p0 $0x0  }
0xfb: {  	[sflag:s0] =	ssyncadd.s32 @!p0 s1  }
0xfc: {  	[bflag:$0x3] =	sbarrier.arrive $0xFFFF  }
0xfd: {  	_ =	shalt  }

// kernel: kernel.13.cloned.1.call-start
scs
__scs_entry_jumppad:
0x0: {  	(pc) =	sbr.rel $0x88, $3  }
0x1: {  	(tag) =	ssettag $0x0;
	lr =	simm.s32 $0x1  }
0x2: {  	[smem:$0x3F96] =	sst lr;
	_ =	strace $0xD0000000  }
0x3: {  	_ = 	snop  }
0x4: {  	_ = 	snop  }
0x5: {  	_ = 	snop  }
0x6: {  	_ = 	snop  }
0x7: {  	_ = 	snop  }
__scs_overlays_trampoline_lowered:
0x8: {  	[smem:$0x3FA5] =	sst s0  }
0x9: {  	[smem:$0x3FA6] =	sst s1  }
0xa: {  	[smem:$0x3FA7] =	sst s2  }
0xb: {  	[smem:$0x3FA8] =	sst s3  }
0xc: {  	[smem:$0x3FA9] =	sst s4  }
0xd: {  	[smem:$0x3FAA] =	sst s5  }
0xe: {  	[smem:$0x3FAB] =	sst s6  }
0xf: {  	[smem:$0x3FAC] =	sst s7  }
0x10: {  	[smem:$0x3FAD] =	sst s8  }
0x11: {  	[smem:$0x3FAE] =	sst s9;
	s0 =	simm.s32 @!p0 $0x0  }
0x12: {  	s1 =	sld [smem:$0x3F94];
	s0 =	simm.s32 @p0 $0x1  }
0x13: {  	[smem:$0x3FAF] =	sst s0;
	s0 =	simm.s32 @!p1 $0x0  }
0x14: {  	s2 =	sld [smem:$0x3F93];
	s0 =	simm.s32 @p1 $0x1  }
0x15: {  	[smem:$0x3FB0] =	sst s0;
	s0 =	simm.s32 @!p2 $0x0  }
0x16: {  	s3 =	sld [smem:$0x3FDB];
	s0 =	simm.s32 @p2 $0x1  }
0x17: {  	s4 =	simm.s32 $0x1BF5;
	[smem:$0x3FB2] =	sst s0  }
0x18: {  	s0 =	sld [smem:$0x3F95];
	_ =	swait.ge [sflag:s4], $0x0  }
0x19: {  	s7 =	sld [smem:$0x3F96]  }
0x1a: {  	s8 =	sadd.s32 $0xFFFFE003, lr  }
0x1b: {  	s9 =	sadd.s32 $0xFFFFFEF7, lr;
	s5 =	simm.s32 $0xFFFFFFFF;
	p2 =	slt.u32 s8, $0xFFFFF086  }
0x1c: {  	p1 =	slt.u32 s9, $0xF7A;
	s5 =	simm.s32 @!p2 $0x0  }
0x1d: {  	s5 =	simm.s32 @p1 $0x1;
	p0 =	seq.s32 s7, s2  }
0x1e: {  	s7 =	smul.u32 @!p0 $0xF7A, s2;
	p2 =	seq.s32 @!p0 s5, $0x0  }
0x1f: {  	s9 =	smul.u32 $0xF7A, s1;
	s8 =	simm.s32 @!p0 $0x1BF5;
	p2 =	por !p2, p0  }
0x20: {  	[sflag:s8] =	ssyncset.s32 @!p0 $0xFFFFF086;
	s6 =	sadd.s32 @!p0 s3, s7;
	s7 =	simm.s32 @!p0 $0x108  }
0x21: {  	s3 =	sadd.s32 s3, s9;
	s6 =	sadd.s32 @!p0 $0x88, s6;
	s7 =	simm.s32 @p2 $0x1082  }
0x22: {  	[simem:s7], [sflag:s8] =	dma.local @!p0 [hbm:s6], $0xF7A  }
0x23: {  	s9 =	sor.u32 $0xD0000000, s2;
	s6 =	simm.s32 $0x108;
	_ =	swait.ge @!p0 [sflag:s8], $0x0  }
0x24: {  	s3 =	sadd.s32 $0x88, s3;
	s6 =	simm.s32 @!p1 $0x1082;
	[sflag:s4] =	ssyncset.s32 $0xFFFFF086  }
0x25: {  	[simem:s6], [sflag:s4] =	dma.local [hbm:s3], $0xF7A  }
0x26: {  	[smem:$0x3F96] =	sst s1;
	(tag) =	ssettag s2;
	_ =	strace s9  }
0x27: {  	s1 =	sld [smem:$0x3FA6]  }
0x28: {  	s2 =	sld [smem:$0x3FA7]  }
0x29: {  	s4 =	sld [smem:$0x3FA9]  }
0x2a: {  	p0 =	seq.s32 s5, $0x0;
	s5 =	sld [smem:$0x3FAA]  }
0x2b: {  	s6 =	sld [smem:$0x3FAB]  }
0x2c: {  	s7 =	sld [smem:$0x3FAC]  }
0x2d: {  	s3 =	simm.s32 $0x108;
	s8 =	sld [smem:$0x3FAD]  }
0x2e: {  	s3 =	simm.s32 @!p0 $0x1082;
	s9 =	sld [smem:$0x3FAE]  }
0x2f: {  	lr =	sadd.s32 s0, s3;
	s0 =	sld [smem:$0x3FA5]  }
0x30: {  	s3 =	sld [smem:$0x3FA8]  }
0x31: {  	[smem:$0x3FB1] =	sst s10  }
0x32: {  	s10 =	sld [smem:$0x3FAF];
	_ =	sdelay $0x3  }
0x33: {  	p0 =	seq.s32 s10, $0x1;
	s10 =	sld [smem:$0x3FB1];
	_ =	sdelay $0x3  }
0x34: {  	[smem:$0x3FB1] =	sst s10  }
0x35: {  	s10 =	sld [smem:$0x3FB0];
	_ =	sdelay $0x3  }
0x36: {  	p1 =	seq.s32 s10, $0x1;
	s10 =	sld [smem:$0x3FB1];
	_ =	sdelay $0x3  }
0x37: {  	[smem:$0x3FB1] =	sst s10  }
0x38: {  	s10 =	sld [smem:$0x3FB2]  }
0x39: {  	_ = 	snop;
	(pc) =	sbr.ind lr, $3  }
0x3a: {  	_ = 	snop  }
0x3b: {  	_ = 	snop  }
0x3c: {  	p2 =	seq.s32 s10, $0x1;
	s10 =	sld [smem:$0x3FB1]  }
0x3d: {  	_ =	shalt  }
0x3e: {  	_ =	shalt  }
0x3f: {  	_ =	shalt  }
0x40: {  	_ =	shalt  }
0x41: {  	_ =	shalt  }
0x42: {  	_ =	shalt  }
0x43: {  	_ =	shalt  }
0x44: {  	_ =	shalt  }
0x45: {  	_ =	shalt  }
0x46: {  	_ =	shalt  }
0x47: {  	_ =	shalt  }
0x48: {  	_ =	shalt  }
0x49: {  	_ =	shalt  }
0x4a: {  	_ =	shalt  }
0x4b: {  	_ =	shalt  }
0x4c: {  	_ =	shalt  }
0x4d: {  	_ =	shalt  }
0x4e: {  	_ =	shalt  }
0x4f: {  	_ =	shalt  }
0x50: {  	_ =	shalt  }
0x51: {  	_ =	shalt  }
0x52: {  	_ =	shalt  }
0x53: {  	_ =	shalt  }
0x54: {  	_ =	shalt  }
0x55: {  	_ =	shalt  }
0x56: {  	_ =	shalt  }
0x57: {  	_ =	shalt  }
0x58: {  	_ =	shalt  }
0x59: {  	_ =	shalt  }
0x5a: {  	_ =	shalt  }
0x5b: {  	_ =	shalt  }
0x5c: {  	_ =	shalt  }
0x5d: {  	_ =	shalt  }
0x5e: {  	_ =	shalt  }
0x5f: {  	_ =	shalt  }
0x60: {  	_ =	shalt  }
0x61: {  	_ =	shalt  }
0x62: {  	_ =	shalt  }
0x63: {  	_ =	shalt  }
0x64: {  	_ =	shalt  }
0x65: {  	_ =	shalt  }
0x66: {  	_ =	shalt  }
0x67: {  	_ =	shalt  }
0x68: {  	_ =	shalt  }
0x69: {  	_ =	shalt  }
0x6a: {  	_ =	shalt  }
0x6b: {  	_ =	shalt  }
0x6c: {  	_ =	shalt  }
0x6d: {  	_ =	shalt  }
0x6e: {  	_ =	shalt  }
0x6f: {  	_ =	shalt  }
0x70: {  	_ =	shalt  }
0x71: {  	_ =	shalt  }
0x72: {  	_ =	shalt  }
0x73: {  	_ =	shalt  }
0x74: {  	_ =	shalt  }
0x75: {  	_ =	shalt  }
0x76: {  	_ =	shalt  }
0x77: {  	_ =	shalt  }
0x78: {  	_ =	shalt  }
0x79: {  	_ =	shalt  }
0x7a: {  	_ =	shalt  }
0x7b: {  	_ =	shalt  }
0x7c: {  	_ =	shalt  }
0x7d: {  	_ =	shalt  }
0x7e: {  	_ =	shalt  }
0x7f: {  	_ =	shalt  }
0x80: {  	_ =	shalt  }
0x81: {  	_ =	shalt  }
0x82: {  	_ =	shalt  }
0x83: {  	_ =	shalt  }
0x84: {  	_ =	shalt  }
0x85: {  	_ =	shalt  }
0x86: {  	_ =	shalt  }
0x87: {  	_ =	shalt  }
.Lfunc_end0:
.L_simem_size_0:
called_computation.1_lowered:
.L_overlay_start_0:
0x88: {  	s2 =	sld [smem:$0x3FD9]  }
0x89: {  	s3 =	sld [smem:$0x3FFE];
	_ =	sdelay $0x1  }
0x8a: {  	s1 =	srdreg.scid  }
0x8b: {  	s0 =	sand.u32 $0x1, s1  }
0x8c: {  	s17 =	sshll.u32 s0, $0xA;
	s2 =	sadd.s32 s3, s2  }
0x8d: {  	s2 =	sadd.s32 s2, s17  }
0x8e: {  	[smem:$0x3FBD] =	sst s2  }
0x8f: {  	_ = 	snop  }
0x90: {  	s2 =	sld [smem:$0x3FC9];
	(tm) =	ssettm $0x1  }
0x91: {  	s18 =	sld [smem:$0x3FFB];
	_ =	sdelay $0x3  }
0x92: {  	_ =	strace s18  }
0x93: {  	s3 =	sld [smem:$0x3FFC];
	_ =	sdelay $0x3  }
0x94: {  	_ =	strace s3  }
0x95: {  	s3 =	sld [smem:$0x3FFD];
	_ =	sdelay $0x3  }
0x96: {  	_ =	strace s3  }
0x97: {  	_ =	strace $0x8FFFFFFF  }
0x98: {  	s19 =	sld [smem:$0x3FDB];
	_ =	sdelay $0x1  }
0x99: {  	s4 =	simm.s32 $_scs_section_size  }
0x9a: {  	s5 =	simm.s32 $_size__tile_overlayer_lowered;
	s6 =	simm.s32 $_tile_overlayer_lowered  }
0x9b: {  	s22 =	simm.s32 $0x1BFF;
	s21 =	sshll.u32 s6, $0x1;
	s3 =	sadd.s32 s4, s19  }
0x9c: {  	s7 =	simm.s32 $0x0;
	s20 =	sshll.u32 s5, $0x1;
	s5 =	sadd.s32 s21, s3  }
0x9d: {  	[timem:s7], [sflag:s22] =	dma.local [hbm:s5], s20  }
0x9e: {  	_ =	swait.ge [sflag:s22], s20  }
0x9f: {  	s4 =	ssub.s32 $0x0, s20;
	[sflag:s22] =	ssyncset.done $0x0  }
0xa0: {  	[sflag:s22] =	ssyncadd.s32 s4;
	_ =	sdelay $0x1  }
0xa1: {  	s23 =	simm.s32 $0x1B8B  }
0xa2: {  	_ =	swait.ge [sflag:s23], $0x1  }
0xa3: {  	[sflag:s23] =	ssyncset.done $0x0  }
0xa4: {  	s25 =	simm.s32 $0x1B8E;
	s24 =	sld [smem:$0x3FFE];
	[sflag:s23] =	ssyncadd.s32 $0xFFFFFFFF  }
0xa5: {  	s26 =	simm.s32 $execute0_lowered;
	[smem:$0x3FD2] =	sst s25  }
0xa6: {  	s5 =	sshll.u32 s26, $0x1;
	_ =	strace $0x80000049;
	[dreg:$0x1] =	wrdreg $0xFFFFFFFF  }
0xa7: {  	s28 =	simm.s32 $_size_execute0_lowered;
	s3 =	sadd.s32 s3, s5;
	[dreg:$0x0] =	wrdreg $0x0  }
0xa8: {  	s5 =	sshll.u32 s28, $0x1;
	[dreg:$0x2] =	wrdreg s3  }
0xa9: {  	[dreg:$0x3] =	wrdreg s5  }
0xaa: {  	[dreg:$0x4] =	wrdreg $0xC0  }
0xab: {  	_ =	task [dreg:s7], $0x5FFFF  }
0xac: {  	[dreg:$0x1] =	wrdreg $0xFFFFFFFF  }
0xad: {  	[dreg:$0x0] =	wrdreg $0x60  }
0xae: {  	[dreg:$0x2] =	wrdreg s2  }
0xaf: {  	[dreg:$0x3] =	wrdreg s24  }
0xb0: {  	[dreg:$0x4] =	wrdreg $0x9  }
0xb1: {  	_ =	task.clear_ibuf [dreg:s7], $0x5FFFF;
	_ =	strace $0x90000049  }
0xb2: {  	s29 =	simm.s32 $0x9;
	_ =	strace $0x8000004B  }
0xb3: {  	_ =	swait.ge [sflag:s29], $0x1  }
0xb4: {  	[sflag:s29] =	ssyncadd.s32 $0xFFFFFFFF  }
0xb5: {  	_ =	strace $0x9000004B  }
0xb6: {  	_ =	sfence  }
0xb7: {  	s30 =	sld [smem:$0x0];
	_ =	sdelay $0x2  }
0xb8: {  	s31 =	sshll.u32 s1, $0xD;
	s1 =	sshrl.u32 s1, $0x2  }
0xb9: {  	s3 =	sand.u32 $0x4000, s31;
	s1 =	sadd.s32 s1, s30  }
0xba: {  	s0 =	sor.u32 s3, s0;
	s1 =	sshll.u32 s1, $0x11  }
0xbb: {  	s0 =	sor.u32 s1, s0  }
0xbc: {  	s0 =	sadd.s32 $0x8F2B, s0  }
0xbd: {  	[sflag:s0] =	ssyncadd.remote.s32 $0x1  }
0xbe: {  	_ =	sfence.sel $0xFFFF  }
0xbf: {  	[dreg:$0x0] =	wrdreg $0xFFFFFFFF;
	(pc) =	sbr.abs _section_cstart, $3  }
0xc0: {  	[dreg:$0x1] =	wrdreg $0xFFFFFFFF  }
0xc1: {  	_ =	task.clear_ibuf [dreg:s7], $0x2FFFF;
	_ =	strace $0x9FFFFFFF  }
0xc2: {  	(tm) =	ssettm $0x7FFFFFFF  }
0xc3: {  	_ =	shalt  }
tec
execute0_lowered:
.L_overlay_start_1:
0x0: {  	(tag) =	ssettag $0x1  }
0x1: {  	s1 =	rddreg [dreg:$0x0]  }
0x2: {  	s0 =	rddreg [dreg:$0x1]  }
0x3: {  	s2 =	srdreg.scid;
	s3 =	simm.s32 $0x0;
	s4 =	stileid.u32  }
0x4: {  	s29 =	simm.s32 $0x3;
	s30 =	simm.s32 $0x2;
	s2 =	sand.u32 $0x1, s2  }
0x5: {  	[smem:$0x7FF] =	sst s3;
	s4 =	sshll.u32 s4, $0x6;
	s7 =	sadd.s32 $0x4600, s0  }
0x6: {  	s16 =	sadd.s32 $0x4800, s0;
	s19 =	sadd.s32 $0x4610, s0;
	s21 =	sadd.s32 $0x44800, s0  }
0x7: {  	s25 =	sadd.s32 $0x84800, s0;
	s5 =	sshll.u32 s2, $0x5;
	s2 =	ssub.s32 $0x2, s2  }
0x8: {  	_ =	strace $0x8000004A;
	s4 =	sor.u32 s5, s4;
	s13 =	sshrl.u32 s2, $0x1  }
0x9: {  	s8 =	sshll.u32 s4, $0x2;
	s9 =	sand.u32 $0x60, s4;
	s10 =	sor.u32 $0x10, s4  }
0xa: {  	s2 =	ssub.s32 s2, s13;
	s18 =	sshll.u32 s4, $0x8;
	s6 =	sand.u32 $0xE00, s8  }
0xb: {  	s12 =	sand.u32 $0x70, s10;
	s4 =	sadd.s32 s16, s18;
	s10 =	sshll.u32 s10, $0x8  }
0xc: {  	s22 =	sadd.s32 s18, s21;
	s26 =	sadd.s32 s18, s25;
	s11 =	sor.u32 s9, s6  }
0xd: {  	s6 =	sor.u32 s12, s6;
	[dreg:$0x5] =	wrdreg s4;
	s4 =	sadd.s32 $0x100, s1  }
0xe: {  	s5 =	sadd.s32 s16, s10;
	s16 =	sadd.s32 $0x4620, s0;
	[dreg:$0x9] =	wrdreg s22  }
0xf: {  	s23 =	sadd.s32 s10, s21;
	s9 =	sor.u32 s9, s8;
	[dreg:$0xd] =	wrdreg s26  }
0x10: {  	s8 =	sor.u32 s8, s12;
	s28 =	sadd.s32 s10, s25;
	[dreg:$0x7] =	wrdreg s5  }
0x11: {  	s0 =	sadd.s32 $0xC4800, s0;
	s12 =	simm.s32 $0x5;
	[dreg:$0xb] =	wrdreg s23  }
0x12: {  	s11 =	sshrl.u32 s11, $0x3;
	[dreg:$0xf] =	wrdreg s28;
	s31 =	sadd.s32 s18, s0  }
0x13: {  	s14 =	sshrl.u32 s6, $0x3;
	s0 =	sadd.s32 s10, s0;
	[dreg:$0x11] =	wrdreg s31  }
0x14: {  	s5 =	sadd.s32 $0x200, s1;
	s17 =	sadd.s32 s7, s11;
	[dreg:$0x12] =	wrdreg s0  }
0x15: {  	s9 =	sshrl.u32 s9, $0x3;
	s6 =	sadd.s32 s7, s14;
	[dreg:$0x3] =	wrdreg s17  }
0x16: {  	s8 =	sshrl.u32 s8, $0x3;
	s15 =	sadd.s32 s11, s19;
	[dreg:$0x4] =	wrdreg s6  }
0x17: {  	s10 =	sadd.s32 $0x700, s1;
	s20 =	sadd.s32 s14, s19;
	[dreg:$0x6] =	wrdreg s15  }
0x18: {  	s11 =	sadd.s32 s11, s16;
	s24 =	sadd.s32 s14, s16;
	[dreg:$0x8] =	wrdreg s20  }
0x19: {  	s9 =	sor.u32 $0x30, s9;
	s8 =	sor.u32 $0x30, s8;
	[dreg:$0xa] =	wrdreg s11  }
0x1a: {  	s0 =	simm.s32 $0x4;
	s6 =	sadd.s32 $0x300, s1;
	[dreg:$0xc] =	wrdreg s24  }
0x1b: {  	v2 =	vlaneseq.u32;
	s9 =	sadd.s32 s7, s9;
	s8 =	sadd.s32 s7, s8;
	s7 =	sadd.s32 $0x400, s1  }
0x1c: {  	vm0 =	vmmov $0xffff;
	v1 =	vshrl.u32 v2, $0x3;
	s11 =	smax.u32 s2, $0x1;
	s17 =	simm.s32 $0x1;
	[dreg:$0xe] =	wrdreg s9  }
0x1d: {  	v0 =	vand.u32 $0x7, v2;
	v2 =	vor.u32 $0x8, v2;
	v1 =	vmul.u32 $0x8, v1;
	[dreg:$0x10] =	wrdreg s8;
	s8 =	sadd.s32 $0x500, s1;
	s9 =	sadd.s32 $0x600, s1  }
.LBB2_1:
0x1e: {  	s2 =	rddreg [dreg:$0x3]  }
0x1f: {  	[tilespmem:s3], [sflag:$0x5] =	stream.linear.gather [hbm4b:s2+s3], $0x10, $0x38;
	[tilespmem:$0x10100] =	vst v63  }
0x20: {  	_ =	swait.ge [sflag:s12], $0x10  }
0x21: {  	[sflag:s12] =	ssyncset.done $0x0  }
0x22: {  	[sflag:s12] =	ssyncadd.s32 $0xFFFFFFF0  }
0x23: {  	v3 =	vld [tilespmem:$0x0];
	_ =	sdelay $0x4  }
0x24: {  	v4 =	vshll.u32 v3, $0x4  }
0x25: {  	v3 =	vand.u32 $0x7, v3;
	v4 =	vand.u32 $0xFFFFFF80, v4  }
0x26: {  	v3 =	vor.u32 v3, v4  }
0x27: {  	v4 =	vperm.xlane v3, v0;
	_ =	sdelay $0x1  }
0x28: {  	v4 =	vadd.s32 v1, v4;
	_ =	sdelay $0x3  }
0x29: {  	s20 =	simm.s32 $0x100  }
0x2a: {  	[tilespmem:s20], [sflag:$0x1] =	stream.indirect_vreg.gather [hbm4b:s1+s3], $0x80, v4, vm0, $0xb8;
	[tilespmem:$0x10100] =	vst v63  }
0x2b: {  	s21 =	simm.s32 $0x900  }
0x2c: {  	[tilespmem:s21], [sflag:$0x1] =	stream.indirect_vreg.gather [hbm4b:s4+s3], $0x80, v4, vm0, $0xb8;
	[tilespmem:$0x10100] =	vst v63  }
0x2d: {  	s22 =	simm.s32 $0x1100  }
0x2e: {  	[tilespmem:s22], [sflag:$0x1] =	stream.indirect_vreg.gather [hbm4b:s5+s3], $0x80, v4, vm0, $0xb8;
	[tilespmem:$0x10100] =	vst v63  }
0x2f: {  	s23 =	simm.s32 $0x1900  }
0x30: {  	[tilespmem:s23], [sflag:$0x1] =	stream.indirect_vreg.gather [hbm4b:s6+s3], $0x80, v4, vm0, $0xb8;
	[tilespmem:$0x10100] =	vst v63  }
0x31: {  	s24 =	simm.s32 $0x2100  }
0x32: {  	[tilespmem:s24], [sflag:$0x1] =	stream.indirect_vreg.gather [hbm4b:s7+s3], $0x80, v4, vm0, $0xb8;
	[tilespmem:$0x10100] =	vst v63  }
0x33: {  	s25 =	simm.s32 $0x2900;
	v3 =	vperm.xlane v3, v2  }
0x34: {  	[tilespmem:s25], [sflag:$0x1] =	stream.indirect_vreg.gather [hbm4b:s8+s3], $0x80, v4, vm0, $0xb8;
	[tilespmem:$0x10100] =	vst v63  }
0x35: {  	s26 =	simm.s32 $0x3100;
	v3 =	vadd.s32 v1, v3  }
0x36: {  	[tilespmem:s26], [sflag:$0x1] =	stream.indirect_vreg.gather [hbm4b:s9+s3], $0x80, v4, vm0, $0xb8;
	[tilespmem:$0x10100] =	vst v63  }
0x37: {  	s28 =	simm.s32 $0x3900  }
0x38: {  	[tilespmem:s28], [sflag:$0x1] =	stream.indirect_vreg.gather [hbm4b:s10+s3], $0x80, v4, vm0, $0xb8;
	[tilespmem:$0x10100] =	vst v63  }
0x39: {  	s31 =	simm.s32 $0x4100  }
0x3a: {  	[tilespmem:s31], [sflag:$0x1] =	stream.indirect_vreg.gather [hbm4b:s1+s3], $0x80, v3, vm0, $0xb8;
	[tilespmem:$0x10100] =	vst v63  }
0x3b: {  	s13 =	simm.s32 $0x4900  }
0x3c: {  	[tilespmem:s13], [sflag:$0x1] =	stream.indirect_vreg.gather [hbm4b:s4+s3], $0x80, v3, vm0, $0xb8;
	[tilespmem:$0x10100] =	vst v63  }
0x3d: {  	s14 =	simm.s32 $0x5100  }
0x3e: {  	[tilespmem:s14], [sflag:$0x1] =	stream.indirect_vreg.gather [hbm4b:s5+s3], $0x80, v3, vm0, $0xb8;
	[tilespmem:$0x10100] =	vst v63  }
0x3f: {  	s15 =	simm.s32 $0x5900  }
0x40: {  	[tilespmem:s15], [sflag:$0x1] =	stream.indirect_vreg.gather [hbm4b:s6+s3], $0x80, v3, vm0, $0xb8;
	[tilespmem:$0x10100] =	vst v63  }
0x41: {  	s18 =	simm.s32 $0x6100  }
0x42: {  	[tilespmem:s18], [sflag:$0x1] =	stream.indirect_vreg.gather [hbm4b:s7+s3], $0x80, v3, vm0, $0xb8;
	[tilespmem:$0x10100] =	vst v63  }
0x43: {  	s19 =	simm.s32 $0x6900  }
0x44: {  	[tilespmem:s19], [sflag:$0x1] =	stream.indirect_vreg.gather [hbm4b:s8+s3], $0x80, v3, vm0, $0xb8;
	[tilespmem:$0x10100] =	vst v63  }
0x45: {  	s20 =	simm.s32 $0x7100  }
0x46: {  	[tilespmem:s20], [sflag:$0x1] =	stream.indirect_vreg.gather [hbm4b:s9+s3], $0x80, v3, vm0, $0xb8;
	[tilespmem:$0x10100] =	vst v63  }
0x47: {  	s13 =	simm.s32 $0x7900  }
0x48: {  	[tilespmem:s13], [sflag:$0x1] =	stream.indirect_vreg.gather [hbm4b:s10+s3], $0x80, v3, vm0, $0xb8;
	[tilespmem:$0x10100] =	vst v63  }
0x49: {  	s21 =	rddreg [dreg:$0x4];
	s15 =	simm.s32 $0x80  }
0x4a: {  	[tilespmem:s15], [sflag:$0x5] =	stream.linear.gather [hbm4b:s21+s3], $0x10, $0x38;
	[tilespmem:$0x10100] =	vst v63  }
0x4b: {  	_ =	swait.ge [sflag:s12], $0x10  }
0x4c: {  	[sflag:s12] =	ssyncset.done $0x0  }
0x4d: {  	[sflag:s12] =	ssyncadd.s32 $0xFFFFFFF0  }
0x4e: {  	v3 =	vld [tilespmem:$0x80];
	_ =	sdelay $0x4  }
0x4f: {  	v57 =	vshll.u32 v3, $0x4  }
0x50: {  	v3 =	vand.u32 $0x7, v3;
	v4 =	vand.u32 $0xFFFFFF80, v57  }
0x51: {  	v3 =	vor.u32 v3, v4  }
0x52: {  	v4 =	vperm.xlane v3, v0;
	_ =	sdelay $0x1  }
0x53: {  	v4 =	vadd.s32 v1, v4;
	_ =	sdelay $0x3  }
0x54: {  	s13 =	simm.s32 $0x8100  }
0x55: {  	[tilespmem:s13], [sflag:$0x2] =	stream.indirect_vreg.gather [hbm4b:s1+s3], $0x80, v4, vm0, $0xb8;
	[tilespmem:$0x10100] =	vst v63  }
0x56: {  	s22 =	simm.s32 $0x8900  }
0x57: {  	[tilespmem:s22], [sflag:$0x2] =	stream.indirect_vreg.gather [hbm4b:s4+s3], $0x80, v4, vm0, $0xb8;
	[tilespmem:$0x10100] =	vst v63  }
0x58: {  	s23 =	simm.s32 $0x9100  }
0x59: {  	[tilespmem:s23], [sflag:$0x2] =	stream.indirect_vreg.gather [hbm4b:s5+s3], $0x80, v4, vm0, $0xb8;
	[tilespmem:$0x10100] =	vst v63  }
0x5a: {  	s24 =	simm.s32 $0x9900  }
0x5b: {  	[tilespmem:s24], [sflag:$0x2] =	stream.indirect_vreg.gather [hbm4b:s6+s3], $0x80, v4, vm0, $0xb8;
	[tilespmem:$0x10100] =	vst v63  }
0x5c: {  	s25 =	simm.s32 $0xA100  }
0x5d: {  	[tilespmem:s25], [sflag:$0x2] =	stream.indirect_vreg.gather [hbm4b:s7+s3], $0x80, v4, vm0, $0xb8;
	[tilespmem:$0x10100] =	vst v63  }
0x5e: {  	s26 =	simm.s32 $0xA900;
	v3 =	vperm.xlane v3, v2  }
0x5f: {  	[tilespmem:s26], [sflag:$0x2] =	stream.indirect_vreg.gather [hbm4b:s8+s3], $0x80, v4, vm0, $0xb8;
	[tilespmem:$0x10100] =	vst v63  }
0x60: {  	s28 =	simm.s32 $0xB100;
	v3 =	vadd.s32 v1, v3  }
0x61: {  	[tilespmem:s28], [sflag:$0x2] =	stream.indirect_vreg.gather [hbm4b:s9+s3], $0x80, v4, vm0, $0xb8;
	[tilespmem:$0x10100] =	vst v63  }
0x62: {  	s31 =	simm.s32 $0xB900  }
0x63: {  	[tilespmem:s31], [sflag:$0x2] =	stream.indirect_vreg.gather [hbm4b:s10+s3], $0x80, v4, vm0, $0xb8;
	[tilespmem:$0x10100] =	vst v63  }
0x64: {  	s14 =	simm.s32 $0xC100  }
0x65: {  	[tilespmem:s14], [sflag:$0x2] =	stream.indirect_vreg.gather [hbm4b:s1+s3], $0x80, v3, vm0, $0xb8;
	[tilespmem:$0x10100] =	vst v63  }
0x66: {  	s15 =	simm.s32 $0xC900  }
0x67: {  	[tilespmem:s15], [sflag:$0x2] =	stream.indirect_vreg.gather [hbm4b:s4+s3], $0x80, v3, vm0, $0xb8;
	[tilespmem:$0x10100] =	vst v63  }
0x68: {  	s18 =	simm.s32 $0xD100  }
0x69: {  	[tilespmem:s18], [sflag:$0x2] =	stream.indirect_vreg.gather [hbm4b:s5+s3], $0x80, v3, vm0, $0xb8;
	[tilespmem:$0x10100] =	vst v63  }
0x6a: {  	s19 =	simm.s32 $0xD900  }
0x6b: {  	[tilespmem:s19], [sflag:$0x2] =	stream.indirect_vreg.gather [hbm4b:s6+s3], $0x80, v3, vm0, $0xb8;
	[tilespmem:$0x10100] =	vst v63  }
0x6c: {  	s20 =	simm.s32 $0xE100  }
0x6d: {  	[tilespmem:s20], [sflag:$0x2] =	stream.indirect_vreg.gather [hbm4b:s7+s3], $0x80, v3, vm0, $0xb8;
	[tilespmem:$0x10100] =	vst v63  }
0x6e: {  	s21 =	simm.s32 $0xE900  }
0x6f: {  	[tilespmem:s21], [sflag:$0x2] =	stream.indirect_vreg.gather [hbm4b:s8+s3], $0x80, v3, vm0, $0xb8;
	[tilespmem:$0x10100] =	vst v63  }
0x70: {  	s22 =	simm.s32 $0xF100  }
0x71: {  	[tilespmem:s22], [sflag:$0x2] =	stream.indirect_vreg.gather [hbm4b:s9+s3], $0x80, v3, vm0, $0xb8;
	[tilespmem:$0x10100] =	vst v63  }
0x72: {  	s23 =	simm.s32 $0xF900  }
0x73: {  	[tilespmem:s23], [sflag:$0x2] =	stream.indirect_vreg.gather [hbm4b:s10+s3], $0x80, v3, vm0, $0xb8;
	[tilespmem:$0x10100] =	vst v63  }
0x74: {  	_ =	swait.ge [sflag:s17], $0x8000  }
0x75: {  	[sflag:s17] =	ssyncset.done $0x0  }
0x76: {  	s14 =	simm.s32 $0x100;
	s24 =	rddreg [dreg:$0x5];
	[sflag:s17] =	ssyncadd.s32 $0xFFFF8000  }
0x77: {  	[hbm4b:s24+s3] =	stream.linear.scatter [tilespmem:s14], [sflag:$0x3], $0x8000, $0x38;
	[tilespmem:$0x10100] =	vst v63  }
0x78: {  	_ =	swait.ge [sflag:s29], $0x8000  }
0x79: {  	[sflag:s29] =	ssyncset.done $0x0  }
0x7a: {  	s25 =	rddreg [dreg:$0x6];
	[sflag:s29] =	ssyncadd.s32 $0xFFFF8000  }
0x7b: {  	[tilespmem:s3], [sflag:$0x5] =	stream.linear.gather [hbm4b:s25+s3], $0x10, $0x38;
	[tilespmem:$0x10100] =	vst v63  }
0x7c: {  	_ =	swait.ge [sflag:s12], $0x10  }
0x7d: {  	[sflag:s12] =	ssyncset.done $0x0  }
0x7e: {  	[sflag:s12] =	ssyncadd.s32 $0xFFFFFFF0  }
0x7f: {  	v3 =	vld [tilespmem:$0x0];
	_ =	sdelay $0x4  }
0x80: {  	v58 =	vshll.u32 v3, $0x4  }
0x81: {  	v3 =	vand.u32 $0x7, v3;
	v4 =	vand.u32 $0xFFFFFF80, v58  }
0x82: {  	v3 =	vor.u32 v3, v4  }
0x83: {  	v4 =	vperm.xlane v3, v0;
	_ =	sdelay $0x1  }
0x84: {  	v4 =	vadd.s32 v1, v4;
	_ =	sdelay $0x4  }
0x85: {  	[tilespmem:s14], [sflag:$0x1] =	stream.indirect_vreg.gather [hbm4b:s1+s3], $0x80, v4, vm0, $0xb8;
	[tilespmem:$0x10100] =	vst v63  }
0x86: {  	s31 =	simm.s32 $0x900  }
0x87: {  	[tilespmem:s31], [sflag:$0x1] =	stream.indirect_vreg.gather [hbm4b:s4+s3], $0x80, v4, vm0, $0xb8;
	[tilespmem:$0x10100] =	vst v63  }
0x88: {  	s14 =	simm.s32 $0x1100  }
0x89: {  	[tilespmem:s14], [sflag:$0x1] =	stream.indirect_vreg.gather [hbm4b:s5+s3], $0x80, v4, vm0, $0xb8;
	[tilespmem:$0x10100] =	vst v63  }
0x8a: {  	s15 =	simm.s32 $0x1900  }
0x8b: {  	[tilespmem:s15], [sflag:$0x1] =	stream.indirect_vreg.gather [hbm4b:s6+s3], $0x80, v4, vm0, $0xb8;
	[tilespmem:$0x10100] =	vst v63  }
0x8c: {  	s16 =	simm.s32 $0x2100  }
0x8d: {  	[tilespmem:s16], [sflag:$0x1] =	stream.indirect_vreg.gather [hbm4b:s7+s3], $0x80, v4, vm0, $0xb8;
	[tilespmem:$0x10100] =	vst v63  }
0x8e: {  	v3 =	vperm.xlane v3, v2;
	s16 =	simm.s32 $0x2900  }
0x8f: {  	[tilespmem:s16], [sflag:$0x1] =	stream.indirect_vreg.gather [hbm4b:s8+s3], $0x80, v4, vm0, $0xb8;
	[tilespmem:$0x10100] =	vst v63  }
0x90: {  	s18 =	simm.s32 $0x3100;
	v3 =	vadd.s32 v1, v3  }
0x91: {  	[tilespmem:s18], [sflag:$0x1] =	stream.indirect_vreg.gather [hbm4b:s9+s3], $0x80, v4, vm0, $0xb8;
	[tilespmem:$0x10100] =	vst v63  }
0x92: {  	s19 =	simm.s32 $0x3900  }
0x93: {  	[tilespmem:s19], [sflag:$0x1] =	stream.indirect_vreg.gather [hbm4b:s10+s3], $0x80, v4, vm0, $0xb8;
	[tilespmem:$0x10100] =	vst v63  }
0x94: {  	s20 =	simm.s32 $0x4100  }
0x95: {  	[tilespmem:s20], [sflag:$0x1] =	stream.indirect_vreg.gather [hbm4b:s1+s3], $0x80, v3, vm0, $0xb8;
	[tilespmem:$0x10100] =	vst v63  }
0x96: {  	s21 =	simm.s32 $0x4900  }
0x97: {  	[tilespmem:s21], [sflag:$0x1] =	stream.indirect_vreg.gather [hbm4b:s4+s3], $0x80, v3, vm0, $0xb8;
	[tilespmem:$0x10100] =	vst v63  }
0x98: {  	s22 =	simm.s32 $0x5100  }
0x99: {  	[tilespmem:s22], [sflag:$0x1] =	stream.indirect_vreg.gather [hbm4b:s5+s3], $0x80, v3, vm0, $0xb8;
	[tilespmem:$0x10100] =	vst v63  }
0x9a: {  	s23 =	simm.s32 $0x5900  }
0x9b: {  	[tilespmem:s23], [sflag:$0x1] =	stream.indirect_vreg.gather [hbm4b:s6+s3], $0x80, v3, vm0, $0xb8;
	[tilespmem:$0x10100] =	vst v63  }
0x9c: {  	s24 =	simm.s32 $0x6100  }
0x9d: {  	[tilespmem:s24], [sflag:$0x1] =	stream.indirect_vreg.gather [hbm4b:s7+s3], $0x80, v3, vm0, $0xb8;
	[tilespmem:$0x10100] =	vst v63  }
0x9e: {  	s25 =	simm.s32 $0x6900  }
0x9f: {  	[tilespmem:s25], [sflag:$0x1] =	stream.indirect_vreg.gather [hbm4b:s8+s3], $0x80, v3, vm0, $0xb8;
	[tilespmem:$0x10100] =	vst v63  }
0xa0: {  	s26 =	simm.s32 $0x7100  }
0xa1: {  	[tilespmem:s26], [sflag:$0x1] =	stream.indirect_vreg.gather [hbm4b:s9+s3], $0x80, v3, vm0, $0xb8;
	[tilespmem:$0x10100] =	vst v63  }
0xa2: {  	s26 =	simm.s32 $0x7900  }
0xa3: {  	[tilespmem:s26], [sflag:$0x1] =	stream.indirect_vreg.gather [hbm4b:s10+s3], $0x80, v3, vm0, $0xb8;
	[tilespmem:$0x10100] =	vst v63  }
0xa4: {  	_ =	swait.ge [sflag:s30], $0x8000  }
0xa5: {  	[sflag:s30] =	ssyncset.done $0x0  }
0xa6: {  	s28 =	rddreg [dreg:$0x7];
	[sflag:s30] =	ssyncadd.s32 $0xFFFF8000  }
0xa7: {  	[hbm4b:s28+s3] =	stream.linear.scatter [tilespmem:s13], [sflag:$0x4], $0x8000, $0x38;
	[tilespmem:$0x10100] =	vst v63  }
0xa8: {  	_ =	swait.ge [sflag:s0], $0x8000  }
0xa9: {  	[sflag:s0] =	ssyncset.done $0x0  }
0xaa: {  	s28 =	simm.s32 $0x80;
	s2 =	rddreg [dreg:$0x8];
	[sflag:s0] =	ssyncadd.s32 $0xFFFF8000  }
0xab: {  	[tilespmem:s28], [sflag:$0x5] =	stream.linear.gather [hbm4b:s2+s3], $0x10, $0x38;
	[tilespmem:$0x10100] =	vst v63  }
0xac: {  	_ =	swait.ge [sflag:s12], $0x10  }
0xad: {  	[sflag:s12] =	ssyncset.done $0x0  }
0xae: {  	[sflag:s12] =	ssyncadd.s32 $0xFFFFFFF0  }
0xaf: {  	v3 =	vld [tilespmem:$0x80];
	_ =	sdelay $0x4  }
0xb0: {  	v59 =	vshll.u32 v3, $0x4  }
0xb1: {  	v3 =	vand.u32 $0x7, v3;
	v4 =	vand.u32 $0xFFFFFF80, v59  }
0xb2: {  	v3 =	vor.u32 v3, v4  }
0xb3: {  	v4 =	vperm.xlane v3, v0;
	_ =	sdelay $0x1  }
0xb4: {  	v4 =	vadd.s32 v1, v4;
	_ =	sdelay $0x4  }
0xb5: {  	[tilespmem:s13], [sflag:$0x2] =	stream.indirect_vreg.gather [hbm4b:s1+s3], $0x80, v4, vm0, $0xb8;
	[tilespmem:$0x10100] =	vst v63  }
0xb6: {  	s28 =	simm.s32 $0x8900  }
0xb7: {  	[tilespmem:s28], [sflag:$0x2] =	stream.indirect_vreg.gather [hbm4b:s4+s3], $0x80, v4, vm0, $0xb8;
	[tilespmem:$0x10100] =	vst v63  }
0xb8: {  	s28 =	simm.s32 $0x9100  }
0xb9: {  	[tilespmem:s28], [sflag:$0x2] =	stream.indirect_vreg.gather [hbm4b:s5+s3], $0x80, v4, vm0, $0xb8;
	[tilespmem:$0x10100] =	vst v63  }
0xba: {  	s28 =	simm.s32 $0x9900  }
0xbb: {  	[tilespmem:s28], [sflag:$0x2] =	stream.indirect_vreg.gather [hbm4b:s6+s3], $0x80, v4, vm0, $0xb8;
	[tilespmem:$0x10100] =	vst v63  }
0xbc: {  	s28 =	simm.s32 $0xA100  }
0xbd: {  	[tilespmem:s28], [sflag:$0x2] =	stream.indirect_vreg.gather [hbm4b:s7+s3], $0x80, v4, vm0, $0xb8;
	[tilespmem:$0x10100] =	vst v63  }
0xbe: {  	v3 =	vperm.xlane v3, v2;
	s28 =	simm.s32 $0xA900  }
0xbf: {  	[tilespmem:s28], [sflag:$0x2] =	stream.indirect_vreg.gather [hbm4b:s8+s3], $0x80, v4, vm0, $0xb8;
	[tilespmem:$0x10100] =	vst v63  }
0xc0: {  	v3 =	vadd.s32 v1, v3;
	s28 =	simm.s32 $0xB100  }
0xc1: {  	[tilespmem:s28], [sflag:$0x2] =	stream.indirect_vreg.gather [hbm4b:s9+s3], $0x80, v4, vm0, $0xb8;
	[tilespmem:$0x10100] =	vst v63  }
0xc2: {  	s28 =	simm.s32 $0xB900  }
0xc3: {  	[tilespmem:s28], [sflag:$0x2] =	stream.indirect_vreg.gather [hbm4b:s10+s3], $0x80, v4, vm0, $0xb8;
	[tilespmem:$0x10100] =	vst v63  }
0xc4: {  	s28 =	simm.s32 $0xC100  }
0xc5: {  	[tilespmem:s28], [sflag:$0x2] =	stream.indirect_vreg.gather [hbm4b:s1+s3], $0x80, v3, vm0, $0xb8;
	[tilespmem:$0x10100] =	vst v63  }
0xc6: {  	s28 =	simm.s32 $0xC900  }
0xc7: {  	[tilespmem:s28], [sflag:$0x2] =	stream.indirect_vreg.gather [hbm4b:s4+s3], $0x80, v3, vm0, $0xb8;
	[tilespmem:$0x10100] =	vst v63  }
0xc8: {  	s28 =	simm.s32 $0xD100  }
0xc9: {  	[tilespmem:s28], [sflag:$0x2] =	stream.indirect_vreg.gather [hbm4b:s5+s3], $0x80, v3, vm0, $0xb8;
	[tilespmem:$0x10100] =	vst v63  }
0xca: {  	s28 =	simm.s32 $0xD900  }
0xcb: {  	[tilespmem:s28], [sflag:$0x2] =	stream.indirect_vreg.gather [hbm4b:s6+s3], $0x80, v3, vm0, $0xb8;
	[tilespmem:$0x10100] =	vst v63  }
0xcc: {  	s28 =	simm.s32 $0xE100  }
0xcd: {  	[tilespmem:s28], [sflag:$0x2] =	stream.indirect_vreg.gather [hbm4b:s7+s3], $0x80, v3, vm0, $0xb8;
	[tilespmem:$0x10100] =	vst v63  }
0xce: {  	s28 =	simm.s32 $0xE900  }
0xcf: {  	[tilespmem:s28], [sflag:$0x2] =	stream.indirect_vreg.gather [hbm4b:s8+s3], $0x80, v3, vm0, $0xb8;
	[tilespmem:$0x10100] =	vst v63  }
0xd0: {  	s28 =	simm.s32 $0xF100  }
0xd1: {  	[tilespmem:s28], [sflag:$0x2] =	stream.indirect_vreg.gather [hbm4b:s9+s3], $0x80, v3, vm0, $0xb8;
	[tilespmem:$0x10100] =	vst v63  }
0xd2: {  	s28 =	simm.s32 $0xF900  }
0xd3: {  	[tilespmem:s28], [sflag:$0x2] =	stream.indirect_vreg.gather [hbm4b:s10+s3], $0x80, v3, vm0, $0xb8;
	[tilespmem:$0x10100] =	vst v63  }
0xd4: {  	_ =	swait.ge [sflag:s17], $0x8000  }
0xd5: {  	[sflag:s17] =	ssyncset.done $0x0  }
0xd6: {  	s28 =	simm.s32 $0x100;
	s2 =	rddreg [dreg:$0x9];
	[sflag:s17] =	ssyncadd.s32 $0xFFFF8000  }
0xd7: {  	[hbm4b:s2+s3] =	stream.linear.scatter [tilespmem:s28], [sflag:$0x3], $0x8000, $0x38;
	[tilespmem:$0x10100] =	vst v63  }
0xd8: {  	_ =	swait.ge [sflag:s29], $0x8000  }
0xd9: {  	[sflag:s29] =	ssyncset.done $0x0  }
0xda: {  	s2 =	rddreg [dreg:$0xa];
	[sflag:s29] =	ssyncadd.s32 $0xFFFF8000  }
0xdb: {  	[tilespmem:s3], [sflag:$0x5] =	stream.linear.gather [hbm4b:s2+s3], $0x10, $0x38;
	[tilespmem:$0x10100] =	vst v63  }
0xdc: {  	_ =	swait.ge [sflag:s12], $0x10  }
0xdd: {  	[sflag:s12] =	ssyncset.done $0x0  }
0xde: {  	[sflag:s12] =	ssyncadd.s32 $0xFFFFFFF0  }
0xdf: {  	v3 =	vld [tilespmem:$0x0];
	_ =	sdelay $0x4  }
0xe0: {  	v60 =	vshll.u32 v3, $0x4  }
0xe1: {  	v3 =	vand.u32 $0x7, v3;
	v4 =	vand.u32 $0xFFFFFF80, v60  }
0xe2: {  	v3 =	vor.u32 v3, v4  }
0xe3: {  	v4 =	vperm.xlane v3, v0;
	_ =	sdelay $0x1  }
0xe4: {  	v4 =	vadd.s32 v1, v4;
	_ =	sdelay $0x4  }
0xe5: {  	[tilespmem:s28], [sflag:$0x1] =	stream.indirect_vreg.gather [hbm4b:s1+s3], $0x80, v4, vm0, $0xb8;
	[tilespmem:$0x10100] =	vst v63  }
0xe6: {  	_ = 	snop  }
0xe7: {  	[tilespmem:s31], [sflag:$0x1] =	stream.indirect_vreg.gather [hbm4b:s4+s3], $0x80, v4, vm0, $0xb8;
	[tilespmem:$0x10100] =	vst v63  }
0xe8: {  	_ = 	snop  }
0xe9: {  	[tilespmem:s14], [sflag:$0x1] =	stream.indirect_vreg.gather [hbm4b:s5+s3], $0x80, v4, vm0, $0xb8;
	[tilespmem:$0x10100] =	vst v63  }
0xea: {  	_ = 	snop  }
0xeb: {  	[tilespmem:s15], [sflag:$0x1] =	stream.indirect_vreg.gather [hbm4b:s6+s3], $0x80, v4, vm0, $0xb8;
	[tilespmem:$0x10100] =	vst v63  }
0xec: {  	s15 =	simm.s32 $0x2100  }
0xed: {  	[tilespmem:s15], [sflag:$0x1] =	stream.indirect_vreg.gather [hbm4b:s7+s3], $0x80, v4, vm0, $0xb8;
	[tilespmem:$0x10100] =	vst v63  }
0xee: {  	v3 =	vperm.xlane v3, v2  }
0xef: {  	[tilespmem:s16], [sflag:$0x1] =	stream.indirect_vreg.gather [hbm4b:s8+s3], $0x80, v4, vm0, $0xb8;
	[tilespmem:$0x10100] =	vst v63  }
0xf0: {  	v3 =	vadd.s32 v1, v3  }
0xf1: {  	[tilespmem:s18], [sflag:$0x1] =	stream.indirect_vreg.gather [hbm4b:s9+s3], $0x80, v4, vm0, $0xb8;
	[tilespmem:$0x10100] =	vst v63  }
0xf2: {  	_ = 	snop  }
0xf3: {  	[tilespmem:s19], [sflag:$0x1] =	stream.indirect_vreg.gather [hbm4b:s10+s3], $0x80, v4, vm0, $0xb8;
	[tilespmem:$0x10100] =	vst v63  }
0xf4: {  	_ = 	snop  }
0xf5: {  	[tilespmem:s20], [sflag:$0x1] =	stream.indirect_vreg.gather [hbm4b:s1+s3], $0x80, v3, vm0, $0xb8;
	[tilespmem:$0x10100] =	vst v63  }
0xf6: {  	_ = 	snop  }
0xf7: {  	[tilespmem:s21], [sflag:$0x1] =	stream.indirect_vreg.gather [hbm4b:s4+s3], $0x80, v3, vm0, $0xb8;
	[tilespmem:$0x10100] =	vst v63  }
0xf8: {  	_ = 	snop  }
0xf9: {  	[tilespmem:s22], [sflag:$0x1] =	stream.indirect_vreg.gather [hbm4b:s5+s3], $0x80, v3, vm0, $0xb8;
	[tilespmem:$0x10100] =	vst v63  }
0xfa: {  	_ = 	snop  }
0xfb: {  	[tilespmem:s23], [sflag:$0x1] =	stream.indirect_vreg.gather [hbm4b:s6+s3], $0x80, v3, vm0, $0xb8;
	[tilespmem:$0x10100] =	vst v63  }
0xfc: {  	_ = 	snop  }
0xfd: {  	[tilespmem:s24], [sflag:$0x1] =	stream.indirect_vreg.gather [hbm4b:s7+s3], $0x80, v3, vm0, $0xb8;
	[tilespmem:$0x10100] =	vst v63  }
0xfe: {  	_ = 	snop  }
0xff: {  	[tilespmem:s25], [sflag:$0x1] =	stream.indirect_vreg.gather [hbm4b:s8+s3], $0x80, v3, vm0, $0xb8;
	[tilespmem:$0x10100] =	vst v63  }
0x100: {  	s22 =	simm.s32 $0x7100  }
0x101: {  	[tilespmem:s22], [sflag:$0x1] =	stream.indirect_vreg.gather [hbm4b:s9+s3], $0x80, v3, vm0, $0xb8;
	[tilespmem:$0x10100] =	vst v63  }
0x102: {  	_ = 	snop  }
0x103: {  	[tilespmem:s26], [sflag:$0x1] =	stream.indirect_vreg.gather [hbm4b:s10+s3], $0x80, v3, vm0, $0xb8;
	[tilespmem:$0x10100] =	vst v63  }
0x104: {  	_ =	swait.ge [sflag:s30], $0x8000  }
0x105: {  	[sflag:s30] =	ssyncset.done $0x0  }
0x106: {  	s23 =	rddreg [dreg:$0xb];
	[sflag:s30] =	ssyncadd.s32 $0xFFFF8000  }
0x107: {  	[hbm4b:s23+s3] =	stream.linear.scatter [tilespmem:s13], [sflag:$0x4], $0x8000, $0x38;
	[tilespmem:$0x10100] =	vst v63  }
0x108: {  	_ =	swait.ge [sflag:s0], $0x8000  }
0x109: {  	[sflag:s0] =	ssyncset.done $0x0  }
0x10a: {  	s28 =	simm.s32 $0x80;
	s24 =	rddreg [dreg:$0xc];
	[sflag:s0] =	ssyncadd.s32 $0xFFFF8000  }
0x10b: {  	[tilespmem:s28], [sflag:$0x5] =	stream.linear.gather [hbm4b:s24+s3], $0x10, $0x38;
	[tilespmem:$0x10100] =	vst v63  }
0x10c: {  	_ =	swait.ge [sflag:s12], $0x10  }
0x10d: {  	[sflag:s12] =	ssyncset.done $0x0  }
0x10e: {  	[sflag:s12] =	ssyncadd.s32 $0xFFFFFFF0  }
0x10f: {  	v3 =	vld [tilespmem:$0x80];
	_ =	sdelay $0x4  }
0x110: {  	v61 =	vshll.u32 v3, $0x4  }
0x111: {  	v3 =	vand.u32 $0x7, v3;
	v4 =	vand.u32 $0xFFFFFF80, v61  }
0x112: {  	v3 =	vor.u32 v3, v4  }
0x113: {  	v4 =	vperm.xlane v3, v0;
	_ =	sdelay $0x1  }
0x114: {  	v4 =	vadd.s32 v1, v4;
	_ =	sdelay $0x4  }
0x115: {  	[tilespmem:s13], [sflag:$0x2] =	stream.indirect_vreg.gather [hbm4b:s1+s3], $0x80, v4, vm0, $0xb8;
	[tilespmem:$0x10100] =	vst v63  }
0x116: {  	s26 =	simm.s32 $0x8900  }
0x117: {  	[tilespmem:s26], [sflag:$0x2] =	stream.indirect_vreg.gather [hbm4b:s4+s3], $0x80, v4, vm0, $0xb8;
	[tilespmem:$0x10100] =	vst v63  }
0x118: {  	s14 =	simm.s32 $0x9100  }
0x119: {  	[tilespmem:s14], [sflag:$0x2] =	stream.indirect_vreg.gather [hbm4b:s5+s3], $0x80, v4, vm0, $0xb8;
	[tilespmem:$0x10100] =	vst v63  }
0x11a: {  	s15 =	simm.s32 $0x9900  }
0x11b: {  	[tilespmem:s15], [sflag:$0x2] =	stream.indirect_vreg.gather [hbm4b:s6+s3], $0x80, v4, vm0, $0xb8;
	[tilespmem:$0x10100] =	vst v63  }
0x11c: {  	s25 =	simm.s32 $0xA100  }
0x11d: {  	[tilespmem:s25], [sflag:$0x2] =	stream.indirect_vreg.gather [hbm4b:s7+s3], $0x80, v4, vm0, $0xb8;
	[tilespmem:$0x10100] =	vst v63  }
0x11e: {  	s31 =	simm.s32 $0xA900;
	v3 =	vperm.xlane v3, v2  }
0x11f: {  	[tilespmem:s31], [sflag:$0x2] =	stream.indirect_vreg.gather [hbm4b:s8+s3], $0x80, v4, vm0, $0xb8;
	[tilespmem:$0x10100] =	vst v63  }
0x120: {  	v3 =	vadd.s32 v1, v3;
	s31 =	simm.s32 $0xB100  }
0x121: {  	[tilespmem:s31], [sflag:$0x2] =	stream.indirect_vreg.gather [hbm4b:s9+s3], $0x80, v4, vm0, $0xb8;
	[tilespmem:$0x10100] =	vst v63  }
0x122: {  	s18 =	simm.s32 $0xB900  }
0x123: {  	[tilespmem:s18], [sflag:$0x2] =	stream.indirect_vreg.gather [hbm4b:s10+s3], $0x80, v4, vm0, $0xb8;
	[tilespmem:$0x10100] =	vst v63  }
0x124: {  	s19 =	simm.s32 $0xC100  }
0x125: {  	[tilespmem:s19], [sflag:$0x2] =	stream.indirect_vreg.gather [hbm4b:s1+s3], $0x80, v3, vm0, $0xb8;
	[tilespmem:$0x10100] =	vst v63  }
0x126: {  	s20 =	simm.s32 $0xC900  }
0x127: {  	[tilespmem:s20], [sflag:$0x2] =	stream.indirect_vreg.gather [hbm4b:s4+s3], $0x80, v3, vm0, $0xb8;
	[tilespmem:$0x10100] =	vst v63  }
0x128: {  	s21 =	simm.s32 $0xD100  }
0x129: {  	[tilespmem:s21], [sflag:$0x2] =	stream.indirect_vreg.gather [hbm4b:s5+s3], $0x80, v3, vm0, $0xb8;
	[tilespmem:$0x10100] =	vst v63  }
0x12a: {  	s22 =	simm.s32 $0xD900  }
0x12b: {  	[tilespmem:s22], [sflag:$0x2] =	stream.indirect_vreg.gather [hbm4b:s6+s3], $0x80, v3, vm0, $0xb8;
	[tilespmem:$0x10100] =	vst v63  }
0x12c: {  	s23 =	simm.s32 $0xE100  }
0x12d: {  	[tilespmem:s23], [sflag:$0x2] =	stream.indirect_vreg.gather [hbm4b:s7+s3], $0x80, v3, vm0, $0xb8;
	[tilespmem:$0x10100] =	vst v63  }
0x12e: {  	s24 =	simm.s32 $0xE900  }
0x12f: {  	[tilespmem:s24], [sflag:$0x2] =	stream.indirect_vreg.gather [hbm4b:s8+s3], $0x80, v3, vm0, $0xb8;
	[tilespmem:$0x10100] =	vst v63  }
0x130: {  	s25 =	simm.s32 $0xF100  }
0x131: {  	[tilespmem:s25], [sflag:$0x2] =	stream.indirect_vreg.gather [hbm4b:s9+s3], $0x80, v3, vm0, $0xb8;
	[tilespmem:$0x10100] =	vst v63  }
0x132: {  	s16 =	simm.s32 $0xF900  }
0x133: {  	[tilespmem:s16], [sflag:$0x2] =	stream.indirect_vreg.gather [hbm4b:s10+s3], $0x80, v3, vm0, $0xb8;
	[tilespmem:$0x10100] =	vst v63  }
0x134: {  	_ =	swait.ge [sflag:s17], $0x8000  }
0x135: {  	[sflag:s17] =	ssyncset.done $0x0  }
0x136: {  	s16 =	simm.s32 $0x100;
	s2 =	rddreg [dreg:$0xd];
	[sflag:s17] =	ssyncadd.s32 $0xFFFF8000  }
0x137: {  	[hbm4b:s2+s3] =	stream.linear.scatter [tilespmem:s16], [sflag:$0x3], $0x8000, $0x38;
	[tilespmem:$0x10100] =	vst v63  }
0x138: {  	_ =	swait.ge [sflag:s29], $0x8000  }
0x139: {  	[sflag:s29] =	ssyncset.done $0x0  }
0x13a: {  	s2 =	rddreg [dreg:$0xe];
	[sflag:s29] =	ssyncadd.s32 $0xFFFF8000  }
0x13b: {  	[tilespmem:s3], [sflag:$0x5] =	stream.linear.gather [hbm4b:s2+s3], $0x10, $0x38;
	[tilespmem:$0x10100] =	vst v63  }
0x13c: {  	_ =	swait.ge [sflag:s12], $0x10  }
0x13d: {  	[sflag:s12] =	ssyncset.done $0x0  }
0x13e: {  	[sflag:s12] =	ssyncadd.s32 $0xFFFFFFF0  }
0x13f: {  	v3 =	vld [tilespmem:$0x0];
	_ =	sdelay $0x4  }
0x140: {  	v62 =	vshll.u32 v3, $0x4  }
0x141: {  	v3 =	vand.u32 $0x7, v3;
	v4 =	vand.u32 $0xFFFFFF80, v62  }
0x142: {  	v3 =	vor.u32 v3, v4  }
0x143: {  	v4 =	vperm.xlane v3, v0;
	_ =	sdelay $0x1  }
0x144: {  	v4 =	vadd.s32 v1, v4;
	_ =	sdelay $0x4  }
0x145: {  	[tilespmem:s16], [sflag:$0x1] =	stream.indirect_vreg.gather [hbm4b:s1+s3], $0x80, v4, vm0, $0xb8;
	[tilespmem:$0x10100] =	vst v63  }
0x146: {  	s2 =	simm.s32 $0x900  }
0x147: {  	[tilespmem:s2], [sflag:$0x1] =	stream.indirect_vreg.gather [hbm4b:s4+s3], $0x80, v4, vm0, $0xb8;
	[tilespmem:$0x10100] =	vst v63  }
0x148: {  	s2 =	simm.s32 $0x1100  }
0x149: {  	[tilespmem:s2], [sflag:$0x1] =	stream.indirect_vreg.gather [hbm4b:s5+s3], $0x80, v4, vm0, $0xb8;
	[tilespmem:$0x10100] =	vst v63  }
0x14a: {  	s2 =	simm.s32 $0x1900  }
0x14b: {  	[tilespmem:s2], [sflag:$0x1] =	stream.indirect_vreg.gather [hbm4b:s6+s3], $0x80, v4, vm0, $0xb8;
	[tilespmem:$0x10100] =	vst v63  }
0x14c: {  	s2 =	simm.s32 $0x2100  }
0x14d: {  	[tilespmem:s2], [sflag:$0x1] =	stream.indirect_vreg.gather [hbm4b:s7+s3], $0x80, v4, vm0, $0xb8;
	[tilespmem:$0x10100] =	vst v63  }
0x14e: {  	v3 =	vperm.xlane v3, v2;
	s2 =	simm.s32 $0x2900  }
0x14f: {  	[tilespmem:s2], [sflag:$0x1] =	stream.indirect_vreg.gather [hbm4b:s8+s3], $0x80, v4, vm0, $0xb8;
	[tilespmem:$0x10100] =	vst v63  }
0x150: {  	v3 =	vadd.s32 v1, v3;
	s2 =	simm.s32 $0x3100  }
0x151: {  	[tilespmem:s2], [sflag:$0x1] =	stream.indirect_vreg.gather [hbm4b:s9+s3], $0x80, v4, vm0, $0xb8;
	[tilespmem:$0x10100] =	vst v63  }
0x152: {  	s2 =	simm.s32 $0x3900  }
0x153: {  	[tilespmem:s2], [sflag:$0x1] =	stream.indirect_vreg.gather [hbm4b:s10+s3], $0x80, v4, vm0, $0xb8;
	[tilespmem:$0x10100] =	vst v63  }
0x154: {  	s2 =	simm.s32 $0x4100  }
0x155: {  	[tilespmem:s2], [sflag:$0x1] =	stream.indirect_vreg.gather [hbm4b:s1+s3], $0x80, v3, vm0, $0xb8;
	[tilespmem:$0x10100] =	vst v63  }
0x156: {  	s2 =	simm.s32 $0x4900  }
0x157: {  	[tilespmem:s2], [sflag:$0x1] =	stream.indirect_vreg.gather [hbm4b:s4+s3], $0x80, v3, vm0, $0xb8;
	[tilespmem:$0x10100] =	vst v63  }
0x158: {  	s2 =	simm.s32 $0x5100  }
0x159: {  	[tilespmem:s2], [sflag:$0x1] =	stream.indirect_vreg.gather [hbm4b:s5+s3], $0x80, v3, vm0, $0xb8;
	[tilespmem:$0x10100] =	vst v63  }
0x15a: {  	s2 =	simm.s32 $0x5900  }
0x15b: {  	[tilespmem:s2], [sflag:$0x1] =	stream.indirect_vreg.gather [hbm4b:s6+s3], $0x80, v3, vm0, $0xb8;
	[tilespmem:$0x10100] =	vst v63  }
0x15c: {  	s2 =	simm.s32 $0x6100  }
0x15d: {  	[tilespmem:s2], [sflag:$0x1] =	stream.indirect_vreg.gather [hbm4b:s7+s3], $0x80, v3, vm0, $0xb8;
	[tilespmem:$0x10100] =	vst v63  }
0x15e: {  	s2 =	simm.s32 $0x6900  }
0x15f: {  	[tilespmem:s2], [sflag:$0x1] =	stream.indirect_vreg.gather [hbm4b:s8+s3], $0x80, v3, vm0, $0xb8;
	[tilespmem:$0x10100] =	vst v63  }
0x160: {  	s2 =	simm.s32 $0x7100  }
0x161: {  	[tilespmem:s2], [sflag:$0x1] =	stream.indirect_vreg.gather [hbm4b:s9+s3], $0x80, v3, vm0, $0xb8;
	[tilespmem:$0x10100] =	vst v63  }
0x162: {  	s2 =	simm.s32 $0x7900  }
0x163: {  	[tilespmem:s2], [sflag:$0x1] =	stream.indirect_vreg.gather [hbm4b:s10+s3], $0x80, v3, vm0, $0xb8;
	[tilespmem:$0x10100] =	vst v63  }
0x164: {  	_ =	swait.ge [sflag:s30], $0x8000  }
0x165: {  	[sflag:s30] =	ssyncset.done $0x0  }
0x166: {  	s2 =	rddreg [dreg:$0xf];
	[sflag:s30] =	ssyncadd.s32 $0xFFFF8000  }
0x167: {  	[hbm4b:s2+s3] =	stream.linear.scatter [tilespmem:s13], [sflag:$0x4], $0x8000, $0x38;
	[tilespmem:$0x10100] =	vst v63  }
0x168: {  	_ =	swait.ge [sflag:s0], $0x8000  }
0x169: {  	[sflag:s0] =	ssyncset.done $0x0  }
0x16a: {  	s2 =	rddreg [dreg:$0x10];
	[sflag:s0] =	ssyncadd.s32 $0xFFFF8000  }
0x16b: {  	[tilespmem:s28], [sflag:$0x5] =	stream.linear.gather [hbm4b:s2+s3], $0x10, $0x38;
	[tilespmem:$0x10100] =	vst v63  }
0x16c: {  	_ =	swait.ge [sflag:s12], $0x10  }
0x16d: {  	[sflag:s12] =	ssyncset.done $0x0  }
0x16e: {  	[sflag:s12] =	ssyncadd.s32 $0xFFFFFFF0  }
0x16f: {  	v3 =	vld [tilespmem:$0x80];
	_ =	sdelay $0x4  }
0x170: {  	v63 =	vshll.u32 v3, $0x4  }
0x171: {  	v3 =	vand.u32 $0x7, v3;
	v4 =	vand.u32 $0xFFFFFF80, v63  }
0x172: {  	v3 =	vor.u32 v3, v4  }
0x173: {  	v4 =	vperm.xlane v3, v0;
	_ =	sdelay $0x1  }
0x174: {  	v4 =	vadd.s32 v1, v4;
	_ =	sdelay $0x4  }
0x175: {  	[tilespmem:s13], [sflag:$0x2] =	stream.indirect_vreg.gather [hbm4b:s1+s3], $0x80, v4, vm0, $0xb8;
	[tilespmem:$0x10100] =	vst v63  }
0x176: {  	_ = 	snop  }
0x177: {  	[tilespmem:s26], [sflag:$0x2] =	stream.indirect_vreg.gather [hbm4b:s4+s3], $0x80, v4, vm0, $0xb8;
	[tilespmem:$0x10100] =	vst v63  }
0x178: {  	_ = 	snop  }
0x179: {  	[tilespmem:s14], [sflag:$0x2] =	stream.indirect_vreg.gather [hbm4b:s5+s3], $0x80, v4, vm0, $0xb8;
	[tilespmem:$0x10100] =	vst v63  }
0x17a: {  	_ = 	snop  }
0x17b: {  	[tilespmem:s15], [sflag:$0x2] =	stream.indirect_vreg.gather [hbm4b:s6+s3], $0x80, v4, vm0, $0xb8;
	[tilespmem:$0x10100] =	vst v63  }
0x17c: {  	s14 =	simm.s32 $0xA100  }
0x17d: {  	[tilespmem:s14], [sflag:$0x2] =	stream.indirect_vreg.gather [hbm4b:s7+s3], $0x80, v4, vm0, $0xb8;
	[tilespmem:$0x10100] =	vst v63  }
0x17e: {  	v3 =	vperm.xlane v3, v2;
	s15 =	simm.s32 $0xA900  }
0x17f: {  	[tilespmem:s15], [sflag:$0x2] =	stream.indirect_vreg.gather [hbm4b:s8+s3], $0x80, v4, vm0, $0xb8;
	[tilespmem:$0x10100] =	vst v63  }
0x180: {  	v3 =	vadd.s32 v1, v3  }
0x181: {  	[tilespmem:s31], [sflag:$0x2] =	stream.indirect_vreg.gather [hbm4b:s9+s3], $0x80, v4, vm0, $0xb8;
	[tilespmem:$0x10100] =	vst v63  }
0x182: {  	_ = 	snop  }
0x183: {  	[tilespmem:s18], [sflag:$0x2] =	stream.indirect_vreg.gather [hbm4b:s10+s3], $0x80, v4, vm0, $0xb8;
	[tilespmem:$0x10100] =	vst v63  }
0x184: {  	_ = 	snop  }
0x185: {  	[tilespmem:s19], [sflag:$0x2] =	stream.indirect_vreg.gather [hbm4b:s1+s3], $0x80, v3, vm0, $0xb8;
	[tilespmem:$0x10100] =	vst v63  }
0x186: {  	_ = 	snop  }
0x187: {  	[tilespmem:s20], [sflag:$0x2] =	stream.indirect_vreg.gather [hbm4b:s4+s3], $0x80, v3, vm0, $0xb8;
	[tilespmem:$0x10100] =	vst v63  }
0x188: {  	_ = 	snop  }
0x189: {  	[tilespmem:s21], [sflag:$0x2] =	stream.indirect_vreg.gather [hbm4b:s5+s3], $0x80, v3, vm0, $0xb8;
	[tilespmem:$0x10100] =	vst v63  }
0x18a: {  	_ = 	snop  }
0x18b: {  	[tilespmem:s22], [sflag:$0x2] =	stream.indirect_vreg.gather [hbm4b:s6+s3], $0x80, v3, vm0, $0xb8;
	[tilespmem:$0x10100] =	vst v63  }
0x18c: {  	_ = 	snop  }
0x18d: {  	[tilespmem:s23], [sflag:$0x2] =	stream.indirect_vreg.gather [hbm4b:s7+s3], $0x80, v3, vm0, $0xb8;
	[tilespmem:$0x10100] =	vst v63  }
0x18e: {  	_ = 	snop  }
0x18f: {  	[tilespmem:s24], [sflag:$0x2] =	stream.indirect_vreg.gather [hbm4b:s8+s3], $0x80, v3, vm0, $0xb8;
	[tilespmem:$0x10100] =	vst v63  }
0x190: {  	_ = 	snop  }
0x191: {  	[tilespmem:s25], [sflag:$0x2] =	stream.indirect_vreg.gather [hbm4b:s9+s3], $0x80, v3, vm0, $0xb8;
	[tilespmem:$0x10100] =	vst v63  }
0x192: {  	s26 =	simm.s32 $0xF900  }
0x193: {  	[tilespmem:s26], [sflag:$0x2] =	stream.indirect_vreg.gather [hbm4b:s10+s3], $0x80, v3, vm0, $0xb8;
	[tilespmem:$0x10100] =	vst v63  }
0x194: {  	_ =	swait.ge [sflag:s17], $0x8000  }
0x195: {  	[sflag:s17] =	ssyncset.done $0x0  }
0x196: {  	s16 =	simm.s32 $0x100;
	s28 =	rddreg [dreg:$0x11];
	[sflag:s17] =	ssyncadd.s32 $0xFFFF8000  }
0x197: {  	[hbm4b:s28+s3] =	stream.linear.scatter [tilespmem:s16], [sflag:$0x3], $0x8000, $0x38;
	[tilespmem:$0x10100] =	vst v63  }
0x198: {  	_ =	swait.ge [sflag:s30], $0x8000  }
0x199: {  	[sflag:s30] =	ssyncset.done $0x0  }
0x19a: {  	s31 =	rddreg [dreg:$0x12];
	[sflag:s30] =	ssyncadd.s32 $0xFFFF8000  }
0x19b: {  	[hbm4b:s31+s3] =	stream.linear.scatter [tilespmem:s13], [sflag:$0x4], $0x8000, $0x38;
	[tilespmem:$0x10100] =	vst v63  }
0x19c: {  	p0 =	sne.s32 s11, $0x1;
	_ =	swait.ge [sflag:s29], $0x8000  }
.Ltmp0:
0x19d: {  	[sflag:s29] =	ssyncset.done $0x0;
	(pc) =	sbr.rel @p0 .LBB2_1-.Ltmp0, $4  }
0x19e: {  	[sflag:s29] =	ssyncadd.s32 $0xFFFF8000  }
0x19f: {  	_ =	swait.ge [sflag:s0], $0x8000  }
0x1a0: {  	[sflag:s0] =	ssyncset.done $0x0  }
0x1a1: {  	s11 =	sadd.s32 $0xFFFFFFFF, s11;
	[sflag:s0] =	ssyncadd.s32 $0xFFFF8000  }
0x1a2: {  	_ =	sfence.sel $0x180000  }
0x1a3: {  	[bflag:$0x0] =	sbarrier.arrive $0xFFFF  }
0x1a4: {  	_ =	strace $0x9000004A  }
0x1a5: {  	s0 =	stileid.u32;
	[bflag:$0x2] =	sbarrier.arrive $0xFFFF  }
0x1a6: {  	p0 =	sne.s32 s0, $0x0;
	s0 =	rddreg [dreg:$0x2]  }
0x1a7: {  	s0 =	sadd.s32 @!p0 $0x100000, s0  }
0x1a8: {  	[sflag:s0] =	ssyncadd.tile.s32 @!p0 $0x1;
	_ =	shalt  }
.Lfunc_end2:
_tile_overlayer_lowered:
.L_overlay_start_2:
0x1a9: {  	(tag) =	ssettag $0x2  }
0x1aa: {  	s0 =	rddreg [dreg:$0x0];
	s2 =	stileid.u32  }
0x1ab: {  	s1 =	rddreg [dreg:$0x1];
	p0 =	sne.s32 s2, $0x0  }
0x1ac: {  	s3 =	rddreg [dreg:$0x2];
	[bflag:$0x3] =	sbarrier.arrive $0xFFFF;
	s2 =	simm.s32 @!p0 $0x1C05  }
0x1ad: {  	[timem:s3], [sflag:s2] =	dma.local @!p0 [hbm:s0], s1  }
0x1ae: {  	s0 =	simm.s32 @!p0 $0x5  }
0x1af: {  	_ =	swait.ge @!p0 [sflag:s0], s1  }
0x1b0: {  	s1 =	ssub.s32 @!p0 $0x0, s1;
	[sflag:s0] =	ssyncset.done @!p0 $0x0  }
0x1b1: {  	[sflag:s0] =	ssyncadd.s32 @!p0 s1  }
0x1b2: {  	[bflag:$0x3] =	sbarrier.arrive $0xFFFF  }
0x1b3: {  	_ =	shalt  }

// kernel: kernel.16.cloned.1.call-start
scs
__scs_entry_jumppad:
0x0: {  	(pc) =	sbr.rel $0x88, $3  }
0x1: {  	(tag) =	ssettag $0x0;
	lr =	simm.s32 $0x1  }
0x2: {  	[smem:$0x3F96] =	sst lr;
	_ =	strace $0xD0000000  }
0x3: {  	_ = 	snop  }
0x4: {  	_ = 	snop  }
0x5: {  	_ = 	snop  }
0x6: {  	_ = 	snop  }
0x7: {  	_ = 	snop  }
__scs_overlays_trampoline_lowered:
0x8: {  	[smem:$0x3FA5] =	sst s0  }
0x9: {  	[smem:$0x3FA6] =	sst s1  }
0xa: {  	[smem:$0x3FA7] =	sst s2  }
0xb: {  	[smem:$0x3FA8] =	sst s3  }
0xc: {  	[smem:$0x3FA9] =	sst s4  }
0xd: {  	[smem:$0x3FAA] =	sst s5  }
0xe: {  	[smem:$0x3FAB] =	sst s6  }
0xf: {  	[smem:$0x3FAC] =	sst s7  }
0x10: {  	[smem:$0x3FAD] =	sst s8  }
0x11: {  	[smem:$0x3FAE] =	sst s9;
	s0 =	simm.s32 @!p0 $0x0  }
0x12: {  	s1 =	sld [smem:$0x3F94];
	s0 =	simm.s32 @p0 $0x1  }
0x13: {  	[smem:$0x3FAF] =	sst s0;
	s0 =	simm.s32 @!p1 $0x0  }
0x14: {  	s2 =	sld [smem:$0x3F93];
	s0 =	simm.s32 @p1 $0x1  }
0x15: {  	[smem:$0x3FB0] =	sst s0;
	s0 =	simm.s32 @!p2 $0x0  }
0x16: {  	s3 =	sld [smem:$0x3FDB];
	s0 =	simm.s32 @p2 $0x1  }
0x17: {  	s4 =	simm.s32 $0x1BF5;
	[smem:$0x3FB2] =	sst s0  }
0x18: {  	s0 =	sld [smem:$0x3F95];
	_ =	swait.ge [sflag:s4], $0x0  }
0x19: {  	s7 =	sld [smem:$0x3F96]  }
0x1a: {  	s8 =	sadd.s32 $0xFFFFE003, lr  }
0x1b: {  	s9 =	sadd.s32 $0xFFFFFEF7, lr;
	s5 =	simm.s32 $0xFFFFFFFF;
	p2 =	slt.u32 s8, $0xFFFFF086  }
0x1c: {  	p1 =	slt.u32 s9, $0xF7A;
	s5 =	simm.s32 @!p2 $0x0  }
0x1d: {  	s5 =	simm.s32 @p1 $0x1;
	p0 =	seq.s32 s7, s2  }
0x1e: {  	s7 =	smul.u32 @!p0 $0xF7A, s2;
	p2 =	seq.s32 @!p0 s5, $0x0  }
0x1f: {  	s9 =	smul.u32 $0xF7A, s1;
	s8 =	simm.s32 @!p0 $0x1BF5;
	p2 =	por !p2, p0  }
0x20: {  	[sflag:s8] =	ssyncset.s32 @!p0 $0xFFFFF086;
	s6 =	sadd.s32 @!p0 s3, s7;
	s7 =	simm.s32 @!p0 $0x108  }
0x21: {  	s3 =	sadd.s32 s3, s9;
	s6 =	sadd.s32 @!p0 $0x88, s6;
	s7 =	simm.s32 @p2 $0x1082  }
0x22: {  	[simem:s7], [sflag:s8] =	dma.local @!p0 [hbm:s6], $0xF7A  }
0x23: {  	s9 =	sor.u32 $0xD0000000, s2;
	s6 =	simm.s32 $0x108;
	_ =	swait.ge @!p0 [sflag:s8], $0x0  }
0x24: {  	s3 =	sadd.s32 $0x88, s3;
	s6 =	simm.s32 @!p1 $0x1082;
	[sflag:s4] =	ssyncset.s32 $0xFFFFF086  }
0x25: {  	[simem:s6], [sflag:s4] =	dma.local [hbm:s3], $0xF7A  }
0x26: {  	[smem:$0x3F96] =	sst s1;
	(tag) =	ssettag s2;
	_ =	strace s9  }
0x27: {  	s1 =	sld [smem:$0x3FA6]  }
0x28: {  	s2 =	sld [smem:$0x3FA7]  }
0x29: {  	s4 =	sld [smem:$0x3FA9]  }
0x2a: {  	p0 =	seq.s32 s5, $0x0;
	s5 =	sld [smem:$0x3FAA]  }
0x2b: {  	s6 =	sld [smem:$0x3FAB]  }
0x2c: {  	s7 =	sld [smem:$0x3FAC]  }
0x2d: {  	s3 =	simm.s32 $0x108;
	s8 =	sld [smem:$0x3FAD]  }
0x2e: {  	s3 =	simm.s32 @!p0 $0x1082;
	s9 =	sld [smem:$0x3FAE]  }
0x2f: {  	lr =	sadd.s32 s0, s3;
	s0 =	sld [smem:$0x3FA5]  }
0x30: {  	s3 =	sld [smem:$0x3FA8]  }
0x31: {  	[smem:$0x3FB1] =	sst s10  }
0x32: {  	s10 =	sld [smem:$0x3FAF];
	_ =	sdelay $0x3  }
0x33: {  	p0 =	seq.s32 s10, $0x1;
	s10 =	sld [smem:$0x3FB1];
	_ =	sdelay $0x3  }
0x34: {  	[smem:$0x3FB1] =	sst s10  }
0x35: {  	s10 =	sld [smem:$0x3FB0];
	_ =	sdelay $0x3  }
0x36: {  	p1 =	seq.s32 s10, $0x1;
	s10 =	sld [smem:$0x3FB1];
	_ =	sdelay $0x3  }
0x37: {  	[smem:$0x3FB1] =	sst s10  }
0x38: {  	s10 =	sld [smem:$0x3FB2]  }
0x39: {  	_ = 	snop;
	(pc) =	sbr.ind lr, $3  }
0x3a: {  	_ = 	snop  }
0x3b: {  	_ = 	snop  }
0x3c: {  	p2 =	seq.s32 s10, $0x1;
	s10 =	sld [smem:$0x3FB1]  }
0x3d: {  	_ =	shalt  }
0x3e: {  	_ =	shalt  }
0x3f: {  	_ =	shalt  }
0x40: {  	_ =	shalt  }
0x41: {  	_ =	shalt  }
0x42: {  	_ =	shalt  }
0x43: {  	_ =	shalt  }
0x44: {  	_ =	shalt  }
0x45: {  	_ =	shalt  }
0x46: {  	_ =	shalt  }
0x47: {  	_ =	shalt  }
0x48: {  	_ =	shalt  }
0x49: {  	_ =	shalt  }
0x4a: {  	_ =	shalt  }
0x4b: {  	_ =	shalt  }
0x4c: {  	_ =	shalt  }
0x4d: {  	_ =	shalt  }
0x4e: {  	_ =	shalt  }
0x4f: {  	_ =	shalt  }
0x50: {  	_ =	shalt  }
0x51: {  	_ =	shalt  }
0x52: {  	_ =	shalt  }
0x53: {  	_ =	shalt  }
0x54: {  	_ =	shalt  }
0x55: {  	_ =	shalt  }
0x56: {  	_ =	shalt  }
0x57: {  	_ =	shalt  }
0x58: {  	_ =	shalt  }
0x59: {  	_ =	shalt  }
0x5a: {  	_ =	shalt  }
0x5b: {  	_ =	shalt  }
0x5c: {  	_ =	shalt  }
0x5d: {  	_ =	shalt  }
0x5e: {  	_ =	shalt  }
0x5f: {  	_ =	shalt  }
0x60: {  	_ =	shalt  }
0x61: {  	_ =	shalt  }
0x62: {  	_ =	shalt  }
0x63: {  	_ =	shalt  }
0x64: {  	_ =	shalt  }
0x65: {  	_ =	shalt  }
0x66: {  	_ =	shalt  }
0x67: {  	_ =	shalt  }
0x68: {  	_ =	shalt  }
0x69: {  	_ =	shalt  }
0x6a: {  	_ =	shalt  }
0x6b: {  	_ =	shalt  }
0x6c: {  	_ =	shalt  }
0x6d: {  	_ =	shalt  }
0x6e: {  	_ =	shalt  }
0x6f: {  	_ =	shalt  }
0x70: {  	_ =	shalt  }
0x71: {  	_ =	shalt  }
0x72: {  	_ =	shalt  }
0x73: {  	_ =	shalt  }
0x74: {  	_ =	shalt  }
0x75: {  	_ =	shalt  }
0x76: {  	_ =	shalt  }
0x77: {  	_ =	shalt  }
0x78: {  	_ =	shalt  }
0x79: {  	_ =	shalt  }
0x7a: {  	_ =	shalt  }
0x7b: {  	_ =	shalt  }
0x7c: {  	_ =	shalt  }
0x7d: {  	_ =	shalt  }
0x7e: {  	_ =	shalt  }
0x7f: {  	_ =	shalt  }
0x80: {  	_ =	shalt  }
0x81: {  	_ =	shalt  }
0x82: {  	_ =	shalt  }
0x83: {  	_ =	shalt  }
0x84: {  	_ =	shalt  }
0x85: {  	_ =	shalt  }
0x86: {  	_ =	shalt  }
0x87: {  	_ =	shalt  }
.Lfunc_end0:
.L_simem_size_0:
called_computation.2_lowered:
.L_overlay_start_0:
0x88: {  	s2 =	sld [smem:$0x3FD9]  }
0x89: {  	s3 =	sld [smem:$0x3FFE];
	_ =	sdelay $0x1  }
0x8a: {  	s1 =	srdreg.scid  }
0x8b: {  	s0 =	sand.u32 $0x1, s1  }
0x8c: {  	s17 =	sshll.u32 s0, $0xA;
	s2 =	sadd.s32 s3, s2  }
0x8d: {  	s2 =	sadd.s32 s2, s17  }
0x8e: {  	[smem:$0x3FBD] =	sst s2  }
0x8f: {  	_ = 	snop  }
0x90: {  	s2 =	sld [smem:$0x3FD0];
	(tm) =	ssettm $0x1  }
0x91: {  	s18 =	sld [smem:$0x3FFB];
	_ =	sdelay $0x3  }
0x92: {  	_ =	strace s18  }
0x93: {  	s3 =	sld [smem:$0x3FFC];
	_ =	sdelay $0x3  }
0x94: {  	_ =	strace s3  }
0x95: {  	s3 =	sld [smem:$0x3FFD];
	_ =	sdelay $0x3  }
0x96: {  	_ =	strace s3  }
0x97: {  	_ =	strace $0x8FFFFFFF  }
0x98: {  	s19 =	sld [smem:$0x3FDB];
	_ =	sdelay $0x1  }
0x99: {  	s4 =	simm.s32 $_scs_section_size  }
0x9a: {  	s5 =	simm.s32 $_size__tile_overlayer_lowered;
	s6 =	simm.s32 $_tile_overlayer_lowered  }
0x9b: {  	s22 =	simm.s32 $0x1BFF;
	s21 =	sshll.u32 s6, $0x1;
	s3 =	sadd.s32 s4, s19  }
0x9c: {  	s7 =	simm.s32 $0x0;
	s20 =	sshll.u32 s5, $0x1;
	s5 =	sadd.s32 s21, s3  }
0x9d: {  	[timem:s7], [sflag:s22] =	dma.local [hbm:s5], s20  }
0x9e: {  	_ =	swait.ge [sflag:s22], s20  }
0x9f: {  	s4 =	ssub.s32 $0x0, s20;
	[sflag:s22] =	ssyncset.done $0x0  }
0xa0: {  	[sflag:s22] =	ssyncadd.s32 s4;
	_ =	sdelay $0x1  }
0xa1: {  	s23 =	simm.s32 $0x1B8B  }
0xa2: {  	_ =	swait.ge [sflag:s23], $0x1  }
0xa3: {  	[sflag:s23] =	ssyncset.done $0x0  }
0xa4: {  	s25 =	simm.s32 $0x1B8E;
	s24 =	sld [smem:$0x3FFE];
	[sflag:s23] =	ssyncadd.s32 $0xFFFFFFFF  }
0xa5: {  	s26 =	simm.s32 $execute0_lowered;
	[smem:$0x3FD2] =	sst s25  }
0xa6: {  	s5 =	sshll.u32 s26, $0x1;
	_ =	strace $0x8000004C;
	[dreg:$0x1] =	wrdreg $0xFFFFFFFF  }
0xa7: {  	s28 =	simm.s32 $_size_execute0_lowered;
	s3 =	sadd.s32 s3, s5;
	[dreg:$0x0] =	wrdreg $0x0  }
0xa8: {  	s5 =	sshll.u32 s28, $0x1;
	[dreg:$0x2] =	wrdreg s3  }
0xa9: {  	[dreg:$0x3] =	wrdreg s5  }
0xaa: {  	[dreg:$0x4] =	wrdreg $0xC0  }
0xab: {  	_ =	task [dreg:s7], $0x5FFFF  }
0xac: {  	[dreg:$0x1] =	wrdreg $0xFFFFFFFF  }
0xad: {  	[dreg:$0x0] =	wrdreg $0x60  }
0xae: {  	[dreg:$0x2] =	wrdreg s2  }
0xaf: {  	[dreg:$0x3] =	wrdreg s24  }
0xb0: {  	[dreg:$0x4] =	wrdreg $0x9  }
0xb1: {  	_ =	task.clear_ibuf [dreg:s7], $0x5FFFF;
	_ =	strace $0x9000004C  }
0xb2: {  	s29 =	simm.s32 $0x9;
	_ =	strace $0x8000004E  }
0xb3: {  	_ =	swait.ge [sflag:s29], $0x1  }
0xb4: {  	[sflag:s29] =	ssyncadd.s32 $0xFFFFFFFF  }
0xb5: {  	_ =	strace $0x9000004E  }
0xb6: {  	_ =	sfence  }
0xb7: {  	s30 =	sld [smem:$0x0];
	_ =	sdelay $0x2  }
0xb8: {  	s31 =	sshll.u32 s1, $0xD;
	s1 =	sshrl.u32 s1, $0x2  }
0xb9: {  	s3 =	sand.u32 $0x4000, s31;
	s1 =	sadd.s32 s1, s30  }
0xba: {  	s0 =	sor.u32 s3, s0;
	s1 =	sshll.u32 s1, $0x11  }
0xbb: {  	s0 =	sor.u32 s1, s0  }
0xbc: {  	s0 =	sadd.s32 $0x8F2B, s0  }
0xbd: {  	[sflag:s0] =	ssyncadd.remote.s32 $0x1  }
0xbe: {  	_ =	sfence.sel $0xFFFF  }
0xbf: {  	[dreg:$0x0] =	wrdreg $0xFFFFFFFF;
	(pc) =	sbr.abs _section_cstart, $3  }
0xc0: {  	[dreg:$0x1] =	wrdreg $0xFFFFFFFF  }
0xc1: {  	_ =	task.clear_ibuf [dreg:s7], $0x2FFFF;
	_ =	strace $0x9FFFFFFF  }
0xc2: {  	(tm) =	ssettm $0x7FFFFFFF  }
0xc3: {  	_ =	shalt  }
tec
execute0_lowered:
.L_overlay_start_1:
0x0: {  	(tag) =	ssettag $0x1  }
0x1: {  	s1 =	rddreg [dreg:$0x0]  }
0x2: {  	s0 =	rddreg [dreg:$0x1];
	s2 =	simm.s32 $0x0;
	s3 =	srdreg.scid  }
0x3: {  	s6 =	stileid.u32;
	s29 =	simm.s32 $0x7;
	s30 =	simm.s32 $0x6  }
0x4: {  	s31 =	simm.s32 $0x0;
	[smem:$0x7FF] =	sst s2;
	s4 =	sadd.s32 $0x4200, s0  }
0x5: {  	s3 =	sand.u32 $0x1, s3;
	s6 =	sshll.u32 s6, $0x7;
	s0 =	sadd.s32 $0x4000, s0  }
0x6: {  	s28 =	sadd.s32 $0x700, s1;
	s5 =	ssub.s32 $0x2, s3;
	s3 =	sshll.u32 s3, $0x6  }
0x7: {  	_ =	strace $0x8000004D;
	s7 =	sshrl.u32 s5, $0x1;
	s3 =	sor.u32 s3, s6  }
0x8: {  	s6 =	sadd.s32 $0x200, s1;
	s8 =	ssub.s32 s5, s7;
	s19 =	sshrl.u32 s3, $0x3  }
0x9: {  	s9 =	sor.u32 $0x8, s3;
	s7 =	sadd.s32 $0x300, s1;
	s20 =	sor.u32 $0x10, s3  }
0xa: {  	s11 =	sor.u32 $0x18, s3;
	s12 =	sor.u32 $0x20, s3;
	s23 =	sor.u32 $0x28, s3  }
0xb: {  	s24 =	sor.u32 $0x30, s3;
	s16 =	sor.u32 $0x38, s3;
	s3 =	sshll.u32 s3, $0x8  }
0xc: {  	s5 =	sadd.s32 s0, s19;
	s10 =	sshrl.u32 s9, $0x3;
	s13 =	sshrl.u32 s20, $0x3  }
0xd: {  	s14 =	sshrl.u32 s11, $0x3;
	s15 =	sshrl.u32 s12, $0x3;
	s25 =	sshrl.u32 s23, $0x3  }
0xe: {  	s17 =	sshrl.u32 s24, $0x3;
	s18 =	sshrl.u32 s16, $0x3;
	s9 =	sshll.u32 s9, $0x8  }
0xf: {  	s19 =	sshll.u32 s11, $0x8;
	[dreg:$0x3] =	wrdreg s5;
	s10 =	sadd.s32 s0, s10  }
0x10: {  	s11 =	simm.s32 $0x6900;
	s13 =	sadd.s32 s0, s13;
	[dreg:$0x4] =	wrdreg s10  }
0x11: {  	s5 =	sadd.s32 $0x100, s1;
	s21 =	sadd.s32 s0, s14;
	[dreg:$0x5] =	wrdreg s13  }
0x12: {  	s22 =	sadd.s32 s0, s15;
	s15 =	sadd.s32 s0, s25;
	[dreg:$0x6] =	wrdreg s21  }
0x13: {  	s26 =	sadd.s32 s0, s17;
	s0 =	sadd.s32 s0, s18;
	[dreg:$0x7] =	wrdreg s22  }
0x14: {  	s17 =	sadd.s32 s4, s9;
	s18 =	sshll.u32 s20, $0x8;
	[dreg:$0x8] =	wrdreg s15  }
0x15: {  	s20 =	sshll.u32 s12, $0x8;
	s14 =	simm.s32 $0x100;
	[dreg:$0x9] =	wrdreg s26  }
0x16: {  	s9 =	simm.s32 $0x5100;
	s12 =	simm.s32 $0x7100;
	[dreg:$0xa] =	wrdreg s0  }
0x17: {  	s15 =	sadd.s32 $0x400, s1;
	s0 =	sadd.s32 s4, s3;
	[dreg:$0xc] =	wrdreg s17  }
0x18: {  	s21 =	sadd.s32 s4, s20;
	s22 =	sshll.u32 s23, $0x8;
	s23 =	sshll.u32 s24, $0x8  }
0x19: {  	s24 =	sshll.u32 s16, $0x8;
	s26 =	smax.u32 s8, $0x1;
	s16 =	simm.s32 $0x900  }
0x1a: {  	s17 =	simm.s32 $0x1100;
	s20 =	simm.s32 $0x2900;
	s8 =	simm.s32 $0x4900  }
0x1b: {  	s10 =	simm.s32 $0x5900;
	s13 =	simm.s32 $0x6100;
	[dreg:$0xb] =	wrdreg s0  }
0x1c: {  	s0 =	sadd.s32 s4, s18;
	[dreg:$0xf] =	wrdreg s21;
	s25 =	sadd.s32 s4, s24  }
0x1d: {  	s24 =	sadd.s32 $0x500, s1;
	[dreg:$0x13] =	wrdreg s26;
	s26 =	sadd.s32 $0x600, s1  }
0x1e: {  	s18 =	simm.s32 $0x1900;
	s21 =	simm.s32 $0x3100;
	[dreg:$0xd] =	wrdreg s0  }
0x1f: {  	s0 =	sadd.s32 s4, s19;
	[dreg:$0x12] =	wrdreg s25;
	s19 =	simm.s32 $0x2100  }
0x20: {  	v0 =	vlaneseq.u32;
	s25 =	simm.s32 $0x8100;
	[dreg:$0xe] =	wrdreg s0;
	s0 =	sadd.s32 s4, s22  }
0x21: {  	v1 =	vshrl.u32 v0, $0x3;
	s22 =	simm.s32 $0x7900;
	[dreg:$0x10] =	wrdreg s0;
	s0 =	sadd.s32 s4, s23  }
0x22: {  	vm0 =	vmmov $0xffff;
	v0 =	vand.u32 $0x7, v0;
	v1 =	vmul.u32 $0x8, v1;
	s23 =	simm.s32 $0x3900;
	s4 =	simm.s32 $0x4100;
	[dreg:$0x11] =	wrdreg s0  }
.LBB2_1:
0x23: {  	s0 =	rddreg [dreg:$0x3]  }
0x24: {  	[tilespmem:s2], [sflag:$0x7] =	stream.linear.gather [hbm4b:s0+s2], $0x8, $0x38;
	[tilespmem:$0x10100] =	vst v63  }
0x25: {  	_ =	swait.ge [sflag:s29], $0x8  }
0x26: {  	[sflag:s29] =	ssyncset.done $0x0  }
0x27: {  	[sflag:s29] =	ssyncadd.s32 $0xFFFFFFF8  }
0x28: {  	v2 =	vld.msk [tilespmem:$0x0], $0xff;
	_ =	sdelay $0x4  }
0x29: {  	v3 =	vshll.u32 v2, $0x4  }
0x2a: {  	v2 =	vand.u32 $0x7, v2;
	v3 =	vand.u32 $0xFFFFFF80, v3  }
0x2b: {  	v2 =	vor.u32 v2, v3  }
0x2c: {  	v2 =	vperm.xlane v2, v0;
	_ =	sdelay $0x1  }
0x2d: {  	v2 =	vadd.s32 v1, v2;
	_ =	sdelay $0x4  }
0x2e: {  	[tilespmem:s14], [sflag:$0x1] =	stream.indirect_vreg.gather [hbm4b:s1+s2], $0x80, v2, vm0, $0xb8;
	[tilespmem:$0x10100] =	vst v63  }
0x2f: {  	_ = 	snop  }
0x30: {  	[tilespmem:s16], [sflag:$0x1] =	stream.indirect_vreg.gather [hbm4b:s5+s2], $0x80, v2, vm0, $0xb8;
	[tilespmem:$0x10100] =	vst v63  }
0x31: {  	_ = 	snop  }
0x32: {  	[tilespmem:s17], [sflag:$0x1] =	stream.indirect_vreg.gather [hbm4b:s6+s2], $0x80, v2, vm0, $0xb8;
	[tilespmem:$0x10100] =	vst v63  }
0x33: {  	_ = 	snop  }
0x34: {  	[tilespmem:s18], [sflag:$0x1] =	stream.indirect_vreg.gather [hbm4b:s7+s2], $0x80, v2, vm0, $0xb8;
	[tilespmem:$0x10100] =	vst v63  }
0x35: {  	_ = 	snop  }
0x36: {  	[tilespmem:s19], [sflag:$0x1] =	stream.indirect_vreg.gather [hbm4b:s15+s2], $0x80, v2, vm0, $0xb8;
	[tilespmem:$0x10100] =	vst v63  }
0x37: {  	_ = 	snop  }
0x38: {  	[tilespmem:s20], [sflag:$0x1] =	stream.indirect_vreg.gather [hbm4b:s24+s2], $0x80, v2, vm0, $0xb8;
	[tilespmem:$0x10100] =	vst v63  }
0x39: {  	_ = 	snop  }
0x3a: {  	[tilespmem:s21], [sflag:$0x1] =	stream.indirect_vreg.gather [hbm4b:s26+s2], $0x80, v2, vm0, $0xb8;
	[tilespmem:$0x10100] =	vst v63  }
0x3b: {  	_ = 	snop  }
0x3c: {  	[tilespmem:s23], [sflag:$0x1] =	stream.indirect_vreg.gather [hbm4b:s28+s2], $0x80, v2, vm0, $0xb8;
	[tilespmem:$0x10100] =	vst v63  }
0x3d: {  	s17 =	rddreg [dreg:$0xb]  }
0x3e: {  	[tilespmem:s25], [sflag:$0x3] =	stream.linear.gather [hbm4b:s17+s2], $0x4000, $0x38;
	[tilespmem:$0x10100] =	vst v63  }
0x3f: {  	s3 =	simm.s32 $0x80;
	s18 =	rddreg [dreg:$0x4]  }
0x40: {  	[tilespmem:s3], [sflag:$0x7] =	stream.linear.gather [hbm4b:s18+s2], $0x8, $0x38;
	[tilespmem:$0x10100] =	vst v63  }
0x41: {  	_ =	swait.ge [sflag:s29], $0x8  }
0x42: {  	[sflag:s29] =	ssyncset.done $0x0  }
0x43: {  	[sflag:s29] =	ssyncadd.s32 $0xFFFFFFF8  }
0x44: {  	v2 =	vld.msk [tilespmem:$0x80], $0xff;
	_ =	sdelay $0x4  }
0x45: {  	v3 =	vshll.u32 v2, $0x4  }
0x46: {  	v2 =	vand.u32 $0x7, v2;
	v3 =	vand.u32 $0xFFFFFF80, v3  }
0x47: {  	v2 =	vor.u32 v2, v3  }
0x48: {  	v2 =	vperm.xlane v2, v0;
	_ =	sdelay $0x1  }
0x49: {  	v2 =	vadd.s32 v1, v2;
	_ =	sdelay $0x4  }
0x4a: {  	[tilespmem:s4], [sflag:$0x2] =	stream.indirect_vreg.gather [hbm4b:s1+s2], $0x80, v2, vm0, $0xb8;
	[tilespmem:$0x10100] =	vst v63  }
0x4b: {  	_ = 	snop  }
0x4c: {  	[tilespmem:s8], [sflag:$0x2] =	stream.indirect_vreg.gather [hbm4b:s5+s2], $0x80, v2, vm0, $0xb8;
	[tilespmem:$0x10100] =	vst v63  }
0x4d: {  	_ = 	snop  }
0x4e: {  	[tilespmem:s9], [sflag:$0x2] =	stream.indirect_vreg.gather [hbm4b:s6+s2], $0x80, v2, vm0, $0xb8;
	[tilespmem:$0x10100] =	vst v63  }
0x4f: {  	_ = 	snop  }
0x50: {  	[tilespmem:s10], [sflag:$0x2] =	stream.indirect_vreg.gather [hbm4b:s7+s2], $0x80, v2, vm0, $0xb8;
	[tilespmem:$0x10100] =	vst v63  }
0x51: {  	_ = 	snop  }
0x52: {  	[tilespmem:s13], [sflag:$0x2] =	stream.indirect_vreg.gather [hbm4b:s15+s2], $0x80, v2, vm0, $0xb8;
	[tilespmem:$0x10100] =	vst v63  }
0x53: {  	_ = 	snop  }
0x54: {  	[tilespmem:s11], [sflag:$0x2] =	stream.indirect_vreg.gather [hbm4b:s24+s2], $0x80, v2, vm0, $0xb8;
	[tilespmem:$0x10100] =	vst v63  }
0x55: {  	_ = 	snop  }
0x56: {  	[tilespmem:s12], [sflag:$0x2] =	stream.indirect_vreg.gather [hbm4b:s26+s2], $0x80, v2, vm0, $0xb8;
	[tilespmem:$0x10100] =	vst v63  }
0x57: {  	_ = 	snop  }
0x58: {  	[tilespmem:s22], [sflag:$0x2] =	stream.indirect_vreg.gather [hbm4b:s28+s2], $0x80, v2, vm0, $0xb8;
	[tilespmem:$0x10100] =	vst v63  }
0x59: {  	s20 =	simm.s32 $0x1;
	s19 =	rddreg [dreg:$0xc];
	s22 =	simm.s32 $0xC100  }
0x5a: {  	[tilespmem:s22], [sflag:$0x4] =	stream.linear.gather [hbm4b:s19+s2], $0x4000, $0x38;
	[tilespmem:$0x10100] =	vst v63  }
0x5b: {  	_ =	swait.ge [sflag:s20], $0x4000  }
0x5c: {  	s23 =	simm.s32 $0x3;
	s17 =	simm.s32 $0x4100;
	[sflag:s20] =	ssyncset.done $0x0  }
0x5d: {  	s18 =	simm.s32 $0x4900;
	s4 =	simm.s32 $0x0;
	[sflag:s20] =	ssyncadd.s32 $0xFFFFC000  }
0x5e: {  	s9 =	simm.s32 $0x140;
	s13 =	simm.s32 $0x8140;
	_ =	swait.ge [sflag:s23], $0x4000  }
0x5f: {  	s12 =	simm.s32 $0x7900;
	s19 =	simm.s32 $0x5100;
	[sflag:s23] =	ssyncset.done $0x0  }
0x60: {  	s20 =	simm.s32 $0x5900;
	[sflag:s23] =	ssyncadd.s32 $0xFFFFC000;
	s23 =	simm.s32 $0x6100  }
.LBB2_2:
0x61: {  	v2 =	vld [tilespmem:s9+$0xFFFFFFC0]  }
0x62: {  	v3 =	vld [tilespmem:s13+$0xFFFFFFC0];
	_ =	sdelay $0x4  }
0x63: {  	v2 =	vadd.f32 v3, v2;
	_ =	sdelay $0x1  }
0x64: {  	[tilespmem:s9+$0xFFFFFFC0] =	vst v2;
	v2 =	vld [tilespmem:s9+$0xFFFFFFD0]  }
0x65: {  	v3 =	vld [tilespmem:s13+$0xFFFFFFD0];
	_ =	sdelay $0x4  }
0x66: {  	v2 =	vadd.f32 v3, v2;
	_ =	sdelay $0x1  }
0x67: {  	[tilespmem:s9+$0xFFFFFFD0] =	vst v2;
	v2 =	vld [tilespmem:s9+$0xFFFFFFE0]  }
0x68: {  	v3 =	vld [tilespmem:s13+$0xFFFFFFE0];
	_ =	sdelay $0x4  }
0x69: {  	v2 =	vadd.f32 v3, v2;
	_ =	sdelay $0x1  }
0x6a: {  	[tilespmem:s9+$0xFFFFFFE0] =	vst v2;
	v2 =	vld [tilespmem:s9+$0xFFFFFFF0]  }
0x6b: {  	v3 =	vld [tilespmem:s13+$0xFFFFFFF0];
	_ =	sdelay $0x4  }
0x6c: {  	v2 =	vadd.f32 v3, v2;
	_ =	sdelay $0x1  }
0x6d: {  	[tilespmem:s9+$0xFFFFFFF0] =	vst v2;
	v2 =	vld [tilespmem:s9+$0x0]  }
0x6e: {  	v3 =	vld [tilespmem:s13+$0x0];
	_ =	sdelay $0x4  }
0x6f: {  	v2 =	vadd.f32 v3, v2;
	_ =	sdelay $0x1  }
0x70: {  	[tilespmem:s9+$0x0] =	vst v2;
	v2 =	vld [tilespmem:s9+$0x10]  }
0x71: {  	v3 =	vld [tilespmem:s13+$0x10];
	_ =	sdelay $0x4  }
0x72: {  	v2 =	vadd.f32 v3, v2;
	_ =	sdelay $0x1  }
0x73: {  	[tilespmem:s9+$0x10] =	vst v2;
	v2 =	vld [tilespmem:s9+$0x20]  }
0x74: {  	v3 =	vld [tilespmem:s13+$0x20];
	_ =	sdelay $0x4  }
0x75: {  	v2 =	vadd.f32 v3, v2;
	_ =	sdelay $0x1  }
0x76: {  	[tilespmem:s9+$0x20] =	vst v2;
	v2 =	vld [tilespmem:s9+$0x30]  }
0x77: {  	v3 =	vld [tilespmem:s13+$0x30];
	_ =	sdelay $0x4  }
0x78: {  	s8 =	simm.s32 $0x0;
	v2 =	vadd.f32 v3, v2  }
0x79: {  	s10 =	sadd.s32 $0x400, s9;
	s0 =	smov.u32 s9;
	s3 =	smov.u32 s13  }
.LBB2_3:
0x7a: {  	v3 =	vld [tilespmem:s10+$0xFFFFFFC0];
	[tilespmem:s0+$0x30] =	vst v2;
	s3 =	sadd.s32 $0x400, s3;
	s0 =	smov.u32 s10  }
0x7b: {  	s8 =	sadd.s32 $0x8, s8;
	v2 =	vld [tilespmem:s3+$0xFFFFFFC0]  }
0x7c: {  	p0 =	slt.u32 s8, $0x78;
	_ =	sdelay $0x3  }
0x7d: {  	v2 =	vadd.f32 v2, v3;
	_ =	sdelay $0x1  }
0x7e: {  	[tilespmem:s10+$0xFFFFFFC0] =	vst v2;
	v2 =	vld [tilespmem:s10+$0xFFFFFFD0]  }
0x7f: {  	v3 =	vld [tilespmem:s3+$0xFFFFFFD0];
	_ =	sdelay $0x4  }
0x80: {  	v2 =	vadd.f32 v3, v2;
	_ =	sdelay $0x1  }
0x81: {  	[tilespmem:s10+$0xFFFFFFD0] =	vst v2;
	v2 =	vld [tilespmem:s10+$0xFFFFFFE0]  }
0x82: {  	v3 =	vld [tilespmem:s3+$0xFFFFFFE0];
	_ =	sdelay $0x4  }
0x83: {  	v2 =	vadd.f32 v3, v2;
	_ =	sdelay $0x1  }
0x84: {  	[tilespmem:s10+$0xFFFFFFE0] =	vst v2;
	v2 =	vld [tilespmem:s10+$0xFFFFFFF0]  }
0x85: {  	v3 =	vld [tilespmem:s3+$0xFFFFFFF0];
	_ =	sdelay $0x4  }
0x86: {  	v2 =	vadd.f32 v3, v2;
	_ =	sdelay $0x1  }
0x87: {  	[tilespmem:s10+$0xFFFFFFF0] =	vst v2;
	v2 =	vld [tilespmem:s10+$0x0]  }
0x88: {  	v3 =	vld [tilespmem:s3+$0x0];
	_ =	sdelay $0x4  }
0x89: {  	v2 =	vadd.f32 v3, v2;
	_ =	sdelay $0x1  }
0x8a: {  	[tilespmem:s10+$0x0] =	vst v2;
	v2 =	vld [tilespmem:s10+$0x10]  }
0x8b: {  	v3 =	vld [tilespmem:s3+$0x10];
	_ =	sdelay $0x4  }
0x8c: {  	v2 =	vadd.f32 v3, v2;
	_ =	sdelay $0x1  }
0x8d: {  	[tilespmem:s10+$0x10] =	vst v2;
	v2 =	vld [tilespmem:s10+$0x20]  }
0x8e: {  	v3 =	vld [tilespmem:s3+$0x20];
	_ =	sdelay $0x4  }
0x8f: {  	v2 =	vadd.f32 v3, v2;
	_ =	sdelay $0x1  }
0x90: {  	[tilespmem:s10+$0x20] =	vst v2;
	v2 =	vld [tilespmem:s10+$0x30]  }
0x91: {  	v3 =	vld [tilespmem:s3+$0x30];
	_ =	sdelay $0x1  }
.Ltmp0:
0x92: {  	(pc) =	sbr.rel @p0 .LBB2_3-.Ltmp0, $3  }
0x93: {  	_ =	sdelay $0x1  }
0x94: {  	v2 =	vadd.f32 v3, v2  }
0x95: {  	s10 =	sadd.s32 $0x400, s10  }
0x96: {  	s4 =	sadd.s32 $0x1, s4  }
0x97: {  	p0 =	sne.s32 s4, $0x8  }
.Ltmp1:
0x98: {  	_ = 	snop;
	(pc) =	sbr.rel @p0 .LBB2_2-.Ltmp1, $2  }
0x99: {  	_ =	sdelay $0x2  }
0x9a: {  	[tilespmem:s0+$0x30] =	vst v2;
	s9 =	sadd.s32 $0x80, s9;
	s13 =	sadd.s32 $0x80, s13  }
0x9b: {  	v2 =	vld.msk [tilespmem:$0x0], $0xff;
	_ =	sdelay $0x4  }
0x9c: {  	v3 =	vshll.u32 v2, $0x4  }
0x9d: {  	v2 =	vand.u32 $0x7, v2;
	v3 =	vand.u32 $0xFFFFFF80, v3  }
0x9e: {  	v2 =	vor.u32 v2, v3  }
0x9f: {  	v2 =	vperm.xlane v2, v0;
	_ =	sdelay $0x1  }
0xa0: {  	v2 =	vadd.s32 v1, v2;
	_ =	sdelay $0x3  }
0xa1: {  	s0 =	simm.s32 $0x0;
	s4 =	simm.s32 $0x100  }
0xa2: {  	[hbm4b:s1+s0] =	stream.indirect_vreg.scatter [tilespmem:s4], [sflag:$0x5], $0x80, v2, vm0, $0xb8;
	[tilespmem:$0x10100] =	vst v63  }
0xa3: {  	s8 =	simm.s32 $0x900  }
0xa4: {  	[hbm4b:s5+s0] =	stream.indirect_vreg.scatter [tilespmem:s8], [sflag:$0x5], $0x80, v2, vm0, $0xb8;
	[tilespmem:$0x10100] =	vst v63  }
0xa5: {  	s9 =	simm.s32 $0x1100  }
0xa6: {  	[hbm4b:s6+s0] =	stream.indirect_vreg.scatter [tilespmem:s9], [sflag:$0x5], $0x80, v2, vm0, $0xb8;
	[tilespmem:$0x10100] =	vst v63  }
0xa7: {  	s10 =	simm.s32 $0x1900  }
0xa8: {  	[hbm4b:s7+s0] =	stream.indirect_vreg.scatter [tilespmem:s10], [sflag:$0x5], $0x80, v2, vm0, $0xb8;
	[tilespmem:$0x10100] =	vst v63  }
0xa9: {  	s13 =	simm.s32 $0x2100  }
0xaa: {  	[hbm4b:s15+s0] =	stream.indirect_vreg.scatter [tilespmem:s13], [sflag:$0x5], $0x80, v2, vm0, $0xb8;
	[tilespmem:$0x10100] =	vst v63  }
0xab: {  	s14 =	simm.s32 $0x2900  }
0xac: {  	[hbm4b:s24+s0] =	stream.indirect_vreg.scatter [tilespmem:s14], [sflag:$0x5], $0x80, v2, vm0, $0xb8;
	[tilespmem:$0x10100] =	vst v63  }
0xad: {  	_ = 	snop  }
0xae: {  	[hbm4b:s26+s0] =	stream.indirect_vreg.scatter [tilespmem:s21], [sflag:$0x5], $0x80, v2, vm0, $0xb8;
	[tilespmem:$0x10100] =	vst v63  }
0xaf: {  	s16 =	simm.s32 $0x3900;
	s3 =	simm.s32 $0x5  }
0xb0: {  	[hbm4b:s28+s0] =	stream.indirect_vreg.scatter [tilespmem:s16], [sflag:$0x5], $0x80, v2, vm0, $0xb8;
	[tilespmem:$0x10100] =	vst v63  }
0xb1: {  	_ =	swait.ge [sflag:s3], $0x4000  }
0xb2: {  	[sflag:s3] =	ssyncset.done $0x0  }
0xb3: {  	[sflag:s3] =	ssyncadd.s32 $0xFFFFC000;
	s3 =	rddreg [dreg:$0x5]  }
0xb4: {  	[tilespmem:s0], [sflag:$0x7] =	stream.linear.gather [hbm4b:s3+s0], $0x8, $0x38;
	[tilespmem:$0x10100] =	vst v63  }
0xb5: {  	_ =	swait.ge [sflag:s29], $0x8  }
0xb6: {  	[sflag:s29] =	ssyncset.done $0x0  }
0xb7: {  	[sflag:s29] =	ssyncadd.s32 $0xFFFFFFF8  }
0xb8: {  	v2 =	vld.msk [tilespmem:$0x0], $0xff;
	_ =	sdelay $0x4  }
0xb9: {  	v3 =	vshll.u32 v2, $0x4  }
0xba: {  	v2 =	vand.u32 $0x7, v2;
	v3 =	vand.u32 $0xFFFFFF80, v3  }
0xbb: {  	v2 =	vor.u32 v2, v3  }
0xbc: {  	v2 =	vperm.xlane v2, v0;
	_ =	sdelay $0x1  }
0xbd: {  	v2 =	vadd.s32 v1, v2;
	_ =	sdelay $0x4  }
0xbe: {  	[tilespmem:s4], [sflag:$0x1] =	stream.indirect_vreg.gather [hbm4b:s1+s0], $0x80, v2, vm0, $0xb8;
	[tilespmem:$0x10100] =	vst v63  }
0xbf: {  	_ = 	snop  }
0xc0: {  	[tilespmem:s8], [sflag:$0x1] =	stream.indirect_vreg.gather [hbm4b:s5+s0], $0x80, v2, vm0, $0xb8;
	[tilespmem:$0x10100] =	vst v63  }
0xc1: {  	_ = 	snop  }
0xc2: {  	[tilespmem:s9], [sflag:$0x1] =	stream.indirect_vreg.gather [hbm4b:s6+s0], $0x80, v2, vm0, $0xb8;
	[tilespmem:$0x10100] =	vst v63  }
0xc3: {  	_ = 	snop  }
0xc4: {  	[tilespmem:s10], [sflag:$0x1] =	stream.indirect_vreg.gather [hbm4b:s7+s0], $0x80, v2, vm0, $0xb8;
	[tilespmem:$0x10100] =	vst v63  }
0xc5: {  	_ = 	snop  }
0xc6: {  	[tilespmem:s13], [sflag:$0x1] =	stream.indirect_vreg.gather [hbm4b:s15+s0], $0x80, v2, vm0, $0xb8;
	[tilespmem:$0x10100] =	vst v63  }
0xc7: {  	_ = 	snop  }
0xc8: {  	[tilespmem:s14], [sflag:$0x1] =	stream.indirect_vreg.gather [hbm4b:s24+s0], $0x80, v2, vm0, $0xb8;
	[tilespmem:$0x10100] =	vst v63  }
0xc9: {  	_ = 	snop  }
0xca: {  	[tilespmem:s21], [sflag:$0x1] =	stream.indirect_vreg.gather [hbm4b:s26+s0], $0x80, v2, vm0, $0xb8;
	[tilespmem:$0x10100] =	vst v63  }
0xcb: {  	_ = 	snop  }
0xcc: {  	[tilespmem:s16], [sflag:$0x1] =	stream.indirect_vreg.gather [hbm4b:s28+s0], $0x80, v2, vm0, $0xb8;
	[tilespmem:$0x10100] =	vst v63  }
0xcd: {  	s10 =	rddreg [dreg:$0xd];
	s13 =	simm.s32 $0x2  }
0xce: {  	[tilespmem:s25], [sflag:$0x3] =	stream.linear.gather [hbm4b:s10+s0], $0x4000, $0x38;
	[tilespmem:$0x10100] =	vst v63  }
0xcf: {  	_ =	swait.ge [sflag:s13], $0x4000  }
0xd0: {  	[sflag:s13] =	ssyncset.done $0x0  }
0xd1: {  	s16 =	simm.s32 $0x4;
	[sflag:s13] =	ssyncadd.s32 $0xFFFFC000  }
0xd2: {  	_ =	swait.ge [sflag:s16], $0x4000  }
0xd3: {  	s3 =	simm.s32 $0x4140;
	[sflag:s16] =	ssyncset.done $0x0  }
0xd4: {  	s4 =	simm.s32 $0xC140;
	s14 =	simm.s32 $0x7100;
	[sflag:s16] =	ssyncadd.s32 $0xFFFFC000  }
.LBB2_6:
0xd5: {  	v2 =	vld [tilespmem:s3+$0xFFFFFFC0]  }
0xd6: {  	v3 =	vld [tilespmem:s4+$0xFFFFFFC0];
	_ =	sdelay $0x4  }
0xd7: {  	v2 =	vadd.f32 v3, v2;
	_ =	sdelay $0x1  }
0xd8: {  	[tilespmem:s3+$0xFFFFFFC0] =	vst v2;
	v2 =	vld [tilespmem:s3+$0xFFFFFFD0]  }
0xd9: {  	v3 =	vld [tilespmem:s4+$0xFFFFFFD0];
	_ =	sdelay $0x4  }
0xda: {  	v2 =	vadd.f32 v3, v2;
	_ =	sdelay $0x1  }
0xdb: {  	[tilespmem:s3+$0xFFFFFFD0] =	vst v2;
	v2 =	vld [tilespmem:s3+$0xFFFFFFE0]  }
0xdc: {  	v3 =	vld [tilespmem:s4+$0xFFFFFFE0];
	_ =	sdelay $0x4  }
0xdd: {  	v2 =	vadd.f32 v3, v2;
	_ =	sdelay $0x1  }
0xde: {  	[tilespmem:s3+$0xFFFFFFE0] =	vst v2;
	v2 =	vld [tilespmem:s3+$0xFFFFFFF0]  }
0xdf: {  	v3 =	vld [tilespmem:s4+$0xFFFFFFF0];
	_ =	sdelay $0x4  }
0xe0: {  	v2 =	vadd.f32 v3, v2;
	_ =	sdelay $0x1  }
0xe1: {  	[tilespmem:s3+$0xFFFFFFF0] =	vst v2;
	v2 =	vld [tilespmem:s3+$0x0]  }
0xe2: {  	v3 =	vld [tilespmem:s4+$0x0];
	_ =	sdelay $0x4  }
0xe3: {  	v2 =	vadd.f32 v3, v2;
	_ =	sdelay $0x1  }
0xe4: {  	[tilespmem:s3+$0x0] =	vst v2;
	v2 =	vld [tilespmem:s3+$0x10]  }
0xe5: {  	v3 =	vld [tilespmem:s4+$0x10];
	_ =	sdelay $0x4  }
0xe6: {  	v2 =	vadd.f32 v3, v2;
	_ =	sdelay $0x1  }
0xe7: {  	[tilespmem:s3+$0x10] =	vst v2;
	v2 =	vld [tilespmem:s3+$0x20]  }
0xe8: {  	v3 =	vld [tilespmem:s4+$0x20];
	_ =	sdelay $0x4  }
0xe9: {  	v2 =	vadd.f32 v3, v2;
	_ =	sdelay $0x1  }
0xea: {  	[tilespmem:s3+$0x20] =	vst v2;
	v2 =	vld [tilespmem:s3+$0x30]  }
0xeb: {  	v3 =	vld [tilespmem:s4+$0x30];
	_ =	sdelay $0x4  }
0xec: {  	s8 =	simm.s32 $0x0;
	v2 =	vadd.f32 v3, v2  }
0xed: {  	s10 =	sadd.s32 $0x400, s3;
	s9 =	smov.u32 s3;
	s13 =	smov.u32 s4  }
.LBB2_7:
0xee: {  	v3 =	vld [tilespmem:s10+$0xFFFFFFC0];
	[tilespmem:s9+$0x30] =	vst v2;
	s13 =	sadd.s32 $0x400, s13;
	s9 =	smov.u32 s10  }
0xef: {  	s8 =	sadd.s32 $0x8, s8;
	v2 =	vld [tilespmem:s13+$0xFFFFFFC0]  }
0xf0: {  	p0 =	slt.u32 s8, $0x78;
	_ =	sdelay $0x3  }
0xf1: {  	v2 =	vadd.f32 v2, v3;
	_ =	sdelay $0x1  }
0xf2: {  	[tilespmem:s10+$0xFFFFFFC0] =	vst v2;
	v2 =	vld [tilespmem:s10+$0xFFFFFFD0]  }
0xf3: {  	v3 =	vld [tilespmem:s13+$0xFFFFFFD0];
	_ =	sdelay $0x4  }
0xf4: {  	v2 =	vadd.f32 v3, v2;
	_ =	sdelay $0x1  }
0xf5: {  	[tilespmem:s10+$0xFFFFFFD0] =	vst v2;
	v2 =	vld [tilespmem:s10+$0xFFFFFFE0]  }
0xf6: {  	v3 =	vld [tilespmem:s13+$0xFFFFFFE0];
	_ =	sdelay $0x4  }
0xf7: {  	v2 =	vadd.f32 v3, v2;
	_ =	sdelay $0x1  }
0xf8: {  	[tilespmem:s10+$0xFFFFFFE0] =	vst v2;
	v2 =	vld [tilespmem:s10+$0xFFFFFFF0]  }
0xf9: {  	v3 =	vld [tilespmem:s13+$0xFFFFFFF0];
	_ =	sdelay $0x4  }
0xfa: {  	v2 =	vadd.f32 v3, v2;
	_ =	sdelay $0x1  }
0xfb: {  	[tilespmem:s10+$0xFFFFFFF0] =	vst v2;
	v2 =	vld [tilespmem:s10+$0x0]  }
0xfc: {  	v3 =	vld [tilespmem:s13+$0x0];
	_ =	sdelay $0x4  }
0xfd: {  	v2 =	vadd.f32 v3, v2;
	_ =	sdelay $0x1  }
0xfe: {  	[tilespmem:s10+$0x0] =	vst v2;
	v2 =	vld [tilespmem:s10+$0x10]  }
0xff: {  	v3 =	vld [tilespmem:s13+$0x10];
	_ =	sdelay $0x4  }
0x100: {  	v2 =	vadd.f32 v3, v2;
	_ =	sdelay $0x1  }
0x101: {  	[tilespmem:s10+$0x10] =	vst v2;
	v2 =	vld [tilespmem:s10+$0x20]  }
0x102: {  	v3 =	vld [tilespmem:s13+$0x20];
	_ =	sdelay $0x4  }
0x103: {  	v2 =	vadd.f32 v3, v2;
	_ =	sdelay $0x1  }
0x104: {  	[tilespmem:s10+$0x20] =	vst v2;
	v2 =	vld [tilespmem:s10+$0x30]  }
0x105: {  	v3 =	vld [tilespmem:s13+$0x30];
	_ =	sdelay $0x1  }
.Ltmp2:
0x106: {  	(pc) =	sbr.rel @p0 .LBB2_7-.Ltmp2, $3  }
0x107: {  	_ =	sdelay $0x1  }
0x108: {  	v2 =	vadd.f32 v3, v2  }
0x109: {  	s10 =	sadd.s32 $0x400, s10  }
0x10a: {  	s0 =	sadd.s32 $0x1, s0  }
0x10b: {  	p0 =	sne.s32 s0, $0x8  }
.Ltmp3:
0x10c: {  	_ = 	snop;
	(pc) =	sbr.rel @p0 .LBB2_6-.Ltmp3, $2  }
0x10d: {  	_ =	sdelay $0x2  }
0x10e: {  	[tilespmem:s9+$0x30] =	vst v2;
	s3 =	sadd.s32 $0x80, s3;
	s4 =	sadd.s32 $0x80, s4  }
0x10f: {  	v2 =	vld.msk [tilespmem:$0x80], $0xff;
	_ =	sdelay $0x4  }
0x110: {  	v3 =	vshll.u32 v2, $0x4  }
0x111: {  	v2 =	vand.u32 $0x7, v2;
	v3 =	vand.u32 $0xFFFFFF80, v3  }
0x112: {  	v2 =	vor.u32 v2, v3  }
0x113: {  	v2 =	vperm.xlane v2, v0;
	_ =	sdelay $0x1  }
0x114: {  	v2 =	vadd.s32 v1, v2;
	_ =	sdelay $0x3  }
0x115: {  	s0 =	simm.s32 $0x0  }
0x116: {  	[hbm4b:s1+s0] =	stream.indirect_vreg.scatter [tilespmem:s17], [sflag:$0x6], $0x80, v2, vm0, $0xb8;
	[tilespmem:$0x10100] =	vst v63  }
0x117: {  	_ = 	snop  }
0x118: {  	[hbm4b:s5+s0] =	stream.indirect_vreg.scatter [tilespmem:s18], [sflag:$0x6], $0x80, v2, vm0, $0xb8;
	[tilespmem:$0x10100] =	vst v63  }
0x119: {  	_ = 	snop  }
0x11a: {  	[hbm4b:s6+s0] =	stream.indirect_vreg.scatter [tilespmem:s19], [sflag:$0x6], $0x80, v2, vm0, $0xb8;
	[tilespmem:$0x10100] =	vst v63  }
0x11b: {  	_ = 	snop  }
0x11c: {  	[hbm4b:s7+s0] =	stream.indirect_vreg.scatter [tilespmem:s20], [sflag:$0x6], $0x80, v2, vm0, $0xb8;
	[tilespmem:$0x10100] =	vst v63  }
0x11d: {  	_ = 	snop  }
0x11e: {  	[hbm4b:s15+s0] =	stream.indirect_vreg.scatter [tilespmem:s23], [sflag:$0x6], $0x80, v2, vm0, $0xb8;
	[tilespmem:$0x10100] =	vst v63  }
0x11f: {  	_ = 	snop  }
0x120: {  	[hbm4b:s24+s0] =	stream.indirect_vreg.scatter [tilespmem:s11], [sflag:$0x6], $0x80, v2, vm0, $0xb8;
	[tilespmem:$0x10100] =	vst v63  }
0x121: {  	_ = 	snop  }
0x122: {  	[hbm4b:s26+s0] =	stream.indirect_vreg.scatter [tilespmem:s14], [sflag:$0x6], $0x80, v2, vm0, $0xb8;
	[tilespmem:$0x10100] =	vst v63  }
0x123: {  	_ = 	snop  }
0x124: {  	[hbm4b:s28+s0] =	stream.indirect_vreg.scatter [tilespmem:s12], [sflag:$0x6], $0x80, v2, vm0, $0xb8;
	[tilespmem:$0x10100] =	vst v63  }
0x125: {  	_ =	swait.ge [sflag:s30], $0x4000  }
0x126: {  	[sflag:s30] =	ssyncset.done $0x0  }
0x127: {  	s4 =	simm.s32 $0x80;
	s3 =	rddreg [dreg:$0x6];
	[sflag:s30] =	ssyncadd.s32 $0xFFFFC000  }
0x128: {  	[tilespmem:s4], [sflag:$0x7] =	stream.linear.gather [hbm4b:s3+s0], $0x8, $0x38;
	[tilespmem:$0x10100] =	vst v63  }
0x129: {  	_ =	swait.ge [sflag:s29], $0x8  }
0x12a: {  	[sflag:s29] =	ssyncset.done $0x0  }
0x12b: {  	[sflag:s29] =	ssyncadd.s32 $0xFFFFFFF8  }
0x12c: {  	v2 =	vld.msk [tilespmem:$0x80], $0xff;
	_ =	sdelay $0x4  }
0x12d: {  	v3 =	vshll.u32 v2, $0x4  }
0x12e: {  	v2 =	vand.u32 $0x7, v2;
	v3 =	vand.u32 $0xFFFFFF80, v3  }
0x12f: {  	v2 =	vor.u32 v2, v3  }
0x130: {  	v2 =	vperm.xlane v2, v0;
	_ =	sdelay $0x1  }
0x131: {  	v2 =	vadd.s32 v1, v2;
	_ =	sdelay $0x4  }
0x132: {  	[tilespmem:s17], [sflag:$0x2] =	stream.indirect_vreg.gather [hbm4b:s1+s0], $0x80, v2, vm0, $0xb8;
	[tilespmem:$0x10100] =	vst v63  }
0x133: {  	_ = 	snop  }
0x134: {  	[tilespmem:s18], [sflag:$0x2] =	stream.indirect_vreg.gather [hbm4b:s5+s0], $0x80, v2, vm0, $0xb8;
	[tilespmem:$0x10100] =	vst v63  }
0x135: {  	_ = 	snop  }
0x136: {  	[tilespmem:s19], [sflag:$0x2] =	stream.indirect_vreg.gather [hbm4b:s6+s0], $0x80, v2, vm0, $0xb8;
	[tilespmem:$0x10100] =	vst v63  }
0x137: {  	_ = 	snop  }
0x138: {  	[tilespmem:s20], [sflag:$0x2] =	stream.indirect_vreg.gather [hbm4b:s7+s0], $0x80, v2, vm0, $0xb8;
	[tilespmem:$0x10100] =	vst v63  }
0x139: {  	_ = 	snop  }
0x13a: {  	[tilespmem:s23], [sflag:$0x2] =	stream.indirect_vreg.gather [hbm4b:s15+s0], $0x80, v2, vm0, $0xb8;
	[tilespmem:$0x10100] =	vst v63  }
0x13b: {  	_ = 	snop  }
0x13c: {  	[tilespmem:s11], [sflag:$0x2] =	stream.indirect_vreg.gather [hbm4b:s24+s0], $0x80, v2, vm0, $0xb8;
	[tilespmem:$0x10100] =	vst v63  }
0x13d: {  	_ = 	snop  }
0x13e: {  	[tilespmem:s14], [sflag:$0x2] =	stream.indirect_vreg.gather [hbm4b:s26+s0], $0x80, v2, vm0, $0xb8;
	[tilespmem:$0x10100] =	vst v63  }
0x13f: {  	_ = 	snop  }
0x140: {  	[tilespmem:s12], [sflag:$0x2] =	stream.indirect_vreg.gather [hbm4b:s28+s0], $0x80, v2, vm0, $0xb8;
	[tilespmem:$0x10100] =	vst v63  }
0x141: {  	s13 =	rddreg [dreg:$0xe];
	s14 =	simm.s32 $0x1  }
0x142: {  	[tilespmem:s22], [sflag:$0x4] =	stream.linear.gather [hbm4b:s13+s0], $0x4000, $0x38;
	[tilespmem:$0x10100] =	vst v63  }
0x143: {  	_ =	swait.ge [sflag:s14], $0x4000  }
0x144: {  	[sflag:s14] =	ssyncset.done $0x0  }
0x145: {  	s16 =	simm.s32 $0x3;
	[sflag:s14] =	ssyncadd.s32 $0xFFFFC000  }
0x146: {  	_ =	swait.ge [sflag:s16], $0x4000  }
0x147: {  	[sflag:s16] =	ssyncset.done $0x0  }
0x148: {  	s3 =	simm.s32 $0x140;
	s4 =	simm.s32 $0x8140;
	[sflag:s16] =	ssyncadd.s32 $0xFFFFC000  }
.LBB2_10:
0x149: {  	v2 =	vld [tilespmem:s3+$0xFFFFFFC0]  }
0x14a: {  	v3 =	vld [tilespmem:s4+$0xFFFFFFC0];
	_ =	sdelay $0x4  }
0x14b: {  	v2 =	vadd.f32 v3, v2;
	_ =	sdelay $0x1  }
0x14c: {  	[tilespmem:s3+$0xFFFFFFC0] =	vst v2;
	v2 =	vld [tilespmem:s3+$0xFFFFFFD0]  }
0x14d: {  	v3 =	vld [tilespmem:s4+$0xFFFFFFD0];
	_ =	sdelay $0x4  }
0x14e: {  	v2 =	vadd.f32 v3, v2;
	_ =	sdelay $0x1  }
0x14f: {  	[tilespmem:s3+$0xFFFFFFD0] =	vst v2;
	v2 =	vld [tilespmem:s3+$0xFFFFFFE0]  }
0x150: {  	v3 =	vld [tilespmem:s4+$0xFFFFFFE0];
	_ =	sdelay $0x4  }
0x151: {  	v2 =	vadd.f32 v3, v2;
	_ =	sdelay $0x1  }
0x152: {  	[tilespmem:s3+$0xFFFFFFE0] =	vst v2;
	v2 =	vld [tilespmem:s3+$0xFFFFFFF0]  }
0x153: {  	v3 =	vld [tilespmem:s4+$0xFFFFFFF0];
	_ =	sdelay $0x4  }
0x154: {  	v2 =	vadd.f32 v3, v2;
	_ =	sdelay $0x1  }
0x155: {  	[tilespmem:s3+$0xFFFFFFF0] =	vst v2;
	v2 =	vld [tilespmem:s3+$0x0]  }
0x156: {  	v3 =	vld [tilespmem:s4+$0x0];
	_ =	sdelay $0x4  }
0x157: {  	v2 =	vadd.f32 v3, v2;
	_ =	sdelay $0x1  }
0x158: {  	[tilespmem:s3+$0x0] =	vst v2;
	v2 =	vld [tilespmem:s3+$0x10]  }
0x159: {  	v3 =	vld [tilespmem:s4+$0x10];
	_ =	sdelay $0x4  }
0x15a: {  	v2 =	vadd.f32 v3, v2;
	_ =	sdelay $0x1  }
0x15b: {  	[tilespmem:s3+$0x10] =	vst v2;
	v2 =	vld [tilespmem:s3+$0x20]  }
0x15c: {  	v3 =	vld [tilespmem:s4+$0x20];
	_ =	sdelay $0x4  }
0x15d: {  	v2 =	vadd.f32 v3, v2;
	_ =	sdelay $0x1  }
0x15e: {  	[tilespmem:s3+$0x20] =	vst v2;
	v2 =	vld [tilespmem:s3+$0x30]  }
0x15f: {  	v3 =	vld [tilespmem:s4+$0x30];
	_ =	sdelay $0x4  }
0x160: {  	s8 =	simm.s32 $0x0;
	v2 =	vadd.f32 v3, v2  }
0x161: {  	s10 =	sadd.s32 $0x400, s3;
	s9 =	smov.u32 s3;
	s13 =	smov.u32 s4  }
.LBB2_11:
0x162: {  	v3 =	vld [tilespmem:s10+$0xFFFFFFC0];
	[tilespmem:s9+$0x30] =	vst v2;
	s13 =	sadd.s32 $0x400, s13;
	s9 =	smov.u32 s10  }
0x163: {  	s8 =	sadd.s32 $0x8, s8;
	v2 =	vld [tilespmem:s13+$0xFFFFFFC0]  }
0x164: {  	p0 =	slt.u32 s8, $0x78;
	_ =	sdelay $0x3  }
0x165: {  	v2 =	vadd.f32 v2, v3;
	_ =	sdelay $0x1  }
0x166: {  	[tilespmem:s10+$0xFFFFFFC0] =	vst v2;
	v2 =	vld [tilespmem:s10+$0xFFFFFFD0]  }
0x167: {  	v3 =	vld [tilespmem:s13+$0xFFFFFFD0];
	_ =	sdelay $0x4  }
0x168: {  	v2 =	vadd.f32 v3, v2;
	_ =	sdelay $0x1  }
0x169: {  	[tilespmem:s10+$0xFFFFFFD0] =	vst v2;
	v2 =	vld [tilespmem:s10+$0xFFFFFFE0]  }
0x16a: {  	v3 =	vld [tilespmem:s13+$0xFFFFFFE0];
	_ =	sdelay $0x4  }
0x16b: {  	v2 =	vadd.f32 v3, v2;
	_ =	sdelay $0x1  }
0x16c: {  	[tilespmem:s10+$0xFFFFFFE0] =	vst v2;
	v2 =	vld [tilespmem:s10+$0xFFFFFFF0]  }
0x16d: {  	v3 =	vld [tilespmem:s13+$0xFFFFFFF0];
	_ =	sdelay $0x4  }
0x16e: {  	v2 =	vadd.f32 v3, v2;
	_ =	sdelay $0x1  }
0x16f: {  	[tilespmem:s10+$0xFFFFFFF0] =	vst v2;
	v2 =	vld [tilespmem:s10+$0x0]  }
0x170: {  	v3 =	vld [tilespmem:s13+$0x0];
	_ =	sdelay $0x4  }
0x171: {  	v2 =	vadd.f32 v3, v2;
	_ =	sdelay $0x1  }
0x172: {  	[tilespmem:s10+$0x0] =	vst v2;
	v2 =	vld [tilespmem:s10+$0x10]  }
0x173: {  	v3 =	vld [tilespmem:s13+$0x10];
	_ =	sdelay $0x4  }
0x174: {  	v2 =	vadd.f32 v3, v2;
	_ =	sdelay $0x1  }
0x175: {  	[tilespmem:s10+$0x10] =	vst v2;
	v2 =	vld [tilespmem:s10+$0x20]  }
0x176: {  	v3 =	vld [tilespmem:s13+$0x20];
	_ =	sdelay $0x4  }
0x177: {  	v2 =	vadd.f32 v3, v2;
	_ =	sdelay $0x1  }
0x178: {  	[tilespmem:s10+$0x20] =	vst v2;
	v2 =	vld [tilespmem:s10+$0x30]  }
0x179: {  	v3 =	vld [tilespmem:s13+$0x30];
	_ =	sdelay $0x1  }
.Ltmp4:
0x17a: {  	(pc) =	sbr.rel @p0 .LBB2_11-.Ltmp4, $3  }
0x17b: {  	_ =	sdelay $0x1  }
0x17c: {  	v2 =	vadd.f32 v3, v2  }
0x17d: {  	s10 =	sadd.s32 $0x400, s10  }
0x17e: {  	s0 =	sadd.s32 $0x1, s0  }
0x17f: {  	p0 =	sne.s32 s0, $0x8  }
.Ltmp5:
0x180: {  	_ = 	snop;
	(pc) =	sbr.rel @p0 .LBB2_10-.Ltmp5, $2  }
0x181: {  	_ =	sdelay $0x2  }
0x182: {  	[tilespmem:s9+$0x30] =	vst v2;
	s3 =	sadd.s32 $0x80, s3;
	s4 =	sadd.s32 $0x80, s4  }
0x183: {  	v2 =	vld.msk [tilespmem:$0x0], $0xff;
	_ =	sdelay $0x4  }
0x184: {  	v3 =	vshll.u32 v2, $0x4  }
0x185: {  	v2 =	vand.u32 $0x7, v2;
	v3 =	vand.u32 $0xFFFFFF80, v3  }
0x186: {  	v2 =	vor.u32 v2, v3  }
0x187: {  	v2 =	vperm.xlane v2, v0;
	_ =	sdelay $0x1  }
0x188: {  	v2 =	vadd.s32 v1, v2;
	_ =	sdelay $0x3  }
0x189: {  	s0 =	simm.s32 $0x0;
	s4 =	simm.s32 $0x100  }
0x18a: {  	[hbm4b:s1+s0] =	stream.indirect_vreg.scatter [tilespmem:s4], [sflag:$0x5], $0x80, v2, vm0, $0xb8;
	[tilespmem:$0x10100] =	vst v63  }
0x18b: {  	s8 =	simm.s32 $0x900  }
0x18c: {  	[hbm4b:s5+s0] =	stream.indirect_vreg.scatter [tilespmem:s8], [sflag:$0x5], $0x80, v2, vm0, $0xb8;
	[tilespmem:$0x10100] =	vst v63  }
0x18d: {  	s9 =	simm.s32 $0x1100  }
0x18e: {  	[hbm4b:s6+s0] =	stream.indirect_vreg.scatter [tilespmem:s9], [sflag:$0x5], $0x80, v2, vm0, $0xb8;
	[tilespmem:$0x10100] =	vst v63  }
0x18f: {  	s10 =	simm.s32 $0x1900  }
0x190: {  	[hbm4b:s7+s0] =	stream.indirect_vreg.scatter [tilespmem:s10], [sflag:$0x5], $0x80, v2, vm0, $0xb8;
	[tilespmem:$0x10100] =	vst v63  }
0x191: {  	s13 =	simm.s32 $0x2100  }
0x192: {  	[hbm4b:s15+s0] =	stream.indirect_vreg.scatter [tilespmem:s13], [sflag:$0x5], $0x80, v2, vm0, $0xb8;
	[tilespmem:$0x10100] =	vst v63  }
0x193: {  	s14 =	simm.s32 $0x2900  }
0x194: {  	[hbm4b:s24+s0] =	stream.indirect_vreg.scatter [tilespmem:s14], [sflag:$0x5], $0x80, v2, vm0, $0xb8;
	[tilespmem:$0x10100] =	vst v63  }
0x195: {  	_ = 	snop  }
0x196: {  	[hbm4b:s26+s0] =	stream.indirect_vreg.scatter [tilespmem:s21], [sflag:$0x5], $0x80, v2, vm0, $0xb8;
	[tilespmem:$0x10100] =	vst v63  }
0x197: {  	s16 =	simm.s32 $0x3900;
	s3 =	simm.s32 $0x5  }
0x198: {  	[hbm4b:s28+s0] =	stream.indirect_vreg.scatter [tilespmem:s16], [sflag:$0x5], $0x80, v2, vm0, $0xb8;
	[tilespmem:$0x10100] =	vst v63  }
0x199: {  	_ =	swait.ge [sflag:s3], $0x4000  }
0x19a: {  	[sflag:s3] =	ssyncset.done $0x0  }
0x19b: {  	[sflag:s3] =	ssyncadd.s32 $0xFFFFC000;
	s3 =	rddreg [dreg:$0x7]  }
0x19c: {  	[tilespmem:s0], [sflag:$0x7] =	stream.linear.gather [hbm4b:s3+s0], $0x8, $0x38;
	[tilespmem:$0x10100] =	vst v63  }
0x19d: {  	_ =	swait.ge [sflag:s29], $0x8  }
0x19e: {  	[sflag:s29] =	ssyncset.done $0x0  }
0x19f: {  	[sflag:s29] =	ssyncadd.s32 $0xFFFFFFF8  }
0x1a0: {  	v2 =	vld.msk [tilespmem:$0x0], $0xff;
	_ =	sdelay $0x4  }
0x1a1: {  	v3 =	vshll.u32 v2, $0x4  }
0x1a2: {  	v2 =	vand.u32 $0x7, v2;
	v3 =	vand.u32 $0xFFFFFF80, v3  }
0x1a3: {  	v2 =	vor.u32 v2, v3  }
0x1a4: {  	v2 =	vperm.xlane v2, v0;
	_ =	sdelay $0x1  }
0x1a5: {  	v2 =	vadd.s32 v1, v2;
	_ =	sdelay $0x4  }
0x1a6: {  	[tilespmem:s4], [sflag:$0x1] =	stream.indirect_vreg.gather [hbm4b:s1+s0], $0x80, v2, vm0, $0xb8;
	[tilespmem:$0x10100] =	vst v63  }
0x1a7: {  	_ = 	snop  }
0x1a8: {  	[tilespmem:s8], [sflag:$0x1] =	stream.indirect_vreg.gather [hbm4b:s5+s0], $0x80, v2, vm0, $0xb8;
	[tilespmem:$0x10100] =	vst v63  }
0x1a9: {  	_ = 	snop  }
0x1aa: {  	[tilespmem:s9], [sflag:$0x1] =	stream.indirect_vreg.gather [hbm4b:s6+s0], $0x80, v2, vm0, $0xb8;
	[tilespmem:$0x10100] =	vst v63  }
0x1ab: {  	_ = 	snop  }
0x1ac: {  	[tilespmem:s10], [sflag:$0x1] =	stream.indirect_vreg.gather [hbm4b:s7+s0], $0x80, v2, vm0, $0xb8;
	[tilespmem:$0x10100] =	vst v63  }
0x1ad: {  	_ = 	snop  }
0x1ae: {  	[tilespmem:s13], [sflag:$0x1] =	stream.indirect_vreg.gather [hbm4b:s15+s0], $0x80, v2, vm0, $0xb8;
	[tilespmem:$0x10100] =	vst v63  }
0x1af: {  	_ = 	snop  }
0x1b0: {  	[tilespmem:s14], [sflag:$0x1] =	stream.indirect_vreg.gather [hbm4b:s24+s0], $0x80, v2, vm0, $0xb8;
	[tilespmem:$0x10100] =	vst v63  }
0x1b1: {  	_ = 	snop  }
0x1b2: {  	[tilespmem:s21], [sflag:$0x1] =	stream.indirect_vreg.gather [hbm4b:s26+s0], $0x80, v2, vm0, $0xb8;
	[tilespmem:$0x10100] =	vst v63  }
0x1b3: {  	_ = 	snop  }
0x1b4: {  	[tilespmem:s16], [sflag:$0x1] =	stream.indirect_vreg.gather [hbm4b:s28+s0], $0x80, v2, vm0, $0xb8;
	[tilespmem:$0x10100] =	vst v63  }
0x1b5: {  	s21 =	simm.s32 $0x2;
	s16 =	rddreg [dreg:$0xf]  }
0x1b6: {  	[tilespmem:s25], [sflag:$0x3] =	stream.linear.gather [hbm4b:s16+s0], $0x4000, $0x38;
	[tilespmem:$0x10100] =	vst v63  }
0x1b7: {  	_ =	swait.ge [sflag:s21], $0x4000  }
0x1b8: {  	[sflag:s21] =	ssyncset.done $0x0  }
0x1b9: {  	s25 =	simm.s32 $0x4;
	[sflag:s21] =	ssyncadd.s32 $0xFFFFC000  }
0x1ba: {  	_ =	swait.ge [sflag:s25], $0x4000  }
0x1bb: {  	s3 =	simm.s32 $0x4140;
	[sflag:s25] =	ssyncset.done $0x0  }
0x1bc: {  	s4 =	simm.s32 $0xC140;
	s14 =	simm.s32 $0x7100;
	[sflag:s25] =	ssyncadd.s32 $0xFFFFC000  }
.LBB2_14:
0x1bd: {  	v2 =	vld [tilespmem:s3+$0xFFFFFFC0]  }
0x1be: {  	v3 =	vld [tilespmem:s4+$0xFFFFFFC0];
	_ =	sdelay $0x4  }
0x1bf: {  	v2 =	vadd.f32 v3, v2;
	_ =	sdelay $0x1  }
0x1c0: {  	[tilespmem:s3+$0xFFFFFFC0] =	vst v2;
	v2 =	vld [tilespmem:s3+$0xFFFFFFD0]  }
0x1c1: {  	v3 =	vld [tilespmem:s4+$0xFFFFFFD0];
	_ =	sdelay $0x4  }
0x1c2: {  	v2 =	vadd.f32 v3, v2;
	_ =	sdelay $0x1  }
0x1c3: {  	[tilespmem:s3+$0xFFFFFFD0] =	vst v2;
	v2 =	vld [tilespmem:s3+$0xFFFFFFE0]  }
0x1c4: {  	v3 =	vld [tilespmem:s4+$0xFFFFFFE0];
	_ =	sdelay $0x4  }
0x1c5: {  	v2 =	vadd.f32 v3, v2;
	_ =	sdelay $0x1  }
0x1c6: {  	[tilespmem:s3+$0xFFFFFFE0] =	vst v2;
	v2 =	vld [tilespmem:s3+$0xFFFFFFF0]  }
0x1c7: {  	v3 =	vld [tilespmem:s4+$0xFFFFFFF0];
	_ =	sdelay $0x4  }
0x1c8: {  	v2 =	vadd.f32 v3, v2;
	_ =	sdelay $0x1  }
0x1c9: {  	[tilespmem:s3+$0xFFFFFFF0] =	vst v2;
	v2 =	vld [tilespmem:s3+$0x0]  }
0x1ca: {  	v3 =	vld [tilespmem:s4+$0x0];
	_ =	sdelay $0x4  }
0x1cb: {  	v2 =	vadd.f32 v3, v2;
	_ =	sdelay $0x1  }
0x1cc: {  	[tilespmem:s3+$0x0] =	vst v2;
	v2 =	vld [tilespmem:s3+$0x10]  }
0x1cd: {  	v3 =	vld [tilespmem:s4+$0x10];
	_ =	sdelay $0x4  }
0x1ce: {  	v2 =	vadd.f32 v3, v2;
	_ =	sdelay $0x1  }
0x1cf: {  	[tilespmem:s3+$0x10] =	vst v2;
	v2 =	vld [tilespmem:s3+$0x20]  }
0x1d0: {  	v3 =	vld [tilespmem:s4+$0x20];
	_ =	sdelay $0x4  }
0x1d1: {  	v2 =	vadd.f32 v3, v2;
	_ =	sdelay $0x1  }
0x1d2: {  	[tilespmem:s3+$0x20] =	vst v2;
	v2 =	vld [tilespmem:s3+$0x30]  }
0x1d3: {  	v3 =	vld [tilespmem:s4+$0x30];
	_ =	sdelay $0x4  }
0x1d4: {  	s8 =	simm.s32 $0x0;
	v2 =	vadd.f32 v3, v2  }
0x1d5: {  	s10 =	sadd.s32 $0x400, s3;
	s9 =	smov.u32 s3;
	s13 =	smov.u32 s4  }
.LBB2_15:
0x1d6: {  	v3 =	vld [tilespmem:s10+$0xFFFFFFC0];
	[tilespmem:s9+$0x30] =	vst v2;
	s13 =	sadd.s32 $0x400, s13;
	s9 =	smov.u32 s10  }
0x1d7: {  	s8 =	sadd.s32 $0x8, s8;
	v2 =	vld [tilespmem:s13+$0xFFFFFFC0]  }
0x1d8: {  	p0 =	slt.u32 s8, $0x78;
	_ =	sdelay $0x3  }
0x1d9: {  	v2 =	vadd.f32 v2, v3;
	_ =	sdelay $0x1  }
0x1da: {  	[tilespmem:s10+$0xFFFFFFC0] =	vst v2;
	v2 =	vld [tilespmem:s10+$0xFFFFFFD0]  }
0x1db: {  	v3 =	vld [tilespmem:s13+$0xFFFFFFD0];
	_ =	sdelay $0x4  }
0x1dc: {  	v2 =	vadd.f32 v3, v2;
	_ =	sdelay $0x1  }
0x1dd: {  	[tilespmem:s10+$0xFFFFFFD0] =	vst v2;
	v2 =	vld [tilespmem:s10+$0xFFFFFFE0]  }
0x1de: {  	v3 =	vld [tilespmem:s13+$0xFFFFFFE0];
	_ =	sdelay $0x4  }
0x1df: {  	v2 =	vadd.f32 v3, v2;
	_ =	sdelay $0x1  }
0x1e0: {  	[tilespmem:s10+$0xFFFFFFE0] =	vst v2;
	v2 =	vld [tilespmem:s10+$0xFFFFFFF0]  }
0x1e1: {  	v3 =	vld [tilespmem:s13+$0xFFFFFFF0];
	_ =	sdelay $0x4  }
0x1e2: {  	v2 =	vadd.f32 v3, v2;
	_ =	sdelay $0x1  }
0x1e3: {  	[tilespmem:s10+$0xFFFFFFF0] =	vst v2;
	v2 =	vld [tilespmem:s10+$0x0]  }
0x1e4: {  	v3 =	vld [tilespmem:s13+$0x0];
	_ =	sdelay $0x4  }
0x1e5: {  	v2 =	vadd.f32 v3, v2;
	_ =	sdelay $0x1  }
0x1e6: {  	[tilespmem:s10+$0x0] =	vst v2;
	v2 =	vld [tilespmem:s10+$0x10]  }
0x1e7: {  	v3 =	vld [tilespmem:s13+$0x10];
	_ =	sdelay $0x4  }
0x1e8: {  	v2 =	vadd.f32 v3, v2;
	_ =	sdelay $0x1  }
0x1e9: {  	[tilespmem:s10+$0x10] =	vst v2;
	v2 =	vld [tilespmem:s10+$0x20]  }
0x1ea: {  	v3 =	vld [tilespmem:s13+$0x20];
	_ =	sdelay $0x4  }
0x1eb: {  	v2 =	vadd.f32 v3, v2;
	_ =	sdelay $0x1  }
0x1ec: {  	[tilespmem:s10+$0x20] =	vst v2;
	v2 =	vld [tilespmem:s10+$0x30]  }
0x1ed: {  	v3 =	vld [tilespmem:s13+$0x30];
	_ =	sdelay $0x1  }
.Ltmp6:
0x1ee: {  	(pc) =	sbr.rel @p0 .LBB2_15-.Ltmp6, $3  }
0x1ef: {  	_ =	sdelay $0x1  }
0x1f0: {  	v2 =	vadd.f32 v3, v2  }
0x1f1: {  	s10 =	sadd.s32 $0x400, s10  }
0x1f2: {  	s0 =	sadd.s32 $0x1, s0  }
0x1f3: {  	p0 =	sne.s32 s0, $0x8  }
.Ltmp7:
0x1f4: {  	_ = 	snop;
	(pc) =	sbr.rel @p0 .LBB2_14-.Ltmp7, $2  }
0x1f5: {  	_ =	sdelay $0x2  }
0x1f6: {  	[tilespmem:s9+$0x30] =	vst v2;
	s3 =	sadd.s32 $0x80, s3;
	s4 =	sadd.s32 $0x80, s4  }
0x1f7: {  	v2 =	vld.msk [tilespmem:$0x80], $0xff;
	_ =	sdelay $0x4  }
0x1f8: {  	v3 =	vshll.u32 v2, $0x4  }
0x1f9: {  	v2 =	vand.u32 $0x7, v2;
	v3 =	vand.u32 $0xFFFFFF80, v3  }
0x1fa: {  	v2 =	vor.u32 v2, v3  }
0x1fb: {  	v2 =	vperm.xlane v2, v0;
	_ =	sdelay $0x1  }
0x1fc: {  	v2 =	vadd.s32 v1, v2;
	_ =	sdelay $0x3  }
0x1fd: {  	s0 =	simm.s32 $0x0  }
0x1fe: {  	[hbm4b:s1+s0] =	stream.indirect_vreg.scatter [tilespmem:s17], [sflag:$0x6], $0x80, v2, vm0, $0xb8;
	[tilespmem:$0x10100] =	vst v63  }
0x1ff: {  	_ = 	snop  }
0x200: {  	[hbm4b:s5+s0] =	stream.indirect_vreg.scatter [tilespmem:s18], [sflag:$0x6], $0x80, v2, vm0, $0xb8;
	[tilespmem:$0x10100] =	vst v63  }
0x201: {  	_ = 	snop  }
0x202: {  	[hbm4b:s6+s0] =	stream.indirect_vreg.scatter [tilespmem:s19], [sflag:$0x6], $0x80, v2, vm0, $0xb8;
	[tilespmem:$0x10100] =	vst v63  }
0x203: {  	_ = 	snop  }
0x204: {  	[hbm4b:s7+s0] =	stream.indirect_vreg.scatter [tilespmem:s20], [sflag:$0x6], $0x80, v2, vm0, $0xb8;
	[tilespmem:$0x10100] =	vst v63  }
0x205: {  	_ = 	snop  }
0x206: {  	[hbm4b:s15+s0] =	stream.indirect_vreg.scatter [tilespmem:s23], [sflag:$0x6], $0x80, v2, vm0, $0xb8;
	[tilespmem:$0x10100] =	vst v63  }
0x207: {  	_ = 	snop  }
0x208: {  	[hbm4b:s24+s0] =	stream.indirect_vreg.scatter [tilespmem:s11], [sflag:$0x6], $0x80, v2, vm0, $0xb8;
	[tilespmem:$0x10100] =	vst v63  }
0x209: {  	_ = 	snop  }
0x20a: {  	[hbm4b:s26+s0] =	stream.indirect_vreg.scatter [tilespmem:s14], [sflag:$0x6], $0x80, v2, vm0, $0xb8;
	[tilespmem:$0x10100] =	vst v63  }
0x20b: {  	_ = 	snop  }
0x20c: {  	[hbm4b:s28+s0] =	stream.indirect_vreg.scatter [tilespmem:s12], [sflag:$0x6], $0x80, v2, vm0, $0xb8;
	[tilespmem:$0x10100] =	vst v63  }
0x20d: {  	_ =	swait.ge [sflag:s30], $0x4000  }
0x20e: {  	[sflag:s30] =	ssyncset.done $0x0  }
0x20f: {  	s4 =	simm.s32 $0x80;
	s3 =	rddreg [dreg:$0x8];
	[sflag:s30] =	ssyncadd.s32 $0xFFFFC000  }
0x210: {  	[tilespmem:s4], [sflag:$0x7] =	stream.linear.gather [hbm4b:s3+s0], $0x8, $0x38;
	[tilespmem:$0x10100] =	vst v63  }
0x211: {  	_ =	swait.ge [sflag:s29], $0x8  }
0x212: {  	[sflag:s29] =	ssyncset.done $0x0  }
0x213: {  	[sflag:s29] =	ssyncadd.s32 $0xFFFFFFF8  }
0x214: {  	v2 =	vld.msk [tilespmem:$0x80], $0xff;
	_ =	sdelay $0x4  }
0x215: {  	v3 =	vshll.u32 v2, $0x4  }
0x216: {  	v2 =	vand.u32 $0x7, v2;
	v3 =	vand.u32 $0xFFFFFF80, v3  }
0x217: {  	v2 =	vor.u32 v2, v3  }
0x218: {  	v2 =	vperm.xlane v2, v0;
	_ =	sdelay $0x1  }
0x219: {  	v2 =	vadd.s32 v1, v2;
	_ =	sdelay $0x4  }
0x21a: {  	[tilespmem:s17], [sflag:$0x2] =	stream.indirect_vreg.gather [hbm4b:s1+s0], $0x80, v2, vm0, $0xb8;
	[tilespmem:$0x10100] =	vst v63  }
0x21b: {  	_ = 	snop  }
0x21c: {  	[tilespmem:s18], [sflag:$0x2] =	stream.indirect_vreg.gather [hbm4b:s5+s0], $0x80, v2, vm0, $0xb8;
	[tilespmem:$0x10100] =	vst v63  }
0x21d: {  	_ = 	snop  }
0x21e: {  	[tilespmem:s19], [sflag:$0x2] =	stream.indirect_vreg.gather [hbm4b:s6+s0], $0x80, v2, vm0, $0xb8;
	[tilespmem:$0x10100] =	vst v63  }
0x21f: {  	_ = 	snop  }
0x220: {  	[tilespmem:s20], [sflag:$0x2] =	stream.indirect_vreg.gather [hbm4b:s7+s0], $0x80, v2, vm0, $0xb8;
	[tilespmem:$0x10100] =	vst v63  }
0x221: {  	_ = 	snop  }
0x222: {  	[tilespmem:s23], [sflag:$0x2] =	stream.indirect_vreg.gather [hbm4b:s15+s0], $0x80, v2, vm0, $0xb8;
	[tilespmem:$0x10100] =	vst v63  }
0x223: {  	_ = 	snop  }
0x224: {  	[tilespmem:s11], [sflag:$0x2] =	stream.indirect_vreg.gather [hbm4b:s24+s0], $0x80, v2, vm0, $0xb8;
	[tilespmem:$0x10100] =	vst v63  }
0x225: {  	_ = 	snop  }
0x226: {  	[tilespmem:s14], [sflag:$0x2] =	stream.indirect_vreg.gather [hbm4b:s26+s0], $0x80, v2, vm0, $0xb8;
	[tilespmem:$0x10100] =	vst v63  }
0x227: {  	_ = 	snop  }
0x228: {  	[tilespmem:s12], [sflag:$0x2] =	stream.indirect_vreg.gather [hbm4b:s28+s0], $0x80, v2, vm0, $0xb8;
	[tilespmem:$0x10100] =	vst v63  }
0x229: {  	s21 =	rddreg [dreg:$0x10];
	s23 =	simm.s32 $0x1  }
0x22a: {  	[tilespmem:s22], [sflag:$0x4] =	stream.linear.gather [hbm4b:s21+s0], $0x4000, $0x38;
	[tilespmem:$0x10100] =	vst v63  }
0x22b: {  	_ =	swait.ge [sflag:s23], $0x4000  }
0x22c: {  	[sflag:s23] =	ssyncset.done $0x0  }
0x22d: {  	s25 =	simm.s32 $0x3;
	[sflag:s23] =	ssyncadd.s32 $0xFFFFC000  }
0x22e: {  	_ =	swait.ge [sflag:s25], $0x4000  }
0x22f: {  	[sflag:s25] =	ssyncset.done $0x0  }
0x230: {  	s3 =	simm.s32 $0x140;
	s4 =	simm.s32 $0x8140;
	[sflag:s25] =	ssyncadd.s32 $0xFFFFC000  }
.LBB2_18:
0x231: {  	v2 =	vld [tilespmem:s3+$0xFFFFFFC0]  }
0x232: {  	v3 =	vld [tilespmem:s4+$0xFFFFFFC0];
	_ =	sdelay $0x4  }
0x233: {  	v2 =	vadd.f32 v3, v2;
	_ =	sdelay $0x1  }
0x234: {  	[tilespmem:s3+$0xFFFFFFC0] =	vst v2;
	v2 =	vld [tilespmem:s3+$0xFFFFFFD0]  }
0x235: {  	v3 =	vld [tilespmem:s4+$0xFFFFFFD0];
	_ =	sdelay $0x4  }
0x236: {  	v2 =	vadd.f32 v3, v2;
	_ =	sdelay $0x1  }
0x237: {  	[tilespmem:s3+$0xFFFFFFD0] =	vst v2;
	v2 =	vld [tilespmem:s3+$0xFFFFFFE0]  }
0x238: {  	v3 =	vld [tilespmem:s4+$0xFFFFFFE0];
	_ =	sdelay $0x4  }
0x239: {  	v2 =	vadd.f32 v3, v2;
	_ =	sdelay $0x1  }
0x23a: {  	[tilespmem:s3+$0xFFFFFFE0] =	vst v2;
	v2 =	vld [tilespmem:s3+$0xFFFFFFF0]  }
0x23b: {  	v3 =	vld [tilespmem:s4+$0xFFFFFFF0];
	_ =	sdelay $0x4  }
0x23c: {  	v2 =	vadd.f32 v3, v2;
	_ =	sdelay $0x1  }
0x23d: {  	[tilespmem:s3+$0xFFFFFFF0] =	vst v2;
	v2 =	vld [tilespmem:s3+$0x0]  }
0x23e: {  	v3 =	vld [tilespmem:s4+$0x0];
	_ =	sdelay $0x4  }
0x23f: {  	v2 =	vadd.f32 v3, v2;
	_ =	sdelay $0x1  }
0x240: {  	[tilespmem:s3+$0x0] =	vst v2;
	v2 =	vld [tilespmem:s3+$0x10]  }
0x241: {  	v3 =	vld [tilespmem:s4+$0x10];
	_ =	sdelay $0x4  }
0x242: {  	v2 =	vadd.f32 v3, v2;
	_ =	sdelay $0x1  }
0x243: {  	[tilespmem:s3+$0x10] =	vst v2;
	v2 =	vld [tilespmem:s3+$0x20]  }
0x244: {  	v3 =	vld [tilespmem:s4+$0x20];
	_ =	sdelay $0x4  }
0x245: {  	v2 =	vadd.f32 v3, v2;
	_ =	sdelay $0x1  }
0x246: {  	[tilespmem:s3+$0x20] =	vst v2;
	v2 =	vld [tilespmem:s3+$0x30]  }
0x247: {  	v3 =	vld [tilespmem:s4+$0x30];
	_ =	sdelay $0x4  }
0x248: {  	s8 =	simm.s32 $0x0;
	v2 =	vadd.f32 v3, v2  }
0x249: {  	s10 =	sadd.s32 $0x400, s3;
	s9 =	smov.u32 s3;
	s13 =	smov.u32 s4  }
.LBB2_19:
0x24a: {  	v3 =	vld [tilespmem:s10+$0xFFFFFFC0];
	[tilespmem:s9+$0x30] =	vst v2;
	s13 =	sadd.s32 $0x400, s13;
	s9 =	smov.u32 s10  }
0x24b: {  	s8 =	sadd.s32 $0x8, s8;
	v2 =	vld [tilespmem:s13+$0xFFFFFFC0]  }
0x24c: {  	p0 =	slt.u32 s8, $0x78;
	_ =	sdelay $0x3  }
0x24d: {  	v2 =	vadd.f32 v2, v3;
	_ =	sdelay $0x1  }
0x24e: {  	[tilespmem:s10+$0xFFFFFFC0] =	vst v2;
	v2 =	vld [tilespmem:s10+$0xFFFFFFD0]  }
0x24f: {  	v3 =	vld [tilespmem:s13+$0xFFFFFFD0];
	_ =	sdelay $0x4  }
0x250: {  	v2 =	vadd.f32 v3, v2;
	_ =	sdelay $0x1  }
0x251: {  	[tilespmem:s10+$0xFFFFFFD0] =	vst v2;
	v2 =	vld [tilespmem:s10+$0xFFFFFFE0]  }
0x252: {  	v3 =	vld [tilespmem:s13+$0xFFFFFFE0];
	_ =	sdelay $0x4  }
0x253: {  	v2 =	vadd.f32 v3, v2;
	_ =	sdelay $0x1  }
0x254: {  	[tilespmem:s10+$0xFFFFFFE0] =	vst v2;
	v2 =	vld [tilespmem:s10+$0xFFFFFFF0]  }
0x255: {  	v3 =	vld [tilespmem:s13+$0xFFFFFFF0];
	_ =	sdelay $0x4  }
0x256: {  	v2 =	vadd.f32 v3, v2;
	_ =	sdelay $0x1  }
0x257: {  	[tilespmem:s10+$0xFFFFFFF0] =	vst v2;
	v2 =	vld [tilespmem:s10+$0x0]  }
0x258: {  	v3 =	vld [tilespmem:s13+$0x0];
	_ =	sdelay $0x4  }
0x259: {  	v2 =	vadd.f32 v3, v2;
	_ =	sdelay $0x1  }
0x25a: {  	[tilespmem:s10+$0x0] =	vst v2;
	v2 =	vld [tilespmem:s10+$0x10]  }
0x25b: {  	v3 =	vld [tilespmem:s13+$0x10];
	_ =	sdelay $0x4  }
0x25c: {  	v2 =	vadd.f32 v3, v2;
	_ =	sdelay $0x1  }
0x25d: {  	[tilespmem:s10+$0x10] =	vst v2;
	v2 =	vld [tilespmem:s10+$0x20]  }
0x25e: {  	v3 =	vld [tilespmem:s13+$0x20];
	_ =	sdelay $0x4  }
0x25f: {  	v2 =	vadd.f32 v3, v2;
	_ =	sdelay $0x1  }
0x260: {  	[tilespmem:s10+$0x20] =	vst v2;
	v2 =	vld [tilespmem:s10+$0x30]  }
0x261: {  	v3 =	vld [tilespmem:s13+$0x30];
	_ =	sdelay $0x1  }
.Ltmp8:
0x262: {  	(pc) =	sbr.rel @p0 .LBB2_19-.Ltmp8, $3  }
0x263: {  	_ =	sdelay $0x1  }
0x264: {  	v2 =	vadd.f32 v3, v2  }
0x265: {  	s10 =	sadd.s32 $0x400, s10  }
0x266: {  	s0 =	sadd.s32 $0x1, s0  }
0x267: {  	p0 =	sne.s32 s0, $0x8  }
.Ltmp9:
0x268: {  	_ = 	snop;
	(pc) =	sbr.rel @p0 .LBB2_18-.Ltmp9, $2  }
0x269: {  	_ =	sdelay $0x2  }
0x26a: {  	[tilespmem:s9+$0x30] =	vst v2;
	s3 =	sadd.s32 $0x80, s3;
	s4 =	sadd.s32 $0x80, s4  }
0x26b: {  	v2 =	vld.msk [tilespmem:$0x0], $0xff;
	_ =	sdelay $0x4  }
0x26c: {  	v3 =	vshll.u32 v2, $0x4  }
0x26d: {  	v2 =	vand.u32 $0x7, v2;
	v3 =	vand.u32 $0xFFFFFF80, v3  }
0x26e: {  	v2 =	vor.u32 v2, v3  }
0x26f: {  	v2 =	vperm.xlane v2, v0;
	_ =	sdelay $0x1  }
0x270: {  	v2 =	vadd.s32 v1, v2;
	_ =	sdelay $0x3  }
0x271: {  	s0 =	simm.s32 $0x0;
	s4 =	simm.s32 $0x100  }
0x272: {  	[hbm4b:s1+s0] =	stream.indirect_vreg.scatter [tilespmem:s4], [sflag:$0x5], $0x80, v2, vm0, $0xb8;
	[tilespmem:$0x10100] =	vst v63  }
0x273: {  	s8 =	simm.s32 $0x900  }
0x274: {  	[hbm4b:s5+s0] =	stream.indirect_vreg.scatter [tilespmem:s8], [sflag:$0x5], $0x80, v2, vm0, $0xb8;
	[tilespmem:$0x10100] =	vst v63  }
0x275: {  	s9 =	simm.s32 $0x1100  }
0x276: {  	[hbm4b:s6+s0] =	stream.indirect_vreg.scatter [tilespmem:s9], [sflag:$0x5], $0x80, v2, vm0, $0xb8;
	[tilespmem:$0x10100] =	vst v63  }
0x277: {  	s10 =	simm.s32 $0x1900  }
0x278: {  	[hbm4b:s7+s0] =	stream.indirect_vreg.scatter [tilespmem:s10], [sflag:$0x5], $0x80, v2, vm0, $0xb8;
	[tilespmem:$0x10100] =	vst v63  }
0x279: {  	s13 =	simm.s32 $0x2100  }
0x27a: {  	[hbm4b:s15+s0] =	stream.indirect_vreg.scatter [tilespmem:s13], [sflag:$0x5], $0x80, v2, vm0, $0xb8;
	[tilespmem:$0x10100] =	vst v63  }
0x27b: {  	s21 =	simm.s32 $0x2900  }
0x27c: {  	[hbm4b:s24+s0] =	stream.indirect_vreg.scatter [tilespmem:s21], [sflag:$0x5], $0x80, v2, vm0, $0xb8;
	[tilespmem:$0x10100] =	vst v63  }
0x27d: {  	s3 =	simm.s32 $0x3100  }
0x27e: {  	[hbm4b:s26+s0] =	stream.indirect_vreg.scatter [tilespmem:s3], [sflag:$0x5], $0x80, v2, vm0, $0xb8;
	[tilespmem:$0x10100] =	vst v63  }
0x27f: {  	s25 =	simm.s32 $0x3900;
	s20 =	simm.s32 $0x5  }
0x280: {  	[hbm4b:s28+s0] =	stream.indirect_vreg.scatter [tilespmem:s25], [sflag:$0x5], $0x80, v2, vm0, $0xb8;
	[tilespmem:$0x10100] =	vst v63  }
0x281: {  	_ =	swait.ge [sflag:s20], $0x4000  }
0x282: {  	[sflag:s20] =	ssyncset.done $0x0  }
0x283: {  	s23 =	rddreg [dreg:$0x9];
	[sflag:s20] =	ssyncadd.s32 $0xFFFFC000  }
0x284: {  	[tilespmem:s0], [sflag:$0x7] =	stream.linear.gather [hbm4b:s23+s0], $0x8, $0x38;
	[tilespmem:$0x10100] =	vst v63  }
0x285: {  	_ =	swait.ge [sflag:s29], $0x8  }
0x286: {  	[sflag:s29] =	ssyncset.done $0x0  }
0x287: {  	[sflag:s29] =	ssyncadd.s32 $0xFFFFFFF8  }
0x288: {  	v2 =	vld.msk [tilespmem:$0x0], $0xff;
	_ =	sdelay $0x4  }
0x289: {  	v3 =	vshll.u32 v2, $0x4  }
0x28a: {  	v2 =	vand.u32 $0x7, v2;
	v3 =	vand.u32 $0xFFFFFF80, v3  }
0x28b: {  	v2 =	vor.u32 v2, v3  }
0x28c: {  	v2 =	vperm.xlane v2, v0;
	_ =	sdelay $0x1  }
0x28d: {  	v2 =	vadd.s32 v1, v2;
	_ =	sdelay $0x4  }
0x28e: {  	[tilespmem:s4], [sflag:$0x1] =	stream.indirect_vreg.gather [hbm4b:s1+s0], $0x80, v2, vm0, $0xb8;
	[tilespmem:$0x10100] =	vst v63  }
0x28f: {  	_ = 	snop  }
0x290: {  	[tilespmem:s8], [sflag:$0x1] =	stream.indirect_vreg.gather [hbm4b:s5+s0], $0x80, v2, vm0, $0xb8;
	[tilespmem:$0x10100] =	vst v63  }
0x291: {  	_ = 	snop  }
0x292: {  	[tilespmem:s9], [sflag:$0x1] =	stream.indirect_vreg.gather [hbm4b:s6+s0], $0x80, v2, vm0, $0xb8;
	[tilespmem:$0x10100] =	vst v63  }
0x293: {  	_ = 	snop  }
0x294: {  	[tilespmem:s10], [sflag:$0x1] =	stream.indirect_vreg.gather [hbm4b:s7+s0], $0x80, v2, vm0, $0xb8;
	[tilespmem:$0x10100] =	vst v63  }
0x295: {  	_ = 	snop  }
0x296: {  	[tilespmem:s13], [sflag:$0x1] =	stream.indirect_vreg.gather [hbm4b:s15+s0], $0x80, v2, vm0, $0xb8;
	[tilespmem:$0x10100] =	vst v63  }
0x297: {  	_ = 	snop  }
0x298: {  	[tilespmem:s21], [sflag:$0x1] =	stream.indirect_vreg.gather [hbm4b:s24+s0], $0x80, v2, vm0, $0xb8;
	[tilespmem:$0x10100] =	vst v63  }
0x299: {  	s21 =	simm.s32 $0x3100  }
0x29a: {  	[tilespmem:s21], [sflag:$0x1] =	stream.indirect_vreg.gather [hbm4b:s26+s0], $0x80, v2, vm0, $0xb8;
	[tilespmem:$0x10100] =	vst v63  }
0x29b: {  	_ = 	snop  }
0x29c: {  	[tilespmem:s25], [sflag:$0x1] =	stream.indirect_vreg.gather [hbm4b:s28+s0], $0x80, v2, vm0, $0xb8;
	[tilespmem:$0x10100] =	vst v63  }
0x29d: {  	s12 =	simm.s32 $0x2;
	s11 =	rddreg [dreg:$0x11];
	s25 =	simm.s32 $0x8100  }
0x29e: {  	[tilespmem:s25], [sflag:$0x3] =	stream.linear.gather [hbm4b:s11+s0], $0x4000, $0x38;
	[tilespmem:$0x10100] =	vst v63  }
0x29f: {  	_ =	swait.ge [sflag:s12], $0x4000  }
0x2a0: {  	s14 =	simm.s32 $0x100;
	s16 =	simm.s32 $0x900;
	[sflag:s12] =	ssyncset.done $0x0  }
0x2a1: {  	s17 =	simm.s32 $0x1100;
	s13 =	simm.s32 $0x4;
	[sflag:s12] =	ssyncadd.s32 $0xFFFFC000  }
0x2a2: {  	s18 =	simm.s32 $0x1900;
	s19 =	simm.s32 $0x2100;
	_ =	swait.ge [sflag:s13], $0x4000  }
0x2a3: {  	s3 =	simm.s32 $0x4140;
	s20 =	simm.s32 $0x2900;
	[sflag:s13] =	ssyncset.done $0x0  }
0x2a4: {  	s23 =	simm.s32 $0x3900;
	s4 =	simm.s32 $0xC140;
	[sflag:s13] =	ssyncadd.s32 $0xFFFFC000  }
.LBB2_22:
0x2a5: {  	v2 =	vld [tilespmem:s3+$0xFFFFFFC0]  }
0x2a6: {  	v3 =	vld [tilespmem:s4+$0xFFFFFFC0];
	_ =	sdelay $0x4  }
0x2a7: {  	v2 =	vadd.f32 v3, v2;
	_ =	sdelay $0x1  }
0x2a8: {  	[tilespmem:s3+$0xFFFFFFC0] =	vst v2;
	v2 =	vld [tilespmem:s3+$0xFFFFFFD0]  }
0x2a9: {  	v3 =	vld [tilespmem:s4+$0xFFFFFFD0];
	_ =	sdelay $0x4  }
0x2aa: {  	v2 =	vadd.f32 v3, v2;
	_ =	sdelay $0x1  }
0x2ab: {  	[tilespmem:s3+$0xFFFFFFD0] =	vst v2;
	v2 =	vld [tilespmem:s3+$0xFFFFFFE0]  }
0x2ac: {  	v3 =	vld [tilespmem:s4+$0xFFFFFFE0];
	_ =	sdelay $0x4  }
0x2ad: {  	v2 =	vadd.f32 v3, v2;
	_ =	sdelay $0x1  }
0x2ae: {  	[tilespmem:s3+$0xFFFFFFE0] =	vst v2;
	v2 =	vld [tilespmem:s3+$0xFFFFFFF0]  }
0x2af: {  	v3 =	vld [tilespmem:s4+$0xFFFFFFF0];
	_ =	sdelay $0x4  }
0x2b0: {  	v2 =	vadd.f32 v3, v2;
	_ =	sdelay $0x1  }
0x2b1: {  	[tilespmem:s3+$0xFFFFFFF0] =	vst v2;
	v2 =	vld [tilespmem:s3+$0x0]  }
0x2b2: {  	v3 =	vld [tilespmem:s4+$0x0];
	_ =	sdelay $0x4  }
0x2b3: {  	v2 =	vadd.f32 v3, v2;
	_ =	sdelay $0x1  }
0x2b4: {  	[tilespmem:s3+$0x0] =	vst v2;
	v2 =	vld [tilespmem:s3+$0x10]  }
0x2b5: {  	v3 =	vld [tilespmem:s4+$0x10];
	_ =	sdelay $0x4  }
0x2b6: {  	v2 =	vadd.f32 v3, v2;
	_ =	sdelay $0x1  }
0x2b7: {  	[tilespmem:s3+$0x10] =	vst v2;
	v2 =	vld [tilespmem:s3+$0x20]  }
0x2b8: {  	v3 =	vld [tilespmem:s4+$0x20];
	_ =	sdelay $0x4  }
0x2b9: {  	v2 =	vadd.f32 v3, v2;
	_ =	sdelay $0x1  }
0x2ba: {  	[tilespmem:s3+$0x20] =	vst v2;
	v2 =	vld [tilespmem:s3+$0x30]  }
0x2bb: {  	v3 =	vld [tilespmem:s4+$0x30];
	_ =	sdelay $0x4  }
0x2bc: {  	s8 =	simm.s32 $0x0;
	v2 =	vadd.f32 v3, v2  }
0x2bd: {  	s10 =	sadd.s32 $0x400, s3;
	s9 =	smov.u32 s3;
	s13 =	smov.u32 s4  }
.LBB2_23:
0x2be: {  	v3 =	vld [tilespmem:s10+$0xFFFFFFC0];
	[tilespmem:s9+$0x30] =	vst v2;
	s13 =	sadd.s32 $0x400, s13;
	s9 =	smov.u32 s10  }
0x2bf: {  	s8 =	sadd.s32 $0x8, s8;
	v2 =	vld [tilespmem:s13+$0xFFFFFFC0]  }
0x2c0: {  	p0 =	slt.u32 s8, $0x78;
	_ =	sdelay $0x3  }
0x2c1: {  	v2 =	vadd.f32 v2, v3;
	_ =	sdelay $0x1  }
0x2c2: {  	[tilespmem:s10+$0xFFFFFFC0] =	vst v2;
	v2 =	vld [tilespmem:s10+$0xFFFFFFD0]  }
0x2c3: {  	v3 =	vld [tilespmem:s13+$0xFFFFFFD0];
	_ =	sdelay $0x4  }
0x2c4: {  	v2 =	vadd.f32 v3, v2;
	_ =	sdelay $0x1  }
0x2c5: {  	[tilespmem:s10+$0xFFFFFFD0] =	vst v2;
	v2 =	vld [tilespmem:s10+$0xFFFFFFE0]  }
0x2c6: {  	v3 =	vld [tilespmem:s13+$0xFFFFFFE0];
	_ =	sdelay $0x4  }
0x2c7: {  	v2 =	vadd.f32 v3, v2;
	_ =	sdelay $0x1  }
0x2c8: {  	[tilespmem:s10+$0xFFFFFFE0] =	vst v2;
	v2 =	vld [tilespmem:s10+$0xFFFFFFF0]  }
0x2c9: {  	v3 =	vld [tilespmem:s13+$0xFFFFFFF0];
	_ =	sdelay $0x4  }
0x2ca: {  	v2 =	vadd.f32 v3, v2;
	_ =	sdelay $0x1  }
0x2cb: {  	[tilespmem:s10+$0xFFFFFFF0] =	vst v2;
	v2 =	vld [tilespmem:s10+$0x0]  }
0x2cc: {  	v3 =	vld [tilespmem:s13+$0x0];
	_ =	sdelay $0x4  }
0x2cd: {  	v2 =	vadd.f32 v3, v2;
	_ =	sdelay $0x1  }
0x2ce: {  	[tilespmem:s10+$0x0] =	vst v2;
	v2 =	vld [tilespmem:s10+$0x10]  }
0x2cf: {  	v3 =	vld [tilespmem:s13+$0x10];
	_ =	sdelay $0x4  }
0x2d0: {  	v2 =	vadd.f32 v3, v2;
	_ =	sdelay $0x1  }
0x2d1: {  	[tilespmem:s10+$0x10] =	vst v2;
	v2 =	vld [tilespmem:s10+$0x20]  }
0x2d2: {  	v3 =	vld [tilespmem:s13+$0x20];
	_ =	sdelay $0x4  }
0x2d3: {  	v2 =	vadd.f32 v3, v2;
	_ =	sdelay $0x1  }
0x2d4: {  	[tilespmem:s10+$0x20] =	vst v2;
	v2 =	vld [tilespmem:s10+$0x30]  }
0x2d5: {  	v3 =	vld [tilespmem:s13+$0x30];
	_ =	sdelay $0x1  }
.Ltmp10:
0x2d6: {  	(pc) =	sbr.rel @p0 .LBB2_23-.Ltmp10, $3  }
0x2d7: {  	_ =	sdelay $0x1  }
0x2d8: {  	v2 =	vadd.f32 v3, v2  }
0x2d9: {  	s10 =	sadd.s32 $0x400, s10  }
0x2da: {  	s0 =	sadd.s32 $0x1, s0  }
0x2db: {  	p0 =	sne.s32 s0, $0x8  }
.Ltmp11:
0x2dc: {  	_ = 	snop;
	(pc) =	sbr.rel @p0 .LBB2_22-.Ltmp11, $2  }
0x2dd: {  	_ =	sdelay $0x2  }
0x2de: {  	[tilespmem:s9+$0x30] =	vst v2;
	s3 =	sadd.s32 $0x80, s3;
	s4 =	sadd.s32 $0x80, s4  }
0x2df: {  	v2 =	vld.msk [tilespmem:$0x80], $0xff;
	_ =	sdelay $0x4  }
0x2e0: {  	v3 =	vshll.u32 v2, $0x4  }
0x2e1: {  	v2 =	vand.u32 $0x7, v2;
	v3 =	vand.u32 $0xFFFFFF80, v3  }
0x2e2: {  	v2 =	vor.u32 v2, v3  }
0x2e3: {  	v2 =	vperm.xlane v2, v0;
	_ =	sdelay $0x1  }
0x2e4: {  	v2 =	vadd.s32 v1, v2;
	_ =	sdelay $0x3  }
0x2e5: {  	s0 =	simm.s32 $0x0;
	s8 =	simm.s32 $0x4100  }
0x2e6: {  	[hbm4b:s1+s0] =	stream.indirect_vreg.scatter [tilespmem:s8], [sflag:$0x6], $0x80, v2, vm0, $0xb8;
	[tilespmem:$0x10100] =	vst v63  }
0x2e7: {  	s9 =	simm.s32 $0x4900  }
0x2e8: {  	[hbm4b:s5+s0] =	stream.indirect_vreg.scatter [tilespmem:s9], [sflag:$0x6], $0x80, v2, vm0, $0xb8;
	[tilespmem:$0x10100] =	vst v63  }
0x2e9: {  	s10 =	simm.s32 $0x5100  }
0x2ea: {  	[hbm4b:s6+s0] =	stream.indirect_vreg.scatter [tilespmem:s10], [sflag:$0x6], $0x80, v2, vm0, $0xb8;
	[tilespmem:$0x10100] =	vst v63  }
0x2eb: {  	s13 =	simm.s32 $0x5900  }
0x2ec: {  	[hbm4b:s7+s0] =	stream.indirect_vreg.scatter [tilespmem:s13], [sflag:$0x6], $0x80, v2, vm0, $0xb8;
	[tilespmem:$0x10100] =	vst v63  }
0x2ed: {  	s11 =	simm.s32 $0x6100  }
0x2ee: {  	[hbm4b:s15+s0] =	stream.indirect_vreg.scatter [tilespmem:s11], [sflag:$0x6], $0x80, v2, vm0, $0xb8;
	[tilespmem:$0x10100] =	vst v63  }
0x2ef: {  	s3 =	simm.s32 $0x6900  }
0x2f0: {  	[hbm4b:s24+s0] =	stream.indirect_vreg.scatter [tilespmem:s3], [sflag:$0x6], $0x80, v2, vm0, $0xb8;
	[tilespmem:$0x10100] =	vst v63  }
0x2f1: {  	s12 =	simm.s32 $0x7100  }
0x2f2: {  	[hbm4b:s26+s0] =	stream.indirect_vreg.scatter [tilespmem:s12], [sflag:$0x6], $0x80, v2, vm0, $0xb8;
	[tilespmem:$0x10100] =	vst v63  }
0x2f3: {  	s4 =	simm.s32 $0x7900  }
0x2f4: {  	[hbm4b:s28+s0] =	stream.indirect_vreg.scatter [tilespmem:s4], [sflag:$0x6], $0x80, v2, vm0, $0xb8;
	[tilespmem:$0x10100] =	vst v63  }
0x2f5: {  	_ =	swait.ge [sflag:s30], $0x4000  }
0x2f6: {  	[sflag:s30] =	ssyncset.done $0x0  }
0x2f7: {  	s4 =	simm.s32 $0x80;
	s3 =	rddreg [dreg:$0xa];
	[sflag:s30] =	ssyncadd.s32 $0xFFFFC000  }
0x2f8: {  	[tilespmem:s4], [sflag:$0x7] =	stream.linear.gather [hbm4b:s3+s0], $0x8, $0x38;
	[tilespmem:$0x10100] =	vst v63  }
0x2f9: {  	_ =	swait.ge [sflag:s29], $0x8  }
0x2fa: {  	[sflag:s29] =	ssyncset.done $0x0  }
0x2fb: {  	[sflag:s29] =	ssyncadd.s32 $0xFFFFFFF8  }
0x2fc: {  	v2 =	vld.msk [tilespmem:$0x80], $0xff;
	_ =	sdelay $0x4  }
0x2fd: {  	v3 =	vshll.u32 v2, $0x4  }
0x2fe: {  	v2 =	vand.u32 $0x7, v2;
	v3 =	vand.u32 $0xFFFFFF80, v3  }
0x2ff: {  	v2 =	vor.u32 v2, v3  }
0x300: {  	v2 =	vperm.xlane v2, v0;
	_ =	sdelay $0x1  }
0x301: {  	v2 =	vadd.s32 v1, v2;
	_ =	sdelay $0x4  }
0x302: {  	[tilespmem:s8], [sflag:$0x2] =	stream.indirect_vreg.gather [hbm4b:s1+s0], $0x80, v2, vm0, $0xb8;
	[tilespmem:$0x10100] =	vst v63  }
0x303: {  	_ = 	snop  }
0x304: {  	[tilespmem:s9], [sflag:$0x2] =	stream.indirect_vreg.gather [hbm4b:s5+s0], $0x80, v2, vm0, $0xb8;
	[tilespmem:$0x10100] =	vst v63  }
0x305: {  	_ = 	snop  }
0x306: {  	[tilespmem:s10], [sflag:$0x2] =	stream.indirect_vreg.gather [hbm4b:s6+s0], $0x80, v2, vm0, $0xb8;
	[tilespmem:$0x10100] =	vst v63  }
0x307: {  	_ = 	snop  }
0x308: {  	[tilespmem:s13], [sflag:$0x2] =	stream.indirect_vreg.gather [hbm4b:s7+s0], $0x80, v2, vm0, $0xb8;
	[tilespmem:$0x10100] =	vst v63  }
0x309: {  	_ = 	snop  }
0x30a: {  	[tilespmem:s11], [sflag:$0x2] =	stream.indirect_vreg.gather [hbm4b:s15+s0], $0x80, v2, vm0, $0xb8;
	[tilespmem:$0x10100] =	vst v63  }
0x30b: {  	s11 =	simm.s32 $0x6900  }
0x30c: {  	[tilespmem:s11], [sflag:$0x2] =	stream.indirect_vreg.gather [hbm4b:s24+s0], $0x80, v2, vm0, $0xb8;
	[tilespmem:$0x10100] =	vst v63  }
0x30d: {  	_ = 	snop  }
0x30e: {  	[tilespmem:s12], [sflag:$0x2] =	stream.indirect_vreg.gather [hbm4b:s26+s0], $0x80, v2, vm0, $0xb8;
	[tilespmem:$0x10100] =	vst v63  }
0x30f: {  	s10 =	simm.s32 $0x7900  }
0x310: {  	[tilespmem:s10], [sflag:$0x2] =	stream.indirect_vreg.gather [hbm4b:s28+s0], $0x80, v2, vm0, $0xb8;
	[tilespmem:$0x10100] =	vst v63  }
0x311: {  	s13 =	simm.s32 $0x1;
	s12 =	rddreg [dreg:$0x12]  }
0x312: {  	[tilespmem:s22], [sflag:$0x4] =	stream.linear.gather [hbm4b:s12+s0], $0x4000, $0x38;
	[tilespmem:$0x10100] =	vst v63  }
0x313: {  	_ =	swait.ge [sflag:s13], $0x4000  }
0x314: {  	[sflag:s13] =	ssyncset.done $0x0  }
0x315: {  	s22 =	simm.s32 $0x3;
	[sflag:s13] =	ssyncadd.s32 $0xFFFFC000  }
0x316: {  	_ =	swait.ge [sflag:s22], $0x4000  }
0x317: {  	[sflag:s22] =	ssyncset.done $0x0  }
0x318: {  	s3 =	simm.s32 $0x140;
	s4 =	simm.s32 $0x8140;
	[sflag:s22] =	ssyncadd.s32 $0xFFFFC000  }
.LBB2_26:
0x319: {  	v2 =	vld [tilespmem:s3+$0xFFFFFFC0]  }
0x31a: {  	v3 =	vld [tilespmem:s4+$0xFFFFFFC0];
	_ =	sdelay $0x4  }
0x31b: {  	v2 =	vadd.f32 v3, v2;
	_ =	sdelay $0x1  }
0x31c: {  	[tilespmem:s3+$0xFFFFFFC0] =	vst v2;
	v2 =	vld [tilespmem:s3+$0xFFFFFFD0]  }
0x31d: {  	v3 =	vld [tilespmem:s4+$0xFFFFFFD0];
	_ =	sdelay $0x4  }
0x31e: {  	v2 =	vadd.f32 v3, v2;
	_ =	sdelay $0x1  }
0x31f: {  	[tilespmem:s3+$0xFFFFFFD0] =	vst v2;
	v2 =	vld [tilespmem:s3+$0xFFFFFFE0]  }
0x320: {  	v3 =	vld [tilespmem:s4+$0xFFFFFFE0];
	_ =	sdelay $0x4  }
0x321: {  	v2 =	vadd.f32 v3, v2;
	_ =	sdelay $0x1  }
0x322: {  	[tilespmem:s3+$0xFFFFFFE0] =	vst v2;
	v2 =	vld [tilespmem:s3+$0xFFFFFFF0]  }
0x323: {  	v3 =	vld [tilespmem:s4+$0xFFFFFFF0];
	_ =	sdelay $0x4  }
0x324: {  	v2 =	vadd.f32 v3, v2;
	_ =	sdelay $0x1  }
0x325: {  	[tilespmem:s3+$0xFFFFFFF0] =	vst v2;
	v2 =	vld [tilespmem:s3+$0x0]  }
0x326: {  	v3 =	vld [tilespmem:s4+$0x0];
	_ =	sdelay $0x4  }
0x327: {  	v2 =	vadd.f32 v3, v2;
	_ =	sdelay $0x1  }
0x328: {  	[tilespmem:s3+$0x0] =	vst v2;
	v2 =	vld [tilespmem:s3+$0x10]  }
0x329: {  	v3 =	vld [tilespmem:s4+$0x10];
	_ =	sdelay $0x4  }
0x32a: {  	v2 =	vadd.f32 v3, v2;
	_ =	sdelay $0x1  }
0x32b: {  	[tilespmem:s3+$0x10] =	vst v2;
	v2 =	vld [tilespmem:s3+$0x20]  }
0x32c: {  	v3 =	vld [tilespmem:s4+$0x20];
	_ =	sdelay $0x4  }
0x32d: {  	v2 =	vadd.f32 v3, v2;
	_ =	sdelay $0x1  }
0x32e: {  	[tilespmem:s3+$0x20] =	vst v2;
	v2 =	vld [tilespmem:s3+$0x30]  }
0x32f: {  	v3 =	vld [tilespmem:s4+$0x30];
	_ =	sdelay $0x4  }
0x330: {  	s8 =	simm.s32 $0x0;
	v2 =	vadd.f32 v3, v2  }
0x331: {  	s10 =	sadd.s32 $0x400, s3;
	s9 =	smov.u32 s3;
	s13 =	smov.u32 s4  }
.LBB2_27:
0x332: {  	v3 =	vld [tilespmem:s10+$0xFFFFFFC0];
	[tilespmem:s9+$0x30] =	vst v2;
	s13 =	sadd.s32 $0x400, s13;
	s9 =	smov.u32 s10  }
0x333: {  	s8 =	sadd.s32 $0x8, s8;
	v2 =	vld [tilespmem:s13+$0xFFFFFFC0]  }
0x334: {  	p0 =	slt.u32 s8, $0x78;
	_ =	sdelay $0x3  }
0x335: {  	v2 =	vadd.f32 v2, v3;
	_ =	sdelay $0x1  }
0x336: {  	[tilespmem:s10+$0xFFFFFFC0] =	vst v2;
	v2 =	vld [tilespmem:s10+$0xFFFFFFD0]  }
0x337: {  	v3 =	vld [tilespmem:s13+$0xFFFFFFD0];
	_ =	sdelay $0x4  }
0x338: {  	v2 =	vadd.f32 v3, v2;
	_ =	sdelay $0x1  }
0x339: {  	[tilespmem:s10+$0xFFFFFFD0] =	vst v2;
	v2 =	vld [tilespmem:s10+$0xFFFFFFE0]  }
0x33a: {  	v3 =	vld [tilespmem:s13+$0xFFFFFFE0];
	_ =	sdelay $0x4  }
0x33b: {  	v2 =	vadd.f32 v3, v2;
	_ =	sdelay $0x1  }
0x33c: {  	[tilespmem:s10+$0xFFFFFFE0] =	vst v2;
	v2 =	vld [tilespmem:s10+$0xFFFFFFF0]  }
0x33d: {  	v3 =	vld [tilespmem:s13+$0xFFFFFFF0];
	_ =	sdelay $0x4  }
0x33e: {  	v2 =	vadd.f32 v3, v2;
	_ =	sdelay $0x1  }
0x33f: {  	[tilespmem:s10+$0xFFFFFFF0] =	vst v2;
	v2 =	vld [tilespmem:s10+$0x0]  }
0x340: {  	v3 =	vld [tilespmem:s13+$0x0];
	_ =	sdelay $0x4  }
0x341: {  	v2 =	vadd.f32 v3, v2;
	_ =	sdelay $0x1  }
0x342: {  	[tilespmem:s10+$0x0] =	vst v2;
	v2 =	vld [tilespmem:s10+$0x10]  }
0x343: {  	v3 =	vld [tilespmem:s13+$0x10];
	_ =	sdelay $0x4  }
0x344: {  	v2 =	vadd.f32 v3, v2;
	_ =	sdelay $0x1  }
0x345: {  	[tilespmem:s10+$0x10] =	vst v2;
	v2 =	vld [tilespmem:s10+$0x20]  }
0x346: {  	v3 =	vld [tilespmem:s13+$0x20];
	_ =	sdelay $0x4  }
0x347: {  	v2 =	vadd.f32 v3, v2;
	_ =	sdelay $0x1  }
0x348: {  	[tilespmem:s10+$0x20] =	vst v2;
	v2 =	vld [tilespmem:s10+$0x30]  }
0x349: {  	v3 =	vld [tilespmem:s13+$0x30];
	_ =	sdelay $0x1  }
.Ltmp12:
0x34a: {  	(pc) =	sbr.rel @p0 .LBB2_27-.Ltmp12, $3  }
0x34b: {  	_ =	sdelay $0x1  }
0x34c: {  	v2 =	vadd.f32 v3, v2  }
0x34d: {  	s10 =	sadd.s32 $0x400, s10  }
0x34e: {  	s0 =	sadd.s32 $0x1, s0  }
0x34f: {  	p0 =	sne.s32 s0, $0x8  }
.Ltmp13:
0x350: {  	_ = 	snop;
	(pc) =	sbr.rel @p0 .LBB2_26-.Ltmp13, $2  }
0x351: {  	_ =	sdelay $0x2  }
0x352: {  	[tilespmem:s9+$0x30] =	vst v2;
	s3 =	sadd.s32 $0x80, s3;
	s4 =	sadd.s32 $0x80, s4  }
0x353: {  	v2 =	vld.msk [tilespmem:$0x0], $0xff;
	_ =	sdelay $0x4  }
0x354: {  	v3 =	vshll.u32 v2, $0x4  }
0x355: {  	v2 =	vand.u32 $0x7, v2;
	v3 =	vand.u32 $0xFFFFFF80, v3  }
0x356: {  	v2 =	vor.u32 v2, v3  }
0x357: {  	v2 =	vperm.xlane v2, v0;
	_ =	sdelay $0x1  }
0x358: {  	v2 =	vadd.s32 v1, v2;
	_ =	sdelay $0x3  }
0x359: {  	s0 =	simm.s32 $0x0  }
0x35a: {  	[hbm4b:s1+s0] =	stream.indirect_vreg.scatter [tilespmem:s14], [sflag:$0x5], $0x80, v2, vm0, $0xb8;
	[tilespmem:$0x10100] =	vst v63  }
0x35b: {  	_ = 	snop  }
0x35c: {  	[hbm4b:s5+s0] =	stream.indirect_vreg.scatter [tilespmem:s16], [sflag:$0x5], $0x80, v2, vm0, $0xb8;
	[tilespmem:$0x10100] =	vst v63  }
0x35d: {  	_ = 	snop  }
0x35e: {  	[hbm4b:s6+s0] =	stream.indirect_vreg.scatter [tilespmem:s17], [sflag:$0x5], $0x80, v2, vm0, $0xb8;
	[tilespmem:$0x10100] =	vst v63  }
0x35f: {  	_ = 	snop  }
0x360: {  	[hbm4b:s7+s0] =	stream.indirect_vreg.scatter [tilespmem:s18], [sflag:$0x5], $0x80, v2, vm0, $0xb8;
	[tilespmem:$0x10100] =	vst v63  }
0x361: {  	_ = 	snop  }
0x362: {  	[hbm4b:s15+s0] =	stream.indirect_vreg.scatter [tilespmem:s19], [sflag:$0x5], $0x80, v2, vm0, $0xb8;
	[tilespmem:$0x10100] =	vst v63  }
0x363: {  	_ = 	snop  }
0x364: {  	[hbm4b:s24+s0] =	stream.indirect_vreg.scatter [tilespmem:s20], [sflag:$0x5], $0x80, v2, vm0, $0xb8;
	[tilespmem:$0x10100] =	vst v63  }
0x365: {  	_ = 	snop  }
0x366: {  	[hbm4b:s26+s0] =	stream.indirect_vreg.scatter [tilespmem:s21], [sflag:$0x5], $0x80, v2, vm0, $0xb8;
	[tilespmem:$0x10100] =	vst v63  }
0x367: {  	s3 =	simm.s32 $0x2  }
0x368: {  	[hbm4b:s28+s0] =	stream.indirect_vreg.scatter [tilespmem:s23], [sflag:$0x5], $0x80, v2, vm0, $0xb8;
	[tilespmem:$0x10100] =	vst v63  }
0x369: {  	_ =	swait.ge [sflag:s3], $0x4000  }
0x36a: {  	[sflag:s3] =	ssyncset.done $0x0  }
0x36b: {  	s22 =	simm.s32 $0x4;
	[sflag:s3] =	ssyncadd.s32 $0xFFFFC000  }
0x36c: {  	_ =	swait.ge [sflag:s22], $0x4000  }
0x36d: {  	[sflag:s22] =	ssyncset.done $0x0  }
0x36e: {  	s4 =	simm.s32 $0xC140;
	s3 =	simm.s32 $0x4140;
	[sflag:s22] =	ssyncadd.s32 $0xFFFFC000  }
.LBB2_30:
0x36f: {  	v2 =	vld [tilespmem:s3+$0xFFFFFFC0]  }
0x370: {  	v3 =	vld [tilespmem:s4+$0xFFFFFFC0];
	_ =	sdelay $0x4  }
0x371: {  	v2 =	vadd.f32 v3, v2;
	_ =	sdelay $0x1  }
0x372: {  	[tilespmem:s3+$0xFFFFFFC0] =	vst v2;
	v2 =	vld [tilespmem:s3+$0xFFFFFFD0]  }
0x373: {  	v3 =	vld [tilespmem:s4+$0xFFFFFFD0];
	_ =	sdelay $0x4  }
0x374: {  	v2 =	vadd.f32 v3, v2;
	_ =	sdelay $0x1  }
0x375: {  	[tilespmem:s3+$0xFFFFFFD0] =	vst v2;
	v2 =	vld [tilespmem:s3+$0xFFFFFFE0]  }
0x376: {  	v3 =	vld [tilespmem:s4+$0xFFFFFFE0];
	_ =	sdelay $0x4  }
0x377: {  	v2 =	vadd.f32 v3, v2;
	_ =	sdelay $0x1  }
0x378: {  	[tilespmem:s3+$0xFFFFFFE0] =	vst v2;
	v2 =	vld [tilespmem:s3+$0xFFFFFFF0]  }
0x379: {  	v3 =	vld [tilespmem:s4+$0xFFFFFFF0];
	_ =	sdelay $0x4  }
0x37a: {  	v2 =	vadd.f32 v3, v2;
	_ =	sdelay $0x1  }
0x37b: {  	[tilespmem:s3+$0xFFFFFFF0] =	vst v2;
	v2 =	vld [tilespmem:s3+$0x0]  }
0x37c: {  	v3 =	vld [tilespmem:s4+$0x0];
	_ =	sdelay $0x4  }
0x37d: {  	v2 =	vadd.f32 v3, v2;
	_ =	sdelay $0x1  }
0x37e: {  	[tilespmem:s3+$0x0] =	vst v2;
	v2 =	vld [tilespmem:s3+$0x10]  }
0x37f: {  	v3 =	vld [tilespmem:s4+$0x10];
	_ =	sdelay $0x4  }
0x380: {  	v2 =	vadd.f32 v3, v2;
	_ =	sdelay $0x1  }
0x381: {  	[tilespmem:s3+$0x10] =	vst v2;
	v2 =	vld [tilespmem:s3+$0x20]  }
0x382: {  	v3 =	vld [tilespmem:s4+$0x20];
	_ =	sdelay $0x4  }
0x383: {  	v2 =	vadd.f32 v3, v2;
	_ =	sdelay $0x1  }
0x384: {  	[tilespmem:s3+$0x20] =	vst v2;
	v2 =	vld [tilespmem:s3+$0x30]  }
0x385: {  	v3 =	vld [tilespmem:s4+$0x30];
	_ =	sdelay $0x4  }
0x386: {  	s8 =	simm.s32 $0x0;
	v2 =	vadd.f32 v3, v2  }
0x387: {  	s10 =	sadd.s32 $0x400, s3;
	s9 =	smov.u32 s3;
	s13 =	smov.u32 s4  }
.LBB2_31:
0x388: {  	v3 =	vld [tilespmem:s10+$0xFFFFFFC0];
	[tilespmem:s9+$0x30] =	vst v2;
	s13 =	sadd.s32 $0x400, s13;
	s9 =	smov.u32 s10  }
0x389: {  	s8 =	sadd.s32 $0x8, s8;
	v2 =	vld [tilespmem:s13+$0xFFFFFFC0]  }
0x38a: {  	p0 =	slt.u32 s8, $0x78;
	_ =	sdelay $0x3  }
0x38b: {  	v2 =	vadd.f32 v2, v3;
	_ =	sdelay $0x1  }
0x38c: {  	[tilespmem:s10+$0xFFFFFFC0] =	vst v2;
	v2 =	vld [tilespmem:s10+$0xFFFFFFD0]  }
0x38d: {  	v3 =	vld [tilespmem:s13+$0xFFFFFFD0];
	_ =	sdelay $0x4  }
0x38e: {  	v2 =	vadd.f32 v3, v2;
	_ =	sdelay $0x1  }
0x38f: {  	[tilespmem:s10+$0xFFFFFFD0] =	vst v2;
	v2 =	vld [tilespmem:s10+$0xFFFFFFE0]  }
0x390: {  	v3 =	vld [tilespmem:s13+$0xFFFFFFE0];
	_ =	sdelay $0x4  }
0x391: {  	v2 =	vadd.f32 v3, v2;
	_ =	sdelay $0x1  }
0x392: {  	[tilespmem:s10+$0xFFFFFFE0] =	vst v2;
	v2 =	vld [tilespmem:s10+$0xFFFFFFF0]  }
0x393: {  	v3 =	vld [tilespmem:s13+$0xFFFFFFF0];
	_ =	sdelay $0x4  }
0x394: {  	v2 =	vadd.f32 v3, v2;
	_ =	sdelay $0x1  }
0x395: {  	[tilespmem:s10+$0xFFFFFFF0] =	vst v2;
	v2 =	vld [tilespmem:s10+$0x0]  }
0x396: {  	v3 =	vld [tilespmem:s13+$0x0];
	_ =	sdelay $0x4  }
0x397: {  	v2 =	vadd.f32 v3, v2;
	_ =	sdelay $0x1  }
0x398: {  	[tilespmem:s10+$0x0] =	vst v2;
	v2 =	vld [tilespmem:s10+$0x10]  }
0x399: {  	v3 =	vld [tilespmem:s13+$0x10];
	_ =	sdelay $0x4  }
0x39a: {  	v2 =	vadd.f32 v3, v2;
	_ =	sdelay $0x1  }
0x39b: {  	[tilespmem:s10+$0x10] =	vst v2;
	v2 =	vld [tilespmem:s10+$0x20]  }
0x39c: {  	v3 =	vld [tilespmem:s13+$0x20];
	_ =	sdelay $0x4  }
0x39d: {  	v2 =	vadd.f32 v3, v2;
	_ =	sdelay $0x1  }
0x39e: {  	[tilespmem:s10+$0x20] =	vst v2;
	v2 =	vld [tilespmem:s10+$0x30]  }
0x39f: {  	v3 =	vld [tilespmem:s13+$0x30];
	_ =	sdelay $0x1  }
.Ltmp14:
0x3a0: {  	(pc) =	sbr.rel @p0 .LBB2_31-.Ltmp14, $3  }
0x3a1: {  	_ =	sdelay $0x1  }
0x3a2: {  	v2 =	vadd.f32 v3, v2  }
0x3a3: {  	s10 =	sadd.s32 $0x400, s10  }
0x3a4: {  	s0 =	sadd.s32 $0x1, s0  }
0x3a5: {  	p0 =	sne.s32 s0, $0x8  }
.Ltmp15:
0x3a6: {  	_ = 	snop;
	(pc) =	sbr.rel @p0 .LBB2_30-.Ltmp15, $2  }
0x3a7: {  	_ =	sdelay $0x2  }
0x3a8: {  	[tilespmem:s9+$0x30] =	vst v2;
	s3 =	sadd.s32 $0x80, s3;
	s4 =	sadd.s32 $0x80, s4  }
0x3a9: {  	v2 =	vld.msk [tilespmem:$0x80], $0xff;
	_ =	sdelay $0x4  }
0x3aa: {  	v3 =	vshll.u32 v2, $0x4  }
0x3ab: {  	v2 =	vand.u32 $0x7, v2;
	v3 =	vand.u32 $0xFFFFFF80, v3  }
0x3ac: {  	v2 =	vor.u32 v2, v3  }
0x3ad: {  	v2 =	vperm.xlane v2, v0;
	_ =	sdelay $0x1  }
0x3ae: {  	v2 =	vadd.s32 v1, v2;
	_ =	sdelay $0x3  }
0x3af: {  	s4 =	simm.s32 $0x4100  }
0x3b0: {  	[hbm4b:s1+s2] =	stream.indirect_vreg.scatter [tilespmem:s4], [sflag:$0x6], $0x80, v2, vm0, $0xb8;
	[tilespmem:$0x10100] =	vst v63  }
0x3b1: {  	s8 =	simm.s32 $0x4900  }
0x3b2: {  	[hbm4b:s5+s2] =	stream.indirect_vreg.scatter [tilespmem:s8], [sflag:$0x6], $0x80, v2, vm0, $0xb8;
	[tilespmem:$0x10100] =	vst v63  }
0x3b3: {  	s9 =	simm.s32 $0x5100  }
0x3b4: {  	[hbm4b:s6+s2] =	stream.indirect_vreg.scatter [tilespmem:s9], [sflag:$0x6], $0x80, v2, vm0, $0xb8;
	[tilespmem:$0x10100] =	vst v63  }
0x3b5: {  	s10 =	simm.s32 $0x5900  }
0x3b6: {  	[hbm4b:s7+s2] =	stream.indirect_vreg.scatter [tilespmem:s10], [sflag:$0x6], $0x80, v2, vm0, $0xb8;
	[tilespmem:$0x10100] =	vst v63  }
0x3b7: {  	s13 =	simm.s32 $0x6100  }
0x3b8: {  	[hbm4b:s15+s2] =	stream.indirect_vreg.scatter [tilespmem:s13], [sflag:$0x6], $0x80, v2, vm0, $0xb8;
	[tilespmem:$0x10100] =	vst v63  }
0x3b9: {  	_ = 	snop  }
0x3ba: {  	[hbm4b:s24+s2] =	stream.indirect_vreg.scatter [tilespmem:s11], [sflag:$0x6], $0x80, v2, vm0, $0xb8;
	[tilespmem:$0x10100] =	vst v63  }
0x3bb: {  	s12 =	simm.s32 $0x7100  }
0x3bc: {  	[hbm4b:s26+s2] =	stream.indirect_vreg.scatter [tilespmem:s12], [sflag:$0x6], $0x80, v2, vm0, $0xb8;
	[tilespmem:$0x10100] =	vst v63  }
0x3bd: {  	s22 =	simm.s32 $0x7900;
	s0 =	simm.s32 $0x5  }
0x3be: {  	[hbm4b:s28+s2] =	stream.indirect_vreg.scatter [tilespmem:s22], [sflag:$0x6], $0x80, v2, vm0, $0xb8;
	[tilespmem:$0x10100] =	vst v63  }
0x3bf: {  	_ =	swait.ge [sflag:s0], $0x4000  }
0x3c0: {  	[sflag:s0] =	ssyncset.done $0x0  }
0x3c1: {  	[sflag:s0] =	ssyncadd.s32 $0xFFFFC000  }
0x3c2: {  	_ =	swait.ge [sflag:s30], $0x4000  }
0x3c3: {  	s31 =	sadd.s32 $0x1, s31;
	s3 =	rddreg [dreg:$0x13]  }
0x3c4: {  	p0 =	sne.s32 s31, s3  }
.Ltmp16:
0x3c5: {  	_ = 	snop;
	(pc) =	sbr.rel @p0 .LBB2_1-.Ltmp16, $3  }
0x3c6: {  	_ =	sdelay $0x1  }
0x3c7: {  	[sflag:s30] =	ssyncset.done $0x0  }
0x3c8: {  	[sflag:s30] =	ssyncadd.s32 $0xFFFFC000  }
0x3c9: {  	_ =	sfence.sel $0x180000  }
0x3ca: {  	[bflag:$0x0] =	sbarrier.arrive $0xFFFF  }
0x3cb: {  	_ =	strace $0x9000004D  }
0x3cc: {  	s0 =	stileid.u32;
	[bflag:$0x2] =	sbarrier.arrive $0xFFFF  }
0x3cd: {  	p0 =	sne.s32 s0, $0x0;
	s0 =	rddreg [dreg:$0x2]  }
0x3ce: {  	s0 =	sadd.s32 @!p0 $0x100000, s0  }
0x3cf: {  	[sflag:s0] =	ssyncadd.tile.s32 @!p0 $0x1;
	_ =	shalt  }
.Lfunc_end2:
_tile_overlayer_lowered:
.L_overlay_start_2:
0x3d0: {  	(tag) =	ssettag $0x2  }
0x3d1: {  	s0 =	rddreg [dreg:$0x0];
	s2 =	stileid.u32  }
0x3d2: {  	s1 =	rddreg [dreg:$0x1];
	p0 =	sne.s32 s2, $0x0  }
0x3d3: {  	s3 =	rddreg [dreg:$0x2];
	[bflag:$0x3] =	sbarrier.arrive $0xFFFF;
	s2 =	simm.s32 @!p0 $0x1C07  }
0x3d4: {  	[timem:s3], [sflag:s2] =	dma.local @!p0 [hbm:s0], s1  }
0x3d5: {  	s0 =	simm.s32 @!p0 $0x7  }
0x3d6: {  	_ =	swait.ge @!p0 [sflag:s0], s1  }
0x3d7: {  	s1 =	ssub.s32 @!p0 $0x0, s1;
	[sflag:s0] =	ssyncset.done @!p0 $0x0  }
0x3d8: {  	[sflag:s0] =	ssyncadd.s32 @!p0 s1  }
0x3d9: {  	[bflag:$0x3] =	sbarrier.arrive $0xFFFF  }
0x3da: {  	_ =	shalt  }

</sc_bundles>
